<compile_context>
chip_gen: v7x
topology: tpu7x:2x2x1
jax: 0.10.2.dev20260603
libtpu: 0.0.44.dev20260713+nightly
codegen_flags: <defaults>
</compile_context>

<pallas_src>
import functools

import jax
import jax.numpy as jnp
from jax import lax
from jax.experimental import pallas as pl
from jax.experimental.pallas import tpu as pltpu
from jax.experimental.pallas import tpu_sc as plsc

B = 16384
NS = 26
ND = 13
VOCAB = 100000
EMB = 16
EMB_FLAT = NS * EMB
NROWS = B * NS
NW = 32
ROWS_PER_W = NROWS // NW
SUB = 128
NSUB = ROWS_PER_W // SUB
GROUP = 13
CHUNK = SUB * GROUP
NCHUNK = ROWS_PER_W // CHUNK

@functools.cache
def _make_gather_sc():
    mesh = plsc.VectorSubcoreMesh(core_axis_name="c", subcore_axis_name="s")

    @functools.partial(
        pl.kernel,
        mesh=mesh,
        out_type=jax.ShapeDtypeStruct((NROWS, EMB), jnp.float32),
        compiler_params=pltpu.CompilerParams(use_tc_tiling_on_sc=False),
        scratch_types=[
            pltpu.VMEM((NSUB, SUB), jnp.int32),
            pltpu.VMEM((CHUNK, EMB), jnp.float32),
            pltpu.VMEM((CHUNK, EMB), jnp.float32),
            pltpu.SemaphoreType.DMA,
            pltpu.SemaphoreType.DMA,
            pltpu.SemaphoreType.DMA,
            pltpu.SemaphoreType.DMA,
        ],
    )
    def _gather_sc(table_hbm, idx_hbm, out_hbm, idx_v, buf0, buf1, g0, g1, o0, o1):
        wid = lax.axis_index("s") * 2 + lax.axis_index("c")
        base = wid * ROWS_PER_W
        pltpu.sync_copy(idx_hbm.at[wid], idx_v)
        bufs = (buf0, buf1)
        gsem = (g0, g1)
        osem = (o0, o1)
        def fire(grp, b):
            return [
                pltpu.async_copy(
                    table_hbm.at[idx_v.at[grp * GROUP + i]],
                    bufs[b].at[pl.ds(i * SUB, SUB)], gsem[b])
                for i in range(GROUP)
            ]

        gath = [None, None]
        outc = [None, None]
        gath[0] = fire(0, 0)
        for j in range(NCHUNK):
            cur = j & 1
            nxt = 1 - cur
            if j + 1 < NCHUNK:
                if outc[nxt] is not None:
                    outc[nxt].wait()
                gath[nxt] = fire(j + 1, nxt)
            for c in gath[cur]:
                c.wait()
            outc[cur] = pltpu.async_copy(
                bufs[cur], out_hbm.at[pl.ds(base + j * CHUNK, CHUNK)], osem[cur])
        outc[0].wait()
        outc[1].wait()

    return _gather_sc


FLAT_ROWS = NS * VOCAB * EMB // 128
ROWS_PER_F = VOCAB * EMB // 128


def _retile_tc_body(x_ref, o_ref):
    r_i = jax.lax.broadcasted_iota(jnp.int32, (128, 128), 0)
    c_i = jax.lax.broadcasted_iota(jnp.int32, (128, 128), 1)
    eye = (r_i == c_i).astype(jnp.float32)
    for f01 in range(2):
        xr = jnp.concatenate(
            [x_ref[f01, :, m * ROWS_PER_F:(m + 1) * ROWS_PER_F]
             for m in range(8)], axis=0)
        o_ref[f01 * ROWS_PER_F:(f01 + 1) * ROWS_PER_F, :] = (
            jax.lax.dot_general(
                xr, eye, (((0,), (0,)), ((), ())),
                preferred_element_type=jnp.float32))


_retile_tc = pl.pallas_call(
    _retile_tc_body,
    grid=(NS // 2,),
    in_specs=[pl.BlockSpec((2, EMB, VOCAB), lambda k: (k, 0, 0))],
    out_specs=pl.BlockSpec((2 * ROWS_PER_F, 128), lambda k: (k, 0)),
    out_shape=jax.ShapeDtypeStruct((FLAT_ROWS, 128), jnp.float32),
    compiler_params=pltpu.CompilerParams(vmem_limit_bytes=100 * 1024 * 1024),
)


BB = 2048


def _deepfm_tc_body(embs_ref, dx_ref, w1e_ref, w1d_ref, b1_ref, w2_ref, b2_ref,
                    wfe_ref, wfd_ref, bf_ref, wd_ref, bd_ref, wo_ref, bo_ref,
                    out_ref):
    e = embs_ref[...]
    dx = dx_ref[...]
    x = jnp.dot(e, w1e_ref[...], preferred_element_type=jnp.float32)
    x = x + jnp.dot(dx, w1d_ref[...], preferred_element_type=jnp.float32)
    x = jnp.maximum(x + b1_ref[...], 0.0)
    x = jnp.dot(x, w2_ref[...], preferred_element_type=jnp.float32)
    x = jnp.maximum(x + b2_ref[...], 0.0)
    fm = jnp.dot(e, wfe_ref[...], preferred_element_type=jnp.float32)
    fm = fm + jnp.dot(dx, wfd_ref[...], preferred_element_type=jnp.float32)
    fm = fm + bf_ref[...]
    deep = jnp.dot(x, wd_ref[...], preferred_element_type=jnp.float32)
    deep = deep + bd_ref[...]
    wo = wo_ref[...]
    z = fm * wo[0:1, :] + deep * wo[1:2, :] + bo_ref[...]
    out_ref[...] = jax.nn.sigmoid(z)


def _full(shape):
    return pl.BlockSpec(shape, lambda i: (0,) * len(shape))


_deepfm_tc = pl.pallas_call(
    _deepfm_tc_body,
    grid=(B // BB,),
    in_specs=[
        pl.BlockSpec((BB, EMB_FLAT), lambda i: (i, 0)),
        pl.BlockSpec((BB, ND), lambda i: (i, 0)),
        _full((EMB_FLAT, 32)),
        _full((ND, 32)),
        _full((1, 32)),
        _full((32, 32)),
        _full((1, 32)),
        _full((EMB_FLAT, 1)),
        _full((ND, 1)),
        _full((1, 1)),
        _full((32, 1)),
        _full((1, 1)),
        _full((2, 1)),
        _full((1, 1)),
    ],
    out_specs=pl.BlockSpec((BB, 1), lambda i: (i, 0)),
    out_shape=jax.ShapeDtypeStruct((B, 1), jnp.float32),
)


def kernel(sparse_idx, dense_x, emb_tables, W1, b1, W2, b2, Wf, bf, Wd, bd, Wo, bo):
    v = sparse_idx.astype(jnp.int32)
    idx = (jnp.arange(NS, dtype=jnp.int32) * VOCAB)[None, :] + (
        8 * (v % ROWS_PER_F) + v // ROWS_PER_F)
    idx = idx.reshape(NW, NSUB, SUB)
    t3 = jnp.transpose(emb_tables, (0, 2, 1))
    table = _retile_tc(t3).reshape(NS * VOCAB, EMB)
    embs = _make_gather_sc()(table, idx)
    embs_flat = embs.reshape(B, EMB_FLAT)
    return _deepfm_tc(
        embs_flat, dense_x.astype(jnp.float32),
        W1[:EMB_FLAT], W1[EMB_FLAT:], b1.reshape(1, 32),
        W2, b2.reshape(1, 32),
        Wf[:EMB_FLAT], Wf[EMB_FLAT:], bf.reshape(1, 1),
        Wd, bd.reshape(1, 1), Wo, bo.reshape(1, 1))

# --- scband reference (transcript-rebuilt; emitter-appended) ---
"""Pipeline reference for scband-deep-fm-29686813950697 (READ-ONLY COPY).

The authoritative reference and input builder live on the scoring server;
editing this copy changes nothing except your own understanding.
"""

import jax, jax.numpy as jnp
import numpy as np

B = 16384
N_SPARSE = 26
N_DENSE = 13
VOCAB = 100000
EMB = 16
CONCAT_DIM = N_SPARSE * EMB + N_DENSE  # 429


def setup_inputs(seed: int = 0) -> dict:
    key = jax.random.key(seed)
    ks = jax.random.split(key, 16)
    sparse_idx = jax.random.randint(ks[0], (B, N_SPARSE), 0, VOCAB, dtype=jnp.int64 if jax.config.jax_enable_x64 else jnp.int32)
    dense_x = jax.random.normal(ks[1], (B, N_DENSE), dtype=jnp.float32)
    emb_tables = jax.random.normal(ks[2], (N_SPARSE, VOCAB, EMB), dtype=jnp.float32) * 0.05
    W1 = jax.random.normal(ks[3], (CONCAT_DIM, 32), dtype=jnp.float32) * 0.05
    b1 = jnp.zeros((32,), dtype=jnp.float32)
    W2 = jax.random.normal(ks[4], (32, 32), dtype=jnp.float32) * 0.05
    b2 = jnp.zeros((32,), dtype=jnp.float32)
    Wf = jax.random.normal(ks[5], (CONCAT_DIM, 1), dtype=jnp.float32) * 0.05
    bf = jnp.zeros((1,), dtype=jnp.float32)
    Wd = jax.random.normal(ks[6], (32, 1), dtype=jnp.float32) * 0.05
    bd = jnp.zeros((1,), dtype=jnp.float32)
    Wo = jax.random.normal(ks[7], (2, 1), dtype=jnp.float32) * 0.05
    bo = jnp.zeros((1,), dtype=jnp.float32)
    return {"sparse_idx": sparse_idx, "dense_x": dense_x, "emb_tables": emb_tables,
            "W1": W1, "b1": b1, "W2": W2, "b2": b2,
            "Wf": Wf, "bf": bf, "Wd": Wd, "bd": bd, "Wo": Wo, "bo": bo}


def reference(sparse_idx, dense_x, emb_tables, W1, b1, W2, b2, Wf, bf, Wd, bd, Wo, bo):
    # per-field embedding lookup: table_f[idx[:, f]] -> [B, N_SPARSE, EMB]
    embs = jax.vmap(lambda table, idx: jnp.take(table, idx, axis=0), in_axes=(0, 1), out_axes=1)(emb_tables, sparse_idx)
    embs_flat = embs.reshape(embs.shape[0], -1)  # flatten per-field then concat == single reshape
    concat = jnp.concatenate([embs_flat, dense_x], axis=1)  # [B, 429]
    x = jax.nn.relu(concat @ W1 + b1)
    x = jax.nn.relu(x @ W2 + b2)
    fm_out = concat @ Wf + bf        # [B, 1]
    deep_out = x @ Wd + bd           # [B, 1]
    combined = jnp.concatenate([fm_out, deep_out], axis=1)  # [B, 2]
    out = jax.nn.sigmoid(combined @ Wo + bo)  # [B, 1]
    return out

if __name__ == "__main__":
    import jax
    _d = setup_inputs()
    print(jax.jit(kernel)(*tuple(_d.values())))

</pallas_src>

<mosaic_0001>
#map = affine_map<(d0, d1) -> (0, 0)>
#map1 = affine_map<(d0, d1) -> (0, 0, 0)>
module attributes {stable_mosaic.version = 14 : i64} {
  func.func @_gather_sc(%arg0: i32, %arg1: i32, %arg2: memref<2600000x16xf32, #tpu.memory_space<hbm>>, %arg3: memref<32x104x128xi32, #tpu.memory_space<hbm>>, %arg4: memref<425984x16xf32, #tpu.memory_space<hbm>>, %arg5: memref<104x128xi32, #tpu.memory_space<vmem>>, %arg6: memref<1664x16xf32, #tpu.memory_space<vmem>>, %arg7: memref<1664x16xf32, #tpu.memory_space<vmem>>, %arg8: memref<!tpu.dma_semaphore, #tpu.memory_space<semaphore_mem>>, %arg9: memref<!tpu.dma_semaphore, #tpu.memory_space<semaphore_mem>>, %arg10: memref<!tpu.dma_semaphore, #tpu.memory_space<semaphore_mem>>, %arg11: memref<!tpu.dma_semaphore, #tpu.memory_space<semaphore_mem>>) attributes {dimension_semantics = [#tpu.dimension_semantics<core_parallel>, #tpu.dimension_semantics<subcore_parallel>], iteration_bounds = array<i64: 2, 16>, scalar_prefetch = 0 : i64, scratch_operands = 7 : i64, tpu.core_type = #tpu.core_type<sc_vector_subcore>, window_params = [{transform_indices = #map}, {transform_indices = #map1}, {transform_indices = #map}]} {
    %mul3A = arith.constant 2 : i32
    %mul3A_0 = arith.muli %arg1, %mul3A : i32
    %add3A = arith.addi %mul3A_0, %arg0 : i32
    %mul3A_1 = arith.constant 13312 : i32
    %mul3A_2 = arith.muli %add3A, %mul3A_1 : i32
    "tpu.region"() ({
      %run_scoped3A = tpu.sem_alloc : memref<!tpu.dma_semaphore, #tpu.memory_space<semaphore_mem>>
      %dma_start3A_2161 = arith.constant 0 : i32
      %dma_start3A_2162 = arith.constant 0 : i32
      %dma_start3A_2163 = tpu.memref_slice %arg3[%add3A, %dma_start3A_2161, %dma_start3A_2162] : memref<32x104x128xi32, #tpu.memory_space<hbm>> -> memref<1x104x128xi32, #tpu.memory_space<hbm>>
      %dma_start3A_2164 = tpu.memref_squeeze %dma_start3A_2163 : memref<1x104x128xi32, #tpu.memory_space<hbm>> -> memref<104x128xi32, #tpu.memory_space<hbm>>
      %dma_start3A_2165 = arith.constant 0 : i32
      %dma_start3A_2166 = arith.constant 0 : i32
      %dma_start3A_2167 = tpu.memref_slice %arg3[%add3A, %dma_start3A_2165, %dma_start3A_2166] : memref<32x104x128xi32, #tpu.memory_space<hbm>> -> memref<1x104x128xi32, #tpu.memory_space<hbm>>
      %dma_start3A_2168 = tpu.memref_squeeze %dma_start3A_2167 : memref<1x104x128xi32, #tpu.memory_space<hbm>> -> memref<104x128xi32, #tpu.memory_space<hbm>>
      tpu.enqueue_dma source(%dma_start3A_2168 : memref<104x128xi32, #tpu.memory_space<hbm>>) target(%arg5 : memref<104x128xi32, #tpu.memory_space<vmem>>) target_semaphore(%run_scoped3A : memref<!tpu.dma_semaphore, #tpu.memory_space<semaphore_mem>>)
      %dma_wait3A_2169 = arith.constant 0 : i32
      %dma_wait3A_2170 = arith.constant 0 : i32
      %dma_wait3A_2171 = tpu.memref_slice %arg3[%add3A, %dma_wait3A_2169, %dma_wait3A_2170] : memref<32x104x128xi32, #tpu.memory_space<hbm>> -> memref<1x104x128xi32, #tpu.memory_space<hbm>>
      %dma_wait3A_2172 = tpu.memref_squeeze %dma_wait3A_2171 : memref<1x104x128xi32, #tpu.memory_space<hbm>> -> memref<104x128xi32, #tpu.memory_space<hbm>>
      %dma_wait3A_2173 = arith.constant 0 : i32
      %dma_wait3A_2174 = arith.constant 0 : i32
      %dma_wait3A_2175 = tpu.memref_slice %arg3[%add3A, %dma_wait3A_2173, %dma_wait3A_2174] : memref<32x104x128xi32, #tpu.memory_space<hbm>> -> memref<1x104x128xi32, #tpu.memory_space<hbm>>
      %dma_wait3A_2176 = tpu.memref_squeeze %dma_wait3A_2175 : memref<1x104x128xi32, #tpu.memory_space<hbm>> -> memref<104x128xi32, #tpu.memory_space<hbm>>
      tpu.wait_dma2 semaphore(%run_scoped3A : memref<!tpu.dma_semaphore, #tpu.memory_space<semaphore_mem>>) src(%dma_wait3A_2176 : memref<104x128xi32, #tpu.memory_space<hbm>>) dst(%arg5 : memref<104x128xi32, #tpu.memory_space<vmem>>)
      tpu.yield
    }) : () -> ()
    %dma_start3A = arith.constant 0 : i32
    %dma_start3A_3 = arith.constant 0 : i32
    %dma_start3A_4 = arith.constant 0 : i32
    %dma_start3A_5 = tpu.memref_slice %arg6[%dma_start3A_3, %dma_start3A_4] : memref<1664x16xf32, #tpu.memory_space<vmem>> -> memref<128x16xf32, #tpu.memory_space<vmem>>
    %dma_start3A_6 = arith.constant 0 : i32
    %dma_start3A_7 = tpu.memref_slice %arg5[%dma_start3A, %dma_start3A_6] : memref<104x128xi32, #tpu.memory_space<vmem>> -> memref<1x128xi32, #tpu.memory_space<vmem>>
    %dma_start3A_8 = tpu.memref_squeeze %dma_start3A_7 : memref<1x128xi32, #tpu.memory_space<vmem>> -> memref<128xi32, #tpu.memory_space<vmem>>
    %dma_start3A_9 = arith.constant 0 : i32
    %dma_start3A_10 = arith.constant 0 : i32
    %dma_start3A_11 = tpu.memref_slice %arg2[%dma_start3A_9, %dma_start3A_10] : memref<2600000x16xf32, #tpu.memory_space<hbm>> -> memref<2600000x16xf32, #tpu.memory_space<hbm>>
    tpu.enqueue_indirect_dma source(%dma_start3A_11 : memref<2600000x16xf32, #tpu.memory_space<hbm>>) target(%dma_start3A_5 : memref<128x16xf32, #tpu.memory_space<vmem>>) offsets(%dma_start3A_8 : memref<128xi32, #tpu.memory_space<vmem>>) semaphore(%arg8 : memref<!tpu.dma_semaphore, #tpu.memory_space<semaphore_mem>>)
    %dma_start3A_12 = arith.constant 1 : i32
    %dma_start3A_13 = arith.constant 128 : i32
    %dma_start3A_14 = arith.constant 0 : i32
    %dma_start3A_15 = tpu.memref_slice %arg6[%dma_start3A_13, %dma_start3A_14] : memref<1664x16xf32, #tpu.memory_space<vmem>> -> memref<128x16xf32, #tpu.memory_space<vmem>>
    %dma_start3A_16 = arith.constant 0 : i32
    %dma_start3A_17 = tpu.memref_slice %arg5[%dma_start3A_12, %dma_start3A_16] : memref<104x128xi32, #tpu.memory_space<vmem>> -> memref<1x128xi32, #tpu.memory_space<vmem>>
    %dma_start3A_18 = tpu.memref_squeeze %dma_start3A_17 : memref<1x128xi32, #tpu.memory_space<vmem>> -> memref<128xi32, #tpu.memory_space<vmem>>
    %dma_start3A_19 = arith.constant 0 : i32
    %dma_start3A_20 = arith.constant 0 : i32
    %dma_start3A_21 = tpu.memref_slice %arg2[%dma_start3A_19, %dma_start3A_20] : memref<2600000x16xf32, #tpu.memory_space<hbm>> -> memref<2600000x16xf32, #tpu.memory_space<hbm>>
    tpu.enqueue_indirect_dma source(%dma_start3A_21 : memref<2600000x16xf32, #tpu.memory_space<hbm>>) target(%dma_start3A_15 : memref<128x16xf32, #tpu.memory_space<vmem>>) offsets(%dma_start3A_18 : memref<128xi32, #tpu.memory_space<vmem>>) semaphore(%arg8 : memref<!tpu.dma_semaphore, #tpu.memory_space<semaphore_mem>>)
    %dma_start3A_22 = arith.constant 2 : i32
    %dma_start3A_23 = arith.constant 256 : i32
    %dma_start3A_24 = arith.constant 0 : i32
    %dma_start3A_25 = tpu.memref_slice %arg6[%dma_start3A_23, %dma_start3A_24] : memref<1664x16xf32, #tpu.memory_space<vmem>> -> memref<128x16xf32, #tpu.memory_space<vmem>>
    %dma_start3A_26 = arith.constant 0 : i32
    %dma_start3A_27 = tpu.memref_slice %arg5[%dma_start3A_22, %dma_start3A_26] : memref<104x128xi32, #tpu.memory_space<vmem>> -> memref<1x128xi32, #tpu.memory_space<vmem>>
    %dma_start3A_28 = tpu.memref_squeeze %dma_start3A_27 : memref<1x128xi32, #tpu.memory_space<vmem>> -> memref<128xi32, #tpu.memory_space<vmem>>
    %dma_start3A_29 = arith.constant 0 : i32
    %dma_start3A_30 = arith.constant 0 : i32
    %dma_start3A_31 = tpu.memref_slice %arg2[%dma_start3A_29, %dma_start3A_30] : memref<2600000x16xf32, #tpu.memory_space<hbm>> -> memref<2600000x16xf32, #tpu.memory_space<hbm>>
    tpu.enqueue_indirect_dma source(%dma_start3A_31 : memref<2600000x16xf32, #tpu.memory_space<hbm>>) target(%dma_start3A_25 : memref<128x16xf32, #tpu.memory_space<vmem>>) offsets(%dma_start3A_28 : memref<128xi32, #tpu.memory_space<vmem>>) semaphore(%arg8 : memref<!tpu.dma_semaphore, #tpu.memory_space<semaphore_mem>>)
    %dma_start3A_32 = arith.constant 3 : i32
    %dma_start3A_33 = arith.constant 384 : i32
    %dma_start3A_34 = arith.constant 0 : i32
    %dma_start3A_35 = tpu.memref_slice %arg6[%dma_start3A_33, %dma_start3A_34] : memref<1664x16xf32, #tpu.memory_space<vmem>> -> memref<128x16xf32, #tpu.memory_space<vmem>>
    %dma_start3A_36 = arith.constant 0 : i32
    %dma_start3A_37 = tpu.memref_slice %arg5[%dma_start3A_32, %dma_start3A_36] : memref<104x128xi32, #tpu.memory_space<vmem>> -> memref<1x128xi32, #tpu.memory_space<vmem>>
    %dma_start3A_38 = tpu.memref_squeeze %dma_start3A_37 : memref<1x128xi32, #tpu.memory_space<vmem>> -> memref<128xi32, #tpu.memory_space<vmem>>
    %dma_start3A_39 = arith.constant 0 : i32
    %dma_start3A_40 = arith.constant 0 : i32
    %dma_start3A_41 = tpu.memref_slice %arg2[%dma_start3A_39, %dma_start3A_40] : memref<2600000x16xf32, #tpu.memory_space<hbm>> -> memref<2600000x16xf32, #tpu.memory_space<hbm>>
    tpu.enqueue_indirect_dma source(%dma_start3A_41 : memref<2600000x16xf32, #tpu.memory_space<hbm>>) target(%dma_start3A_35 : memref<128x16xf32, #tpu.memory_space<vmem>>) offsets(%dma_start3A_38 : memref<128xi32, #tpu.memory_space<vmem>>) semaphore(%arg8 : memref<!tpu.dma_semaphore, #tpu.memory_space<semaphore_mem>>)
    %dma_start3A_42 = arith.constant 4 : i32
    %dma_start3A_43 = arith.constant 512 : i32
    %dma_start3A_44 = arith.constant 0 : i32
    %dma_start3A_45 = tpu.memref_slice %arg6[%dma_start3A_43, %dma_start3A_44] : memref<1664x16xf32, #tpu.memory_space<vmem>> -> memref<128x16xf32, #tpu.memory_space<vmem>>
    %dma_start3A_46 = arith.constant 0 : i32
    %dma_start3A_47 = tpu.memref_slice %arg5[%dma_start3A_42, %dma_start3A_46] : memref<104x128xi32, #tpu.memory_space<vmem>> -> memref<1x128xi32, #tpu.memory_space<vmem>>
    %dma_start3A_48 = tpu.memref_squeeze %dma_start3A_47 : memref<1x128xi32, #tpu.memory_space<vmem>> -> memref<128xi32, #tpu.memory_space<vmem>>
    %dma_start3A_49 = arith.constant 0 : i32
    %dma_start3A_50 = arith.constant 0 : i32
    %dma_start3A_51 = tpu.memref_slice %arg2[%dma_start3A_49, %dma_start3A_50] : memref<2600000x16xf32, #tpu.memory_space<hbm>> -> memref<2600000x16xf32, #tpu.memory_space<hbm>>
    tpu.enqueue_indirect_dma source(%dma_start3A_51 : memref<2600000x16xf32, #tpu.memory_space<hbm>>) target(%dma_start3A_45 : memref<128x16xf32, #tpu.memory_space<vmem>>) offsets(%dma_start3A_48 : memref<128xi32, #tpu.memory_space<vmem>>) semaphore(%arg8 : memref<!tpu.dma_semaphore, #tpu.memory_space<semaphore_mem>>)
    %dma_start3A_52 = arith.constant 5 : i32
    %dma_start3A_53 = arith.constant 640 : i32
    %dma_start3A_54 = arith.constant 0 : i32
    %dma_start3A_55 = tpu.memref_slice %arg6[%dma_start3A_53, %dma_start3A_54] : memref<1664x16xf32, #tpu.memory_space<vmem>> -> memref<128x16xf32, #tpu.memory_space<vmem>>
    %dma_start3A_56 = arith.constant 0 : i32
    %dma_start3A_57 = tpu.memref_slice %arg5[%dma_start3A_52, %dma_start3A_56] : memref<104x128xi32, #tpu.memory_space<vmem>> -> memref<1x128xi32, #tpu.memory_space<vmem>>
    %dma_start3A_58 = tpu.memref_squeeze %dma_start3A_57 : memref<1x128xi32, #tpu.memory_space<vmem>> -> memref<128xi32, #tpu.memory_space<vmem>>
    %dma_start3A_59 = arith.constant 0 : i32
    %dma_start3A_60 = arith.constant 0 : i32
    %dma_start3A_61 = tpu.memref_slice %arg2[%dma_start3A_59, %dma_start3A_60] : memref<2600000x16xf32, #tpu.memory_space<hbm>> -> memref<2600000x16xf32, #tpu.memory_space<hbm>>
    tpu.enqueue_indirect_dma source(%dma_start3A_61 : memref<2600000x16xf32, #tpu.memory_space<hbm>>) target(%dma_start3A_55 : memref<128x16xf32, #tpu.memory_space<vmem>>) offsets(%dma_start3A_58 : memref<128xi32, #tpu.memory_space<vmem>>) semaphore(%arg8 : memref<!tpu.dma_semaphore, #tpu.memory_space<semaphore_mem>>)
    %dma_start3A_62 = arith.constant 6 : i32
    %dma_start3A_63 = arith.constant 768 : i32
    %dma_start3A_64 = arith.constant 0 : i32
    %dma_start3A_65 = tpu.memref_slice %arg6[%dma_start3A_63, %dma_start3A_64] : memref<1664x16xf32, #tpu.memory_space<vmem>> -> memref<128x16xf32, #tpu.memory_space<vmem>>
    %dma_start3A_66 = arith.constant 0 : i32
    %dma_start3A_67 = tpu.memref_slice %arg5[%dma_start3A_62, %dma_start3A_66] : memref<104x128xi32, #tpu.memory_space<vmem>> -> memref<1x128xi32, #tpu.memory_space<vmem>>
    %dma_start3A_68 = tpu.memref_squeeze %dma_start3A_67 : memref<1x128xi32, #tpu.memory_space<vmem>> -> memref<128xi32, #tpu.memory_space<vmem>>
    %dma_start3A_69 = arith.constant 0 : i32
    %dma_start3A_70 = arith.constant 0 : i32
    %dma_start3A_71 = tpu.memref_slice %arg2[%dma_start3A_69, %dma_start3A_70] : memref<2600000x16xf32, #tpu.memory_space<hbm>> -> memref<2600000x16xf32, #tpu.memory_space<hbm>>
    tpu.enqueue_indirect_dma source(%dma_start3A_71 : memref<2600000x16xf32, #tpu.memory_space<hbm>>) target(%dma_start3A_65 : memref<128x16xf32, #tpu.memory_space<vmem>>) offsets(%dma_start3A_68 : memref<128xi32, #tpu.memory_space<vmem>>) semaphore(%arg8 : memref<!tpu.dma_semaphore, #tpu.memory_space<semaphore_mem>>)
    %dma_start3A_72 = arith.constant 7 : i32
    %dma_start3A_73 = arith.constant 896 : i32
    %dma_start3A_74 = arith.constant 0 : i32
    %dma_start3A_75 = tpu.memref_slice %arg6[%dma_start3A_73, %dma_start3A_74] : memref<1664x16xf32, #tpu.memory_space<vmem>> -> memref<128x16xf32, #tpu.memory_space<vmem>>
    %dma_start3A_76 = arith.constant 0 : i32
    %dma_start3A_77 = tpu.memref_slice %arg5[%dma_start3A_72, %dma_start3A_76] : memref<104x128xi32, #tpu.memory_space<vmem>> -> memref<1x128xi32, #tpu.memory_space<vmem>>
    %dma_start3A_78 = tpu.memref_squeeze %dma_start3A_77 : memref<1x128xi32, #tpu.memory_space<vmem>> -> memref<128xi32, #tpu.memory_space<vmem>>
    %dma_start3A_79 = arith.constant 0 : i32
    %dma_start3A_80 = arith.constant 0 : i32
    %dma_start3A_81 = tpu.memref_slice %arg2[%dma_start3A_79, %dma_start3A_80] : memref<2600000x16xf32, #tpu.memory_space<hbm>> -> memref<2600000x16xf32, #tpu.memory_space<hbm>>
    tpu.enqueue_indirect_dma source(%dma_start3A_81 : memref<2600000x16xf32, #tpu.memory_space<hbm>>) target(%dma_start3A_75 : memref<128x16xf32, #tpu.memory_space<vmem>>) offsets(%dma_start3A_78 : memref<128xi32, #tpu.memory_space<vmem>>) semaphore(%arg8 : memref<!tpu.dma_semaphore, #tpu.memory_space<semaphore_mem>>)
    %dma_start3A_82 = arith.constant 8 : i32
    %dma_start3A_83 = arith.constant 1024 : i32
    %dma_start3A_84 = arith.constant 0 : i32
    %dma_start3A_85 = tpu.memref_slice %arg6[%dma_start3A_83, %dma_start3A_84] : memref<1664x16xf32, #tpu.memory_space<vmem>> -> memref<128x16xf32, #tpu.memory_space<vmem>>
    %dma_start3A_86 = arith.constant 0 : i32
    %dma_start3A_87 = tpu.memref_slice %arg5[%dma_start3A_82, %dma_start3A_86] : memref<104x128xi32, #tpu.memory_space<vmem>> -> memref<1x128xi32, #tpu.memory_space<vmem>>
    %dma_start3A_88 = tpu.memref_squeeze %dma_start3A_87 : memref<1x128xi32, #tpu.memory_space<vmem>> -> memref<128xi32, #tpu.memory_space<vmem>>
    %dma_start3A_89 = arith.constant 0 : i32
    %dma_start3A_90 = arith.constant 0 : i32
    %dma_start3A_91 = tpu.memref_slice %arg2[%dma_start3A_89, %dma_start3A_90] : memref<2600000x16xf32, #tpu.memory_space<hbm>> -> memref<2600000x16xf32, #tpu.memory_space<hbm>>
    tpu.enqueue_indirect_dma source(%dma_start3A_91 : memref<2600000x16xf32, #tpu.memory_space<hbm>>) target(%dma_start3A_85 : memref<128x16xf32, #tpu.memory_space<vmem>>) offsets(%dma_start3A_88 : memref<128xi32, #tpu.memory_space<vmem>>) semaphore(%arg8 : memref<!tpu.dma_semaphore, #tpu.memory_space<semaphore_mem>>)
    %dma_start3A_92 = arith.constant 9 : i32
    %dma_start3A_93 = arith.constant 1152 : i32
    %dma_start3A_94 = arith.constant 0 : i32
    %dma_start3A_95 = tpu.memref_slice %arg6[%dma_start3A_93, %dma_start3A_94] : memref<1664x16xf32, #tpu.memory_space<vmem>> -> memref<128x16xf32, #tpu.memory_space<vmem>>
    %dma_start3A_96 = arith.constant 0 : i32
    %dma_start3A_97 = tpu.memref_slice %arg5[%dma_start3A_92, %dma_start3A_96] : memref<104x128xi32, #tpu.memory_space<vmem>> -> memref<1x128xi32, #tpu.memory_space<vmem>>
    %dma_start3A_98 = tpu.memref_squeeze %dma_start3A_97 : memref<1x128xi32, #tpu.memory_space<vmem>> -> memref<128xi32, #tpu.memory_space<vmem>>
    %dma_start3A_99 = arith.constant 0 : i32
    %dma_start3A_100 = arith.constant 0 : i32
    %dma_start3A_101 = tpu.memref_slice %arg2[%dma_start3A_99, %dma_start3A_100] : memref<2600000x16xf32, #tpu.memory_space<hbm>> -> memref<2600000x16xf32, #tpu.memory_space<hbm>>
    tpu.enqueue_indirect_dma source(%dma_start3A_101 : memref<2600000x16xf32, #tpu.memory_space<hbm>>) target(%dma_start3A_95 : memref<128x16xf32, #tpu.memory_space<vmem>>) offsets(%dma_start3A_98 : memref<128xi32, #tpu.memory_space<vmem>>) semaphore(%arg8 : memref<!tpu.dma_semaphore, #tpu.memory_space<semaphore_mem>>)
    %dma_start3A_102 = arith.constant 10 : i32
    %dma_start3A_103 = arith.constant 1280 : i32
    %dma_start3A_104 = arith.constant 0 : i32
    %dma_start3A_105 = tpu.memref_slice %arg6[%dma_start3A_103, %dma_start3A_104] : memref<1664x16xf32, #tpu.memory_space<vmem>> -> memref<128x16xf32, #tpu.memory_space<vmem>>
    %dma_start3A_106 = arith.constant 0 : i32
    %dma_start3A_107 = tpu.memref_slice %arg5[%dma_start3A_102, %dma_start3A_106] : memref<104x128xi32, #tpu.memory_space<vmem>> -> memref<1x128xi32, #tpu.memory_space<vmem>>
    %dma_start3A_108 = tpu.memref_squeeze %dma_start3A_107 : memref<1x128xi32, #tpu.memory_space<vmem>> -> memref<128xi32, #tpu.memory_space<vmem>>
    %dma_start3A_109 = arith.constant 0 : i32
    %dma_start3A_110 = arith.constant 0 : i32
    %dma_start3A_111 = tpu.memref_slice %arg2[%dma_start3A_109, %dma_start3A_110] : memref<2600000x16xf32, #tpu.memory_space<hbm>> -> memref<2600000x16xf32, #tpu.memory_space<hbm>>
    tpu.enqueue_indirect_dma source(%dma_start3A_111 : memref<2600000x16xf32, #tpu.memory_space<hbm>>) target(%dma_start3A_105 : memref<128x16xf32, #tpu.memory_space<vmem>>) offsets(%dma_start3A_108 : memref<128xi32, #tpu.memory_space<vmem>>) semaphore(%arg8 : memref<!tpu.dma_semaphore, #tpu.memory_space<semaphore_mem>>)
    %dma_start3A_112 = arith.constant 11 : i32
    %dma_start3A_113 = arith.constant 1408 : i32
    %dma_start3A_114 = arith.constant 0 : i32
    %dma_start3A_115 = tpu.memref_slice %arg6[%dma_start3A_113, %dma_start3A_114] : memref<1664x16xf32, #tpu.memory_space<vmem>> -> memref<128x16xf32, #tpu.memory_space<vmem>>
    %dma_start3A_116 = arith.constant 0 : i32
    %dma_start3A_117 = tpu.memref_slice %arg5[%dma_start3A_112, %dma_start3A_116] : memref<104x128xi32, #tpu.memory_space<vmem>> -> memref<1x128xi32, #tpu.memory_space<vmem>>
    %dma_start3A_118 = tpu.memref_squeeze %dma_start3A_117 : memref<1x128xi32, #tpu.memory_space<vmem>> -> memref<128xi32, #tpu.memory_space<vmem>>
    %dma_start3A_119 = arith.constant 0 : i32
    %dma_start3A_120 = arith.constant 0 : i32
    %dma_start3A_121 = tpu.memref_slice %arg2[%dma_start3A_119, %dma_start3A_120] : memref<2600000x16xf32, #tpu.memory_space<hbm>> -> memref<2600000x16xf32, #tpu.memory_space<hbm>>
    tpu.enqueue_indirect_dma source(%dma_start3A_121 : memref<2600000x16xf32, #tpu.memory_space<hbm>>) target(%dma_start3A_115 : memref<128x16xf32, #tpu.memory_space<vmem>>) offsets(%dma_start3A_118 : memref<128xi32, #tpu.memory_space<vmem>>) semaphore(%arg8 : memref<!tpu.dma_semaphore, #tpu.memory_space<semaphore_mem>>)
    %dma_start3A_122 = arith.constant 12 : i32
    %dma_start3A_123 = arith.constant 1536 : i32
    %dma_start3A_124 = arith.constant 0 : i32
    %dma_start3A_125 = tpu.memref_slice %arg6[%dma_start3A_123, %dma_start3A_124] : memref<1664x16xf32, #tpu.memory_space<vmem>> -> memref<128x16xf32, #tpu.memory_space<vmem>>
    %dma_start3A_126 = arith.constant 0 : i32
    %dma_start3A_127 = tpu.memref_slice %arg5[%dma_start3A_122, %dma_start3A_126] : memref<104x128xi32, #tpu.memory_space<vmem>> -> memref<1x128xi32, #tpu.memory_space<vmem>>
    %dma_start3A_128 = tpu.memref_squeeze %dma_start3A_127 : memref<1x128xi32, #tpu.memory_space<vmem>> -> memref<128xi32, #tpu.memory_space<vmem>>
    %dma_start3A_129 = arith.constant 0 : i32
    %dma_start3A_130 = arith.constant 0 : i32
    %dma_start3A_131 = tpu.memref_slice %arg2[%dma_start3A_129, %dma_start3A_130] : memref<2600000x16xf32, #tpu.memory_space<hbm>> -> memref<2600000x16xf32, #tpu.memory_space<hbm>>
    tpu.enqueue_indirect_dma source(%dma_start3A_131 : memref<2600000x16xf32, #tpu.memory_space<hbm>>) target(%dma_start3A_125 : memref<128x16xf32, #tpu.memory_space<vmem>>) offsets(%dma_start3A_128 : memref<128xi32, #tpu.memory_space<vmem>>) semaphore(%arg8 : memref<!tpu.dma_semaphore, #tpu.memory_space<semaphore_mem>>)
    %dma_start3A_132 = arith.constant 13 : i32
    %dma_start3A_133 = arith.constant 0 : i32
    %dma_start3A_134 = arith.constant 0 : i32
    %dma_start3A_135 = tpu.memref_slice %arg7[%dma_start3A_133, %dma_start3A_134] : memref<1664x16xf32, #tpu.memory_space<vmem>> -> memref<128x16xf32, #tpu.memory_space<vmem>>
    %dma_start3A_136 = arith.constant 0 : i32
    %dma_start3A_137 = tpu.memref_slice %arg5[%dma_start3A_132, %dma_start3A_136] : memref<104x128xi32, #tpu.memory_space<vmem>> -> memref<1x128xi32, #tpu.memory_space<vmem>>
    %dma_start3A_138 = tpu.memref_squeeze %dma_start3A_137 : memref<1x128xi32, #tpu.memory_space<vmem>> -> memref<128xi32, #tpu.memory_space<vmem>>
    %dma_start3A_139 = arith.constant 0 : i32
    %dma_start3A_140 = arith.constant 0 : i32
    %dma_start3A_141 = tpu.memref_slice %arg2[%dma_start3A_139, %dma_start3A_140] : memref<2600000x16xf32, #tpu.memory_space<hbm>> -> memref<2600000x16xf32, #tpu.memory_space<hbm>>
    tpu.enqueue_indirect_dma source(%dma_start3A_141 : memref<2600000x16xf32, #tpu.memory_space<hbm>>) target(%dma_start3A_135 : memref<128x16xf32, #tpu.memory_space<vmem>>) offsets(%dma_start3A_138 : memref<128xi32, #tpu.memory_space<vmem>>) semaphore(%arg9 : memref<!tpu.dma_semaphore, #tpu.memory_space<semaphore_mem>>)
    %dma_start3A_142 = arith.constant 14 : i32
    %dma_start3A_143 = arith.constant 128 : i32
    %dma_start3A_144 = arith.constant 0 : i32
    %dma_start3A_145 = tpu.memref_slice %arg7[%dma_start3A_143, %dma_start3A_144] : memref<1664x16xf32, #tpu.memory_space<vmem>> -> memref<128x16xf32, #tpu.memory_space<vmem>>
    %dma_start3A_146 = arith.constant 0 : i32
    %dma_start3A_147 = tpu.memref_slice %arg5[%dma_start3A_142, %dma_start3A_146] : memref<104x128xi32, #tpu.memory_space<vmem>> -> memref<1x128xi32, #tpu.memory_space<vmem>>
    %dma_start3A_148 = tpu.memref_squeeze %dma_start3A_147 : memref<1x128xi32, #tpu.memory_space<vmem>> -> memref<128xi32, #tpu.memory_space<vmem>>
    %dma_start3A_149 = arith.constant 0 : i32
    %dma_start3A_150 = arith.constant 0 : i32
    %dma_start3A_151 = tpu.memref_slice %arg2[%dma_start3A_149, %dma_start3A_150] : memref<2600000x16xf32, #tpu.memory_space<hbm>> -> memref<2600000x16xf32, #tpu.memory_space<hbm>>
    tpu.enqueue_indirect_dma source(%dma_start3A_151 : memref<2600000x16xf32, #tpu.memory_space<hbm>>) target(%dma_start3A_145 : memref<128x16xf32, #tpu.memory_space<vmem>>) offsets(%dma_start3A_148 : memref<128xi32, #tpu.memory_space<vmem>>) semaphore(%arg9 : memref<!tpu.dma_semaphore, #tpu.memory_space<semaphore_mem>>)
    %dma_start3A_152 = arith.constant 15 : i32
    %dma_start3A_153 = arith.constant 256 : i32
    %dma_start3A_154 = arith.constant 0 : i32
    %dma_start3A_155 = tpu.memref_slice %arg7[%dma_start3A_153, %dma_start3A_154] : memref<1664x16xf32, #tpu.memory_space<vmem>> -> memref<128x16xf32, #tpu.memory_space<vmem>>
    %dma_start3A_156 = arith.constant 0 : i32
    %dma_start3A_157 = tpu.memref_slice %arg5[%dma_start3A_152, %dma_start3A_156] : memref<104x128xi32, #tpu.memory_space<vmem>> -> memref<1x128xi32, #tpu.memory_space<vmem>>
    %dma_start3A_158 = tpu.memref_squeeze %dma_start3A_157 : memref<1x128xi32, #tpu.memory_space<vmem>> -> memref<128xi32, #tpu.memory_space<vmem>>
    %dma_start3A_159 = arith.constant 0 : i32
    %dma_start3A_160 = arith.constant 0 : i32
    %dma_start3A_161 = tpu.memref_slice %arg2[%dma_start3A_159, %dma_start3A_160] : memref<2600000x16xf32, #tpu.memory_space<hbm>> -> memref<2600000x16xf32, #tpu.memory_space<hbm>>
    tpu.enqueue_indirect_dma source(%dma_start3A_161 : memref<2600000x16xf32, #tpu.memory_space<hbm>>) target(%dma_start3A_155 : memref<128x16xf32, #tpu.memory_space<vmem>>) offsets(%dma_start3A_158 : memref<128xi32, #tpu.memory_space<vmem>>) semaphore(%arg9 : memref<!tpu.dma_semaphore, #tpu.memory_space<semaphore_mem>>)
    %dma_start3A_162 = arith.constant 16 : i32
    %dma_start3A_163 = arith.constant 384 : i32
    %dma_start3A_164 = arith.constant 0 : i32
    %dma_start3A_165 = tpu.memref_slice %arg7[%dma_start3A_163, %dma_start3A_164] : memref<1664x16xf32, #tpu.memory_space<vmem>> -> memref<128x16xf32, #tpu.memory_space<vmem>>
    %dma_start3A_166 = arith.constant 0 : i32
    %dma_start3A_167 = tpu.memref_slice %arg5[%dma_start3A_162, %dma_start3A_166] : memref<104x128xi32, #tpu.memory_space<vmem>> -> memref<1x128xi32, #tpu.memory_space<vmem>>
    %dma_start3A_168 = tpu.memref_squeeze %dma_start3A_167 : memref<1x128xi32, #tpu.memory_space<vmem>> -> memref<128xi32, #tpu.memory_space<vmem>>
    %dma_start3A_169 = arith.constant 0 : i32
    %dma_start3A_170 = arith.constant 0 : i32
    %dma_start3A_171 = tpu.memref_slice %arg2[%dma_start3A_169, %dma_start3A_170] : memref<2600000x16xf32, #tpu.memory_space<hbm>> -> memref<2600000x16xf32, #tpu.memory_space<hbm>>
    tpu.enqueue_indirect_dma source(%dma_start3A_171 : memref<2600000x16xf32, #tpu.memory_space<hbm>>) target(%dma_start3A_165 : memref<128x16xf32, #tpu.memory_space<vmem>>) offsets(%dma_start3A_168 : memref<128xi32, #tpu.memory_space<vmem>>) semaphore(%arg9 : memref<!tpu.dma_semaphore, #tpu.memory_space<semaphore_mem>>)
    %dma_start3A_172 = arith.constant 17 : i32
    %dma_start3A_173 = arith.constant 512 : i32
    %dma_start3A_174 = arith.constant 0 : i32
    %dma_start3A_175 = tpu.memref_slice %arg7[%dma_start3A_173, %dma_start3A_174] : memref<1664x16xf32, #tpu.memory_space<vmem>> -> memref<128x16xf32, #tpu.memory_space<vmem>>
    %dma_start3A_176 = arith.constant 0 : i32
    %dma_start3A_177 = tpu.memref_slice %arg5[%dma_start3A_172, %dma_start3A_176] : memref<104x128xi32, #tpu.memory_space<vmem>> -> memref<1x128xi32, #tpu.memory_space<vmem>>
    %dma_start3A_178 = tpu.memref_squeeze %dma_start3A_177 : memref<1x128xi32, #tpu.memory_space<vmem>> -> memref<128xi32, #tpu.memory_space<vmem>>
    %dma_start3A_179 = arith.constant 0 : i32
    %dma_start3A_180 = arith.constant 0 : i32
    %dma_start3A_181 = tpu.memref_slice %arg2[%dma_start3A_179, %dma_start3A_180] : memref<2600000x16xf32, #tpu.memory_space<hbm>> -> memref<2600000x16xf32, #tpu.memory_space<hbm>>
    tpu.enqueue_indirect_dma source(%dma_start3A_181 : memref<2600000x16xf32, #tpu.memory_space<hbm>>) target(%dma_start3A_175 : memref<128x16xf32, #tpu.memory_space<vmem>>) offsets(%dma_start3A_178 : memref<128xi32, #tpu.memory_space<vmem>>) semaphore(%arg9 : memref<!tpu.dma_semaphore, #tpu.memory_space<semaphore_mem>>)
    %dma_start3A_182 = arith.constant 18 : i32
    %dma_start3A_183 = arith.constant 640 : i32
    %dma_start3A_184 = arith.constant 0 : i32
    %dma_start3A_185 = tpu.memref_slice %arg7[%dma_start3A_183, %dma_start3A_184] : memref<1664x16xf32, #tpu.memory_space<vmem>> -> memref<128x16xf32, #tpu.memory_space<vmem>>
    %dma_start3A_186 = arith.constant 0 : i32
    %dma_start3A_187 = tpu.memref_slice %arg5[%dma_start3A_182, %dma_start3A_186] : memref<104x128xi32, #tpu.memory_space<vmem>> -> memref<1x128xi32, #tpu.memory_space<vmem>>
    %dma_start3A_188 = tpu.memref_squeeze %dma_start3A_187 : memref<1x128xi32, #tpu.memory_space<vmem>> -> memref<128xi32, #tpu.memory_space<vmem>>
    %dma_start3A_189 = arith.constant 0 : i32
    %dma_start3A_190 = arith.constant 0 : i32
    %dma_start3A_191 = tpu.memref_slice %arg2[%dma_start3A_189, %dma_start3A_190] : memref<2600000x16xf32, #tpu.memory_space<hbm>> -> memref<2600000x16xf32, #tpu.memory_space<hbm>>
    tpu.enqueue_indirect_dma source(%dma_start3A_191 : memref<2600000x16xf32, #tpu.memory_space<hbm>>) target(%dma_start3A_185 : memref<128x16xf32, #tpu.memory_space<vmem>>) offsets(%dma_start3A_188 : memref<128xi32, #tpu.memory_space<vmem>>) semaphore(%arg9 : memref<!tpu.dma_semaphore, #tpu.memory_space<semaphore_mem>>)
    %dma_start3A_192 = arith.constant 19 : i32
    %dma_start3A_193 = arith.constant 768 : i32
    %dma_start3A_194 = arith.constant 0 : i32
    %dma_start3A_195 = tpu.memref_slice %arg7[%dma_start3A_193, %dma_start3A_194] : memref<1664x16xf32, #tpu.memory_space<vmem>> -> memref<128x16xf32, #tpu.memory_space<vmem>>
    %dma_start3A_196 = arith.constant 0 : i32
    %dma_start3A_197 = tpu.memref_slice %arg5[%dma_start3A_192, %dma_start3A_196] : memref<104x128xi32, #tpu.memory_space<vmem>> -> memref<1x128xi32, #tpu.memory_space<vmem>>
    %dma_start3A_198 = tpu.memref_squeeze %dma_start3A_197 : memref<1x128xi32, #tpu.memory_space<vmem>> -> memref<128xi32, #tpu.memory_space<vmem>>
    %dma_start3A_199 = arith.constant 0 : i32
    %dma_start3A_200 = arith.constant 0 : i32
    %dma_start3A_201 = tpu.memref_slice %arg2[%dma_start3A_199, %dma_start3A_200] : memref<2600000x16xf32, #tpu.memory_space<hbm>> -> memref<2600000x16xf32, #tpu.memory_space<hbm>>
    tpu.enqueue_indirect_dma source(%dma_start3A_201 : memref<2600000x16xf32, #tpu.memory_space<hbm>>) target(%dma_start3A_195 : memref<128x16xf32, #tpu.memory_space<vmem>>) offsets(%dma_start3A_198 : memref<128xi32, #tpu.memory_space<vmem>>) semaphore(%arg9 : memref<!tpu.dma_semaphore, #tpu.memory_space<semaphore_mem>>)
    %dma_start3A_202 = arith.constant 20 : i32
    %dma_start3A_203 = arith.constant 896 : i32
    %dma_start3A_204 = arith.constant 0 : i32
    %dma_start3A_205 = tpu.memref_slice %arg7[%dma_start3A_203, %dma_start3A_204] : memref<1664x16xf32, #tpu.memory_space<vmem>> -> memref<128x16xf32, #tpu.memory_space<vmem>>
    %dma_start3A_206 = arith.constant 0 : i32
    %dma_start3A_207 = tpu.memref_slice %arg5[%dma_start3A_202, %dma_start3A_206] : memref<104x128xi32, #tpu.memory_space<vmem>> -> memref<1x128xi32, #tpu.memory_space<vmem>>
    %dma_start3A_208 = tpu.memref_squeeze %dma_start3A_207 : memref<1x128xi32, #tpu.memory_space<vmem>> -> memref<128xi32, #tpu.memory_space<vmem>>
    %dma_start3A_209 = arith.constant 0 : i32
    %dma_start3A_210 = arith.constant 0 : i32
    %dma_start3A_211 = tpu.memref_slice %arg2[%dma_start3A_209, %dma_start3A_210] : memref<2600000x16xf32, #tpu.memory_space<hbm>> -> memref<2600000x16xf32, #tpu.memory_space<hbm>>
    tpu.enqueue_indirect_dma source(%dma_start3A_211 : memref<2600000x16xf32, #tpu.memory_space<hbm>>) target(%dma_start3A_205 : memref<128x16xf32, #tpu.memory_space<vmem>>) offsets(%dma_start3A_208 : memref<128xi32, #tpu.memory_space<vmem>>) semaphore(%arg9 : memref<!tpu.dma_semaphore, #tpu.memory_space<semaphore_mem>>)
    %dma_start3A_212 = arith.constant 21 : i32
    %dma_start3A_213 = arith.constant 1024 : i32
    %dma_start3A_214 = arith.constant 0 : i32
    %dma_start3A_215 = tpu.memref_slice %arg7[%dma_start3A_213, %dma_start3A_214] : memref<1664x16xf32, #tpu.memory_space<vmem>> -> memref<128x16xf32, #tpu.memory_space<vmem>>
    %dma_start3A_216 = arith.constant 0 : i32
    %dma_start3A_217 = tpu.memref_slice %arg5[%dma_start3A_212, %dma_start3A_216] : memref<104x128xi32, #tpu.memory_space<vmem>> -> memref<1x128xi32, #tpu.memory_space<vmem>>
    %dma_start3A_218 = tpu.memref_squeeze %dma_start3A_217 : memref<1x128xi32, #tpu.memory_space<vmem>> -> memref<128xi32, #tpu.memory_space<vmem>>
    %dma_start3A_219 = arith.constant 0 : i32
    %dma_start3A_220 = arith.constant 0 : i32
    %dma_start3A_221 = tpu.memref_slice %arg2[%dma_start3A_219, %dma_start3A_220] : memref<2600000x16xf32, #tpu.memory_space<hbm>> -> memref<2600000x16xf32, #tpu.memory_space<hbm>>
    tpu.enqueue_indirect_dma source(%dma_start3A_221 : memref<2600000x16xf32, #tpu.memory_space<hbm>>) target(%dma_start3A_215 : memref<128x16xf32, #tpu.memory_space<vmem>>) offsets(%dma_start3A_218 : memref<128xi32, #tpu.memory_space<vmem>>) semaphore(%arg9 : memref<!tpu.dma_semaphore, #tpu.memory_space<semaphore_mem>>)
    %dma_start3A_222 = arith.constant 22 : i32
    %dma_start3A_223 = arith.constant 1152 : i32
    %dma_start3A_224 = arith.constant 0 : i32
    %dma_start3A_225 = tpu.memref_slice %arg7[%dma_start3A_223, %dma_start3A_224] : memref<1664x16xf32, #tpu.memory_space<vmem>> -> memref<128x16xf32, #tpu.memory_space<vmem>>
    %dma_start3A_226 = arith.constant 0 : i32
    %dma_start3A_227 = tpu.memref_slice %arg5[%dma_start3A_222, %dma_start3A_226] : memref<104x128xi32, #tpu.memory_space<vmem>> -> memref<1x128xi32, #tpu.memory_space<vmem>>
    %dma_start3A_228 = tpu.memref_squeeze %dma_start3A_227 : memref<1x128xi32, #tpu.memory_space<vmem>> -> memref<128xi32, #tpu.memory_space<vmem>>
    %dma_start3A_229 = arith.constant 0 : i32
    %dma_start3A_230 = arith.constant 0 : i32
    %dma_start3A_231 = tpu.memref_slice %arg2[%dma_start3A_229, %dma_start3A_230] : memref<2600000x16xf32, #tpu.memory_space<hbm>> -> memref<2600000x16xf32, #tpu.memory_space<hbm>>
    tpu.enqueue_indirect_dma source(%dma_start3A_231 : memref<2600000x16xf32, #tpu.memory_space<hbm>>) target(%dma_start3A_225 : memref<128x16xf32, #tpu.memory_space<vmem>>) offsets(%dma_start3A_228 : memref<128xi32, #tpu.memory_space<vmem>>) semaphore(%arg9 : memref<!tpu.dma_semaphore, #tpu.memory_space<semaphore_mem>>)
    %dma_start3A_232 = arith.constant 23 : i32
    %dma_start3A_233 = arith.constant 1280 : i32
    %dma_start3A_234 = arith.constant 0 : i32
    %dma_start3A_235 = tpu.memref_slice %arg7[%dma_start3A_233, %dma_start3A_234] : memref<1664x16xf32, #tpu.memory_space<vmem>> -> memref<128x16xf32, #tpu.memory_space<vmem>>
    %dma_start3A_236 = arith.constant 0 : i32
    %dma_start3A_237 = tpu.memref_slice %arg5[%dma_start3A_232, %dma_start3A_236] : memref<104x128xi32, #tpu.memory_space<vmem>> -> memref<1x128xi32, #tpu.memory_space<vmem>>
    %dma_start3A_238 = tpu.memref_squeeze %dma_start3A_237 : memref<1x128xi32, #tpu.memory_space<vmem>> -> memref<128xi32, #tpu.memory_space<vmem>>
    %dma_start3A_239 = arith.constant 0 : i32
    %dma_start3A_240 = arith.constant 0 : i32
    %dma_start3A_241 = tpu.memref_slice %arg2[%dma_start3A_239, %dma_start3A_240] : memref<2600000x16xf32, #tpu.memory_space<hbm>> -> memref<2600000x16xf32, #tpu.memory_space<hbm>>
    tpu.enqueue_indirect_dma source(%dma_start3A_241 : memref<2600000x16xf32, #tpu.memory_space<hbm>>) target(%dma_start3A_235 : memref<128x16xf32, #tpu.memory_space<vmem>>) offsets(%dma_start3A_238 : memref<128xi32, #tpu.memory_space<vmem>>) semaphore(%arg9 : memref<!tpu.dma_semaphore, #tpu.memory_space<semaphore_mem>>)
    %dma_start3A_242 = arith.constant 24 : i32
    %dma_start3A_243 = arith.constant 1408 : i32
    %dma_start3A_244 = arith.constant 0 : i32
    %dma_start3A_245 = tpu.memref_slice %arg7[%dma_start3A_243, %dma_start3A_244] : memref<1664x16xf32, #tpu.memory_space<vmem>> -> memref<128x16xf32, #tpu.memory_space<vmem>>
    %dma_start3A_246 = arith.constant 0 : i32
    %dma_start3A_247 = tpu.memref_slice %arg5[%dma_start3A_242, %dma_start3A_246] : memref<104x128xi32, #tpu.memory_space<vmem>> -> memref<1x128xi32, #tpu.memory_space<vmem>>
    %dma_start3A_248 = tpu.memref_squeeze %dma_start3A_247 : memref<1x128xi32, #tpu.memory_space<vmem>> -> memref<128xi32, #tpu.memory_space<vmem>>
    %dma_start3A_249 = arith.constant 0 : i32
    %dma_start3A_250 = arith.constant 0 : i32
    %dma_start3A_251 = tpu.memref_slice %arg2[%dma_start3A_249, %dma_start3A_250] : memref<2600000x16xf32, #tpu.memory_space<hbm>> -> memref<2600000x16xf32, #tpu.memory_space<hbm>>
    tpu.enqueue_indirect_dma source(%dma_start3A_251 : memref<2600000x16xf32, #tpu.memory_space<hbm>>) target(%dma_start3A_245 : memref<128x16xf32, #tpu.memory_space<vmem>>) offsets(%dma_start3A_248 : memref<128xi32, #tpu.memory_space<vmem>>) semaphore(%arg9 : memref<!tpu.dma_semaphore, #tpu.memory_space<semaphore_mem>>)
    %dma_start3A_252 = arith.constant 25 : i32
    %dma_start3A_253 = arith.constant 1536 : i32
    %dma_start3A_254 = arith.constant 0 : i32
    %dma_start3A_255 = tpu.memref_slice %arg7[%dma_start3A_253, %dma_start3A_254] : memref<1664x16xf32, #tpu.memory_space<vmem>> -> memref<128x16xf32, #tpu.memory_space<vmem>>
    %dma_start3A_256 = arith.constant 0 : i32
    %dma_start3A_257 = tpu.memref_slice %arg5[%dma_start3A_252, %dma_start3A_256] : memref<104x128xi32, #tpu.memory_space<vmem>> -> memref<1x128xi32, #tpu.memory_space<vmem>>
    %dma_start3A_258 = tpu.memref_squeeze %dma_start3A_257 : memref<1x128xi32, #tpu.memory_space<vmem>> -> memref<128xi32, #tpu.memory_space<vmem>>
    %dma_start3A_259 = arith.constant 0 : i32
    %dma_start3A_260 = arith.constant 0 : i32
    %dma_start3A_261 = tpu.memref_slice %arg2[%dma_start3A_259, %dma_start3A_260] : memref<2600000x16xf32, #tpu.memory_space<hbm>> -> memref<2600000x16xf32, #tpu.memory_space<hbm>>
    tpu.enqueue_indirect_dma source(%dma_start3A_261 : memref<2600000x16xf32, #tpu.memory_space<hbm>>) target(%dma_start3A_255 : memref<128x16xf32, #tpu.memory_space<vmem>>) offsets(%dma_start3A_258 : memref<128xi32, #tpu.memory_space<vmem>>) semaphore(%arg9 : memref<!tpu.dma_semaphore, #tpu.memory_space<semaphore_mem>>)
    %dma_wait3A = arith.constant 0 : i32
    %dma_wait3A_262 = arith.constant 0 : i32
    %dma_wait3A_263 = arith.constant 0 : i32
    %dma_wait3A_264 = tpu.memref_slice %arg6[%dma_wait3A_262, %dma_wait3A_263] : memref<1664x16xf32, #tpu.memory_space<vmem>> -> memref<128x16xf32, #tpu.memory_space<vmem>>
    %dma_wait3A_265 = arith.constant 0 : i32
    %dma_wait3A_266 = tpu.memref_slice %arg5[%dma_wait3A, %dma_wait3A_265] : memref<104x128xi32, #tpu.memory_space<vmem>> -> memref<1x128xi32, #tpu.memory_space<vmem>>
    %dma_wait3A_267 = tpu.memref_squeeze %dma_wait3A_266 : memref<1x128xi32, #tpu.memory_space<vmem>> -> memref<128xi32, #tpu.memory_space<vmem>>
    %dma_wait3A_268 = arith.constant 0 : i32
    %dma_wait3A_269 = arith.constant 0 : i32
    %dma_wait3A_270 = tpu.memref_slice %arg2[%dma_wait3A_268, %dma_wait3A_269] : memref<2600000x16xf32, #tpu.memory_space<hbm>> -> memref<2600000x16xf32, #tpu.memory_space<hbm>>
    tpu.wait_indirect_dma semaphore(%arg8 : memref<!tpu.dma_semaphore, #tpu.memory_space<semaphore_mem>>) src(%dma_wait3A_270 : memref<2600000x16xf32, #tpu.memory_space<hbm>>) dst(%dma_wait3A_264 : memref<128x16xf32, #tpu.memory_space<vmem>>)
    %dma_wait3A_271 = arith.constant 1 : i32
    %dma_wait3A_272 = arith.constant 128 : i32
    %dma_wait3A_273 = arith.constant 0 : i32
    %dma_wait3A_274 = tpu.memref_slice %arg6[%dma_wait3A_272, %dma_wait3A_273] : memref<1664x16xf32, #tpu.memory_space<vmem>> -> memref<128x16xf32, #tpu.memory_space<vmem>>
    %dma_wait3A_275 = arith.constant 0 : i32
    %dma_wait3A_276 = tpu.memref_slice %arg5[%dma_wait3A_271, %dma_wait3A_275] : memref<104x128xi32, #tpu.memory_space<vmem>> -> memref<1x128xi32, #tpu.memory_space<vmem>>
    %dma_wait3A_277 = tpu.memref_squeeze %dma_wait3A_276 : memref<1x128xi32, #tpu.memory_space<vmem>> -> memref<128xi32, #tpu.memory_space<vmem>>
    %dma_wait3A_278 = arith.constant 0 : i32
    %dma_wait3A_279 = arith.constant 0 : i32
    %dma_wait3A_280 = tpu.memref_slice %arg2[%dma_wait3A_278, %dma_wait3A_279] : memref<2600000x16xf32, #tpu.memory_space<hbm>> -> memref<2600000x16xf32, #tpu.memory_space<hbm>>
    tpu.wait_indirect_dma semaphore(%arg8 : memref<!tpu.dma_semaphore, #tpu.memory_space<semaphore_mem>>) src(%dma_wait3A_280 : memref<2600000x16xf32, #tpu.memory_space<hbm>>) dst(%dma_wait3A_274 : memref<128x16xf32, #tpu.memory_space<vmem>>)
    %dma_wait3A_281 = arith.constant 2 : i32
    %dma_wait3A_282 = arith.constant 256 : i32
    %dma_wait3A_283 = arith.constant 0 : i32
    %dma_wait3A_284 = tpu.memref_slice %arg6[%dma_wait3A_282, %dma_wait3A_283] : memref<1664x16xf32, #tpu.memory_space<vmem>> -> memref<128x16xf32, #tpu.memory_space<vmem>>
    %dma_wait3A_285 = arith.constant 0 : i32
    %dma_wait3A_286 = tpu.memref_slice %arg5[%dma_wait3A_281, %dma_wait3A_285] : memref<104x128xi32, #tpu.memory_space<vmem>> -> memref<1x128xi32, #tpu.memory_space<vmem>>
    %dma_wait3A_287 = tpu.memref_squeeze %dma_wait3A_286 : memref<1x128xi32, #tpu.memory_space<vmem>> -> memref<128xi32, #tpu.memory_space<vmem>>
    %dma_wait3A_288 = arith.constant 0 : i32
    %dma_wait3A_289 = arith.constant 0 : i32
    %dma_wait3A_290 = tpu.memref_slice %arg2[%dma_wait3A_288, %dma_wait3A_289] : memref<2600000x16xf32, #tpu.memory_space<hbm>> -> memref<2600000x16xf32, #tpu.memory_space<hbm>>
    tpu.wait_indirect_dma semaphore(%arg8 : memref<!tpu.dma_semaphore, #tpu.memory_space<semaphore_mem>>) src(%dma_wait3A_290 : memref<2600000x16xf32, #tpu.memory_space<hbm>>) dst(%dma_wait3A_284 : memref<128x16xf32, #tpu.memory_space<vmem>>)
    %dma_wait3A_291 = arith.constant 3 : i32
    %dma_wait3A_292 = arith.constant 384 : i32
    %dma_wait3A_293 = arith.constant 0 : i32
    %dma_wait3A_294 = tpu.memref_slice %arg6[%dma_wait3A_292, %dma_wait3A_293] : memref<1664x16xf32, #tpu.memory_space<vmem>> -> memref<128x16xf32, #tpu.memory_space<vmem>>
    %dma_wait3A_295 = arith.constant 0 : i32
    %dma_wait3A_296 = tpu.memref_slice %arg5[%dma_wait3A_291, %dma_wait3A_295] : memref<104x128xi32, #tpu.memory_space<vmem>> -> memref<1x128xi32, #tpu.memory_space<vmem>>
    %dma_wait3A_297 = tpu.memref_squeeze %dma_wait3A_296 : memref<1x128xi32, #tpu.memory_space<vmem>> -> memref<128xi32, #tpu.memory_space<vmem>>
    %dma_wait3A_298 = arith.constant 0 : i32
    %dma_wait3A_299 = arith.constant 0 : i32
    %dma_wait3A_300 = tpu.memref_slice %arg2[%dma_wait3A_298, %dma_wait3A_299] : memref<2600000x16xf32, #tpu.memory_space<hbm>> -> memref<2600000x16xf32, #tpu.memory_space<hbm>>
    tpu.wait_indirect_dma semaphore(%arg8 : memref<!tpu.dma_semaphore, #tpu.memory_space<semaphore_mem>>) src(%dma_wait3A_300 : memref<2600000x16xf32, #tpu.memory_space<hbm>>) dst(%dma_wait3A_294 : memref<128x16xf32, #tpu.memory_space<vmem>>)
    %dma_wait3A_301 = arith.constant 4 : i32
    %dma_wait3A_302 = arith.constant 512 : i32
    %dma_wait3A_303 = arith.constant 0 : i32
    %dma_wait3A_304 = tpu.memref_slice %arg6[%dma_wait3A_302, %dma_wait3A_303] : memref<1664x16xf32, #tpu.memory_space<vmem>> -> memref<128x16xf32, #tpu.memory_space<vmem>>
    %dma_wait3A_305 = arith.constant 0 : i32
    %dma_wait3A_306 = tpu.memref_slice %arg5[%dma_wait3A_301, %dma_wait3A_305] : memref<104x128xi32, #tpu.memory_space<vmem>> -> memref<1x128xi32, #tpu.memory_space<vmem>>
    %dma_wait3A_307 = tpu.memref_squeeze %dma_wait3A_306 : memref<1x128xi32, #tpu.memory_space<vmem>> -> memref<128xi32, #tpu.memory_space<vmem>>
    %dma_wait3A_308 = arith.constant 0 : i32
    %dma_wait3A_309 = arith.constant 0 : i32
    %dma_wait3A_310 = tpu.memref_slice %arg2[%dma_wait3A_308, %dma_wait3A_309] : memref<2600000x16xf32, #tpu.memory_space<hbm>> -> memref<2600000x16xf32, #tpu.memory_space<hbm>>
    tpu.wait_indirect_dma semaphore(%arg8 : memref<!tpu.dma_semaphore, #tpu.memory_space<semaphore_mem>>) src(%dma_wait3A_310 : memref<2600000x16xf32, #tpu.memory_space<hbm>>) dst(%dma_wait3A_304 : memref<128x16xf32, #tpu.memory_space<vmem>>)
    %dma_wait3A_311 = arith.constant 5 : i32
    %dma_wait3A_312 = arith.constant 640 : i32
    %dma_wait3A_313 = arith.constant 0 : i32
    %dma_wait3A_314 = tpu.memref_slice %arg6[%dma_wait3A_312, %dma_wait3A_313] : memref<1664x16xf32, #tpu.memory_space<vmem>> -> memref<128x16xf32, #tpu.memory_space<vmem>>
    %dma_wait3A_315 = arith.constant 0 : i32
    %dma_wait3A_316 = tpu.memref_slice %arg5[%dma_wait3A_311, %dma_wait3A_315] : memref<104x128xi32, #tpu.memory_space<vmem>> -> memref<1x128xi32, #tpu.memory_space<vmem>>
    %dma_wait3A_317 = tpu.memref_squeeze %dma_wait3A_316 : memref<1x128xi32, #tpu.memory_space<vmem>> -> memref<128xi32, #tpu.memory_space<vmem>>
    %dma_wait3A_318 = arith.constant 0 : i32
    %dma_wait3A_319 = arith.constant 0 : i32
    %dma_wait3A_320 = tpu.memref_slice %arg2[%dma_wait3A_318, %dma_wait3A_319] : memref<2600000x16xf32, #tpu.memory_space<hbm>> -> memref<2600000x16xf32, #tpu.memory_space<hbm>>
    tpu.wait_indirect_dma semaphore(%arg8 : memref<!tpu.dma_semaphore, #tpu.memory_space<semaphore_mem>>) src(%dma_wait3A_320 : memref<2600000x16xf32, #tpu.memory_space<hbm>>) dst(%dma_wait3A_314 : memref<128x16xf32, #tpu.memory_space<vmem>>)
    %dma_wait3A_321 = arith.constant 6 : i32
    %dma_wait3A_322 = arith.constant 768 : i32
    %dma_wait3A_323 = arith.constant 0 : i32
    %dma_wait3A_324 = tpu.memref_slice %arg6[%dma_wait3A_322, %dma_wait3A_323] : memref<1664x16xf32, #tpu.memory_space<vmem>> -> memref<128x16xf32, #tpu.memory_space<vmem>>
    %dma_wait3A_325 = arith.constant 0 : i32
    %dma_wait3A_326 = tpu.memref_slice %arg5[%dma_wait3A_321, %dma_wait3A_325] : memref<104x128xi32, #tpu.memory_space<vmem>> -> memref<1x128xi32, #tpu.memory_space<vmem>>
    %dma_wait3A_327 = tpu.memref_squeeze %dma_wait3A_326 : memref<1x128xi32, #tpu.memory_space<vmem>> -> memref<128xi32, #tpu.memory_space<vmem>>
    %dma_wait3A_328 = arith.constant 0 : i32
    %dma_wait3A_329 = arith.constant 0 : i32
    %dma_wait3A_330 = tpu.memref_slice %arg2[%dma_wait3A_328, %dma_wait3A_329] : memref<2600000x16xf32, #tpu.memory_space<hbm>> -> memref<2600000x16xf32, #tpu.memory_space<hbm>>
    tpu.wait_indirect_dma semaphore(%arg8 : memref<!tpu.dma_semaphore, #tpu.memory_space<semaphore_mem>>) src(%dma_wait3A_330 : memref<2600000x16xf32, #tpu.memory_space<hbm>>) dst(%dma_wait3A_324 : memref<128x16xf32, #tpu.memory_space<vmem>>)
    %dma_wait3A_331 = arith.constant 7 : i32
    %dma_wait3A_332 = arith.constant 896 : i32
    %dma_wait3A_333 = arith.constant 0 : i32
    %dma_wait3A_334 = tpu.memref_slice %arg6[%dma_wait3A_332, %dma_wait3A_333] : memref<1664x16xf32, #tpu.memory_space<vmem>> -> memref<128x16xf32, #tpu.memory_space<vmem>>
    %dma_wait3A_335 = arith.constant 0 : i32
    %dma_wait3A_336 = tpu.memref_slice %arg5[%dma_wait3A_331, %dma_wait3A_335] : memref<104x128xi32, #tpu.memory_space<vmem>> -> memref<1x128xi32, #tpu.memory_space<vmem>>
    %dma_wait3A_337 = tpu.memref_squeeze %dma_wait3A_336 : memref<1x128xi32, #tpu.memory_space<vmem>> -> memref<128xi32, #tpu.memory_space<vmem>>
    %dma_wait3A_338 = arith.constant 0 : i32
    %dma_wait3A_339 = arith.constant 0 : i32
    %dma_wait3A_340 = tpu.memref_slice %arg2[%dma_wait3A_338, %dma_wait3A_339] : memref<2600000x16xf32, #tpu.memory_space<hbm>> -> memref<2600000x16xf32, #tpu.memory_space<hbm>>
    tpu.wait_indirect_dma semaphore(%arg8 : memref<!tpu.dma_semaphore, #tpu.memory_space<semaphore_mem>>) src(%dma_wait3A_340 : memref<2600000x16xf32, #tpu.memory_space<hbm>>) dst(%dma_wait3A_334 : memref<128x16xf32, #tpu.memory_space<vmem>>)
    %dma_wait3A_341 = arith.constant 8 : i32
    %dma_wait3A_342 = arith.constant 1024 : i32
    %dma_wait3A_343 = arith.constant 0 : i32
    %dma_wait3A_344 = tpu.memref_slice %arg6[%dma_wait3A_342, %dma_wait3A_343] : memref<1664x16xf32, #tpu.memory_space<vmem>> -> memref<128x16xf32, #tpu.memory_space<vmem>>
    %dma_wait3A_345 = arith.constant 0 : i32
    %dma_wait3A_346 = tpu.memref_slice %arg5[%dma_wait3A_341, %dma_wait3A_345] : memref<104x128xi32, #tpu.memory_space<vmem>> -> memref<1x128xi32, #tpu.memory_space<vmem>>
    %dma_wait3A_347 = tpu.memref_squeeze %dma_wait3A_346 : memref<1x128xi32, #tpu.memory_space<vmem>> -> memref<128xi32, #tpu.memory_space<vmem>>
    %dma_wait3A_348 = arith.constant 0 : i32
    %dma_wait3A_349 = arith.constant 0 : i32
    %dma_wait3A_350 = tpu.memref_slice %arg2[%dma_wait3A_348, %dma_wait3A_349] : memref<2600000x16xf32, #tpu.memory_space<hbm>> -> memref<2600000x16xf32, #tpu.memory_space<hbm>>
    tpu.wait_indirect_dma semaphore(%arg8 : memref<!tpu.dma_semaphore, #tpu.memory_space<semaphore_mem>>) src(%dma_wait3A_350 : memref<2600000x16xf32, #tpu.memory_space<hbm>>) dst(%dma_wait3A_344 : memref<128x16xf32, #tpu.memory_space<vmem>>)
    %dma_wait3A_351 = arith.constant 9 : i32
    %dma_wait3A_352 = arith.constant 1152 : i32
    %dma_wait3A_353 = arith.constant 0 : i32
    %dma_wait3A_354 = tpu.memref_slice %arg6[%dma_wait3A_352, %dma_wait3A_353] : memref<1664x16xf32, #tpu.memory_space<vmem>> -> memref<128x16xf32, #tpu.memory_space<vmem>>
    %dma_wait3A_355 = arith.constant 0 : i32
    %dma_wait3A_356 = tpu.memref_slice %arg5[%dma_wait3A_351, %dma_wait3A_355] : memref<104x128xi32, #tpu.memory_space<vmem>> -> memref<1x128xi32, #tpu.memory_space<vmem>>
    %dma_wait3A_357 = tpu.memref_squeeze %dma_wait3A_356 : memref<1x128xi32, #tpu.memory_space<vmem>> -> memref<128xi32, #tpu.memory_space<vmem>>
    %dma_wait3A_358 = arith.constant 0 : i32
    %dma_wait3A_359 = arith.constant 0 : i32
    %dma_wait3A_360 = tpu.memref_slice %arg2[%dma_wait3A_358, %dma_wait3A_359] : memref<2600000x16xf32, #tpu.memory_space<hbm>> -> memref<2600000x16xf32, #tpu.memory_space<hbm>>
    tpu.wait_indirect_dma semaphore(%arg8 : memref<!tpu.dma_semaphore, #tpu.memory_space<semaphore_mem>>) src(%dma_wait3A_360 : memref<2600000x16xf32, #tpu.memory_space<hbm>>) dst(%dma_wait3A_354 : memref<128x16xf32, #tpu.memory_space<vmem>>)
    %dma_wait3A_361 = arith.constant 10 : i32
    %dma_wait3A_362 = arith.constant 1280 : i32
    %dma_wait3A_363 = arith.constant 0 : i32
    %dma_wait3A_364 = tpu.memref_slice %arg6[%dma_wait3A_362, %dma_wait3A_363] : memref<1664x16xf32, #tpu.memory_space<vmem>> -> memref<128x16xf32, #tpu.memory_space<vmem>>
    %dma_wait3A_365 = arith.constant 0 : i32
    %dma_wait3A_366 = tpu.memref_slice %arg5[%dma_wait3A_361, %dma_wait3A_365] : memref<104x128xi32, #tpu.memory_space<vmem>> -> memref<1x128xi32, #tpu.memory_space<vmem>>
    %dma_wait3A_367 = tpu.memref_squeeze %dma_wait3A_366 : memref<1x128xi32, #tpu.memory_space<vmem>> -> memref<128xi32, #tpu.memory_space<vmem>>
    %dma_wait3A_368 = arith.constant 0 : i32
    %dma_wait3A_369 = arith.constant 0 : i32
    %dma_wait3A_370 = tpu.memref_slice %arg2[%dma_wait3A_368, %dma_wait3A_369] : memref<2600000x16xf32, #tpu.memory_space<hbm>> -> memref<2600000x16xf32, #tpu.memory_space<hbm>>
    tpu.wait_indirect_dma semaphore(%arg8 : memref<!tpu.dma_semaphore, #tpu.memory_space<semaphore_mem>>) src(%dma_wait3A_370 : memref<2600000x16xf32, #tpu.memory_space<hbm>>) dst(%dma_wait3A_364 : memref<128x16xf32, #tpu.memory_space<vmem>>)
    %dma_wait3A_371 = arith.constant 11 : i32
    %dma_wait3A_372 = arith.constant 1408 : i32
    %dma_wait3A_373 = arith.constant 0 : i32
    %dma_wait3A_374 = tpu.memref_slice %arg6[%dma_wait3A_372, %dma_wait3A_373] : memref<1664x16xf32, #tpu.memory_space<vmem>> -> memref<128x16xf32, #tpu.memory_space<vmem>>
    %dma_wait3A_375 = arith.constant 0 : i32
    %dma_wait3A_376 = tpu.memref_slice %arg5[%dma_wait3A_371, %dma_wait3A_375] : memref<104x128xi32, #tpu.memory_space<vmem>> -> memref<1x128xi32, #tpu.memory_space<vmem>>
    %dma_wait3A_377 = tpu.memref_squeeze %dma_wait3A_376 : memref<1x128xi32, #tpu.memory_space<vmem>> -> memref<128xi32, #tpu.memory_space<vmem>>
    %dma_wait3A_378 = arith.constant 0 : i32
    %dma_wait3A_379 = arith.constant 0 : i32
    %dma_wait3A_380 = tpu.memref_slice %arg2[%dma_wait3A_378, %dma_wait3A_379] : memref<2600000x16xf32, #tpu.memory_space<hbm>> -> memref<2600000x16xf32, #tpu.memory_space<hbm>>
    tpu.wait_indirect_dma semaphore(%arg8 : memref<!tpu.dma_semaphore, #tpu.memory_space<semaphore_mem>>) src(%dma_wait3A_380 : memref<2600000x16xf32, #tpu.memory_space<hbm>>) dst(%dma_wait3A_374 : memref<128x16xf32, #tpu.memory_space<vmem>>)
    %dma_wait3A_381 = arith.constant 12 : i32
    %dma_wait3A_382 = arith.constant 1536 : i32
    %dma_wait3A_383 = arith.constant 0 : i32
    %dma_wait3A_384 = tpu.memref_slice %arg6[%dma_wait3A_382, %dma_wait3A_383] : memref<1664x16xf32, #tpu.memory_space<vmem>> -> memref<128x16xf32, #tpu.memory_space<vmem>>
    %dma_wait3A_385 = arith.constant 0 : i32
    %dma_wait3A_386 = tpu.memref_slice %arg5[%dma_wait3A_381, %dma_wait3A_385] : memref<104x128xi32, #tpu.memory_space<vmem>> -> memref<1x128xi32, #tpu.memory_space<vmem>>
    %dma_wait3A_387 = tpu.memref_squeeze %dma_wait3A_386 : memref<1x128xi32, #tpu.memory_space<vmem>> -> memref<128xi32, #tpu.memory_space<vmem>>
    %dma_wait3A_388 = arith.constant 0 : i32
    %dma_wait3A_389 = arith.constant 0 : i32
    %dma_wait3A_390 = tpu.memref_slice %arg2[%dma_wait3A_388, %dma_wait3A_389] : memref<2600000x16xf32, #tpu.memory_space<hbm>> -> memref<2600000x16xf32, #tpu.memory_space<hbm>>
    tpu.wait_indirect_dma semaphore(%arg8 : memref<!tpu.dma_semaphore, #tpu.memory_space<semaphore_mem>>) src(%dma_wait3A_390 : memref<2600000x16xf32, #tpu.memory_space<hbm>>) dst(%dma_wait3A_384 : memref<128x16xf32, #tpu.memory_space<vmem>>)
    %add3A_391 = arith.constant 0 : i32
    %add3A_392 = arith.addi %mul3A_2, %add3A_391 : i32
    %dma_start3A_393 = arith.constant 0 : i32
    %dma_start3A_394 = tpu.memref_slice %arg4[%add3A_392, %dma_start3A_393] : memref<425984x16xf32, #tpu.memory_space<hbm>> -> memref<1664x16xf32, #tpu.memory_space<hbm>>
    %dma_start3A_395 = arith.constant 0 : i32
    %dma_start3A_396 = tpu.memref_slice %arg4[%add3A_392, %dma_start3A_395] : memref<425984x16xf32, #tpu.memory_space<hbm>> -> memref<1664x16xf32, #tpu.memory_space<hbm>>
    tpu.enqueue_dma source(%arg6 : memref<1664x16xf32, #tpu.memory_space<vmem>>) target(%dma_start3A_396 : memref<1664x16xf32, #tpu.memory_space<hbm>>) target_semaphore(%arg10 : memref<!tpu.dma_semaphore, #tpu.memory_space<semaphore_mem>>)
    %dma_wait3A_397 = arith.constant 0 : i32
    %dma_wait3A_398 = tpu.memref_slice %arg4[%add3A_392, %dma_wait3A_397] : memref<425984x16xf32, #tpu.memory_space<hbm>> -> memref<1664x16xf32, #tpu.memory_space<hbm>>
    %dma_wait3A_399 = arith.constant 0 : i32
    %dma_wait3A_400 = tpu.memref_slice %arg4[%add3A_392, %dma_wait3A_399] : memref<425984x16xf32, #tpu.memory_space<hbm>> -> memref<1664x16xf32, #tpu.memory_space<hbm>>
    tpu.wait_dma2 semaphore(%arg10 : memref<!tpu.dma_semaphore, #tpu.memory_space<semaphore_mem>>) src(%arg6 : memref<1664x16xf32, #tpu.memory_space<vmem>>) dst(%dma_wait3A_400 : memref<1664x16xf32, #tpu.memory_space<hbm>>)
    %dma_start3A_401 = arith.constant 26 : i32
    %dma_start3A_402 = arith.constant 0 : i32
    %dma_start3A_403 = arith.constant 0 : i32
    %dma_start3A_404 = tpu.memref_slice %arg6[%dma_start3A_402, %dma_start3A_403] : memref<1664x16xf32, #tpu.memory_space<vmem>> -> memref<128x16xf32, #tpu.memory_space<vmem>>
    %dma_start3A_405 = arith.constant 0 : i32
    %dma_start3A_406 = tpu.memref_slice %arg5[%dma_start3A_401, %dma_start3A_405] : memref<104x128xi32, #tpu.memory_space<vmem>> -> memref<1x128xi32, #tpu.memory_space<vmem>>
    %dma_start3A_407 = tpu.memref_squeeze %dma_start3A_406 : memref<1x128xi32, #tpu.memory_space<vmem>> -> memref<128xi32, #tpu.memory_space<vmem>>
    %dma_start3A_408 = arith.constant 0 : i32
    %dma_start3A_409 = arith.constant 0 : i32
    %dma_start3A_410 = tpu.memref_slice %arg2[%dma_start3A_408, %dma_start3A_409] : memref<2600000x16xf32, #tpu.memory_space<hbm>> -> memref<2600000x16xf32, #tpu.memory_space<hbm>>
    tpu.enqueue_indirect_dma source(%dma_start3A_410 : memref<2600000x16xf32, #tpu.memory_space<hbm>>) target(%dma_start3A_404 : memref<128x16xf32, #tpu.memory_space<vmem>>) offsets(%dma_start3A_407 : memref<128xi32, #tpu.memory_space<vmem>>) semaphore(%arg8 : memref<!tpu.dma_semaphore, #tpu.memory_space<semaphore_mem>>)
    %dma_start3A_411 = arith.constant 27 : i32
    %dma_start3A_412 = arith.constant 128 : i32
    %dma_start3A_413 = arith.constant 0 : i32
    %dma_start3A_414 = tpu.memref_slice %arg6[%dma_start3A_412, %dma_start3A_413] : memref<1664x16xf32, #tpu.memory_space<vmem>> -> memref<128x16xf32, #tpu.memory_space<vmem>>
    %dma_start3A_415 = arith.constant 0 : i32
    %dma_start3A_416 = tpu.memref_slice %arg5[%dma_start3A_411, %dma_start3A_415] : memref<104x128xi32, #tpu.memory_space<vmem>> -> memref<1x128xi32, #tpu.memory_space<vmem>>
    %dma_start3A_417 = tpu.memref_squeeze %dma_start3A_416 : memref<1x128xi32, #tpu.memory_space<vmem>> -> memref<128xi32, #tpu.memory_space<vmem>>
    %dma_start3A_418 = arith.constant 0 : i32
    %dma_start3A_419 = arith.constant 0 : i32
    %dma_start3A_420 = tpu.memref_slice %arg2[%dma_start3A_418, %dma_start3A_419] : memref<2600000x16xf32, #tpu.memory_space<hbm>> -> memref<2600000x16xf32, #tpu.memory_space<hbm>>
    tpu.enqueue_indirect_dma source(%dma_start3A_420 : memref<2600000x16xf32, #tpu.memory_space<hbm>>) target(%dma_start3A_414 : memref<128x16xf32, #tpu.memory_space<vmem>>) offsets(%dma_start3A_417 : memref<128xi32, #tpu.memory_space<vmem>>) semaphore(%arg8 : memref<!tpu.dma_semaphore, #tpu.memory_space<semaphore_mem>>)
    %dma_start3A_421 = arith.constant 28 : i32
    %dma_start3A_422 = arith.constant 256 : i32
    %dma_start3A_423 = arith.constant 0 : i32
    %dma_start3A_424 = tpu.memref_slice %arg6[%dma_start3A_422, %dma_start3A_423] : memref<1664x16xf32, #tpu.memory_space<vmem>> -> memref<128x16xf32, #tpu.memory_space<vmem>>
    %dma_start3A_425 = arith.constant 0 : i32
    %dma_start3A_426 = tpu.memref_slice %arg5[%dma_start3A_421, %dma_start3A_425] : memref<104x128xi32, #tpu.memory_space<vmem>> -> memref<1x128xi32, #tpu.memory_space<vmem>>
    %dma_start3A_427 = tpu.memref_squeeze %dma_start3A_426 : memref<1x128xi32, #tpu.memory_space<vmem>> -> memref<128xi32, #tpu.memory_space<vmem>>
    %dma_start3A_428 = arith.constant 0 : i32
    %dma_start3A_429 = arith.constant 0 : i32
    %dma_start3A_430 = tpu.memref_slice %arg2[%dma_start3A_428, %dma_start3A_429] : memref<2600000x16xf32, #tpu.memory_space<hbm>> -> memref<2600000x16xf32, #tpu.memory_space<hbm>>
    tpu.enqueue_indirect_dma source(%dma_start3A_430 : memref<2600000x16xf32, #tpu.memory_space<hbm>>) target(%dma_start3A_424 : memref<128x16xf32, #tpu.memory_space<vmem>>) offsets(%dma_start3A_427 : memref<128xi32, #tpu.memory_space<vmem>>) semaphore(%arg8 : memref<!tpu.dma_semaphore, #tpu.memory_space<semaphore_mem>>)
    %dma_start3A_431 = arith.constant 29 : i32
    %dma_start3A_432 = arith.constant 384 : i32
    %dma_start3A_433 = arith.constant 0 : i32
    %dma_start3A_434 = tpu.memref_slice %arg6[%dma_start3A_432, %dma_start3A_433] : memref<1664x16xf32, #tpu.memory_space<vmem>> -> memref<128x16xf32, #tpu.memory_space<vmem>>
    %dma_start3A_435 = arith.constant 0 : i32
    %dma_start3A_436 = tpu.memref_slice %arg5[%dma_start3A_431, %dma_start3A_435] : memref<104x128xi32, #tpu.memory_space<vmem>> -> memref<1x128xi32, #tpu.memory_space<vmem>>
    %dma_start3A_437 = tpu.memref_squeeze %dma_start3A_436 : memref<1x128xi32, #tpu.memory_space<vmem>> -> memref<128xi32, #tpu.memory_space<vmem>>
    %dma_start3A_438 = arith.constant 0 : i32
    %dma_start3A_439 = arith.constant 0 : i32
    %dma_start3A_440 = tpu.memref_slice %arg2[%dma_start3A_438, %dma_start3A_439] : memref<2600000x16xf32, #tpu.memory_space<hbm>> -> memref<2600000x16xf32, #tpu.memory_space<hbm>>
    tpu.enqueue_indirect_dma source(%dma_start3A_440 : memref<2600000x16xf32, #tpu.memory_space<hbm>>) target(%dma_start3A_434 : memref<128x16xf32, #tpu.memory_space<vmem>>) offsets(%dma_start3A_437 : memref<128xi32, #tpu.memory_space<vmem>>) semaphore(%arg8 : memref<!tpu.dma_semaphore, #tpu.memory_space<semaphore_mem>>)
    %dma_start3A_441 = arith.constant 30 : i32
    %dma_start3A_442 = arith.constant 512 : i32
    %dma_start3A_443 = arith.constant 0 : i32
    %dma_start3A_444 = tpu.memref_slice %arg6[%dma_start3A_442, %dma_start3A_443] : memref<1664x16xf32, #tpu.memory_space<vmem>> -> memref<128x16xf32, #tpu.memory_space<vmem>>
    %dma_start3A_445 = arith.constant 0 : i32
    %dma_start3A_446 = tpu.memref_slice %arg5[%dma_start3A_441, %dma_start3A_445] : memref<104x128xi32, #tpu.memory_space<vmem>> -> memref<1x128xi32, #tpu.memory_space<vmem>>
    %dma_start3A_447 = tpu.memref_squeeze %dma_start3A_446 : memref<1x128xi32, #tpu.memory_space<vmem>> -> memref<128xi32, #tpu.memory_space<vmem>>
    %dma_start3A_448 = arith.constant 0 : i32
    %dma_start3A_449 = arith.constant 0 : i32
    %dma_start3A_450 = tpu.memref_slice %arg2[%dma_start3A_448, %dma_start3A_449] : memref<2600000x16xf32, #tpu.memory_space<hbm>> -> memref<2600000x16xf32, #tpu.memory_space<hbm>>
    tpu.enqueue_indirect_dma source(%dma_start3A_450 : memref<2600000x16xf32, #tpu.memory_space<hbm>>) target(%dma_start3A_444 : memref<128x16xf32, #tpu.memory_space<vmem>>) offsets(%dma_start3A_447 : memref<128xi32, #tpu.memory_space<vmem>>) semaphore(%arg8 : memref<!tpu.dma_semaphore, #tpu.memory_space<semaphore_mem>>)
    %dma_start3A_451 = arith.constant 31 : i32
    %dma_start3A_452 = arith.constant 640 : i32
    %dma_start3A_453 = arith.constant 0 : i32
    %dma_start3A_454 = tpu.memref_slice %arg6[%dma_start3A_452, %dma_start3A_453] : memref<1664x16xf32, #tpu.memory_space<vmem>> -> memref<128x16xf32, #tpu.memory_space<vmem>>
    %dma_start3A_455 = arith.constant 0 : i32
    %dma_start3A_456 = tpu.memref_slice %arg5[%dma_start3A_451, %dma_start3A_455] : memref<104x128xi32, #tpu.memory_space<vmem>> -> memref<1x128xi32, #tpu.memory_space<vmem>>
    %dma_start3A_457 = tpu.memref_squeeze %dma_start3A_456 : memref<1x128xi32, #tpu.memory_space<vmem>> -> memref<128xi32, #tpu.memory_space<vmem>>
    %dma_start3A_458 = arith.constant 0 : i32
    %dma_start3A_459 = arith.constant 0 : i32
    %dma_start3A_460 = tpu.memref_slice %arg2[%dma_start3A_458, %dma_start3A_459] : memref<2600000x16xf32, #tpu.memory_space<hbm>> -> memref<2600000x16xf32, #tpu.memory_space<hbm>>
    tpu.enqueue_indirect_dma source(%dma_start3A_460 : memref<2600000x16xf32, #tpu.memory_space<hbm>>) target(%dma_start3A_454 : memref<128x16xf32, #tpu.memory_space<vmem>>) offsets(%dma_start3A_457 : memref<128xi32, #tpu.memory_space<vmem>>) semaphore(%arg8 : memref<!tpu.dma_semaphore, #tpu.memory_space<semaphore_mem>>)
    %dma_start3A_461 = arith.constant 32 : i32
    %dma_start3A_462 = arith.constant 768 : i32
    %dma_start3A_463 = arith.constant 0 : i32
    %dma_start3A_464 = tpu.memref_slice %arg6[%dma_start3A_462, %dma_start3A_463] : memref<1664x16xf32, #tpu.memory_space<vmem>> -> memref<128x16xf32, #tpu.memory_space<vmem>>
    %dma_start3A_465 = arith.constant 0 : i32
    %dma_start3A_466 = tpu.memref_slice %arg5[%dma_start3A_461, %dma_start3A_465] : memref<104x128xi32, #tpu.memory_space<vmem>> -> memref<1x128xi32, #tpu.memory_space<vmem>>
    %dma_start3A_467 = tpu.memref_squeeze %dma_start3A_466 : memref<1x128xi32, #tpu.memory_space<vmem>> -> memref<128xi32, #tpu.memory_space<vmem>>
    %dma_start3A_468 = arith.constant 0 : i32
    %dma_start3A_469 = arith.constant 0 : i32
    %dma_start3A_470 = tpu.memref_slice %arg2[%dma_start3A_468, %dma_start3A_469] : memref<2600000x16xf32, #tpu.memory_space<hbm>> -> memref<2600000x16xf32, #tpu.memory_space<hbm>>
    tpu.enqueue_indirect_dma source(%dma_start3A_470 : memref<2600000x16xf32, #tpu.memory_space<hbm>>) target(%dma_start3A_464 : memref<128x16xf32, #tpu.memory_space<vmem>>) offsets(%dma_start3A_467 : memref<128xi32, #tpu.memory_space<vmem>>) semaphore(%arg8 : memref<!tpu.dma_semaphore, #tpu.memory_space<semaphore_mem>>)
    %dma_start3A_471 = arith.constant 33 : i32
    %dma_start3A_472 = arith.constant 896 : i32
    %dma_start3A_473 = arith.constant 0 : i32
    %dma_start3A_474 = tpu.memref_slice %arg6[%dma_start3A_472, %dma_start3A_473] : memref<1664x16xf32, #tpu.memory_space<vmem>> -> memref<128x16xf32, #tpu.memory_space<vmem>>
    %dma_start3A_475 = arith.constant 0 : i32
    %dma_start3A_476 = tpu.memref_slice %arg5[%dma_start3A_471, %dma_start3A_475] : memref<104x128xi32, #tpu.memory_space<vmem>> -> memref<1x128xi32, #tpu.memory_space<vmem>>
    %dma_start3A_477 = tpu.memref_squeeze %dma_start3A_476 : memref<1x128xi32, #tpu.memory_space<vmem>> -> memref<128xi32, #tpu.memory_space<vmem>>
    %dma_start3A_478 = arith.constant 0 : i32
    %dma_start3A_479 = arith.constant 0 : i32
    %dma_start3A_480 = tpu.memref_slice %arg2[%dma_start3A_478, %dma_start3A_479] : memref<2600000x16xf32, #tpu.memory_space<hbm>> -> memref<2600000x16xf32, #tpu.memory_space<hbm>>
    tpu.enqueue_indirect_dma source(%dma_start3A_480 : memref<2600000x16xf32, #tpu.memory_space<hbm>>) target(%dma_start3A_474 : memref<128x16xf32, #tpu.memory_space<vmem>>) offsets(%dma_start3A_477 : memref<128xi32, #tpu.memory_space<vmem>>) semaphore(%arg8 : memref<!tpu.dma_semaphore, #tpu.memory_space<semaphore_mem>>)
    %dma_start3A_481 = arith.constant 34 : i32
    %dma_start3A_482 = arith.constant 1024 : i32
    %dma_start3A_483 = arith.constant 0 : i32
    %dma_start3A_484 = tpu.memref_slice %arg6[%dma_start3A_482, %dma_start3A_483] : memref<1664x16xf32, #tpu.memory_space<vmem>> -> memref<128x16xf32, #tpu.memory_space<vmem>>
    %dma_start3A_485 = arith.constant 0 : i32
    %dma_start3A_486 = tpu.memref_slice %arg5[%dma_start3A_481, %dma_start3A_485] : memref<104x128xi32, #tpu.memory_space<vmem>> -> memref<1x128xi32, #tpu.memory_space<vmem>>
    %dma_start3A_487 = tpu.memref_squeeze %dma_start3A_486 : memref<1x128xi32, #tpu.memory_space<vmem>> -> memref<128xi32, #tpu.memory_space<vmem>>
    %dma_start3A_488 = arith.constant 0 : i32
    %dma_start3A_489 = arith.constant 0 : i32
    %dma_start3A_490 = tpu.memref_slice %arg2[%dma_start3A_488, %dma_start3A_489] : memref<2600000x16xf32, #tpu.memory_space<hbm>> -> memref<2600000x16xf32, #tpu.memory_space<hbm>>
    tpu.enqueue_indirect_dma source(%dma_start3A_490 : memref<2600000x16xf32, #tpu.memory_space<hbm>>) target(%dma_start3A_484 : memref<128x16xf32, #tpu.memory_space<vmem>>) offsets(%dma_start3A_487 : memref<128xi32, #tpu.memory_space<vmem>>) semaphore(%arg8 : memref<!tpu.dma_semaphore, #tpu.memory_space<semaphore_mem>>)
    %dma_start3A_491 = arith.constant 35 : i32
    %dma_start3A_492 = arith.constant 1152 : i32
    %dma_start3A_493 = arith.constant 0 : i32
    %dma_start3A_494 = tpu.memref_slice %arg6[%dma_start3A_492, %dma_start3A_493] : memref<1664x16xf32, #tpu.memory_space<vmem>> -> memref<128x16xf32, #tpu.memory_space<vmem>>
    %dma_start3A_495 = arith.constant 0 : i32
    %dma_start3A_496 = tpu.memref_slice %arg5[%dma_start3A_491, %dma_start3A_495] : memref<104x128xi32, #tpu.memory_space<vmem>> -> memref<1x128xi32, #tpu.memory_space<vmem>>
    %dma_start3A_497 = tpu.memref_squeeze %dma_start3A_496 : memref<1x128xi32, #tpu.memory_space<vmem>> -> memref<128xi32, #tpu.memory_space<vmem>>
    %dma_start3A_498 = arith.constant 0 : i32
    %dma_start3A_499 = arith.constant 0 : i32
    %dma_start3A_500 = tpu.memref_slice %arg2[%dma_start3A_498, %dma_start3A_499] : memref<2600000x16xf32, #tpu.memory_space<hbm>> -> memref<2600000x16xf32, #tpu.memory_space<hbm>>
    tpu.enqueue_indirect_dma source(%dma_start3A_500 : memref<2600000x16xf32, #tpu.memory_space<hbm>>) target(%dma_start3A_494 : memref<128x16xf32, #tpu.memory_space<vmem>>) offsets(%dma_start3A_497 : memref<128xi32, #tpu.memory_space<vmem>>) semaphore(%arg8 : memref<!tpu.dma_semaphore, #tpu.memory_space<semaphore_mem>>)
    %dma_start3A_501 = arith.constant 36 : i32
    %dma_start3A_502 = arith.constant 1280 : i32
    %dma_start3A_503 = arith.constant 0 : i32
    %dma_start3A_504 = tpu.memref_slice %arg6[%dma_start3A_502, %dma_start3A_503] : memref<1664x16xf32, #tpu.memory_space<vmem>> -> memref<128x16xf32, #tpu.memory_space<vmem>>
    %dma_start3A_505 = arith.constant 0 : i32
    %dma_start3A_506 = tpu.memref_slice %arg5[%dma_start3A_501, %dma_start3A_505] : memref<104x128xi32, #tpu.memory_space<vmem>> -> memref<1x128xi32, #tpu.memory_space<vmem>>
    %dma_start3A_507 = tpu.memref_squeeze %dma_start3A_506 : memref<1x128xi32, #tpu.memory_space<vmem>> -> memref<128xi32, #tpu.memory_space<vmem>>
    %dma_start3A_508 = arith.constant 0 : i32
    %dma_start3A_509 = arith.constant 0 : i32
    %dma_start3A_510 = tpu.memref_slice %arg2[%dma_start3A_508, %dma_start3A_509] : memref<2600000x16xf32, #tpu.memory_space<hbm>> -> memref<2600000x16xf32, #tpu.memory_space<hbm>>
    tpu.enqueue_indirect_dma source(%dma_start3A_510 : memref<2600000x16xf32, #tpu.memory_space<hbm>>) target(%dma_start3A_504 : memref<128x16xf32, #tpu.memory_space<vmem>>) offsets(%dma_start3A_507 : memref<128xi32, #tpu.memory_space<vmem>>) semaphore(%arg8 : memref<!tpu.dma_semaphore, #tpu.memory_space<semaphore_mem>>)
    %dma_start3A_511 = arith.constant 37 : i32
    %dma_start3A_512 = arith.constant 1408 : i32
    %dma_start3A_513 = arith.constant 0 : i32
    %dma_start3A_514 = tpu.memref_slice %arg6[%dma_start3A_512, %dma_start3A_513] : memref<1664x16xf32, #tpu.memory_space<vmem>> -> memref<128x16xf32, #tpu.memory_space<vmem>>
    %dma_start3A_515 = arith.constant 0 : i32
    %dma_start3A_516 = tpu.memref_slice %arg5[%dma_start3A_511, %dma_start3A_515] : memref<104x128xi32, #tpu.memory_space<vmem>> -> memref<1x128xi32, #tpu.memory_space<vmem>>
    %dma_start3A_517 = tpu.memref_squeeze %dma_start3A_516 : memref<1x128xi32, #tpu.memory_space<vmem>> -> memref<128xi32, #tpu.memory_space<vmem>>
    %dma_start3A_518 = arith.constant 0 : i32
    %dma_start3A_519 = arith.constant 0 : i32
    %dma_start3A_520 = tpu.memref_slice %arg2[%dma_start3A_518, %dma_start3A_519] : memref<2600000x16xf32, #tpu.memory_space<hbm>> -> memref<2600000x16xf32, #tpu.memory_space<hbm>>
    tpu.enqueue_indirect_dma source(%dma_start3A_520 : memref<2600000x16xf32, #tpu.memory_space<hbm>>) target(%dma_start3A_514 : memref<128x16xf32, #tpu.memory_space<vmem>>) offsets(%dma_start3A_517 : memref<128xi32, #tpu.memory_space<vmem>>) semaphore(%arg8 : memref<!tpu.dma_semaphore, #tpu.memory_space<semaphore_mem>>)
    %dma_start3A_521 = arith.constant 38 : i32
    %dma_start3A_522 = arith.constant 1536 : i32
    %dma_start3A_523 = arith.constant 0 : i32
    %dma_start3A_524 = tpu.memref_slice %arg6[%dma_start3A_522, %dma_start3A_523] : memref<1664x16xf32, #tpu.memory_space<vmem>> -> memref<128x16xf32, #tpu.memory_space<vmem>>
    %dma_start3A_525 = arith.constant 0 : i32
    %dma_start3A_526 = tpu.memref_slice %arg5[%dma_start3A_521, %dma_start3A_525] : memref<104x128xi32, #tpu.memory_space<vmem>> -> memref<1x128xi32, #tpu.memory_space<vmem>>
    %dma_start3A_527 = tpu.memref_squeeze %dma_start3A_526 : memref<1x128xi32, #tpu.memory_space<vmem>> -> memref<128xi32, #tpu.memory_space<vmem>>
    %dma_start3A_528 = arith.constant 0 : i32
    %dma_start3A_529 = arith.constant 0 : i32
    %dma_start3A_530 = tpu.memref_slice %arg2[%dma_start3A_528, %dma_start3A_529] : memref<2600000x16xf32, #tpu.memory_space<hbm>> -> memref<2600000x16xf32, #tpu.memory_space<hbm>>
    tpu.enqueue_indirect_dma source(%dma_start3A_530 : memref<2600000x16xf32, #tpu.memory_space<hbm>>) target(%dma_start3A_524 : memref<128x16xf32, #tpu.memory_space<vmem>>) offsets(%dma_start3A_527 : memref<128xi32, #tpu.memory_space<vmem>>) semaphore(%arg8 : memref<!tpu.dma_semaphore, #tpu.memory_space<semaphore_mem>>)
    %dma_wait3A_531 = arith.constant 13 : i32
    %dma_wait3A_532 = arith.constant 0 : i32
    %dma_wait3A_533 = arith.constant 0 : i32
    %dma_wait3A_534 = tpu.memref_slice %arg7[%dma_wait3A_532, %dma_wait3A_533] : memref<1664x16xf32, #tpu.memory_space<vmem>> -> memref<128x16xf32, #tpu.memory_space<vmem>>
    %dma_wait3A_535 = arith.constant 0 : i32
    %dma_wait3A_536 = tpu.memref_slice %arg5[%dma_wait3A_531, %dma_wait3A_535] : memref<104x128xi32, #tpu.memory_space<vmem>> -> memref<1x128xi32, #tpu.memory_space<vmem>>
    %dma_wait3A_537 = tpu.memref_squeeze %dma_wait3A_536 : memref<1x128xi32, #tpu.memory_space<vmem>> -> memref<128xi32, #tpu.memory_space<vmem>>
    %dma_wait3A_538 = arith.constant 0 : i32
    %dma_wait3A_539 = arith.constant 0 : i32
    %dma_wait3A_540 = tpu.memref_slice %arg2[%dma_wait3A_538, %dma_wait3A_539] : memref<2600000x16xf32, #tpu.memory_space<hbm>> -> memref<2600000x16xf32, #tpu.memory_space<hbm>>
    tpu.wait_indirect_dma semaphore(%arg9 : memref<!tpu.dma_semaphore, #tpu.memory_space<semaphore_mem>>) src(%dma_wait3A_540 : memref<2600000x16xf32, #tpu.memory_space<hbm>>) dst(%dma_wait3A_534 : memref<128x16xf32, #tpu.memory_space<vmem>>)
    %dma_wait3A_541 = arith.constant 14 : i32
    %dma_wait3A_542 = arith.constant 128 : i32
    %dma_wait3A_543 = arith.constant 0 : i32
    %dma_wait3A_544 = tpu.memref_slice %arg7[%dma_wait3A_542, %dma_wait3A_543] : memref<1664x16xf32, #tpu.memory_space<vmem>> -> memref<128x16xf32, #tpu.memory_space<vmem>>
    %dma_wait3A_545 = arith.constant 0 : i32
    %dma_wait3A_546 = tpu.memref_slice %arg5[%dma_wait3A_541, %dma_wait3A_545] : memref<104x128xi32, #tpu.memory_space<vmem>> -> memref<1x128xi32, #tpu.memory_space<vmem>>
    %dma_wait3A_547 = tpu.memref_squeeze %dma_wait3A_546 : memref<1x128xi32, #tpu.memory_space<vmem>> -> memref<128xi32, #tpu.memory_space<vmem>>
    %dma_wait3A_548 = arith.constant 0 : i32
    %dma_wait3A_549 = arith.constant 0 : i32
    %dma_wait3A_550 = tpu.memref_slice %arg2[%dma_wait3A_548, %dma_wait3A_549] : memref<2600000x16xf32, #tpu.memory_space<hbm>> -> memref<2600000x16xf32, #tpu.memory_space<hbm>>
    tpu.wait_indirect_dma semaphore(%arg9 : memref<!tpu.dma_semaphore, #tpu.memory_space<semaphore_mem>>) src(%dma_wait3A_550 : memref<2600000x16xf32, #tpu.memory_space<hbm>>) dst(%dma_wait3A_544 : memref<128x16xf32, #tpu.memory_space<vmem>>)
    %dma_wait3A_551 = arith.constant 15 : i32
    %dma_wait3A_552 = arith.constant 256 : i32
    %dma_wait3A_553 = arith.constant 0 : i32
    %dma_wait3A_554 = tpu.memref_slice %arg7[%dma_wait3A_552, %dma_wait3A_553] : memref<1664x16xf32, #tpu.memory_space<vmem>> -> memref<128x16xf32, #tpu.memory_space<vmem>>
    %dma_wait3A_555 = arith.constant 0 : i32
    %dma_wait3A_556 = tpu.memref_slice %arg5[%dma_wait3A_551, %dma_wait3A_555] : memref<104x128xi32, #tpu.memory_space<vmem>> -> memref<1x128xi32, #tpu.memory_space<vmem>>
    %dma_wait3A_557 = tpu.memref_squeeze %dma_wait3A_556 : memref<1x128xi32, #tpu.memory_space<vmem>> -> memref<128xi32, #tpu.memory_space<vmem>>
    %dma_wait3A_558 = arith.constant 0 : i32
    %dma_wait3A_559 = arith.constant 0 : i32
    %dma_wait3A_560 = tpu.memref_slice %arg2[%dma_wait3A_558, %dma_wait3A_559] : memref<2600000x16xf32, #tpu.memory_space<hbm>> -> memref<2600000x16xf32, #tpu.memory_space<hbm>>
    tpu.wait_indirect_dma semaphore(%arg9 : memref<!tpu.dma_semaphore, #tpu.memory_space<semaphore_mem>>) src(%dma_wait3A_560 : memref<2600000x16xf32, #tpu.memory_space<hbm>>) dst(%dma_wait3A_554 : memref<128x16xf32, #tpu.memory_space<vmem>>)
    %dma_wait3A_561 = arith.constant 16 : i32
    %dma_wait3A_562 = arith.constant 384 : i32
    %dma_wait3A_563 = arith.constant 0 : i32
    %dma_wait3A_564 = tpu.memref_slice %arg7[%dma_wait3A_562, %dma_wait3A_563] : memref<1664x16xf32, #tpu.memory_space<vmem>> -> memref<128x16xf32, #tpu.memory_space<vmem>>
    %dma_wait3A_565 = arith.constant 0 : i32
    %dma_wait3A_566 = tpu.memref_slice %arg5[%dma_wait3A_561, %dma_wait3A_565] : memref<104x128xi32, #tpu.memory_space<vmem>> -> memref<1x128xi32, #tpu.memory_space<vmem>>
    %dma_wait3A_567 = tpu.memref_squeeze %dma_wait3A_566 : memref<1x128xi32, #tpu.memory_space<vmem>> -> memref<128xi32, #tpu.memory_space<vmem>>
    %dma_wait3A_568 = arith.constant 0 : i32
    %dma_wait3A_569 = arith.constant 0 : i32
    %dma_wait3A_570 = tpu.memref_slice %arg2[%dma_wait3A_568, %dma_wait3A_569] : memref<2600000x16xf32, #tpu.memory_space<hbm>> -> memref<2600000x16xf32, #tpu.memory_space<hbm>>
    tpu.wait_indirect_dma semaphore(%arg9 : memref<!tpu.dma_semaphore, #tpu.memory_space<semaphore_mem>>) src(%dma_wait3A_570 : memref<2600000x16xf32, #tpu.memory_space<hbm>>) dst(%dma_wait3A_564 : memref<128x16xf32, #tpu.memory_space<vmem>>)
    %dma_wait3A_571 = arith.constant 17 : i32
    %dma_wait3A_572 = arith.constant 512 : i32
    %dma_wait3A_573 = arith.constant 0 : i32
    %dma_wait3A_574 = tpu.memref_slice %arg7[%dma_wait3A_572, %dma_wait3A_573] : memref<1664x16xf32, #tpu.memory_space<vmem>> -> memref<128x16xf32, #tpu.memory_space<vmem>>
    %dma_wait3A_575 = arith.constant 0 : i32
    %dma_wait3A_576 = tpu.memref_slice %arg5[%dma_wait3A_571, %dma_wait3A_575] : memref<104x128xi32, #tpu.memory_space<vmem>> -> memref<1x128xi32, #tpu.memory_space<vmem>>
    %dma_wait3A_577 = tpu.memref_squeeze %dma_wait3A_576 : memref<1x128xi32, #tpu.memory_space<vmem>> -> memref<128xi32, #tpu.memory_space<vmem>>
    %dma_wait3A_578 = arith.constant 0 : i32
    %dma_wait3A_579 = arith.constant 0 : i32
    %dma_wait3A_580 = tpu.memref_slice %arg2[%dma_wait3A_578, %dma_wait3A_579] : memref<2600000x16xf32, #tpu.memory_space<hbm>> -> memref<2600000x16xf32, #tpu.memory_space<hbm>>
    tpu.wait_indirect_dma semaphore(%arg9 : memref<!tpu.dma_semaphore, #tpu.memory_space<semaphore_mem>>) src(%dma_wait3A_580 : memref<2600000x16xf32, #tpu.memory_space<hbm>>) dst(%dma_wait3A_574 : memref<128x16xf32, #tpu.memory_space<vmem>>)
    %dma_wait3A_581 = arith.constant 18 : i32
    %dma_wait3A_582 = arith.constant 640 : i32
    %dma_wait3A_583 = arith.constant 0 : i32
    %dma_wait3A_584 = tpu.memref_slice %arg7[%dma_wait3A_582, %dma_wait3A_583] : memref<1664x16xf32, #tpu.memory_space<vmem>> -> memref<128x16xf32, #tpu.memory_space<vmem>>
    %dma_wait3A_585 = arith.constant 0 : i32
    %dma_wait3A_586 = tpu.memref_slice %arg5[%dma_wait3A_581, %dma_wait3A_585] : memref<104x128xi32, #tpu.memory_space<vmem>> -> memref<1x128xi32, #tpu.memory_space<vmem>>
    %dma_wait3A_587 = tpu.memref_squeeze %dma_wait3A_586 : memref<1x128xi32, #tpu.memory_space<vmem>> -> memref<128xi32, #tpu.memory_space<vmem>>
    %dma_wait3A_588 = arith.constant 0 : i32
    %dma_wait3A_589 = arith.constant 0 : i32
    %dma_wait3A_590 = tpu.memref_slice %arg2[%dma_wait3A_588, %dma_wait3A_589] : memref<2600000x16xf32, #tpu.memory_space<hbm>> -> memref<2600000x16xf32, #tpu.memory_space<hbm>>
    tpu.wait_indirect_dma semaphore(%arg9 : memref<!tpu.dma_semaphore, #tpu.memory_space<semaphore_mem>>) src(%dma_wait3A_590 : memref<2600000x16xf32, #tpu.memory_space<hbm>>) dst(%dma_wait3A_584 : memref<128x16xf32, #tpu.memory_space<vmem>>)
    %dma_wait3A_591 = arith.constant 19 : i32
    %dma_wait3A_592 = arith.constant 768 : i32
    %dma_wait3A_593 = arith.constant 0 : i32
    %dma_wait3A_594 = tpu.memref_slice %arg7[%dma_wait3A_592, %dma_wait3A_593] : memref<1664x16xf32, #tpu.memory_space<vmem>> -> memref<128x16xf32, #tpu.memory_space<vmem>>
    %dma_wait3A_595 = arith.constant 0 : i32
    %dma_wait3A_596 = tpu.memref_slice %arg5[%dma_wait3A_591, %dma_wait3A_595] : memref<104x128xi32, #tpu.memory_space<vmem>> -> memref<1x128xi32, #tpu.memory_space<vmem>>
    %dma_wait3A_597 = tpu.memref_squeeze %dma_wait3A_596 : memref<1x128xi32, #tpu.memory_space<vmem>> -> memref<128xi32, #tpu.memory_space<vmem>>
    %dma_wait3A_598 = arith.constant 0 : i32
    %dma_wait3A_599 = arith.constant 0 : i32
    %dma_wait3A_600 = tpu.memref_slice %arg2[%dma_wait3A_598, %dma_wait3A_599] : memref<2600000x16xf32, #tpu.memory_space<hbm>> -> memref<2600000x16xf32, #tpu.memory_space<hbm>>
    tpu.wait_indirect_dma semaphore(%arg9 : memref<!tpu.dma_semaphore, #tpu.memory_space<semaphore_mem>>) src(%dma_wait3A_600 : memref<2600000x16xf32, #tpu.memory_space<hbm>>) dst(%dma_wait3A_594 : memref<128x16xf32, #tpu.memory_space<vmem>>)
    %dma_wait3A_601 = arith.constant 20 : i32
    %dma_wait3A_602 = arith.constant 896 : i32
    %dma_wait3A_603 = arith.constant 0 : i32
    %dma_wait3A_604 = tpu.memref_slice %arg7[%dma_wait3A_602, %dma_wait3A_603] : memref<1664x16xf32, #tpu.memory_space<vmem>> -> memref<128x16xf32, #tpu.memory_space<vmem>>
    %dma_wait3A_605 = arith.constant 0 : i32
    %dma_wait3A_606 = tpu.memref_slice %arg5[%dma_wait3A_601, %dma_wait3A_605] : memref<104x128xi32, #tpu.memory_space<vmem>> -> memref<1x128xi32, #tpu.memory_space<vmem>>
    %dma_wait3A_607 = tpu.memref_squeeze %dma_wait3A_606 : memref<1x128xi32, #tpu.memory_space<vmem>> -> memref<128xi32, #tpu.memory_space<vmem>>
    %dma_wait3A_608 = arith.constant 0 : i32
    %dma_wait3A_609 = arith.constant 0 : i32
    %dma_wait3A_610 = tpu.memref_slice %arg2[%dma_wait3A_608, %dma_wait3A_609] : memref<2600000x16xf32, #tpu.memory_space<hbm>> -> memref<2600000x16xf32, #tpu.memory_space<hbm>>
    tpu.wait_indirect_dma semaphore(%arg9 : memref<!tpu.dma_semaphore, #tpu.memory_space<semaphore_mem>>) src(%dma_wait3A_610 : memref<2600000x16xf32, #tpu.memory_space<hbm>>) dst(%dma_wait3A_604 : memref<128x16xf32, #tpu.memory_space<vmem>>)
    %dma_wait3A_611 = arith.constant 21 : i32
    %dma_wait3A_612 = arith.constant 1024 : i32
    %dma_wait3A_613 = arith.constant 0 : i32
    %dma_wait3A_614 = tpu.memref_slice %arg7[%dma_wait3A_612, %dma_wait3A_613] : memref<1664x16xf32, #tpu.memory_space<vmem>> -> memref<128x16xf32, #tpu.memory_space<vmem>>
    %dma_wait3A_615 = arith.constant 0 : i32
    %dma_wait3A_616 = tpu.memref_slice %arg5[%dma_wait3A_611, %dma_wait3A_615] : memref<104x128xi32, #tpu.memory_space<vmem>> -> memref<1x128xi32, #tpu.memory_space<vmem>>
    %dma_wait3A_617 = tpu.memref_squeeze %dma_wait3A_616 : memref<1x128xi32, #tpu.memory_space<vmem>> -> memref<128xi32, #tpu.memory_space<vmem>>
    %dma_wait3A_618 = arith.constant 0 : i32
    %dma_wait3A_619 = arith.constant 0 : i32
    %dma_wait3A_620 = tpu.memref_slice %arg2[%dma_wait3A_618, %dma_wait3A_619] : memref<2600000x16xf32, #tpu.memory_space<hbm>> -> memref<2600000x16xf32, #tpu.memory_space<hbm>>
    tpu.wait_indirect_dma semaphore(%arg9 : memref<!tpu.dma_semaphore, #tpu.memory_space<semaphore_mem>>) src(%dma_wait3A_620 : memref<2600000x16xf32, #tpu.memory_space<hbm>>) dst(%dma_wait3A_614 : memref<128x16xf32, #tpu.memory_space<vmem>>)
    %dma_wait3A_621 = arith.constant 22 : i32
    %dma_wait3A_622 = arith.constant 1152 : i32
    %dma_wait3A_623 = arith.constant 0 : i32
    %dma_wait3A_624 = tpu.memref_slice %arg7[%dma_wait3A_622, %dma_wait3A_623] : memref<1664x16xf32, #tpu.memory_space<vmem>> -> memref<128x16xf32, #tpu.memory_space<vmem>>
    %dma_wait3A_625 = arith.constant 0 : i32
    %dma_wait3A_626 = tpu.memref_slice %arg5[%dma_wait3A_621, %dma_wait3A_625] : memref<104x128xi32, #tpu.memory_space<vmem>> -> memref<1x128xi32, #tpu.memory_space<vmem>>
    %dma_wait3A_627 = tpu.memref_squeeze %dma_wait3A_626 : memref<1x128xi32, #tpu.memory_space<vmem>> -> memref<128xi32, #tpu.memory_space<vmem>>
    %dma_wait3A_628 = arith.constant 0 : i32
    %dma_wait3A_629 = arith.constant 0 : i32
    %dma_wait3A_630 = tpu.memref_slice %arg2[%dma_wait3A_628, %dma_wait3A_629] : memref<2600000x16xf32, #tpu.memory_space<hbm>> -> memref<2600000x16xf32, #tpu.memory_space<hbm>>
    tpu.wait_indirect_dma semaphore(%arg9 : memref<!tpu.dma_semaphore, #tpu.memory_space<semaphore_mem>>) src(%dma_wait3A_630 : memref<2600000x16xf32, #tpu.memory_space<hbm>>) dst(%dma_wait3A_624 : memref<128x16xf32, #tpu.memory_space<vmem>>)
    %dma_wait3A_631 = arith.constant 23 : i32
    %dma_wait3A_632 = arith.constant 1280 : i32
    %dma_wait3A_633 = arith.constant 0 : i32
    %dma_wait3A_634 = tpu.memref_slice %arg7[%dma_wait3A_632, %dma_wait3A_633] : memref<1664x16xf32, #tpu.memory_space<vmem>> -> memref<128x16xf32, #tpu.memory_space<vmem>>
    %dma_wait3A_635 = arith.constant 0 : i32
    %dma_wait3A_636 = tpu.memref_slice %arg5[%dma_wait3A_631, %dma_wait3A_635] : memref<104x128xi32, #tpu.memory_space<vmem>> -> memref<1x128xi32, #tpu.memory_space<vmem>>
    %dma_wait3A_637 = tpu.memref_squeeze %dma_wait3A_636 : memref<1x128xi32, #tpu.memory_space<vmem>> -> memref<128xi32, #tpu.memory_space<vmem>>
    %dma_wait3A_638 = arith.constant 0 : i32
    %dma_wait3A_639 = arith.constant 0 : i32
    %dma_wait3A_640 = tpu.memref_slice %arg2[%dma_wait3A_638, %dma_wait3A_639] : memref<2600000x16xf32, #tpu.memory_space<hbm>> -> memref<2600000x16xf32, #tpu.memory_space<hbm>>
    tpu.wait_indirect_dma semaphore(%arg9 : memref<!tpu.dma_semaphore, #tpu.memory_space<semaphore_mem>>) src(%dma_wait3A_640 : memref<2600000x16xf32, #tpu.memory_space<hbm>>) dst(%dma_wait3A_634 : memref<128x16xf32, #tpu.memory_space<vmem>>)
    %dma_wait3A_641 = arith.constant 24 : i32
    %dma_wait3A_642 = arith.constant 1408 : i32
    %dma_wait3A_643 = arith.constant 0 : i32
    %dma_wait3A_644 = tpu.memref_slice %arg7[%dma_wait3A_642, %dma_wait3A_643] : memref<1664x16xf32, #tpu.memory_space<vmem>> -> memref<128x16xf32, #tpu.memory_space<vmem>>
    %dma_wait3A_645 = arith.constant 0 : i32
    %dma_wait3A_646 = tpu.memref_slice %arg5[%dma_wait3A_641, %dma_wait3A_645] : memref<104x128xi32, #tpu.memory_space<vmem>> -> memref<1x128xi32, #tpu.memory_space<vmem>>
    %dma_wait3A_647 = tpu.memref_squeeze %dma_wait3A_646 : memref<1x128xi32, #tpu.memory_space<vmem>> -> memref<128xi32, #tpu.memory_space<vmem>>
    %dma_wait3A_648 = arith.constant 0 : i32
    %dma_wait3A_649 = arith.constant 0 : i32
    %dma_wait3A_650 = tpu.memref_slice %arg2[%dma_wait3A_648, %dma_wait3A_649] : memref<2600000x16xf32, #tpu.memory_space<hbm>> -> memref<2600000x16xf32, #tpu.memory_space<hbm>>
    tpu.wait_indirect_dma semaphore(%arg9 : memref<!tpu.dma_semaphore, #tpu.memory_space<semaphore_mem>>) src(%dma_wait3A_650 : memref<2600000x16xf32, #tpu.memory_space<hbm>>) dst(%dma_wait3A_644 : memref<128x16xf32, #tpu.memory_space<vmem>>)
    %dma_wait3A_651 = arith.constant 25 : i32
    %dma_wait3A_652 = arith.constant 1536 : i32
    %dma_wait3A_653 = arith.constant 0 : i32
    %dma_wait3A_654 = tpu.memref_slice %arg7[%dma_wait3A_652, %dma_wait3A_653] : memref<1664x16xf32, #tpu.memory_space<vmem>> -> memref<128x16xf32, #tpu.memory_space<vmem>>
    %dma_wait3A_655 = arith.constant 0 : i32
    %dma_wait3A_656 = tpu.memref_slice %arg5[%dma_wait3A_651, %dma_wait3A_655] : memref<104x128xi32, #tpu.memory_space<vmem>> -> memref<1x128xi32, #tpu.memory_space<vmem>>
    %dma_wait3A_657 = tpu.memref_squeeze %dma_wait3A_656 : memref<1x128xi32, #tpu.memory_space<vmem>> -> memref<128xi32, #tpu.memory_space<vmem>>
    %dma_wait3A_658 = arith.constant 0 : i32
    %dma_wait3A_659 = arith.constant 0 : i32
    %dma_wait3A_660 = tpu.memref_slice %arg2[%dma_wait3A_658, %dma_wait3A_659] : memref<2600000x16xf32, #tpu.memory_space<hbm>> -> memref<2600000x16xf32, #tpu.memory_space<hbm>>
    tpu.wait_indirect_dma semaphore(%arg9 : memref<!tpu.dma_semaphore, #tpu.memory_space<semaphore_mem>>) src(%dma_wait3A_660 : memref<2600000x16xf32, #tpu.memory_space<hbm>>) dst(%dma_wait3A_654 : memref<128x16xf32, #tpu.memory_space<vmem>>)
    %add3A_661 = arith.constant 1664 : i32
    %add3A_662 = arith.addi %mul3A_2, %add3A_661 : i32
    %dma_start3A_663 = arith.constant 0 : i32
    %dma_start3A_664 = tpu.memref_slice %arg4[%add3A_662, %dma_start3A_663] : memref<425984x16xf32, #tpu.memory_space<hbm>> -> memref<1664x16xf32, #tpu.memory_space<hbm>>
    %dma_start3A_665 = arith.constant 0 : i32
    %dma_start3A_666 = tpu.memref_slice %arg4[%add3A_662, %dma_start3A_665] : memref<425984x16xf32, #tpu.memory_space<hbm>> -> memref<1664x16xf32, #tpu.memory_space<hbm>>
    tpu.enqueue_dma source(%arg7 : memref<1664x16xf32, #tpu.memory_space<vmem>>) target(%dma_start3A_666 : memref<1664x16xf32, #tpu.memory_space<hbm>>) target_semaphore(%arg11 : memref<!tpu.dma_semaphore, #tpu.memory_space<semaphore_mem>>)
    %dma_wait3A_667 = arith.constant 0 : i32
    %dma_wait3A_668 = tpu.memref_slice %arg4[%add3A_662, %dma_wait3A_667] : memref<425984x16xf32, #tpu.memory_space<hbm>> -> memref<1664x16xf32, #tpu.memory_space<hbm>>
    %dma_wait3A_669 = arith.constant 0 : i32
    %dma_wait3A_670 = tpu.memref_slice %arg4[%add3A_662, %dma_wait3A_669] : memref<425984x16xf32, #tpu.memory_space<hbm>> -> memref<1664x16xf32, #tpu.memory_space<hbm>>
    tpu.wait_dma2 semaphore(%arg11 : memref<!tpu.dma_semaphore, #tpu.memory_space<semaphore_mem>>) src(%arg7 : memref<1664x16xf32, #tpu.memory_space<vmem>>) dst(%dma_wait3A_670 : memref<1664x16xf32, #tpu.memory_space<hbm>>)
    %dma_start3A_671 = arith.constant 39 : i32
    %dma_start3A_672 = arith.constant 0 : i32
    %dma_start3A_673 = arith.constant 0 : i32
    %dma_start3A_674 = tpu.memref_slice %arg7[%dma_start3A_672, %dma_start3A_673] : memref<1664x16xf32, #tpu.memory_space<vmem>> -> memref<128x16xf32, #tpu.memory_space<vmem>>
    %dma_start3A_675 = arith.constant 0 : i32
    %dma_start3A_676 = tpu.memref_slice %arg5[%dma_start3A_671, %dma_start3A_675] : memref<104x128xi32, #tpu.memory_space<vmem>> -> memref<1x128xi32, #tpu.memory_space<vmem>>
    %dma_start3A_677 = tpu.memref_squeeze %dma_start3A_676 : memref<1x128xi32, #tpu.memory_space<vmem>> -> memref<128xi32, #tpu.memory_space<vmem>>
    %dma_start3A_678 = arith.constant 0 : i32
    %dma_start3A_679 = arith.constant 0 : i32
    %dma_start3A_680 = tpu.memref_slice %arg2[%dma_start3A_678, %dma_start3A_679] : memref<2600000x16xf32, #tpu.memory_space<hbm>> -> memref<2600000x16xf32, #tpu.memory_space<hbm>>
    tpu.enqueue_indirect_dma source(%dma_start3A_680 : memref<2600000x16xf32, #tpu.memory_space<hbm>>) target(%dma_start3A_674 : memref<128x16xf32, #tpu.memory_space<vmem>>) offsets(%dma_start3A_677 : memref<128xi32, #tpu.memory_space<vmem>>) semaphore(%arg9 : memref<!tpu.dma_semaphore, #tpu.memory_space<semaphore_mem>>)
    %dma_start3A_681 = arith.constant 40 : i32
    %dma_start3A_682 = arith.constant 128 : i32
    %dma_start3A_683 = arith.constant 0 : i32
    %dma_start3A_684 = tpu.memref_slice %arg7[%dma_start3A_682, %dma_start3A_683] : memref<1664x16xf32, #tpu.memory_space<vmem>> -> memref<128x16xf32, #tpu.memory_space<vmem>>
    %dma_start3A_685 = arith.constant 0 : i32
    %dma_start3A_686 = tpu.memref_slice %arg5[%dma_start3A_681, %dma_start3A_685] : memref<104x128xi32, #tpu.memory_space<vmem>> -> memref<1x128xi32, #tpu.memory_space<vmem>>
    %dma_start3A_687 = tpu.memref_squeeze %dma_start3A_686 : memref<1x128xi32, #tpu.memory_space<vmem>> -> memref<128xi32, #tpu.memory_space<vmem>>
    %dma_start3A_688 = arith.constant 0 : i32
    %dma_start3A_689 = arith.constant 0 : i32
    %dma_start3A_690 = tpu.memref_slice %arg2[%dma_start3A_688, %dma_start3A_689] : memref<2600000x16xf32, #tpu.memory_space<hbm>> -> memref<2600000x16xf32, #tpu.memory_space<hbm>>
    tpu.enqueue_indirect_dma source(%dma_start3A_690 : memref<2600000x16xf32, #tpu.memory_space<hbm>>) target(%dma_start3A_684 : memref<128x16xf32, #tpu.memory_space<vmem>>) offsets(%dma_start3A_687 : memref<128xi32, #tpu.memory_space<vmem>>) semaphore(%arg9 : memref<!tpu.dma_semaphore, #tpu.memory_space<semaphore_mem>>)
    %dma_start3A_691 = arith.constant 41 : i32
    %dma_start3A_692 = arith.constant 256 : i32
    %dma_start3A_693 = arith.constant 0 : i32
    %dma_start3A_694 = tpu.memref_slice %arg7[%dma_start3A_692, %dma_start3A_693] : memref<1664x16xf32, #tpu.memory_space<vmem>> -> memref<128x16xf32, #tpu.memory_space<vmem>>
    %dma_start3A_695 = arith.constant 0 : i32
    %dma_start3A_696 = tpu.memref_slice %arg5[%dma_start3A_691, %dma_start3A_695] : memref<104x128xi32, #tpu.memory_space<vmem>> -> memref<1x128xi32, #tpu.memory_space<vmem>>
    %dma_start3A_697 = tpu.memref_squeeze %dma_start3A_696 : memref<1x128xi32, #tpu.memory_space<vmem>> -> memref<128xi32, #tpu.memory_space<vmem>>
    %dma_start3A_698 = arith.constant 0 : i32
    %dma_start3A_699 = arith.constant 0 : i32
    %dma_start3A_700 = tpu.memref_slice %arg2[%dma_start3A_698, %dma_start3A_699] : memref<2600000x16xf32, #tpu.memory_space<hbm>> -> memref<2600000x16xf32, #tpu.memory_space<hbm>>
    tpu.enqueue_indirect_dma source(%dma_start3A_700 : memref<2600000x16xf32, #tpu.memory_space<hbm>>) target(%dma_start3A_694 : memref<128x16xf32, #tpu.memory_space<vmem>>) offsets(%dma_start3A_697 : memref<128xi32, #tpu.memory_space<vmem>>) semaphore(%arg9 : memref<!tpu.dma_semaphore, #tpu.memory_space<semaphore_mem>>)
    %dma_start3A_701 = arith.constant 42 : i32
    %dma_start3A_702 = arith.constant 384 : i32
    %dma_start3A_703 = arith.constant 0 : i32
    %dma_start3A_704 = tpu.memref_slice %arg7[%dma_start3A_702, %dma_start3A_703] : memref<1664x16xf32, #tpu.memory_space<vmem>> -> memref<128x16xf32, #tpu.memory_space<vmem>>
    %dma_start3A_705 = arith.constant 0 : i32
    %dma_start3A_706 = tpu.memref_slice %arg5[%dma_start3A_701, %dma_start3A_705] : memref<104x128xi32, #tpu.memory_space<vmem>> -> memref<1x128xi32, #tpu.memory_space<vmem>>
    %dma_start3A_707 = tpu.memref_squeeze %dma_start3A_706 : memref<1x128xi32, #tpu.memory_space<vmem>> -> memref<128xi32, #tpu.memory_space<vmem>>
    %dma_start3A_708 = arith.constant 0 : i32
    %dma_start3A_709 = arith.constant 0 : i32
    %dma_start3A_710 = tpu.memref_slice %arg2[%dma_start3A_708, %dma_start3A_709] : memref<2600000x16xf32, #tpu.memory_space<hbm>> -> memref<2600000x16xf32, #tpu.memory_space<hbm>>
    tpu.enqueue_indirect_dma source(%dma_start3A_710 : memref<2600000x16xf32, #tpu.memory_space<hbm>>) target(%dma_start3A_704 : memref<128x16xf32, #tpu.memory_space<vmem>>) offsets(%dma_start3A_707 : memref<128xi32, #tpu.memory_space<vmem>>) semaphore(%arg9 : memref<!tpu.dma_semaphore, #tpu.memory_space<semaphore_mem>>)
    %dma_start3A_711 = arith.constant 43 : i32
    %dma_start3A_712 = arith.constant 512 : i32
    %dma_start3A_713 = arith.constant 0 : i32
    %dma_start3A_714 = tpu.memref_slice %arg7[%dma_start3A_712, %dma_start3A_713] : memref<1664x16xf32, #tpu.memory_space<vmem>> -> memref<128x16xf32, #tpu.memory_space<vmem>>
    %dma_start3A_715 = arith.constant 0 : i32
    %dma_start3A_716 = tpu.memref_slice %arg5[%dma_start3A_711, %dma_start3A_715] : memref<104x128xi32, #tpu.memory_space<vmem>> -> memref<1x128xi32, #tpu.memory_space<vmem>>
    %dma_start3A_717 = tpu.memref_squeeze %dma_start3A_716 : memref<1x128xi32, #tpu.memory_space<vmem>> -> memref<128xi32, #tpu.memory_space<vmem>>
    %dma_start3A_718 = arith.constant 0 : i32
    %dma_start3A_719 = arith.constant 0 : i32
    %dma_start3A_720 = tpu.memref_slice %arg2[%dma_start3A_718, %dma_start3A_719] : memref<2600000x16xf32, #tpu.memory_space<hbm>> -> memref<2600000x16xf32, #tpu.memory_space<hbm>>
    tpu.enqueue_indirect_dma source(%dma_start3A_720 : memref<2600000x16xf32, #tpu.memory_space<hbm>>) target(%dma_start3A_714 : memref<128x16xf32, #tpu.memory_space<vmem>>) offsets(%dma_start3A_717 : memref<128xi32, #tpu.memory_space<vmem>>) semaphore(%arg9 : memref<!tpu.dma_semaphore, #tpu.memory_space<semaphore_mem>>)
    %dma_start3A_721 = arith.constant 44 : i32
    %dma_start3A_722 = arith.constant 640 : i32
    %dma_start3A_723 = arith.constant 0 : i32
    %dma_start3A_724 = tpu.memref_slice %arg7[%dma_start3A_722, %dma_start3A_723] : memref<1664x16xf32, #tpu.memory_space<vmem>> -> memref<128x16xf32, #tpu.memory_space<vmem>>
    %dma_start3A_725 = arith.constant 0 : i32
    %dma_start3A_726 = tpu.memref_slice %arg5[%dma_start3A_721, %dma_start3A_725] : memref<104x128xi32, #tpu.memory_space<vmem>> -> memref<1x128xi32, #tpu.memory_space<vmem>>
    %dma_start3A_727 = tpu.memref_squeeze %dma_start3A_726 : memref<1x128xi32, #tpu.memory_space<vmem>> -> memref<128xi32, #tpu.memory_space<vmem>>
    %dma_start3A_728 = arith.constant 0 : i32
    %dma_start3A_729 = arith.constant 0 : i32
    %dma_start3A_730 = tpu.memref_slice %arg2[%dma_start3A_728, %dma_start3A_729] : memref<2600000x16xf32, #tpu.memory_space<hbm>> -> memref<2600000x16xf32, #tpu.memory_space<hbm>>
    tpu.enqueue_indirect_dma source(%dma_start3A_730 : memref<2600000x16xf32, #tpu.memory_space<hbm>>) target(%dma_start3A_724 : memref<128x16xf32, #tpu.memory_space<vmem>>) offsets(%dma_start3A_727 : memref<128xi32, #tpu.memory_space<vmem>>) semaphore(%arg9 : memref<!tpu.dma_semaphore, #tpu.memory_space<semaphore_mem>>)
    %dma_start3A_731 = arith.constant 45 : i32
    %dma_start3A_732 = arith.constant 768 : i32
    %dma_start3A_733 = arith.constant 0 : i32
    %dma_start3A_734 = tpu.memref_slice %arg7[%dma_start3A_732, %dma_start3A_733] : memref<1664x16xf32, #tpu.memory_space<vmem>> -> memref<128x16xf32, #tpu.memory_space<vmem>>
    %dma_start3A_735 = arith.constant 0 : i32
    %dma_start3A_736 = tpu.memref_slice %arg5[%dma_start3A_731, %dma_start3A_735] : memref<104x128xi32, #tpu.memory_space<vmem>> -> memref<1x128xi32, #tpu.memory_space<vmem>>
    %dma_start3A_737 = tpu.memref_squeeze %dma_start3A_736 : memref<1x128xi32, #tpu.memory_space<vmem>> -> memref<128xi32, #tpu.memory_space<vmem>>
    %dma_start3A_738 = arith.constant 0 : i32
    %dma_start3A_739 = arith.constant 0 : i32
    %dma_start3A_740 = tpu.memref_slice %arg2[%dma_start3A_738, %dma_start3A_739] : memref<2600000x16xf32, #tpu.memory_space<hbm>> -> memref<2600000x16xf32, #tpu.memory_space<hbm>>
    tpu.enqueue_indirect_dma source(%dma_start3A_740 : memref<2600000x16xf32, #tpu.memory_space<hbm>>) target(%dma_start3A_734 : memref<128x16xf32, #tpu.memory_space<vmem>>) offsets(%dma_start3A_737 : memref<128xi32, #tpu.memory_space<vmem>>) semaphore(%arg9 : memref<!tpu.dma_semaphore, #tpu.memory_space<semaphore_mem>>)
    %dma_start3A_741 = arith.constant 46 : i32
    %dma_start3A_742 = arith.constant 896 : i32
    %dma_start3A_743 = arith.constant 0 : i32
    %dma_start3A_744 = tpu.memref_slice %arg7[%dma_start3A_742, %dma_start3A_743] : memref<1664x16xf32, #tpu.memory_space<vmem>> -> memref<128x16xf32, #tpu.memory_space<vmem>>
    %dma_start3A_745 = arith.constant 0 : i32
    %dma_start3A_746 = tpu.memref_slice %arg5[%dma_start3A_741, %dma_start3A_745] : memref<104x128xi32, #tpu.memory_space<vmem>> -> memref<1x128xi32, #tpu.memory_space<vmem>>
    %dma_start3A_747 = tpu.memref_squeeze %dma_start3A_746 : memref<1x128xi32, #tpu.memory_space<vmem>> -> memref<128xi32, #tpu.memory_space<vmem>>
    %dma_start3A_748 = arith.constant 0 : i32
    %dma_start3A_749 = arith.constant 0 : i32
    %dma_start3A_750 = tpu.memref_slice %arg2[%dma_start3A_748, %dma_start3A_749] : memref<2600000x16xf32, #tpu.memory_space<hbm>> -> memref<2600000x16xf32, #tpu.memory_space<hbm>>
    tpu.enqueue_indirect_dma source(%dma_start3A_750 : memref<2600000x16xf32, #tpu.memory_space<hbm>>) target(%dma_start3A_744 : memref<128x16xf32, #tpu.memory_space<vmem>>) offsets(%dma_start3A_747 : memref<128xi32, #tpu.memory_space<vmem>>) semaphore(%arg9 : memref<!tpu.dma_semaphore, #tpu.memory_space<semaphore_mem>>)
    %dma_start3A_751 = arith.constant 47 : i32
    %dma_start3A_752 = arith.constant 1024 : i32
    %dma_start3A_753 = arith.constant 0 : i32
    %dma_start3A_754 = tpu.memref_slice %arg7[%dma_start3A_752, %dma_start3A_753] : memref<1664x16xf32, #tpu.memory_space<vmem>> -> memref<128x16xf32, #tpu.memory_space<vmem>>
    %dma_start3A_755 = arith.constant 0 : i32
    %dma_start3A_756 = tpu.memref_slice %arg5[%dma_start3A_751, %dma_start3A_755] : memref<104x128xi32, #tpu.memory_space<vmem>> -> memref<1x128xi32, #tpu.memory_space<vmem>>
    %dma_start3A_757 = tpu.memref_squeeze %dma_start3A_756 : memref<1x128xi32, #tpu.memory_space<vmem>> -> memref<128xi32, #tpu.memory_space<vmem>>
    %dma_start3A_758 = arith.constant 0 : i32
    %dma_start3A_759 = arith.constant 0 : i32
    %dma_start3A_760 = tpu.memref_slice %arg2[%dma_start3A_758, %dma_start3A_759] : memref<2600000x16xf32, #tpu.memory_space<hbm>> -> memref<2600000x16xf32, #tpu.memory_space<hbm>>
    tpu.enqueue_indirect_dma source(%dma_start3A_760 : memref<2600000x16xf32, #tpu.memory_space<hbm>>) target(%dma_start3A_754 : memref<128x16xf32, #tpu.memory_space<vmem>>) offsets(%dma_start3A_757 : memref<128xi32, #tpu.memory_space<vmem>>) semaphore(%arg9 : memref<!tpu.dma_semaphore, #tpu.memory_space<semaphore_mem>>)
    %dma_start3A_761 = arith.constant 48 : i32
    %dma_start3A_762 = arith.constant 1152 : i32
    %dma_start3A_763 = arith.constant 0 : i32
    %dma_start3A_764 = tpu.memref_slice %arg7[%dma_start3A_762, %dma_start3A_763] : memref<1664x16xf32, #tpu.memory_space<vmem>> -> memref<128x16xf32, #tpu.memory_space<vmem>>
    %dma_start3A_765 = arith.constant 0 : i32
    %dma_start3A_766 = tpu.memref_slice %arg5[%dma_start3A_761, %dma_start3A_765] : memref<104x128xi32, #tpu.memory_space<vmem>> -> memref<1x128xi32, #tpu.memory_space<vmem>>
    %dma_start3A_767 = tpu.memref_squeeze %dma_start3A_766 : memref<1x128xi32, #tpu.memory_space<vmem>> -> memref<128xi32, #tpu.memory_space<vmem>>
    %dma_start3A_768 = arith.constant 0 : i32
    %dma_start3A_769 = arith.constant 0 : i32
    %dma_start3A_770 = tpu.memref_slice %arg2[%dma_start3A_768, %dma_start3A_769] : memref<2600000x16xf32, #tpu.memory_space<hbm>> -> memref<2600000x16xf32, #tpu.memory_space<hbm>>
    tpu.enqueue_indirect_dma source(%dma_start3A_770 : memref<2600000x16xf32, #tpu.memory_space<hbm>>) target(%dma_start3A_764 : memref<128x16xf32, #tpu.memory_space<vmem>>) offsets(%dma_start3A_767 : memref<128xi32, #tpu.memory_space<vmem>>) semaphore(%arg9 : memref<!tpu.dma_semaphore, #tpu.memory_space<semaphore_mem>>)
    %dma_start3A_771 = arith.constant 49 : i32
    %dma_start3A_772 = arith.constant 1280 : i32
    %dma_start3A_773 = arith.constant 0 : i32
    %dma_start3A_774 = tpu.memref_slice %arg7[%dma_start3A_772, %dma_start3A_773] : memref<1664x16xf32, #tpu.memory_space<vmem>> -> memref<128x16xf32, #tpu.memory_space<vmem>>
    %dma_start3A_775 = arith.constant 0 : i32
    %dma_start3A_776 = tpu.memref_slice %arg5[%dma_start3A_771, %dma_start3A_775] : memref<104x128xi32, #tpu.memory_space<vmem>> -> memref<1x128xi32, #tpu.memory_space<vmem>>
    %dma_start3A_777 = tpu.memref_squeeze %dma_start3A_776 : memref<1x128xi32, #tpu.memory_space<vmem>> -> memref<128xi32, #tpu.memory_space<vmem>>
    %dma_start3A_778 = arith.constant 0 : i32
    %dma_start3A_779 = arith.constant 0 : i32
    %dma_start3A_780 = tpu.memref_slice %arg2[%dma_start3A_778, %dma_start3A_779] : memref<2600000x16xf32, #tpu.memory_space<hbm>> -> memref<2600000x16xf32, #tpu.memory_space<hbm>>
    tpu.enqueue_indirect_dma source(%dma_start3A_780 : memref<2600000x16xf32, #tpu.memory_space<hbm>>) target(%dma_start3A_774 : memref<128x16xf32, #tpu.memory_space<vmem>>) offsets(%dma_start3A_777 : memref<128xi32, #tpu.memory_space<vmem>>) semaphore(%arg9 : memref<!tpu.dma_semaphore, #tpu.memory_space<semaphore_mem>>)
    %dma_start3A_781 = arith.constant 50 : i32
    %dma_start3A_782 = arith.constant 1408 : i32
    %dma_start3A_783 = arith.constant 0 : i32
    %dma_start3A_784 = tpu.memref_slice %arg7[%dma_start3A_782, %dma_start3A_783] : memref<1664x16xf32, #tpu.memory_space<vmem>> -> memref<128x16xf32, #tpu.memory_space<vmem>>
    %dma_start3A_785 = arith.constant 0 : i32
    %dma_start3A_786 = tpu.memref_slice %arg5[%dma_start3A_781, %dma_start3A_785] : memref<104x128xi32, #tpu.memory_space<vmem>> -> memref<1x128xi32, #tpu.memory_space<vmem>>
    %dma_start3A_787 = tpu.memref_squeeze %dma_start3A_786 : memref<1x128xi32, #tpu.memory_space<vmem>> -> memref<128xi32, #tpu.memory_space<vmem>>
    %dma_start3A_788 = arith.constant 0 : i32
    %dma_start3A_789 = arith.constant 0 : i32
    %dma_start3A_790 = tpu.memref_slice %arg2[%dma_start3A_788, %dma_start3A_789] : memref<2600000x16xf32, #tpu.memory_space<hbm>> -> memref<2600000x16xf32, #tpu.memory_space<hbm>>
    tpu.enqueue_indirect_dma source(%dma_start3A_790 : memref<2600000x16xf32, #tpu.memory_space<hbm>>) target(%dma_start3A_784 : memref<128x16xf32, #tpu.memory_space<vmem>>) offsets(%dma_start3A_787 : memref<128xi32, #tpu.memory_space<vmem>>) semaphore(%arg9 : memref<!tpu.dma_semaphore, #tpu.memory_space<semaphore_mem>>)
    %dma_start3A_791 = arith.constant 51 : i32
    %dma_start3A_792 = arith.constant 1536 : i32
    %dma_start3A_793 = arith.constant 0 : i32
    %dma_start3A_794 = tpu.memref_slice %arg7[%dma_start3A_792, %dma_start3A_793] : memref<1664x16xf32, #tpu.memory_space<vmem>> -> memref<128x16xf32, #tpu.memory_space<vmem>>
    %dma_start3A_795 = arith.constant 0 : i32
    %dma_start3A_796 = tpu.memref_slice %arg5[%dma_start3A_791, %dma_start3A_795] : memref<104x128xi32, #tpu.memory_space<vmem>> -> memref<1x128xi32, #tpu.memory_space<vmem>>
    %dma_start3A_797 = tpu.memref_squeeze %dma_start3A_796 : memref<1x128xi32, #tpu.memory_space<vmem>> -> memref<128xi32, #tpu.memory_space<vmem>>
    %dma_start3A_798 = arith.constant 0 : i32
    %dma_start3A_799 = arith.constant 0 : i32
    %dma_start3A_800 = tpu.memref_slice %arg2[%dma_start3A_798, %dma_start3A_799] : memref<2600000x16xf32, #tpu.memory_space<hbm>> -> memref<2600000x16xf32, #tpu.memory_space<hbm>>
    tpu.enqueue_indirect_dma source(%dma_start3A_800 : memref<2600000x16xf32, #tpu.memory_space<hbm>>) target(%dma_start3A_794 : memref<128x16xf32, #tpu.memory_space<vmem>>) offsets(%dma_start3A_797 : memref<128xi32, #tpu.memory_space<vmem>>) semaphore(%arg9 : memref<!tpu.dma_semaphore, #tpu.memory_space<semaphore_mem>>)
    %dma_wait3A_801 = arith.constant 26 : i32
    %dma_wait3A_802 = arith.constant 0 : i32
    %dma_wait3A_803 = arith.constant 0 : i32
    %dma_wait3A_804 = tpu.memref_slice %arg6[%dma_wait3A_802, %dma_wait3A_803] : memref<1664x16xf32, #tpu.memory_space<vmem>> -> memref<128x16xf32, #tpu.memory_space<vmem>>
    %dma_wait3A_805 = arith.constant 0 : i32
    %dma_wait3A_806 = tpu.memref_slice %arg5[%dma_wait3A_801, %dma_wait3A_805] : memref<104x128xi32, #tpu.memory_space<vmem>> -> memref<1x128xi32, #tpu.memory_space<vmem>>
    %dma_wait3A_807 = tpu.memref_squeeze %dma_wait3A_806 : memref<1x128xi32, #tpu.memory_space<vmem>> -> memref<128xi32, #tpu.memory_space<vmem>>
    %dma_wait3A_808 = arith.constant 0 : i32
    %dma_wait3A_809 = arith.constant 0 : i32
    %dma_wait3A_810 = tpu.memref_slice %arg2[%dma_wait3A_808, %dma_wait3A_809] : memref<2600000x16xf32, #tpu.memory_space<hbm>> -> memref<2600000x16xf32, #tpu.memory_space<hbm>>
    tpu.wait_indirect_dma semaphore(%arg8 : memref<!tpu.dma_semaphore, #tpu.memory_space<semaphore_mem>>) src(%dma_wait3A_810 : memref<2600000x16xf32, #tpu.memory_space<hbm>>) dst(%dma_wait3A_804 : memref<128x16xf32, #tpu.memory_space<vmem>>)
    %dma_wait3A_811 = arith.constant 27 : i32
    %dma_wait3A_812 = arith.constant 128 : i32
    %dma_wait3A_813 = arith.constant 0 : i32
    %dma_wait3A_814 = tpu.memref_slice %arg6[%dma_wait3A_812, %dma_wait3A_813] : memref<1664x16xf32, #tpu.memory_space<vmem>> -> memref<128x16xf32, #tpu.memory_space<vmem>>
    %dma_wait3A_815 = arith.constant 0 : i32
    %dma_wait3A_816 = tpu.memref_slice %arg5[%dma_wait3A_811, %dma_wait3A_815] : memref<104x128xi32, #tpu.memory_space<vmem>> -> memref<1x128xi32, #tpu.memory_space<vmem>>
    %dma_wait3A_817 = tpu.memref_squeeze %dma_wait3A_816 : memref<1x128xi32, #tpu.memory_space<vmem>> -> memref<128xi32, #tpu.memory_space<vmem>>
    %dma_wait3A_818 = arith.constant 0 : i32
    %dma_wait3A_819 = arith.constant 0 : i32
    %dma_wait3A_820 = tpu.memref_slice %arg2[%dma_wait3A_818, %dma_wait3A_819] : memref<2600000x16xf32, #tpu.memory_space<hbm>> -> memref<2600000x16xf32, #tpu.memory_space<hbm>>
    tpu.wait_indirect_dma semaphore(%arg8 : memref<!tpu.dma_semaphore, #tpu.memory_space<semaphore_mem>>) src(%dma_wait3A_820 : memref<2600000x16xf32, #tpu.memory_space<hbm>>) dst(%dma_wait3A_814 : memref<128x16xf32, #tpu.memory_space<vmem>>)
    %dma_wait3A_821 = arith.constant 28 : i32
    %dma_wait3A_822 = arith.constant 256 : i32
    %dma_wait3A_823 = arith.constant 0 : i32
    %dma_wait3A_824 = tpu.memref_slice %arg6[%dma_wait3A_822, %dma_wait3A_823] : memref<1664x16xf32, #tpu.memory_space<vmem>> -> memref<128x16xf32, #tpu.memory_space<vmem>>
    %dma_wait3A_825 = arith.constant 0 : i32
    %dma_wait3A_826 = tpu.memref_slice %arg5[%dma_wait3A_821, %dma_wait3A_825] : memref<104x128xi32, #tpu.memory_space<vmem>> -> memref<1x128xi32, #tpu.memory_space<vmem>>
    %dma_wait3A_827 = tpu.memref_squeeze %dma_wait3A_826 : memref<1x128xi32, #tpu.memory_space<vmem>> -> memref<128xi32, #tpu.memory_space<vmem>>
    %dma_wait3A_828 = arith.constant 0 : i32
    %dma_wait3A_829 = arith.constant 0 : i32
    %dma_wait3A_830 = tpu.memref_slice %arg2[%dma_wait3A_828, %dma_wait3A_829] : memref<2600000x16xf32, #tpu.memory_space<hbm>> -> memref<2600000x16xf32, #tpu.memory_space<hbm>>
    tpu.wait_indirect_dma semaphore(%arg8 : memref<!tpu.dma_semaphore, #tpu.memory_space<semaphore_mem>>) src(%dma_wait3A_830 : memref<2600000x16xf32, #tpu.memory_space<hbm>>) dst(%dma_wait3A_824 : memref<128x16xf32, #tpu.memory_space<vmem>>)
    %dma_wait3A_831 = arith.constant 29 : i32
    %dma_wait3A_832 = arith.constant 384 : i32
    %dma_wait3A_833 = arith.constant 0 : i32
    %dma_wait3A_834 = tpu.memref_slice %arg6[%dma_wait3A_832, %dma_wait3A_833] : memref<1664x16xf32, #tpu.memory_space<vmem>> -> memref<128x16xf32, #tpu.memory_space<vmem>>
    %dma_wait3A_835 = arith.constant 0 : i32
    %dma_wait3A_836 = tpu.memref_slice %arg5[%dma_wait3A_831, %dma_wait3A_835] : memref<104x128xi32, #tpu.memory_space<vmem>> -> memref<1x128xi32, #tpu.memory_space<vmem>>
    %dma_wait3A_837 = tpu.memref_squeeze %dma_wait3A_836 : memref<1x128xi32, #tpu.memory_space<vmem>> -> memref<128xi32, #tpu.memory_space<vmem>>
    %dma_wait3A_838 = arith.constant 0 : i32
    %dma_wait3A_839 = arith.constant 0 : i32
    %dma_wait3A_840 = tpu.memref_slice %arg2[%dma_wait3A_838, %dma_wait3A_839] : memref<2600000x16xf32, #tpu.memory_space<hbm>> -> memref<2600000x16xf32, #tpu.memory_space<hbm>>
    tpu.wait_indirect_dma semaphore(%arg8 : memref<!tpu.dma_semaphore, #tpu.memory_space<semaphore_mem>>) src(%dma_wait3A_840 : memref<2600000x16xf32, #tpu.memory_space<hbm>>) dst(%dma_wait3A_834 : memref<128x16xf32, #tpu.memory_space<vmem>>)
    %dma_wait3A_841 = arith.constant 30 : i32
    %dma_wait3A_842 = arith.constant 512 : i32
    %dma_wait3A_843 = arith.constant 0 : i32
    %dma_wait3A_844 = tpu.memref_slice %arg6[%dma_wait3A_842, %dma_wait3A_843] : memref<1664x16xf32, #tpu.memory_space<vmem>> -> memref<128x16xf32, #tpu.memory_space<vmem>>
    %dma_wait3A_845 = arith.constant 0 : i32
    %dma_wait3A_846 = tpu.memref_slice %arg5[%dma_wait3A_841, %dma_wait3A_845] : memref<104x128xi32, #tpu.memory_space<vmem>> -> memref<1x128xi32, #tpu.memory_space<vmem>>
    %dma_wait3A_847 = tpu.memref_squeeze %dma_wait3A_846 : memref<1x128xi32, #tpu.memory_space<vmem>> -> memref<128xi32, #tpu.memory_space<vmem>>
    %dma_wait3A_848 = arith.constant 0 : i32
    %dma_wait3A_849 = arith.constant 0 : i32
    %dma_wait3A_850 = tpu.memref_slice %arg2[%dma_wait3A_848, %dma_wait3A_849] : memref<2600000x16xf32, #tpu.memory_space<hbm>> -> memref<2600000x16xf32, #tpu.memory_space<hbm>>
    tpu.wait_indirect_dma semaphore(%arg8 : memref<!tpu.dma_semaphore, #tpu.memory_space<semaphore_mem>>) src(%dma_wait3A_850 : memref<2600000x16xf32, #tpu.memory_space<hbm>>) dst(%dma_wait3A_844 : memref<128x16xf32, #tpu.memory_space<vmem>>)
    %dma_wait3A_851 = arith.constant 31 : i32
    %dma_wait3A_852 = arith.constant 640 : i32
    %dma_wait3A_853 = arith.constant 0 : i32
    %dma_wait3A_854 = tpu.memref_slice %arg6[%dma_wait3A_852, %dma_wait3A_853] : memref<1664x16xf32, #tpu.memory_space<vmem>> -> memref<128x16xf32, #tpu.memory_space<vmem>>
    %dma_wait3A_855 = arith.constant 0 : i32
    %dma_wait3A_856 = tpu.memref_slice %arg5[%dma_wait3A_851, %dma_wait3A_855] : memref<104x128xi32, #tpu.memory_space<vmem>> -> memref<1x128xi32, #tpu.memory_space<vmem>>
    %dma_wait3A_857 = tpu.memref_squeeze %dma_wait3A_856 : memref<1x128xi32, #tpu.memory_space<vmem>> -> memref<128xi32, #tpu.memory_space<vmem>>
    %dma_wait3A_858 = arith.constant 0 : i32
    %dma_wait3A_859 = arith.constant 0 : i32
    %dma_wait3A_860 = tpu.memref_slice %arg2[%dma_wait3A_858, %dma_wait3A_859] : memref<2600000x16xf32, #tpu.memory_space<hbm>> -> memref<2600000x16xf32, #tpu.memory_space<hbm>>
    tpu.wait_indirect_dma semaphore(%arg8 : memref<!tpu.dma_semaphore, #tpu.memory_space<semaphore_mem>>) src(%dma_wait3A_860 : memref<2600000x16xf32, #tpu.memory_space<hbm>>) dst(%dma_wait3A_854 : memref<128x16xf32, #tpu.memory_space<vmem>>)
    %dma_wait3A_861 = arith.constant 32 : i32
    %dma_wait3A_862 = arith.constant 768 : i32
    %dma_wait3A_863 = arith.constant 0 : i32
    %dma_wait3A_864 = tpu.memref_slice %arg6[%dma_wait3A_862, %dma_wait3A_863] : memref<1664x16xf32, #tpu.memory_space<vmem>> -> memref<128x16xf32, #tpu.memory_space<vmem>>
    %dma_wait3A_865 = arith.constant 0 : i32
    %dma_wait3A_866 = tpu.memref_slice %arg5[%dma_wait3A_861, %dma_wait3A_865] : memref<104x128xi32, #tpu.memory_space<vmem>> -> memref<1x128xi32, #tpu.memory_space<vmem>>
    %dma_wait3A_867 = tpu.memref_squeeze %dma_wait3A_866 : memref<1x128xi32, #tpu.memory_space<vmem>> -> memref<128xi32, #tpu.memory_space<vmem>>
    %dma_wait3A_868 = arith.constant 0 : i32
    %dma_wait3A_869 = arith.constant 0 : i32
    %dma_wait3A_870 = tpu.memref_slice %arg2[%dma_wait3A_868, %dma_wait3A_869] : memref<2600000x16xf32, #tpu.memory_space<hbm>> -> memref<2600000x16xf32, #tpu.memory_space<hbm>>
    tpu.wait_indirect_dma semaphore(%arg8 : memref<!tpu.dma_semaphore, #tpu.memory_space<semaphore_mem>>) src(%dma_wait3A_870 : memref<2600000x16xf32, #tpu.memory_space<hbm>>) dst(%dma_wait3A_864 : memref<128x16xf32, #tpu.memory_space<vmem>>)
    %dma_wait3A_871 = arith.constant 33 : i32
    %dma_wait3A_872 = arith.constant 896 : i32
    %dma_wait3A_873 = arith.constant 0 : i32
    %dma_wait3A_874 = tpu.memref_slice %arg6[%dma_wait3A_872, %dma_wait3A_873] : memref<1664x16xf32, #tpu.memory_space<vmem>> -> memref<128x16xf32, #tpu.memory_space<vmem>>
    %dma_wait3A_875 = arith.constant 0 : i32
    %dma_wait3A_876 = tpu.memref_slice %arg5[%dma_wait3A_871, %dma_wait3A_875] : memref<104x128xi32, #tpu.memory_space<vmem>> -> memref<1x128xi32, #tpu.memory_space<vmem>>
    %dma_wait3A_877 = tpu.memref_squeeze %dma_wait3A_876 : memref<1x128xi32, #tpu.memory_space<vmem>> -> memref<128xi32, #tpu.memory_space<vmem>>
    %dma_wait3A_878 = arith.constant 0 : i32
    %dma_wait3A_879 = arith.constant 0 : i32
    %dma_wait3A_880 = tpu.memref_slice %arg2[%dma_wait3A_878, %dma_wait3A_879] : memref<2600000x16xf32, #tpu.memory_space<hbm>> -> memref<2600000x16xf32, #tpu.memory_space<hbm>>
    tpu.wait_indirect_dma semaphore(%arg8 : memref<!tpu.dma_semaphore, #tpu.memory_space<semaphore_mem>>) src(%dma_wait3A_880 : memref<2600000x16xf32, #tpu.memory_space<hbm>>) dst(%dma_wait3A_874 : memref<128x16xf32, #tpu.memory_space<vmem>>)
    %dma_wait3A_881 = arith.constant 34 : i32
    %dma_wait3A_882 = arith.constant 1024 : i32
    %dma_wait3A_883 = arith.constant 0 : i32
    %dma_wait3A_884 = tpu.memref_slice %arg6[%dma_wait3A_882, %dma_wait3A_883] : memref<1664x16xf32, #tpu.memory_space<vmem>> -> memref<128x16xf32, #tpu.memory_space<vmem>>
    %dma_wait3A_885 = arith.constant 0 : i32
    %dma_wait3A_886 = tpu.memref_slice %arg5[%dma_wait3A_881, %dma_wait3A_885] : memref<104x128xi32, #tpu.memory_space<vmem>> -> memref<1x128xi32, #tpu.memory_space<vmem>>
    %dma_wait3A_887 = tpu.memref_squeeze %dma_wait3A_886 : memref<1x128xi32, #tpu.memory_space<vmem>> -> memref<128xi32, #tpu.memory_space<vmem>>
    %dma_wait3A_888 = arith.constant 0 : i32
    %dma_wait3A_889 = arith.constant 0 : i32
    %dma_wait3A_890 = tpu.memref_slice %arg2[%dma_wait3A_888, %dma_wait3A_889] : memref<2600000x16xf32, #tpu.memory_space<hbm>> -> memref<2600000x16xf32, #tpu.memory_space<hbm>>
    tpu.wait_indirect_dma semaphore(%arg8 : memref<!tpu.dma_semaphore, #tpu.memory_space<semaphore_mem>>) src(%dma_wait3A_890 : memref<2600000x16xf32, #tpu.memory_space<hbm>>) dst(%dma_wait3A_884 : memref<128x16xf32, #tpu.memory_space<vmem>>)
    %dma_wait3A_891 = arith.constant 35 : i32
    %dma_wait3A_892 = arith.constant 1152 : i32
    %dma_wait3A_893 = arith.constant 0 : i32
    %dma_wait3A_894 = tpu.memref_slice %arg6[%dma_wait3A_892, %dma_wait3A_893] : memref<1664x16xf32, #tpu.memory_space<vmem>> -> memref<128x16xf32, #tpu.memory_space<vmem>>
    %dma_wait3A_895 = arith.constant 0 : i32
    %dma_wait3A_896 = tpu.memref_slice %arg5[%dma_wait3A_891, %dma_wait3A_895] : memref<104x128xi32, #tpu.memory_space<vmem>> -> memref<1x128xi32, #tpu.memory_space<vmem>>
    %dma_wait3A_897 = tpu.memref_squeeze %dma_wait3A_896 : memref<1x128xi32, #tpu.memory_space<vmem>> -> memref<128xi32, #tpu.memory_space<vmem>>
    %dma_wait3A_898 = arith.constant 0 : i32
    %dma_wait3A_899 = arith.constant 0 : i32
    %dma_wait3A_900 = tpu.memref_slice %arg2[%dma_wait3A_898, %dma_wait3A_899] : memref<2600000x16xf32, #tpu.memory_space<hbm>> -> memref<2600000x16xf32, #tpu.memory_space<hbm>>
    tpu.wait_indirect_dma semaphore(%arg8 : memref<!tpu.dma_semaphore, #tpu.memory_space<semaphore_mem>>) src(%dma_wait3A_900 : memref<2600000x16xf32, #tpu.memory_space<hbm>>) dst(%dma_wait3A_894 : memref<128x16xf32, #tpu.memory_space<vmem>>)
    %dma_wait3A_901 = arith.constant 36 : i32
    %dma_wait3A_902 = arith.constant 1280 : i32
    %dma_wait3A_903 = arith.constant 0 : i32
    %dma_wait3A_904 = tpu.memref_slice %arg6[%dma_wait3A_902, %dma_wait3A_903] : memref<1664x16xf32, #tpu.memory_space<vmem>> -> memref<128x16xf32, #tpu.memory_space<vmem>>
    %dma_wait3A_905 = arith.constant 0 : i32
    %dma_wait3A_906 = tpu.memref_slice %arg5[%dma_wait3A_901, %dma_wait3A_905] : memref<104x128xi32, #tpu.memory_space<vmem>> -> memref<1x128xi32, #tpu.memory_space<vmem>>
    %dma_wait3A_907 = tpu.memref_squeeze %dma_wait3A_906 : memref<1x128xi32, #tpu.memory_space<vmem>> -> memref<128xi32, #tpu.memory_space<vmem>>
    %dma_wait3A_908 = arith.constant 0 : i32
    %dma_wait3A_909 = arith.constant 0 : i32
    %dma_wait3A_910 = tpu.memref_slice %arg2[%dma_wait3A_908, %dma_wait3A_909] : memref<2600000x16xf32, #tpu.memory_space<hbm>> -> memref<2600000x16xf32, #tpu.memory_space<hbm>>
    tpu.wait_indirect_dma semaphore(%arg8 : memref<!tpu.dma_semaphore, #tpu.memory_space<semaphore_mem>>) src(%dma_wait3A_910 : memref<2600000x16xf32, #tpu.memory_space<hbm>>) dst(%dma_wait3A_904 : memref<128x16xf32, #tpu.memory_space<vmem>>)
    %dma_wait3A_911 = arith.constant 37 : i32
    %dma_wait3A_912 = arith.constant 1408 : i32
    %dma_wait3A_913 = arith.constant 0 : i32
    %dma_wait3A_914 = tpu.memref_slice %arg6[%dma_wait3A_912, %dma_wait3A_913] : memref<1664x16xf32, #tpu.memory_space<vmem>> -> memref<128x16xf32, #tpu.memory_space<vmem>>
    %dma_wait3A_915 = arith.constant 0 : i32
    %dma_wait3A_916 = tpu.memref_slice %arg5[%dma_wait3A_911, %dma_wait3A_915] : memref<104x128xi32, #tpu.memory_space<vmem>> -> memref<1x128xi32, #tpu.memory_space<vmem>>
    %dma_wait3A_917 = tpu.memref_squeeze %dma_wait3A_916 : memref<1x128xi32, #tpu.memory_space<vmem>> -> memref<128xi32, #tpu.memory_space<vmem>>
    %dma_wait3A_918 = arith.constant 0 : i32
    %dma_wait3A_919 = arith.constant 0 : i32
    %dma_wait3A_920 = tpu.memref_slice %arg2[%dma_wait3A_918, %dma_wait3A_919] : memref<2600000x16xf32, #tpu.memory_space<hbm>> -> memref<2600000x16xf32, #tpu.memory_space<hbm>>
    tpu.wait_indirect_dma semaphore(%arg8 : memref<!tpu.dma_semaphore, #tpu.memory_space<semaphore_mem>>) src(%dma_wait3A_920 : memref<2600000x16xf32, #tpu.memory_space<hbm>>) dst(%dma_wait3A_914 : memref<128x16xf32, #tpu.memory_space<vmem>>)
    %dma_wait3A_921 = arith.constant 38 : i32
    %dma_wait3A_922 = arith.constant 1536 : i32
    %dma_wait3A_923 = arith.constant 0 : i32
    %dma_wait3A_924 = tpu.memref_slice %arg6[%dma_wait3A_922, %dma_wait3A_923] : memref<1664x16xf32, #tpu.memory_space<vmem>> -> memref<128x16xf32, #tpu.memory_space<vmem>>
    %dma_wait3A_925 = arith.constant 0 : i32
    %dma_wait3A_926 = tpu.memref_slice %arg5[%dma_wait3A_921, %dma_wait3A_925] : memref<104x128xi32, #tpu.memory_space<vmem>> -> memref<1x128xi32, #tpu.memory_space<vmem>>
    %dma_wait3A_927 = tpu.memref_squeeze %dma_wait3A_926 : memref<1x128xi32, #tpu.memory_space<vmem>> -> memref<128xi32, #tpu.memory_space<vmem>>
    %dma_wait3A_928 = arith.constant 0 : i32
    %dma_wait3A_929 = arith.constant 0 : i32
    %dma_wait3A_930 = tpu.memref_slice %arg2[%dma_wait3A_928, %dma_wait3A_929] : memref<2600000x16xf32, #tpu.memory_space<hbm>> -> memref<2600000x16xf32, #tpu.memory_space<hbm>>
    tpu.wait_indirect_dma semaphore(%arg8 : memref<!tpu.dma_semaphore, #tpu.memory_space<semaphore_mem>>) src(%dma_wait3A_930 : memref<2600000x16xf32, #tpu.memory_space<hbm>>) dst(%dma_wait3A_924 : memref<128x16xf32, #tpu.memory_space<vmem>>)
    %add3A_931 = arith.constant 3328 : i32
    %add3A_932 = arith.addi %mul3A_2, %add3A_931 : i32
    %dma_start3A_933 = arith.constant 0 : i32
    %dma_start3A_934 = tpu.memref_slice %arg4[%add3A_932, %dma_start3A_933] : memref<425984x16xf32, #tpu.memory_space<hbm>> -> memref<1664x16xf32, #tpu.memory_space<hbm>>
    %dma_start3A_935 = arith.constant 0 : i32
    %dma_start3A_936 = tpu.memref_slice %arg4[%add3A_932, %dma_start3A_935] : memref<425984x16xf32, #tpu.memory_space<hbm>> -> memref<1664x16xf32, #tpu.memory_space<hbm>>
    tpu.enqueue_dma source(%arg6 : memref<1664x16xf32, #tpu.memory_space<vmem>>) target(%dma_start3A_936 : memref<1664x16xf32, #tpu.memory_space<hbm>>) target_semaphore(%arg10 : memref<!tpu.dma_semaphore, #tpu.memory_space<semaphore_mem>>)
    %dma_wait3A_937 = arith.constant 0 : i32
    %dma_wait3A_938 = tpu.memref_slice %arg4[%add3A_932, %dma_wait3A_937] : memref<425984x16xf32, #tpu.memory_space<hbm>> -> memref<1664x16xf32, #tpu.memory_space<hbm>>
    %dma_wait3A_939 = arith.constant 0 : i32
    %dma_wait3A_940 = tpu.memref_slice %arg4[%add3A_932, %dma_wait3A_939] : memref<425984x16xf32, #tpu.memory_space<hbm>> -> memref<1664x16xf32, #tpu.memory_space<hbm>>
    tpu.wait_dma2 semaphore(%arg10 : memref<!tpu.dma_semaphore, #tpu.memory_space<semaphore_mem>>) src(%arg6 : memref<1664x16xf32, #tpu.memory_space<vmem>>) dst(%dma_wait3A_940 : memref<1664x16xf32, #tpu.memory_space<hbm>>)
    %dma_start3A_941 = arith.constant 52 : i32
    %dma_start3A_942 = arith.constant 0 : i32
    %dma_start3A_943 = arith.constant 0 : i32
    %dma_start3A_944 = tpu.memref_slice %arg6[%dma_start3A_942, %dma_start3A_943] : memref<1664x16xf32, #tpu.memory_space<vmem>> -> memref<128x16xf32, #tpu.memory_space<vmem>>
    %dma_start3A_945 = arith.constant 0 : i32
    %dma_start3A_946 = tpu.memref_slice %arg5[%dma_start3A_941, %dma_start3A_945] : memref<104x128xi32, #tpu.memory_space<vmem>> -> memref<1x128xi32, #tpu.memory_space<vmem>>
    %dma_start3A_947 = tpu.memref_squeeze %dma_start3A_946 : memref<1x128xi32, #tpu.memory_space<vmem>> -> memref<128xi32, #tpu.memory_space<vmem>>
    %dma_start3A_948 = arith.constant 0 : i32
    %dma_start3A_949 = arith.constant 0 : i32
    %dma_start3A_950 = tpu.memref_slice %arg2[%dma_start3A_948, %dma_start3A_949] : memref<2600000x16xf32, #tpu.memory_space<hbm>> -> memref<2600000x16xf32, #tpu.memory_space<hbm>>
    tpu.enqueue_indirect_dma source(%dma_start3A_950 : memref<2600000x16xf32, #tpu.memory_space<hbm>>) target(%dma_start3A_944 : memref<128x16xf32, #tpu.memory_space<vmem>>) offsets(%dma_start3A_947 : memref<128xi32, #tpu.memory_space<vmem>>) semaphore(%arg8 : memref<!tpu.dma_semaphore, #tpu.memory_space<semaphore_mem>>)
    %dma_start3A_951 = arith.constant 53 : i32
    %dma_start3A_952 = arith.constant 128 : i32
    %dma_start3A_953 = arith.constant 0 : i32
    %dma_start3A_954 = tpu.memref_slice %arg6[%dma_start3A_952, %dma_start3A_953] : memref<1664x16xf32, #tpu.memory_space<vmem>> -> memref<128x16xf32, #tpu.memory_space<vmem>>
    %dma_start3A_955 = arith.constant 0 : i32
    %dma_start3A_956 = tpu.memref_slice %arg5[%dma_start3A_951, %dma_start3A_955] : memref<104x128xi32, #tpu.memory_space<vmem>> -> memref<1x128xi32, #tpu.memory_space<vmem>>
    %dma_start3A_957 = tpu.memref_squeeze %dma_start3A_956 : memref<1x128xi32, #tpu.memory_space<vmem>> -> memref<128xi32, #tpu.memory_space<vmem>>
    %dma_start3A_958 = arith.constant 0 : i32
    %dma_start3A_959 = arith.constant 0 : i32
    %dma_start3A_960 = tpu.memref_slice %arg2[%dma_start3A_958, %dma_start3A_959] : memref<2600000x16xf32, #tpu.memory_space<hbm>> -> memref<2600000x16xf32, #tpu.memory_space<hbm>>
    tpu.enqueue_indirect_dma source(%dma_start3A_960 : memref<2600000x16xf32, #tpu.memory_space<hbm>>) target(%dma_start3A_954 : memref<128x16xf32, #tpu.memory_space<vmem>>) offsets(%dma_start3A_957 : memref<128xi32, #tpu.memory_space<vmem>>) semaphore(%arg8 : memref<!tpu.dma_semaphore, #tpu.memory_space<semaphore_mem>>)
    %dma_start3A_961 = arith.constant 54 : i32
    %dma_start3A_962 = arith.constant 256 : i32
    %dma_start3A_963 = arith.constant 0 : i32
    %dma_start3A_964 = tpu.memref_slice %arg6[%dma_start3A_962, %dma_start3A_963] : memref<1664x16xf32, #tpu.memory_space<vmem>> -> memref<128x16xf32, #tpu.memory_space<vmem>>
    %dma_start3A_965 = arith.constant 0 : i32
    %dma_start3A_966 = tpu.memref_slice %arg5[%dma_start3A_961, %dma_start3A_965] : memref<104x128xi32, #tpu.memory_space<vmem>> -> memref<1x128xi32, #tpu.memory_space<vmem>>
    %dma_start3A_967 = tpu.memref_squeeze %dma_start3A_966 : memref<1x128xi32, #tpu.memory_space<vmem>> -> memref<128xi32, #tpu.memory_space<vmem>>
    %dma_start3A_968 = arith.constant 0 : i32
    %dma_start3A_969 = arith.constant 0 : i32
    %dma_start3A_970 = tpu.memref_slice %arg2[%dma_start3A_968, %dma_start3A_969] : memref<2600000x16xf32, #tpu.memory_space<hbm>> -> memref<2600000x16xf32, #tpu.memory_space<hbm>>
    tpu.enqueue_indirect_dma source(%dma_start3A_970 : memref<2600000x16xf32, #tpu.memory_space<hbm>>) target(%dma_start3A_964 : memref<128x16xf32, #tpu.memory_space<vmem>>) offsets(%dma_start3A_967 : memref<128xi32, #tpu.memory_space<vmem>>) semaphore(%arg8 : memref<!tpu.dma_semaphore, #tpu.memory_space<semaphore_mem>>)
    %dma_start3A_971 = arith.constant 55 : i32
    %dma_start3A_972 = arith.constant 384 : i32
    %dma_start3A_973 = arith.constant 0 : i32
    %dma_start3A_974 = tpu.memref_slice %arg6[%dma_start3A_972, %dma_start3A_973] : memref<1664x16xf32, #tpu.memory_space<vmem>> -> memref<128x16xf32, #tpu.memory_space<vmem>>
    %dma_start3A_975 = arith.constant 0 : i32
    %dma_start3A_976 = tpu.memref_slice %arg5[%dma_start3A_971, %dma_start3A_975] : memref<104x128xi32, #tpu.memory_space<vmem>> -> memref<1x128xi32, #tpu.memory_space<vmem>>
    %dma_start3A_977 = tpu.memref_squeeze %dma_start3A_976 : memref<1x128xi32, #tpu.memory_space<vmem>> -> memref<128xi32, #tpu.memory_space<vmem>>
    %dma_start3A_978 = arith.constant 0 : i32
    %dma_start3A_979 = arith.constant 0 : i32
    %dma_start3A_980 = tpu.memref_slice %arg2[%dma_start3A_978, %dma_start3A_979] : memref<2600000x16xf32, #tpu.memory_space<hbm>> -> memref<2600000x16xf32, #tpu.memory_space<hbm>>
    tpu.enqueue_indirect_dma source(%dma_start3A_980 : memref<2600000x16xf32, #tpu.memory_space<hbm>>) target(%dma_start3A_974 : memref<128x16xf32, #tpu.memory_space<vmem>>) offsets(%dma_start3A_977 : memref<128xi32, #tpu.memory_space<vmem>>) semaphore(%arg8 : memref<!tpu.dma_semaphore, #tpu.memory_space<semaphore_mem>>)
    %dma_start3A_981 = arith.constant 56 : i32
    %dma_start3A_982 = arith.constant 512 : i32
    %dma_start3A_983 = arith.constant 0 : i32
    %dma_start3A_984 = tpu.memref_slice %arg6[%dma_start3A_982, %dma_start3A_983] : memref<1664x16xf32, #tpu.memory_space<vmem>> -> memref<128x16xf32, #tpu.memory_space<vmem>>
    %dma_start3A_985 = arith.constant 0 : i32
    %dma_start3A_986 = tpu.memref_slice %arg5[%dma_start3A_981, %dma_start3A_985] : memref<104x128xi32, #tpu.memory_space<vmem>> -> memref<1x128xi32, #tpu.memory_space<vmem>>
    %dma_start3A_987 = tpu.memref_squeeze %dma_start3A_986 : memref<1x128xi32, #tpu.memory_space<vmem>> -> memref<128xi32, #tpu.memory_space<vmem>>
    %dma_start3A_988 = arith.constant 0 : i32
    %dma_start3A_989 = arith.constant 0 : i32
    %dma_start3A_990 = tpu.memref_slice %arg2[%dma_start3A_988, %dma_start3A_989] : memref<2600000x16xf32, #tpu.memory_space<hbm>> -> memref<2600000x16xf32, #tpu.memory_space<hbm>>
    tpu.enqueue_indirect_dma source(%dma_start3A_990 : memref<2600000x16xf32, #tpu.memory_space<hbm>>) target(%dma_start3A_984 : memref<128x16xf32, #tpu.memory_space<vmem>>) offsets(%dma_start3A_987 : memref<128xi32, #tpu.memory_space<vmem>>) semaphore(%arg8 : memref<!tpu.dma_semaphore, #tpu.memory_space<semaphore_mem>>)
    %dma_start3A_991 = arith.constant 57 : i32
    %dma_start3A_992 = arith.constant 640 : i32
    %dma_start3A_993 = arith.constant 0 : i32
    %dma_start3A_994 = tpu.memref_slice %arg6[%dma_start3A_992, %dma_start3A_993] : memref<1664x16xf32, #tpu.memory_space<vmem>> -> memref<128x16xf32, #tpu.memory_space<vmem>>
    %dma_start3A_995 = arith.constant 0 : i32
    %dma_start3A_996 = tpu.memref_slice %arg5[%dma_start3A_991, %dma_start3A_995] : memref<104x128xi32, #tpu.memory_space<vmem>> -> memref<1x128xi32, #tpu.memory_space<vmem>>
    %dma_start3A_997 = tpu.memref_squeeze %dma_start3A_996 : memref<1x128xi32, #tpu.memory_space<vmem>> -> memref<128xi32, #tpu.memory_space<vmem>>
    %dma_start3A_998 = arith.constant 0 : i32
    %dma_start3A_999 = arith.constant 0 : i32
    %dma_start3A_1000 = tpu.memref_slice %arg2[%dma_start3A_998, %dma_start3A_999] : memref<2600000x16xf32, #tpu.memory_space<hbm>> -> memref<2600000x16xf32, #tpu.memory_space<hbm>>
    tpu.enqueue_indirect_dma source(%dma_start3A_1000 : memref<2600000x16xf32, #tpu.memory_space<hbm>>) target(%dma_start3A_994 : memref<128x16xf32, #tpu.memory_space<vmem>>) offsets(%dma_start3A_997 : memref<128xi32, #tpu.memory_space<vmem>>) semaphore(%arg8 : memref<!tpu.dma_semaphore, #tpu.memory_space<semaphore_mem>>)
    %dma_start3A_1001 = arith.constant 58 : i32
    %dma_start3A_1002 = arith.constant 768 : i32
    %dma_start3A_1003 = arith.constant 0 : i32
    %dma_start3A_1004 = tpu.memref_slice %arg6[%dma_start3A_1002, %dma_start3A_1003] : memref<1664x16xf32, #tpu.memory_space<vmem>> -> memref<128x16xf32, #tpu.memory_space<vmem>>
    %dma_start3A_1005 = arith.constant 0 : i32
    %dma_start3A_1006 = tpu.memref_slice %arg5[%dma_start3A_1001, %dma_start3A_1005] : memref<104x128xi32, #tpu.memory_space<vmem>> -> memref<1x128xi32, #tpu.memory_space<vmem>>
    %dma_start3A_1007 = tpu.memref_squeeze %dma_start3A_1006 : memref<1x128xi32, #tpu.memory_space<vmem>> -> memref<128xi32, #tpu.memory_space<vmem>>
    %dma_start3A_1008 = arith.constant 0 : i32
    %dma_start3A_1009 = arith.constant 0 : i32
    %dma_start3A_1010 = tpu.memref_slice %arg2[%dma_start3A_1008, %dma_start3A_1009] : memref<2600000x16xf32, #tpu.memory_space<hbm>> -> memref<2600000x16xf32, #tpu.memory_space<hbm>>
    tpu.enqueue_indirect_dma source(%dma_start3A_1010 : memref<2600000x16xf32, #tpu.memory_space<hbm>>) target(%dma_start3A_1004 : memref<128x16xf32, #tpu.memory_space<vmem>>) offsets(%dma_start3A_1007 : memref<128xi32, #tpu.memory_space<vmem>>) semaphore(%arg8 : memref<!tpu.dma_semaphore, #tpu.memory_space<semaphore_mem>>)
    %dma_start3A_1011 = arith.constant 59 : i32
    %dma_start3A_1012 = arith.constant 896 : i32
    %dma_start3A_1013 = arith.constant 0 : i32
    %dma_start3A_1014 = tpu.memref_slice %arg6[%dma_start3A_1012, %dma_start3A_1013] : memref<1664x16xf32, #tpu.memory_space<vmem>> -> memref<128x16xf32, #tpu.memory_space<vmem>>
    %dma_start3A_1015 = arith.constant 0 : i32
    %dma_start3A_1016 = tpu.memref_slice %arg5[%dma_start3A_1011, %dma_start3A_1015] : memref<104x128xi32, #tpu.memory_space<vmem>> -> memref<1x128xi32, #tpu.memory_space<vmem>>
    %dma_start3A_1017 = tpu.memref_squeeze %dma_start3A_1016 : memref<1x128xi32, #tpu.memory_space<vmem>> -> memref<128xi32, #tpu.memory_space<vmem>>
    %dma_start3A_1018 = arith.constant 0 : i32
    %dma_start3A_1019 = arith.constant 0 : i32
    %dma_start3A_1020 = tpu.memref_slice %arg2[%dma_start3A_1018, %dma_start3A_1019] : memref<2600000x16xf32, #tpu.memory_space<hbm>> -> memref<2600000x16xf32, #tpu.memory_space<hbm>>
    tpu.enqueue_indirect_dma source(%dma_start3A_1020 : memref<2600000x16xf32, #tpu.memory_space<hbm>>) target(%dma_start3A_1014 : memref<128x16xf32, #tpu.memory_space<vmem>>) offsets(%dma_start3A_1017 : memref<128xi32, #tpu.memory_space<vmem>>) semaphore(%arg8 : memref<!tpu.dma_semaphore, #tpu.memory_space<semaphore_mem>>)
    %dma_start3A_1021 = arith.constant 60 : i32
    %dma_start3A_1022 = arith.constant 1024 : i32
    %dma_start3A_1023 = arith.constant 0 : i32
    %dma_start3A_1024 = tpu.memref_slice %arg6[%dma_start3A_1022, %dma_start3A_1023] : memref<1664x16xf32, #tpu.memory_space<vmem>> -> memref<128x16xf32, #tpu.memory_space<vmem>>
    %dma_start3A_1025 = arith.constant 0 : i32
    %dma_start3A_1026 = tpu.memref_slice %arg5[%dma_start3A_1021, %dma_start3A_1025] : memref<104x128xi32, #tpu.memory_space<vmem>> -> memref<1x128xi32, #tpu.memory_space<vmem>>
    %dma_start3A_1027 = tpu.memref_squeeze %dma_start3A_1026 : memref<1x128xi32, #tpu.memory_space<vmem>> -> memref<128xi32, #tpu.memory_space<vmem>>
    %dma_start3A_1028 = arith.constant 0 : i32
    %dma_start3A_1029 = arith.constant 0 : i32
    %dma_start3A_1030 = tpu.memref_slice %arg2[%dma_start3A_1028, %dma_start3A_1029] : memref<2600000x16xf32, #tpu.memory_space<hbm>> -> memref<2600000x16xf32, #tpu.memory_space<hbm>>
    tpu.enqueue_indirect_dma source(%dma_start3A_1030 : memref<2600000x16xf32, #tpu.memory_space<hbm>>) target(%dma_start3A_1024 : memref<128x16xf32, #tpu.memory_space<vmem>>) offsets(%dma_start3A_1027 : memref<128xi32, #tpu.memory_space<vmem>>) semaphore(%arg8 : memref<!tpu.dma_semaphore, #tpu.memory_space<semaphore_mem>>)
    %dma_start3A_1031 = arith.constant 61 : i32
    %dma_start3A_1032 = arith.constant 1152 : i32
    %dma_start3A_1033 = arith.constant 0 : i32
    %dma_start3A_1034 = tpu.memref_slice %arg6[%dma_start3A_1032, %dma_start3A_1033] : memref<1664x16xf32, #tpu.memory_space<vmem>> -> memref<128x16xf32, #tpu.memory_space<vmem>>
    %dma_start3A_1035 = arith.constant 0 : i32
    %dma_start3A_1036 = tpu.memref_slice %arg5[%dma_start3A_1031, %dma_start3A_1035] : memref<104x128xi32, #tpu.memory_space<vmem>> -> memref<1x128xi32, #tpu.memory_space<vmem>>
    %dma_start3A_1037 = tpu.memref_squeeze %dma_start3A_1036 : memref<1x128xi32, #tpu.memory_space<vmem>> -> memref<128xi32, #tpu.memory_space<vmem>>
    %dma_start3A_1038 = arith.constant 0 : i32
    %dma_start3A_1039 = arith.constant 0 : i32
    %dma_start3A_1040 = tpu.memref_slice %arg2[%dma_start3A_1038, %dma_start3A_1039] : memref<2600000x16xf32, #tpu.memory_space<hbm>> -> memref<2600000x16xf32, #tpu.memory_space<hbm>>
    tpu.enqueue_indirect_dma source(%dma_start3A_1040 : memref<2600000x16xf32, #tpu.memory_space<hbm>>) target(%dma_start3A_1034 : memref<128x16xf32, #tpu.memory_space<vmem>>) offsets(%dma_start3A_1037 : memref<128xi32, #tpu.memory_space<vmem>>) semaphore(%arg8 : memref<!tpu.dma_semaphore, #tpu.memory_space<semaphore_mem>>)
    %dma_start3A_1041 = arith.constant 62 : i32
    %dma_start3A_1042 = arith.constant 1280 : i32
    %dma_start3A_1043 = arith.constant 0 : i32
    %dma_start3A_1044 = tpu.memref_slice %arg6[%dma_start3A_1042, %dma_start3A_1043] : memref<1664x16xf32, #tpu.memory_space<vmem>> -> memref<128x16xf32, #tpu.memory_space<vmem>>
    %dma_start3A_1045 = arith.constant 0 : i32
    %dma_start3A_1046 = tpu.memref_slice %arg5[%dma_start3A_1041, %dma_start3A_1045] : memref<104x128xi32, #tpu.memory_space<vmem>> -> memref<1x128xi32, #tpu.memory_space<vmem>>
    %dma_start3A_1047 = tpu.memref_squeeze %dma_start3A_1046 : memref<1x128xi32, #tpu.memory_space<vmem>> -> memref<128xi32, #tpu.memory_space<vmem>>
    %dma_start3A_1048 = arith.constant 0 : i32
    %dma_start3A_1049 = arith.constant 0 : i32
    %dma_start3A_1050 = tpu.memref_slice %arg2[%dma_start3A_1048, %dma_start3A_1049] : memref<2600000x16xf32, #tpu.memory_space<hbm>> -> memref<2600000x16xf32, #tpu.memory_space<hbm>>
    tpu.enqueue_indirect_dma source(%dma_start3A_1050 : memref<2600000x16xf32, #tpu.memory_space<hbm>>) target(%dma_start3A_1044 : memref<128x16xf32, #tpu.memory_space<vmem>>) offsets(%dma_start3A_1047 : memref<128xi32, #tpu.memory_space<vmem>>) semaphore(%arg8 : memref<!tpu.dma_semaphore, #tpu.memory_space<semaphore_mem>>)
    %dma_start3A_1051 = arith.constant 63 : i32
    %dma_start3A_1052 = arith.constant 1408 : i32
    %dma_start3A_1053 = arith.constant 0 : i32
    %dma_start3A_1054 = tpu.memref_slice %arg6[%dma_start3A_1052, %dma_start3A_1053] : memref<1664x16xf32, #tpu.memory_space<vmem>> -> memref<128x16xf32, #tpu.memory_space<vmem>>
    %dma_start3A_1055 = arith.constant 0 : i32
    %dma_start3A_1056 = tpu.memref_slice %arg5[%dma_start3A_1051, %dma_start3A_1055] : memref<104x128xi32, #tpu.memory_space<vmem>> -> memref<1x128xi32, #tpu.memory_space<vmem>>
    %dma_start3A_1057 = tpu.memref_squeeze %dma_start3A_1056 : memref<1x128xi32, #tpu.memory_space<vmem>> -> memref<128xi32, #tpu.memory_space<vmem>>
    %dma_start3A_1058 = arith.constant 0 : i32
    %dma_start3A_1059 = arith.constant 0 : i32
    %dma_start3A_1060 = tpu.memref_slice %arg2[%dma_start3A_1058, %dma_start3A_1059] : memref<2600000x16xf32, #tpu.memory_space<hbm>> -> memref<2600000x16xf32, #tpu.memory_space<hbm>>
    tpu.enqueue_indirect_dma source(%dma_start3A_1060 : memref<2600000x16xf32, #tpu.memory_space<hbm>>) target(%dma_start3A_1054 : memref<128x16xf32, #tpu.memory_space<vmem>>) offsets(%dma_start3A_1057 : memref<128xi32, #tpu.memory_space<vmem>>) semaphore(%arg8 : memref<!tpu.dma_semaphore, #tpu.memory_space<semaphore_mem>>)
    %dma_start3A_1061 = arith.constant 64 : i32
    %dma_start3A_1062 = arith.constant 1536 : i32
    %dma_start3A_1063 = arith.constant 0 : i32
    %dma_start3A_1064 = tpu.memref_slice %arg6[%dma_start3A_1062, %dma_start3A_1063] : memref<1664x16xf32, #tpu.memory_space<vmem>> -> memref<128x16xf32, #tpu.memory_space<vmem>>
    %dma_start3A_1065 = arith.constant 0 : i32
    %dma_start3A_1066 = tpu.memref_slice %arg5[%dma_start3A_1061, %dma_start3A_1065] : memref<104x128xi32, #tpu.memory_space<vmem>> -> memref<1x128xi32, #tpu.memory_space<vmem>>
    %dma_start3A_1067 = tpu.memref_squeeze %dma_start3A_1066 : memref<1x128xi32, #tpu.memory_space<vmem>> -> memref<128xi32, #tpu.memory_space<vmem>>
    %dma_start3A_1068 = arith.constant 0 : i32
    %dma_start3A_1069 = arith.constant 0 : i32
    %dma_start3A_1070 = tpu.memref_slice %arg2[%dma_start3A_1068, %dma_start3A_1069] : memref<2600000x16xf32, #tpu.memory_space<hbm>> -> memref<2600000x16xf32, #tpu.memory_space<hbm>>
    tpu.enqueue_indirect_dma source(%dma_start3A_1070 : memref<2600000x16xf32, #tpu.memory_space<hbm>>) target(%dma_start3A_1064 : memref<128x16xf32, #tpu.memory_space<vmem>>) offsets(%dma_start3A_1067 : memref<128xi32, #tpu.memory_space<vmem>>) semaphore(%arg8 : memref<!tpu.dma_semaphore, #tpu.memory_space<semaphore_mem>>)
    %dma_wait3A_1071 = arith.constant 39 : i32
    %dma_wait3A_1072 = arith.constant 0 : i32
    %dma_wait3A_1073 = arith.constant 0 : i32
    %dma_wait3A_1074 = tpu.memref_slice %arg7[%dma_wait3A_1072, %dma_wait3A_1073] : memref<1664x16xf32, #tpu.memory_space<vmem>> -> memref<128x16xf32, #tpu.memory_space<vmem>>
    %dma_wait3A_1075 = arith.constant 0 : i32
    %dma_wait3A_1076 = tpu.memref_slice %arg5[%dma_wait3A_1071, %dma_wait3A_1075] : memref<104x128xi32, #tpu.memory_space<vmem>> -> memref<1x128xi32, #tpu.memory_space<vmem>>
    %dma_wait3A_1077 = tpu.memref_squeeze %dma_wait3A_1076 : memref<1x128xi32, #tpu.memory_space<vmem>> -> memref<128xi32, #tpu.memory_space<vmem>>
    %dma_wait3A_1078 = arith.constant 0 : i32
    %dma_wait3A_1079 = arith.constant 0 : i32
    %dma_wait3A_1080 = tpu.memref_slice %arg2[%dma_wait3A_1078, %dma_wait3A_1079] : memref<2600000x16xf32, #tpu.memory_space<hbm>> -> memref<2600000x16xf32, #tpu.memory_space<hbm>>
    tpu.wait_indirect_dma semaphore(%arg9 : memref<!tpu.dma_semaphore, #tpu.memory_space<semaphore_mem>>) src(%dma_wait3A_1080 : memref<2600000x16xf32, #tpu.memory_space<hbm>>) dst(%dma_wait3A_1074 : memref<128x16xf32, #tpu.memory_space<vmem>>)
    %dma_wait3A_1081 = arith.constant 40 : i32
    %dma_wait3A_1082 = arith.constant 128 : i32
    %dma_wait3A_1083 = arith.constant 0 : i32
    %dma_wait3A_1084 = tpu.memref_slice %arg7[%dma_wait3A_1082, %dma_wait3A_1083] : memref<1664x16xf32, #tpu.memory_space<vmem>> -> memref<128x16xf32, #tpu.memory_space<vmem>>
    %dma_wait3A_1085 = arith.constant 0 : i32
    %dma_wait3A_1086 = tpu.memref_slice %arg5[%dma_wait3A_1081, %dma_wait3A_1085] : memref<104x128xi32, #tpu.memory_space<vmem>> -> memref<1x128xi32, #tpu.memory_space<vmem>>
    %dma_wait3A_1087 = tpu.memref_squeeze %dma_wait3A_1086 : memref<1x128xi32, #tpu.memory_space<vmem>> -> memref<128xi32, #tpu.memory_space<vmem>>
    %dma_wait3A_1088 = arith.constant 0 : i32
    %dma_wait3A_1089 = arith.constant 0 : i32
    %dma_wait3A_1090 = tpu.memref_slice %arg2[%dma_wait3A_1088, %dma_wait3A_1089] : memref<2600000x16xf32, #tpu.memory_space<hbm>> -> memref<2600000x16xf32, #tpu.memory_space<hbm>>
    tpu.wait_indirect_dma semaphore(%arg9 : memref<!tpu.dma_semaphore, #tpu.memory_space<semaphore_mem>>) src(%dma_wait3A_1090 : memref<2600000x16xf32, #tpu.memory_space<hbm>>) dst(%dma_wait3A_1084 : memref<128x16xf32, #tpu.memory_space<vmem>>)
    %dma_wait3A_1091 = arith.constant 41 : i32
    %dma_wait3A_1092 = arith.constant 256 : i32
    %dma_wait3A_1093 = arith.constant 0 : i32
    %dma_wait3A_1094 = tpu.memref_slice %arg7[%dma_wait3A_1092, %dma_wait3A_1093] : memref<1664x16xf32, #tpu.memory_space<vmem>> -> memref<128x16xf32, #tpu.memory_space<vmem>>
    %dma_wait3A_1095 = arith.constant 0 : i32
    %dma_wait3A_1096 = tpu.memref_slice %arg5[%dma_wait3A_1091, %dma_wait3A_1095] : memref<104x128xi32, #tpu.memory_space<vmem>> -> memref<1x128xi32, #tpu.memory_space<vmem>>
    %dma_wait3A_1097 = tpu.memref_squeeze %dma_wait3A_1096 : memref<1x128xi32, #tpu.memory_space<vmem>> -> memref<128xi32, #tpu.memory_space<vmem>>
    %dma_wait3A_1098 = arith.constant 0 : i32
    %dma_wait3A_1099 = arith.constant 0 : i32
    %dma_wait3A_1100 = tpu.memref_slice %arg2[%dma_wait3A_1098, %dma_wait3A_1099] : memref<2600000x16xf32, #tpu.memory_space<hbm>> -> memref<2600000x16xf32, #tpu.memory_space<hbm>>
    tpu.wait_indirect_dma semaphore(%arg9 : memref<!tpu.dma_semaphore, #tpu.memory_space<semaphore_mem>>) src(%dma_wait3A_1100 : memref<2600000x16xf32, #tpu.memory_space<hbm>>) dst(%dma_wait3A_1094 : memref<128x16xf32, #tpu.memory_space<vmem>>)
    %dma_wait3A_1101 = arith.constant 42 : i32
    %dma_wait3A_1102 = arith.constant 384 : i32
    %dma_wait3A_1103 = arith.constant 0 : i32
    %dma_wait3A_1104 = tpu.memref_slice %arg7[%dma_wait3A_1102, %dma_wait3A_1103] : memref<1664x16xf32, #tpu.memory_space<vmem>> -> memref<128x16xf32, #tpu.memory_space<vmem>>
    %dma_wait3A_1105 = arith.constant 0 : i32
    %dma_wait3A_1106 = tpu.memref_slice %arg5[%dma_wait3A_1101, %dma_wait3A_1105] : memref<104x128xi32, #tpu.memory_space<vmem>> -> memref<1x128xi32, #tpu.memory_space<vmem>>
    %dma_wait3A_1107 = tpu.memref_squeeze %dma_wait3A_1106 : memref<1x128xi32, #tpu.memory_space<vmem>> -> memref<128xi32, #tpu.memory_space<vmem>>
    %dma_wait3A_1108 = arith.constant 0 : i32
    %dma_wait3A_1109 = arith.constant 0 : i32
    %dma_wait3A_1110 = tpu.memref_slice %arg2[%dma_wait3A_1108, %dma_wait3A_1109] : memref<2600000x16xf32, #tpu.memory_space<hbm>> -> memref<2600000x16xf32, #tpu.memory_space<hbm>>
    tpu.wait_indirect_dma semaphore(%arg9 : memref<!tpu.dma_semaphore, #tpu.memory_space<semaphore_mem>>) src(%dma_wait3A_1110 : memref<2600000x16xf32, #tpu.memory_space<hbm>>) dst(%dma_wait3A_1104 : memref<128x16xf32, #tpu.memory_space<vmem>>)
    %dma_wait3A_1111 = arith.constant 43 : i32
    %dma_wait3A_1112 = arith.constant 512 : i32
    %dma_wait3A_1113 = arith.constant 0 : i32
    %dma_wait3A_1114 = tpu.memref_slice %arg7[%dma_wait3A_1112, %dma_wait3A_1113] : memref<1664x16xf32, #tpu.memory_space<vmem>> -> memref<128x16xf32, #tpu.memory_space<vmem>>
    %dma_wait3A_1115 = arith.constant 0 : i32
    %dma_wait3A_1116 = tpu.memref_slice %arg5[%dma_wait3A_1111, %dma_wait3A_1115] : memref<104x128xi32, #tpu.memory_space<vmem>> -> memref<1x128xi32, #tpu.memory_space<vmem>>
    %dma_wait3A_1117 = tpu.memref_squeeze %dma_wait3A_1116 : memref<1x128xi32, #tpu.memory_space<vmem>> -> memref<128xi32, #tpu.memory_space<vmem>>
    %dma_wait3A_1118 = arith.constant 0 : i32
    %dma_wait3A_1119 = arith.constant 0 : i32
    %dma_wait3A_1120 = tpu.memref_slice %arg2[%dma_wait3A_1118, %dma_wait3A_1119] : memref<2600000x16xf32, #tpu.memory_space<hbm>> -> memref<2600000x16xf32, #tpu.memory_space<hbm>>
    tpu.wait_indirect_dma semaphore(%arg9 : memref<!tpu.dma_semaphore, #tpu.memory_space<semaphore_mem>>) src(%dma_wait3A_1120 : memref<2600000x16xf32, #tpu.memory_space<hbm>>) dst(%dma_wait3A_1114 : memref<128x16xf32, #tpu.memory_space<vmem>>)
    %dma_wait3A_1121 = arith.constant 44 : i32
    %dma_wait3A_1122 = arith.constant 640 : i32
    %dma_wait3A_1123 = arith.constant 0 : i32
    %dma_wait3A_1124 = tpu.memref_slice %arg7[%dma_wait3A_1122, %dma_wait3A_1123] : memref<1664x16xf32, #tpu.memory_space<vmem>> -> memref<128x16xf32, #tpu.memory_space<vmem>>
    %dma_wait3A_1125 = arith.constant 0 : i32
    %dma_wait3A_1126 = tpu.memref_slice %arg5[%dma_wait3A_1121, %dma_wait3A_1125] : memref<104x128xi32, #tpu.memory_space<vmem>> -> memref<1x128xi32, #tpu.memory_space<vmem>>
    %dma_wait3A_1127 = tpu.memref_squeeze %dma_wait3A_1126 : memref<1x128xi32, #tpu.memory_space<vmem>> -> memref<128xi32, #tpu.memory_space<vmem>>
    %dma_wait3A_1128 = arith.constant 0 : i32
    %dma_wait3A_1129 = arith.constant 0 : i32
    %dma_wait3A_1130 = tpu.memref_slice %arg2[%dma_wait3A_1128, %dma_wait3A_1129] : memref<2600000x16xf32, #tpu.memory_space<hbm>> -> memref<2600000x16xf32, #tpu.memory_space<hbm>>
    tpu.wait_indirect_dma semaphore(%arg9 : memref<!tpu.dma_semaphore, #tpu.memory_space<semaphore_mem>>) src(%dma_wait3A_1130 : memref<2600000x16xf32, #tpu.memory_space<hbm>>) dst(%dma_wait3A_1124 : memref<128x16xf32, #tpu.memory_space<vmem>>)
    %dma_wait3A_1131 = arith.constant 45 : i32
    %dma_wait3A_1132 = arith.constant 768 : i32
    %dma_wait3A_1133 = arith.constant 0 : i32
    %dma_wait3A_1134 = tpu.memref_slice %arg7[%dma_wait3A_1132, %dma_wait3A_1133] : memref<1664x16xf32, #tpu.memory_space<vmem>> -> memref<128x16xf32, #tpu.memory_space<vmem>>
    %dma_wait3A_1135 = arith.constant 0 : i32
    %dma_wait3A_1136 = tpu.memref_slice %arg5[%dma_wait3A_1131, %dma_wait3A_1135] : memref<104x128xi32, #tpu.memory_space<vmem>> -> memref<1x128xi32, #tpu.memory_space<vmem>>
    %dma_wait3A_1137 = tpu.memref_squeeze %dma_wait3A_1136 : memref<1x128xi32, #tpu.memory_space<vmem>> -> memref<128xi32, #tpu.memory_space<vmem>>
    %dma_wait3A_1138 = arith.constant 0 : i32
    %dma_wait3A_1139 = arith.constant 0 : i32
    %dma_wait3A_1140 = tpu.memref_slice %arg2[%dma_wait3A_1138, %dma_wait3A_1139] : memref<2600000x16xf32, #tpu.memory_space<hbm>> -> memref<2600000x16xf32, #tpu.memory_space<hbm>>
    tpu.wait_indirect_dma semaphore(%arg9 : memref<!tpu.dma_semaphore, #tpu.memory_space<semaphore_mem>>) src(%dma_wait3A_1140 : memref<2600000x16xf32, #tpu.memory_space<hbm>>) dst(%dma_wait3A_1134 : memref<128x16xf32, #tpu.memory_space<vmem>>)
    %dma_wait3A_1141 = arith.constant 46 : i32
    %dma_wait3A_1142 = arith.constant 896 : i32
    %dma_wait3A_1143 = arith.constant 0 : i32
    %dma_wait3A_1144 = tpu.memref_slice %arg7[%dma_wait3A_1142, %dma_wait3A_1143] : memref<1664x16xf32, #tpu.memory_space<vmem>> -> memref<128x16xf32, #tpu.memory_space<vmem>>
    %dma_wait3A_1145 = arith.constant 0 : i32
    %dma_wait3A_1146 = tpu.memref_slice %arg5[%dma_wait3A_1141, %dma_wait3A_1145] : memref<104x128xi32, #tpu.memory_space<vmem>> -> memref<1x128xi32, #tpu.memory_space<vmem>>
    %dma_wait3A_1147 = tpu.memref_squeeze %dma_wait3A_1146 : memref<1x128xi32, #tpu.memory_space<vmem>> -> memref<128xi32, #tpu.memory_space<vmem>>
    %dma_wait3A_1148 = arith.constant 0 : i32
    %dma_wait3A_1149 = arith.constant 0 : i32
    %dma_wait3A_1150 = tpu.memref_slice %arg2[%dma_wait3A_1148, %dma_wait3A_1149] : memref<2600000x16xf32, #tpu.memory_space<hbm>> -> memref<2600000x16xf32, #tpu.memory_space<hbm>>
    tpu.wait_indirect_dma semaphore(%arg9 : memref<!tpu.dma_semaphore, #tpu.memory_space<semaphore_mem>>) src(%dma_wait3A_1150 : memref<2600000x16xf32, #tpu.memory_space<hbm>>) dst(%dma_wait3A_1144 : memref<128x16xf32, #tpu.memory_space<vmem>>)
    %dma_wait3A_1151 = arith.constant 47 : i32
    %dma_wait3A_1152 = arith.constant 1024 : i32
    %dma_wait3A_1153 = arith.constant 0 : i32
    %dma_wait3A_1154 = tpu.memref_slice %arg7[%dma_wait3A_1152, %dma_wait3A_1153] : memref<1664x16xf32, #tpu.memory_space<vmem>> -> memref<128x16xf32, #tpu.memory_space<vmem>>
    %dma_wait3A_1155 = arith.constant 0 : i32
    %dma_wait3A_1156 = tpu.memref_slice %arg5[%dma_wait3A_1151, %dma_wait3A_1155] : memref<104x128xi32, #tpu.memory_space<vmem>> -> memref<1x128xi32, #tpu.memory_space<vmem>>
    %dma_wait3A_1157 = tpu.memref_squeeze %dma_wait3A_1156 : memref<1x128xi32, #tpu.memory_space<vmem>> -> memref<128xi32, #tpu.memory_space<vmem>>
    %dma_wait3A_1158 = arith.constant 0 : i32
    %dma_wait3A_1159 = arith.constant 0 : i32
    %dma_wait3A_1160 = tpu.memref_slice %arg2[%dma_wait3A_1158, %dma_wait3A_1159] : memref<2600000x16xf32, #tpu.memory_space<hbm>> -> memref<2600000x16xf32, #tpu.memory_space<hbm>>
    tpu.wait_indirect_dma semaphore(%arg9 : memref<!tpu.dma_semaphore, #tpu.memory_space<semaphore_mem>>) src(%dma_wait3A_1160 : memref<2600000x16xf32, #tpu.memory_space<hbm>>) dst(%dma_wait3A_1154 : memref<128x16xf32, #tpu.memory_space<vmem>>)
    %dma_wait3A_1161 = arith.constant 48 : i32
    %dma_wait3A_1162 = arith.constant 1152 : i32
    %dma_wait3A_1163 = arith.constant 0 : i32
    %dma_wait3A_1164 = tpu.memref_slice %arg7[%dma_wait3A_1162, %dma_wait3A_1163] : memref<1664x16xf32, #tpu.memory_space<vmem>> -> memref<128x16xf32, #tpu.memory_space<vmem>>
    %dma_wait3A_1165 = arith.constant 0 : i32
    %dma_wait3A_1166 = tpu.memref_slice %arg5[%dma_wait3A_1161, %dma_wait3A_1165] : memref<104x128xi32, #tpu.memory_space<vmem>> -> memref<1x128xi32, #tpu.memory_space<vmem>>
    %dma_wait3A_1167 = tpu.memref_squeeze %dma_wait3A_1166 : memref<1x128xi32, #tpu.memory_space<vmem>> -> memref<128xi32, #tpu.memory_space<vmem>>
    %dma_wait3A_1168 = arith.constant 0 : i32
    %dma_wait3A_1169 = arith.constant 0 : i32
    %dma_wait3A_1170 = tpu.memref_slice %arg2[%dma_wait3A_1168, %dma_wait3A_1169] : memref<2600000x16xf32, #tpu.memory_space<hbm>> -> memref<2600000x16xf32, #tpu.memory_space<hbm>>
    tpu.wait_indirect_dma semaphore(%arg9 : memref<!tpu.dma_semaphore, #tpu.memory_space<semaphore_mem>>) src(%dma_wait3A_1170 : memref<2600000x16xf32, #tpu.memory_space<hbm>>) dst(%dma_wait3A_1164 : memref<128x16xf32, #tpu.memory_space<vmem>>)
    %dma_wait3A_1171 = arith.constant 49 : i32
    %dma_wait3A_1172 = arith.constant 1280 : i32
    %dma_wait3A_1173 = arith.constant 0 : i32
    %dma_wait3A_1174 = tpu.memref_slice %arg7[%dma_wait3A_1172, %dma_wait3A_1173] : memref<1664x16xf32, #tpu.memory_space<vmem>> -> memref<128x16xf32, #tpu.memory_space<vmem>>
    %dma_wait3A_1175 = arith.constant 0 : i32
    %dma_wait3A_1176 = tpu.memref_slice %arg5[%dma_wait3A_1171, %dma_wait3A_1175] : memref<104x128xi32, #tpu.memory_space<vmem>> -> memref<1x128xi32, #tpu.memory_space<vmem>>
    %dma_wait3A_1177 = tpu.memref_squeeze %dma_wait3A_1176 : memref<1x128xi32, #tpu.memory_space<vmem>> -> memref<128xi32, #tpu.memory_space<vmem>>
    %dma_wait3A_1178 = arith.constant 0 : i32
    %dma_wait3A_1179 = arith.constant 0 : i32
    %dma_wait3A_1180 = tpu.memref_slice %arg2[%dma_wait3A_1178, %dma_wait3A_1179] : memref<2600000x16xf32, #tpu.memory_space<hbm>> -> memref<2600000x16xf32, #tpu.memory_space<hbm>>
    tpu.wait_indirect_dma semaphore(%arg9 : memref<!tpu.dma_semaphore, #tpu.memory_space<semaphore_mem>>) src(%dma_wait3A_1180 : memref<2600000x16xf32, #tpu.memory_space<hbm>>) dst(%dma_wait3A_1174 : memref<128x16xf32, #tpu.memory_space<vmem>>)
    %dma_wait3A_1181 = arith.constant 50 : i32
    %dma_wait3A_1182 = arith.constant 1408 : i32
    %dma_wait3A_1183 = arith.constant 0 : i32
    %dma_wait3A_1184 = tpu.memref_slice %arg7[%dma_wait3A_1182, %dma_wait3A_1183] : memref<1664x16xf32, #tpu.memory_space<vmem>> -> memref<128x16xf32, #tpu.memory_space<vmem>>
    %dma_wait3A_1185 = arith.constant 0 : i32
    %dma_wait3A_1186 = tpu.memref_slice %arg5[%dma_wait3A_1181, %dma_wait3A_1185] : memref<104x128xi32, #tpu.memory_space<vmem>> -> memref<1x128xi32, #tpu.memory_space<vmem>>
    %dma_wait3A_1187 = tpu.memref_squeeze %dma_wait3A_1186 : memref<1x128xi32, #tpu.memory_space<vmem>> -> memref<128xi32, #tpu.memory_space<vmem>>
    %dma_wait3A_1188 = arith.constant 0 : i32
    %dma_wait3A_1189 = arith.constant 0 : i32
    %dma_wait3A_1190 = tpu.memref_slice %arg2[%dma_wait3A_1188, %dma_wait3A_1189] : memref<2600000x16xf32, #tpu.memory_space<hbm>> -> memref<2600000x16xf32, #tpu.memory_space<hbm>>
    tpu.wait_indirect_dma semaphore(%arg9 : memref<!tpu.dma_semaphore, #tpu.memory_space<semaphore_mem>>) src(%dma_wait3A_1190 : memref<2600000x16xf32, #tpu.memory_space<hbm>>) dst(%dma_wait3A_1184 : memref<128x16xf32, #tpu.memory_space<vmem>>)
    %dma_wait3A_1191 = arith.constant 51 : i32
    %dma_wait3A_1192 = arith.constant 1536 : i32
    %dma_wait3A_1193 = arith.constant 0 : i32
    %dma_wait3A_1194 = tpu.memref_slice %arg7[%dma_wait3A_1192, %dma_wait3A_1193] : memref<1664x16xf32, #tpu.memory_space<vmem>> -> memref<128x16xf32, #tpu.memory_space<vmem>>
    %dma_wait3A_1195 = arith.constant 0 : i32
    %dma_wait3A_1196 = tpu.memref_slice %arg5[%dma_wait3A_1191, %dma_wait3A_1195] : memref<104x128xi32, #tpu.memory_space<vmem>> -> memref<1x128xi32, #tpu.memory_space<vmem>>
    %dma_wait3A_1197 = tpu.memref_squeeze %dma_wait3A_1196 : memref<1x128xi32, #tpu.memory_space<vmem>> -> memref<128xi32, #tpu.memory_space<vmem>>
    %dma_wait3A_1198 = arith.constant 0 : i32
    %dma_wait3A_1199 = arith.constant 0 : i32
    %dma_wait3A_1200 = tpu.memref_slice %arg2[%dma_wait3A_1198, %dma_wait3A_1199] : memref<2600000x16xf32, #tpu.memory_space<hbm>> -> memref<2600000x16xf32, #tpu.memory_space<hbm>>
    tpu.wait_indirect_dma semaphore(%arg9 : memref<!tpu.dma_semaphore, #tpu.memory_space<semaphore_mem>>) src(%dma_wait3A_1200 : memref<2600000x16xf32, #tpu.memory_space<hbm>>) dst(%dma_wait3A_1194 : memref<128x16xf32, #tpu.memory_space<vmem>>)
    %add3A_1201 = arith.constant 4992 : i32
    %add3A_1202 = arith.addi %mul3A_2, %add3A_1201 : i32
    %dma_start3A_1203 = arith.constant 0 : i32
    %dma_start3A_1204 = tpu.memref_slice %arg4[%add3A_1202, %dma_start3A_1203] : memref<425984x16xf32, #tpu.memory_space<hbm>> -> memref<1664x16xf32, #tpu.memory_space<hbm>>
    %dma_start3A_1205 = arith.constant 0 : i32
    %dma_start3A_1206 = tpu.memref_slice %arg4[%add3A_1202, %dma_start3A_1205] : memref<425984x16xf32, #tpu.memory_space<hbm>> -> memref<1664x16xf32, #tpu.memory_space<hbm>>
    tpu.enqueue_dma source(%arg7 : memref<1664x16xf32, #tpu.memory_space<vmem>>) target(%dma_start3A_1206 : memref<1664x16xf32, #tpu.memory_space<hbm>>) target_semaphore(%arg11 : memref<!tpu.dma_semaphore, #tpu.memory_space<semaphore_mem>>)
    %dma_wait3A_1207 = arith.constant 0 : i32
    %dma_wait3A_1208 = tpu.memref_slice %arg4[%add3A_1202, %dma_wait3A_1207] : memref<425984x16xf32, #tpu.memory_space<hbm>> -> memref<1664x16xf32, #tpu.memory_space<hbm>>
    %dma_wait3A_1209 = arith.constant 0 : i32
    %dma_wait3A_1210 = tpu.memref_slice %arg4[%add3A_1202, %dma_wait3A_1209] : memref<425984x16xf32, #tpu.memory_space<hbm>> -> memref<1664x16xf32, #tpu.memory_space<hbm>>
    tpu.wait_dma2 semaphore(%arg11 : memref<!tpu.dma_semaphore, #tpu.memory_space<semaphore_mem>>) src(%arg7 : memref<1664x16xf32, #tpu.memory_space<vmem>>) dst(%dma_wait3A_1210 : memref<1664x16xf32, #tpu.memory_space<hbm>>)
    %dma_start3A_1211 = arith.constant 65 : i32
    %dma_start3A_1212 = arith.constant 0 : i32
    %dma_start3A_1213 = arith.constant 0 : i32
    %dma_start3A_1214 = tpu.memref_slice %arg7[%dma_start3A_1212, %dma_start3A_1213] : memref<1664x16xf32, #tpu.memory_space<vmem>> -> memref<128x16xf32, #tpu.memory_space<vmem>>
    %dma_start3A_1215 = arith.constant 0 : i32
    %dma_start3A_1216 = tpu.memref_slice %arg5[%dma_start3A_1211, %dma_start3A_1215] : memref<104x128xi32, #tpu.memory_space<vmem>> -> memref<1x128xi32, #tpu.memory_space<vmem>>
    %dma_start3A_1217 = tpu.memref_squeeze %dma_start3A_1216 : memref<1x128xi32, #tpu.memory_space<vmem>> -> memref<128xi32, #tpu.memory_space<vmem>>
    %dma_start3A_1218 = arith.constant 0 : i32
    %dma_start3A_1219 = arith.constant 0 : i32
    %dma_start3A_1220 = tpu.memref_slice %arg2[%dma_start3A_1218, %dma_start3A_1219] : memref<2600000x16xf32, #tpu.memory_space<hbm>> -> memref<2600000x16xf32, #tpu.memory_space<hbm>>
    tpu.enqueue_indirect_dma source(%dma_start3A_1220 : memref<2600000x16xf32, #tpu.memory_space<hbm>>) target(%dma_start3A_1214 : memref<128x16xf32, #tpu.memory_space<vmem>>) offsets(%dma_start3A_1217 : memref<128xi32, #tpu.memory_space<vmem>>) semaphore(%arg9 : memref<!tpu.dma_semaphore, #tpu.memory_space<semaphore_mem>>)
    %dma_start3A_1221 = arith.constant 66 : i32
    %dma_start3A_1222 = arith.constant 128 : i32
    %dma_start3A_1223 = arith.constant 0 : i32
    %dma_start3A_1224 = tpu.memref_slice %arg7[%dma_start3A_1222, %dma_start3A_1223] : memref<1664x16xf32, #tpu.memory_space<vmem>> -> memref<128x16xf32, #tpu.memory_space<vmem>>
    %dma_start3A_1225 = arith.constant 0 : i32
    %dma_start3A_1226 = tpu.memref_slice %arg5[%dma_start3A_1221, %dma_start3A_1225] : memref<104x128xi32, #tpu.memory_space<vmem>> -> memref<1x128xi32, #tpu.memory_space<vmem>>
    %dma_start3A_1227 = tpu.memref_squeeze %dma_start3A_1226 : memref<1x128xi32, #tpu.memory_space<vmem>> -> memref<128xi32, #tpu.memory_space<vmem>>
    %dma_start3A_1228 = arith.constant 0 : i32
    %dma_start3A_1229 = arith.constant 0 : i32
    %dma_start3A_1230 = tpu.memref_slice %arg2[%dma_start3A_1228, %dma_start3A_1229] : memref<2600000x16xf32, #tpu.memory_space<hbm>> -> memref<2600000x16xf32, #tpu.memory_space<hbm>>
    tpu.enqueue_indirect_dma source(%dma_start3A_1230 : memref<2600000x16xf32, #tpu.memory_space<hbm>>) target(%dma_start3A_1224 : memref<128x16xf32, #tpu.memory_space<vmem>>) offsets(%dma_start3A_1227 : memref<128xi32, #tpu.memory_space<vmem>>) semaphore(%arg9 : memref<!tpu.dma_semaphore, #tpu.memory_space<semaphore_mem>>)
    %dma_start3A_1231 = arith.constant 67 : i32
    %dma_start3A_1232 = arith.constant 256 : i32
    %dma_start3A_1233 = arith.constant 0 : i32
    %dma_start3A_1234 = tpu.memref_slice %arg7[%dma_start3A_1232, %dma_start3A_1233] : memref<1664x16xf32, #tpu.memory_space<vmem>> -> memref<128x16xf32, #tpu.memory_space<vmem>>
    %dma_start3A_1235 = arith.constant 0 : i32
    %dma_start3A_1236 = tpu.memref_slice %arg5[%dma_start3A_1231, %dma_start3A_1235] : memref<104x128xi32, #tpu.memory_space<vmem>> -> memref<1x128xi32, #tpu.memory_space<vmem>>
    %dma_start3A_1237 = tpu.memref_squeeze %dma_start3A_1236 : memref<1x128xi32, #tpu.memory_space<vmem>> -> memref<128xi32, #tpu.memory_space<vmem>>
    %dma_start3A_1238 = arith.constant 0 : i32
    %dma_start3A_1239 = arith.constant 0 : i32
    %dma_start3A_1240 = tpu.memref_slice %arg2[%dma_start3A_1238, %dma_start3A_1239] : memref<2600000x16xf32, #tpu.memory_space<hbm>> -> memref<2600000x16xf32, #tpu.memory_space<hbm>>
    tpu.enqueue_indirect_dma source(%dma_start3A_1240 : memref<2600000x16xf32, #tpu.memory_space<hbm>>) target(%dma_start3A_1234 : memref<128x16xf32, #tpu.memory_space<vmem>>) offsets(%dma_start3A_1237 : memref<128xi32, #tpu.memory_space<vmem>>) semaphore(%arg9 : memref<!tpu.dma_semaphore, #tpu.memory_space<semaphore_mem>>)
    %dma_start3A_1241 = arith.constant 68 : i32
    %dma_start3A_1242 = arith.constant 384 : i32
    %dma_start3A_1243 = arith.constant 0 : i32
    %dma_start3A_1244 = tpu.memref_slice %arg7[%dma_start3A_1242, %dma_start3A_1243] : memref<1664x16xf32, #tpu.memory_space<vmem>> -> memref<128x16xf32, #tpu.memory_space<vmem>>
    %dma_start3A_1245 = arith.constant 0 : i32
    %dma_start3A_1246 = tpu.memref_slice %arg5[%dma_start3A_1241, %dma_start3A_1245] : memref<104x128xi32, #tpu.memory_space<vmem>> -> memref<1x128xi32, #tpu.memory_space<vmem>>
    %dma_start3A_1247 = tpu.memref_squeeze %dma_start3A_1246 : memref<1x128xi32, #tpu.memory_space<vmem>> -> memref<128xi32, #tpu.memory_space<vmem>>
    %dma_start3A_1248 = arith.constant 0 : i32
    %dma_start3A_1249 = arith.constant 0 : i32
    %dma_start3A_1250 = tpu.memref_slice %arg2[%dma_start3A_1248, %dma_start3A_1249] : memref<2600000x16xf32, #tpu.memory_space<hbm>> -> memref<2600000x16xf32, #tpu.memory_space<hbm>>
    tpu.enqueue_indirect_dma source(%dma_start3A_1250 : memref<2600000x16xf32, #tpu.memory_space<hbm>>) target(%dma_start3A_1244 : memref<128x16xf32, #tpu.memory_space<vmem>>) offsets(%dma_start3A_1247 : memref<128xi32, #tpu.memory_space<vmem>>) semaphore(%arg9 : memref<!tpu.dma_semaphore, #tpu.memory_space<semaphore_mem>>)
    %dma_start3A_1251 = arith.constant 69 : i32
    %dma_start3A_1252 = arith.constant 512 : i32
    %dma_start3A_1253 = arith.constant 0 : i32
    %dma_start3A_1254 = tpu.memref_slice %arg7[%dma_start3A_1252, %dma_start3A_1253] : memref<1664x16xf32, #tpu.memory_space<vmem>> -> memref<128x16xf32, #tpu.memory_space<vmem>>
    %dma_start3A_1255 = arith.constant 0 : i32
    %dma_start3A_1256 = tpu.memref_slice %arg5[%dma_start3A_1251, %dma_start3A_1255] : memref<104x128xi32, #tpu.memory_space<vmem>> -> memref<1x128xi32, #tpu.memory_space<vmem>>
    %dma_start3A_1257 = tpu.memref_squeeze %dma_start3A_1256 : memref<1x128xi32, #tpu.memory_space<vmem>> -> memref<128xi32, #tpu.memory_space<vmem>>
    %dma_start3A_1258 = arith.constant 0 : i32
    %dma_start3A_1259 = arith.constant 0 : i32
    %dma_start3A_1260 = tpu.memref_slice %arg2[%dma_start3A_1258, %dma_start3A_1259] : memref<2600000x16xf32, #tpu.memory_space<hbm>> -> memref<2600000x16xf32, #tpu.memory_space<hbm>>
    tpu.enqueue_indirect_dma source(%dma_start3A_1260 : memref<2600000x16xf32, #tpu.memory_space<hbm>>) target(%dma_start3A_1254 : memref<128x16xf32, #tpu.memory_space<vmem>>) offsets(%dma_start3A_1257 : memref<128xi32, #tpu.memory_space<vmem>>) semaphore(%arg9 : memref<!tpu.dma_semaphore, #tpu.memory_space<semaphore_mem>>)
    %dma_start3A_1261 = arith.constant 70 : i32
    %dma_start3A_1262 = arith.constant 640 : i32
    %dma_start3A_1263 = arith.constant 0 : i32
    %dma_start3A_1264 = tpu.memref_slice %arg7[%dma_start3A_1262, %dma_start3A_1263] : memref<1664x16xf32, #tpu.memory_space<vmem>> -> memref<128x16xf32, #tpu.memory_space<vmem>>
    %dma_start3A_1265 = arith.constant 0 : i32
    %dma_start3A_1266 = tpu.memref_slice %arg5[%dma_start3A_1261, %dma_start3A_1265] : memref<104x128xi32, #tpu.memory_space<vmem>> -> memref<1x128xi32, #tpu.memory_space<vmem>>
    %dma_start3A_1267 = tpu.memref_squeeze %dma_start3A_1266 : memref<1x128xi32, #tpu.memory_space<vmem>> -> memref<128xi32, #tpu.memory_space<vmem>>
    %dma_start3A_1268 = arith.constant 0 : i32
    %dma_start3A_1269 = arith.constant 0 : i32
    %dma_start3A_1270 = tpu.memref_slice %arg2[%dma_start3A_1268, %dma_start3A_1269] : memref<2600000x16xf32, #tpu.memory_space<hbm>> -> memref<2600000x16xf32, #tpu.memory_space<hbm>>
    tpu.enqueue_indirect_dma source(%dma_start3A_1270 : memref<2600000x16xf32, #tpu.memory_space<hbm>>) target(%dma_start3A_1264 : memref<128x16xf32, #tpu.memory_space<vmem>>) offsets(%dma_start3A_1267 : memref<128xi32, #tpu.memory_space<vmem>>) semaphore(%arg9 : memref<!tpu.dma_semaphore, #tpu.memory_space<semaphore_mem>>)
    %dma_start3A_1271 = arith.constant 71 : i32
    %dma_start3A_1272 = arith.constant 768 : i32
    %dma_start3A_1273 = arith.constant 0 : i32
    %dma_start3A_1274 = tpu.memref_slice %arg7[%dma_start3A_1272, %dma_start3A_1273] : memref<1664x16xf32, #tpu.memory_space<vmem>> -> memref<128x16xf32, #tpu.memory_space<vmem>>
    %dma_start3A_1275 = arith.constant 0 : i32
    %dma_start3A_1276 = tpu.memref_slice %arg5[%dma_start3A_1271, %dma_start3A_1275] : memref<104x128xi32, #tpu.memory_space<vmem>> -> memref<1x128xi32, #tpu.memory_space<vmem>>
    %dma_start3A_1277 = tpu.memref_squeeze %dma_start3A_1276 : memref<1x128xi32, #tpu.memory_space<vmem>> -> memref<128xi32, #tpu.memory_space<vmem>>
    %dma_start3A_1278 = arith.constant 0 : i32
    %dma_start3A_1279 = arith.constant 0 : i32
    %dma_start3A_1280 = tpu.memref_slice %arg2[%dma_start3A_1278, %dma_start3A_1279] : memref<2600000x16xf32, #tpu.memory_space<hbm>> -> memref<2600000x16xf32, #tpu.memory_space<hbm>>
    tpu.enqueue_indirect_dma source(%dma_start3A_1280 : memref<2600000x16xf32, #tpu.memory_space<hbm>>) target(%dma_start3A_1274 : memref<128x16xf32, #tpu.memory_space<vmem>>) offsets(%dma_start3A_1277 : memref<128xi32, #tpu.memory_space<vmem>>) semaphore(%arg9 : memref<!tpu.dma_semaphore, #tpu.memory_space<semaphore_mem>>)
    %dma_start3A_1281 = arith.constant 72 : i32
    %dma_start3A_1282 = arith.constant 896 : i32
    %dma_start3A_1283 = arith.constant 0 : i32
    %dma_start3A_1284 = tpu.memref_slice %arg7[%dma_start3A_1282, %dma_start3A_1283] : memref<1664x16xf32, #tpu.memory_space<vmem>> -> memref<128x16xf32, #tpu.memory_space<vmem>>
    %dma_start3A_1285 = arith.constant 0 : i32
    %dma_start3A_1286 = tpu.memref_slice %arg5[%dma_start3A_1281, %dma_start3A_1285] : memref<104x128xi32, #tpu.memory_space<vmem>> -> memref<1x128xi32, #tpu.memory_space<vmem>>
    %dma_start3A_1287 = tpu.memref_squeeze %dma_start3A_1286 : memref<1x128xi32, #tpu.memory_space<vmem>> -> memref<128xi32, #tpu.memory_space<vmem>>
    %dma_start3A_1288 = arith.constant 0 : i32
    %dma_start3A_1289 = arith.constant 0 : i32
    %dma_start3A_1290 = tpu.memref_slice %arg2[%dma_start3A_1288, %dma_start3A_1289] : memref<2600000x16xf32, #tpu.memory_space<hbm>> -> memref<2600000x16xf32, #tpu.memory_space<hbm>>
    tpu.enqueue_indirect_dma source(%dma_start3A_1290 : memref<2600000x16xf32, #tpu.memory_space<hbm>>) target(%dma_start3A_1284 : memref<128x16xf32, #tpu.memory_space<vmem>>) offsets(%dma_start3A_1287 : memref<128xi32, #tpu.memory_space<vmem>>) semaphore(%arg9 : memref<!tpu.dma_semaphore, #tpu.memory_space<semaphore_mem>>)
    %dma_start3A_1291 = arith.constant 73 : i32
    %dma_start3A_1292 = arith.constant 1024 : i32
    %dma_start3A_1293 = arith.constant 0 : i32
    %dma_start3A_1294 = tpu.memref_slice %arg7[%dma_start3A_1292, %dma_start3A_1293] : memref<1664x16xf32, #tpu.memory_space<vmem>> -> memref<128x16xf32, #tpu.memory_space<vmem>>
    %dma_start3A_1295 = arith.constant 0 : i32
    %dma_start3A_1296 = tpu.memref_slice %arg5[%dma_start3A_1291, %dma_start3A_1295] : memref<104x128xi32, #tpu.memory_space<vmem>> -> memref<1x128xi32, #tpu.memory_space<vmem>>
    %dma_start3A_1297 = tpu.memref_squeeze %dma_start3A_1296 : memref<1x128xi32, #tpu.memory_space<vmem>> -> memref<128xi32, #tpu.memory_space<vmem>>
    %dma_start3A_1298 = arith.constant 0 : i32
    %dma_start3A_1299 = arith.constant 0 : i32
    %dma_start3A_1300 = tpu.memref_slice %arg2[%dma_start3A_1298, %dma_start3A_1299] : memref<2600000x16xf32, #tpu.memory_space<hbm>> -> memref<2600000x16xf32, #tpu.memory_space<hbm>>
    tpu.enqueue_indirect_dma source(%dma_start3A_1300 : memref<2600000x16xf32, #tpu.memory_space<hbm>>) target(%dma_start3A_1294 : memref<128x16xf32, #tpu.memory_space<vmem>>) offsets(%dma_start3A_1297 : memref<128xi32, #tpu.memory_space<vmem>>) semaphore(%arg9 : memref<!tpu.dma_semaphore, #tpu.memory_space<semaphore_mem>>)
    %dma_start3A_1301 = arith.constant 74 : i32
    %dma_start3A_1302 = arith.constant 1152 : i32
    %dma_start3A_1303 = arith.constant 0 : i32
    %dma_start3A_1304 = tpu.memref_slice %arg7[%dma_start3A_1302, %dma_start3A_1303] : memref<1664x16xf32, #tpu.memory_space<vmem>> -> memref<128x16xf32, #tpu.memory_space<vmem>>
    %dma_start3A_1305 = arith.constant 0 : i32
    %dma_start3A_1306 = tpu.memref_slice %arg5[%dma_start3A_1301, %dma_start3A_1305] : memref<104x128xi32, #tpu.memory_space<vmem>> -> memref<1x128xi32, #tpu.memory_space<vmem>>
    %dma_start3A_1307 = tpu.memref_squeeze %dma_start3A_1306 : memref<1x128xi32, #tpu.memory_space<vmem>> -> memref<128xi32, #tpu.memory_space<vmem>>
    %dma_start3A_1308 = arith.constant 0 : i32
    %dma_start3A_1309 = arith.constant 0 : i32
    %dma_start3A_1310 = tpu.memref_slice %arg2[%dma_start3A_1308, %dma_start3A_1309] : memref<2600000x16xf32, #tpu.memory_space<hbm>> -> memref<2600000x16xf32, #tpu.memory_space<hbm>>
    tpu.enqueue_indirect_dma source(%dma_start3A_1310 : memref<2600000x16xf32, #tpu.memory_space<hbm>>) target(%dma_start3A_1304 : memref<128x16xf32, #tpu.memory_space<vmem>>) offsets(%dma_start3A_1307 : memref<128xi32, #tpu.memory_space<vmem>>) semaphore(%arg9 : memref<!tpu.dma_semaphore, #tpu.memory_space<semaphore_mem>>)
    %dma_start3A_1311 = arith.constant 75 : i32
    %dma_start3A_1312 = arith.constant 1280 : i32
    %dma_start3A_1313 = arith.constant 0 : i32
    %dma_start3A_1314 = tpu.memref_slice %arg7[%dma_start3A_1312, %dma_start3A_1313] : memref<1664x16xf32, #tpu.memory_space<vmem>> -> memref<128x16xf32, #tpu.memory_space<vmem>>
    %dma_start3A_1315 = arith.constant 0 : i32
    %dma_start3A_1316 = tpu.memref_slice %arg5[%dma_start3A_1311, %dma_start3A_1315] : memref<104x128xi32, #tpu.memory_space<vmem>> -> memref<1x128xi32, #tpu.memory_space<vmem>>
    %dma_start3A_1317 = tpu.memref_squeeze %dma_start3A_1316 : memref<1x128xi32, #tpu.memory_space<vmem>> -> memref<128xi32, #tpu.memory_space<vmem>>
    %dma_start3A_1318 = arith.constant 0 : i32
    %dma_start3A_1319 = arith.constant 0 : i32
    %dma_start3A_1320 = tpu.memref_slice %arg2[%dma_start3A_1318, %dma_start3A_1319] : memref<2600000x16xf32, #tpu.memory_space<hbm>> -> memref<2600000x16xf32, #tpu.memory_space<hbm>>
    tpu.enqueue_indirect_dma source(%dma_start3A_1320 : memref<2600000x16xf32, #tpu.memory_space<hbm>>) target(%dma_start3A_1314 : memref<128x16xf32, #tpu.memory_space<vmem>>) offsets(%dma_start3A_1317 : memref<128xi32, #tpu.memory_space<vmem>>) semaphore(%arg9 : memref<!tpu.dma_semaphore, #tpu.memory_space<semaphore_mem>>)
    %dma_start3A_1321 = arith.constant 76 : i32
    %dma_start3A_1322 = arith.constant 1408 : i32
    %dma_start3A_1323 = arith.constant 0 : i32
    %dma_start3A_1324 = tpu.memref_slice %arg7[%dma_start3A_1322, %dma_start3A_1323] : memref<1664x16xf32, #tpu.memory_space<vmem>> -> memref<128x16xf32, #tpu.memory_space<vmem>>
    %dma_start3A_1325 = arith.constant 0 : i32
    %dma_start3A_1326 = tpu.memref_slice %arg5[%dma_start3A_1321, %dma_start3A_1325] : memref<104x128xi32, #tpu.memory_space<vmem>> -> memref<1x128xi32, #tpu.memory_space<vmem>>
    %dma_start3A_1327 = tpu.memref_squeeze %dma_start3A_1326 : memref<1x128xi32, #tpu.memory_space<vmem>> -> memref<128xi32, #tpu.memory_space<vmem>>
    %dma_start3A_1328 = arith.constant 0 : i32
    %dma_start3A_1329 = arith.constant 0 : i32
    %dma_start3A_1330 = tpu.memref_slice %arg2[%dma_start3A_1328, %dma_start3A_1329] : memref<2600000x16xf32, #tpu.memory_space<hbm>> -> memref<2600000x16xf32, #tpu.memory_space<hbm>>
    tpu.enqueue_indirect_dma source(%dma_start3A_1330 : memref<2600000x16xf32, #tpu.memory_space<hbm>>) target(%dma_start3A_1324 : memref<128x16xf32, #tpu.memory_space<vmem>>) offsets(%dma_start3A_1327 : memref<128xi32, #tpu.memory_space<vmem>>) semaphore(%arg9 : memref<!tpu.dma_semaphore, #tpu.memory_space<semaphore_mem>>)
    %dma_start3A_1331 = arith.constant 77 : i32
    %dma_start3A_1332 = arith.constant 1536 : i32
    %dma_start3A_1333 = arith.constant 0 : i32
    %dma_start3A_1334 = tpu.memref_slice %arg7[%dma_start3A_1332, %dma_start3A_1333] : memref<1664x16xf32, #tpu.memory_space<vmem>> -> memref<128x16xf32, #tpu.memory_space<vmem>>
    %dma_start3A_1335 = arith.constant 0 : i32
    %dma_start3A_1336 = tpu.memref_slice %arg5[%dma_start3A_1331, %dma_start3A_1335] : memref<104x128xi32, #tpu.memory_space<vmem>> -> memref<1x128xi32, #tpu.memory_space<vmem>>
    %dma_start3A_1337 = tpu.memref_squeeze %dma_start3A_1336 : memref<1x128xi32, #tpu.memory_space<vmem>> -> memref<128xi32, #tpu.memory_space<vmem>>
    %dma_start3A_1338 = arith.constant 0 : i32
    %dma_start3A_1339 = arith.constant 0 : i32
    %dma_start3A_1340 = tpu.memref_slice %arg2[%dma_start3A_1338, %dma_start3A_1339] : memref<2600000x16xf32, #tpu.memory_space<hbm>> -> memref<2600000x16xf32, #tpu.memory_space<hbm>>
    tpu.enqueue_indirect_dma source(%dma_start3A_1340 : memref<2600000x16xf32, #tpu.memory_space<hbm>>) target(%dma_start3A_1334 : memref<128x16xf32, #tpu.memory_space<vmem>>) offsets(%dma_start3A_1337 : memref<128xi32, #tpu.memory_space<vmem>>) semaphore(%arg9 : memref<!tpu.dma_semaphore, #tpu.memory_space<semaphore_mem>>)
    %dma_wait3A_1341 = arith.constant 52 : i32
    %dma_wait3A_1342 = arith.constant 0 : i32
    %dma_wait3A_1343 = arith.constant 0 : i32
    %dma_wait3A_1344 = tpu.memref_slice %arg6[%dma_wait3A_1342, %dma_wait3A_1343] : memref<1664x16xf32, #tpu.memory_space<vmem>> -> memref<128x16xf32, #tpu.memory_space<vmem>>
    %dma_wait3A_1345 = arith.constant 0 : i32
    %dma_wait3A_1346 = tpu.memref_slice %arg5[%dma_wait3A_1341, %dma_wait3A_1345] : memref<104x128xi32, #tpu.memory_space<vmem>> -> memref<1x128xi32, #tpu.memory_space<vmem>>
    %dma_wait3A_1347 = tpu.memref_squeeze %dma_wait3A_1346 : memref<1x128xi32, #tpu.memory_space<vmem>> -> memref<128xi32, #tpu.memory_space<vmem>>
    %dma_wait3A_1348 = arith.constant 0 : i32
    %dma_wait3A_1349 = arith.constant 0 : i32
    %dma_wait3A_1350 = tpu.memref_slice %arg2[%dma_wait3A_1348, %dma_wait3A_1349] : memref<2600000x16xf32, #tpu.memory_space<hbm>> -> memref<2600000x16xf32, #tpu.memory_space<hbm>>
    tpu.wait_indirect_dma semaphore(%arg8 : memref<!tpu.dma_semaphore, #tpu.memory_space<semaphore_mem>>) src(%dma_wait3A_1350 : memref<2600000x16xf32, #tpu.memory_space<hbm>>) dst(%dma_wait3A_1344 : memref<128x16xf32, #tpu.memory_space<vmem>>)
    %dma_wait3A_1351 = arith.constant 53 : i32
    %dma_wait3A_1352 = arith.constant 128 : i32
    %dma_wait3A_1353 = arith.constant 0 : i32
    %dma_wait3A_1354 = tpu.memref_slice %arg6[%dma_wait3A_1352, %dma_wait3A_1353] : memref<1664x16xf32, #tpu.memory_space<vmem>> -> memref<128x16xf32, #tpu.memory_space<vmem>>
    %dma_wait3A_1355 = arith.constant 0 : i32
    %dma_wait3A_1356 = tpu.memref_slice %arg5[%dma_wait3A_1351, %dma_wait3A_1355] : memref<104x128xi32, #tpu.memory_space<vmem>> -> memref<1x128xi32, #tpu.memory_space<vmem>>
    %dma_wait3A_1357 = tpu.memref_squeeze %dma_wait3A_1356 : memref<1x128xi32, #tpu.memory_space<vmem>> -> memref<128xi32, #tpu.memory_space<vmem>>
    %dma_wait3A_1358 = arith.constant 0 : i32
    %dma_wait3A_1359 = arith.constant 0 : i32
    %dma_wait3A_1360 = tpu.memref_slice %arg2[%dma_wait3A_1358, %dma_wait3A_1359] : memref<2600000x16xf32, #tpu.memory_space<hbm>> -> memref<2600000x16xf32, #tpu.memory_space<hbm>>
    tpu.wait_indirect_dma semaphore(%arg8 : memref<!tpu.dma_semaphore, #tpu.memory_space<semaphore_mem>>) src(%dma_wait3A_1360 : memref<2600000x16xf32, #tpu.memory_space<hbm>>) dst(%dma_wait3A_1354 : memref<128x16xf32, #tpu.memory_space<vmem>>)
    %dma_wait3A_1361 = arith.constant 54 : i32
    %dma_wait3A_1362 = arith.constant 256 : i32
    %dma_wait3A_1363 = arith.constant 0 : i32
    %dma_wait3A_1364 = tpu.memref_slice %arg6[%dma_wait3A_1362, %dma_wait3A_1363] : memref<1664x16xf32, #tpu.memory_space<vmem>> -> memref<128x16xf32, #tpu.memory_space<vmem>>
    %dma_wait3A_1365 = arith.constant 0 : i32
    %dma_wait3A_1366 = tpu.memref_slice %arg5[%dma_wait3A_1361, %dma_wait3A_1365] : memref<104x128xi32, #tpu.memory_space<vmem>> -> memref<1x128xi32, #tpu.memory_space<vmem>>
    %dma_wait3A_1367 = tpu.memref_squeeze %dma_wait3A_1366 : memref<1x128xi32, #tpu.memory_space<vmem>> -> memref<128xi32, #tpu.memory_space<vmem>>
    %dma_wait3A_1368 = arith.constant 0 : i32
    %dma_wait3A_1369 = arith.constant 0 : i32
    %dma_wait3A_1370 = tpu.memref_slice %arg2[%dma_wait3A_1368, %dma_wait3A_1369] : memref<2600000x16xf32, #tpu.memory_space<hbm>> -> memref<2600000x16xf32, #tpu.memory_space<hbm>>
    tpu.wait_indirect_dma semaphore(%arg8 : memref<!tpu.dma_semaphore, #tpu.memory_space<semaphore_mem>>) src(%dma_wait3A_1370 : memref<2600000x16xf32, #tpu.memory_space<hbm>>) dst(%dma_wait3A_1364 : memref<128x16xf32, #tpu.memory_space<vmem>>)
    %dma_wait3A_1371 = arith.constant 55 : i32
    %dma_wait3A_1372 = arith.constant 384 : i32
    %dma_wait3A_1373 = arith.constant 0 : i32
    %dma_wait3A_1374 = tpu.memref_slice %arg6[%dma_wait3A_1372, %dma_wait3A_1373] : memref<1664x16xf32, #tpu.memory_space<vmem>> -> memref<128x16xf32, #tpu.memory_space<vmem>>
    %dma_wait3A_1375 = arith.constant 0 : i32
    %dma_wait3A_1376 = tpu.memref_slice %arg5[%dma_wait3A_1371, %dma_wait3A_1375] : memref<104x128xi32, #tpu.memory_space<vmem>> -> memref<1x128xi32, #tpu.memory_space<vmem>>
    %dma_wait3A_1377 = tpu.memref_squeeze %dma_wait3A_1376 : memref<1x128xi32, #tpu.memory_space<vmem>> -> memref<128xi32, #tpu.memory_space<vmem>>
    %dma_wait3A_1378 = arith.constant 0 : i32
    %dma_wait3A_1379 = arith.constant 0 : i32
    %dma_wait3A_1380 = tpu.memref_slice %arg2[%dma_wait3A_1378, %dma_wait3A_1379] : memref<2600000x16xf32, #tpu.memory_space<hbm>> -> memref<2600000x16xf32, #tpu.memory_space<hbm>>
    tpu.wait_indirect_dma semaphore(%arg8 : memref<!tpu.dma_semaphore, #tpu.memory_space<semaphore_mem>>) src(%dma_wait3A_1380 : memref<2600000x16xf32, #tpu.memory_space<hbm>>) dst(%dma_wait3A_1374 : memref<128x16xf32, #tpu.memory_space<vmem>>)
    %dma_wait3A_1381 = arith.constant 56 : i32
    %dma_wait3A_1382 = arith.constant 512 : i32
    %dma_wait3A_1383 = arith.constant 0 : i32
    %dma_wait3A_1384 = tpu.memref_slice %arg6[%dma_wait3A_1382, %dma_wait3A_1383] : memref<1664x16xf32, #tpu.memory_space<vmem>> -> memref<128x16xf32, #tpu.memory_space<vmem>>
    %dma_wait3A_1385 = arith.constant 0 : i32
    %dma_wait3A_1386 = tpu.memref_slice %arg5[%dma_wait3A_1381, %dma_wait3A_1385] : memref<104x128xi32, #tpu.memory_space<vmem>> -> memref<1x128xi32, #tpu.memory_space<vmem>>
    %dma_wait3A_1387 = tpu.memref_squeeze %dma_wait3A_1386 : memref<1x128xi32, #tpu.memory_space<vmem>> -> memref<128xi32, #tpu.memory_space<vmem>>
    %dma_wait3A_1388 = arith.constant 0 : i32
    %dma_wait3A_1389 = arith.constant 0 : i32
    %dma_wait3A_1390 = tpu.memref_slice %arg2[%dma_wait3A_1388, %dma_wait3A_1389] : memref<2600000x16xf32, #tpu.memory_space<hbm>> -> memref<2600000x16xf32, #tpu.memory_space<hbm>>
    tpu.wait_indirect_dma semaphore(%arg8 : memref<!tpu.dma_semaphore, #tpu.memory_space<semaphore_mem>>) src(%dma_wait3A_1390 : memref<2600000x16xf32, #tpu.memory_space<hbm>>) dst(%dma_wait3A_1384 : memref<128x16xf32, #tpu.memory_space<vmem>>)
    %dma_wait3A_1391 = arith.constant 57 : i32
    %dma_wait3A_1392 = arith.constant 640 : i32
    %dma_wait3A_1393 = arith.constant 0 : i32
    %dma_wait3A_1394 = tpu.memref_slice %arg6[%dma_wait3A_1392, %dma_wait3A_1393] : memref<1664x16xf32, #tpu.memory_space<vmem>> -> memref<128x16xf32, #tpu.memory_space<vmem>>
    %dma_wait3A_1395 = arith.constant 0 : i32
    %dma_wait3A_1396 = tpu.memref_slice %arg5[%dma_wait3A_1391, %dma_wait3A_1395] : memref<104x128xi32, #tpu.memory_space<vmem>> -> memref<1x128xi32, #tpu.memory_space<vmem>>
    %dma_wait3A_1397 = tpu.memref_squeeze %dma_wait3A_1396 : memref<1x128xi32, #tpu.memory_space<vmem>> -> memref<128xi32, #tpu.memory_space<vmem>>
    %dma_wait3A_1398 = arith.constant 0 : i32
    %dma_wait3A_1399 = arith.constant 0 : i32
    %dma_wait3A_1400 = tpu.memref_slice %arg2[%dma_wait3A_1398, %dma_wait3A_1399] : memref<2600000x16xf32, #tpu.memory_space<hbm>> -> memref<2600000x16xf32, #tpu.memory_space<hbm>>
    tpu.wait_indirect_dma semaphore(%arg8 : memref<!tpu.dma_semaphore, #tpu.memory_space<semaphore_mem>>) src(%dma_wait3A_1400 : memref<2600000x16xf32, #tpu.memory_space<hbm>>) dst(%dma_wait3A_1394 : memref<128x16xf32, #tpu.memory_space<vmem>>)
    %dma_wait3A_1401 = arith.constant 58 : i32
    %dma_wait3A_1402 = arith.constant 768 : i32
    %dma_wait3A_1403 = arith.constant 0 : i32
    %dma_wait3A_1404 = tpu.memref_slice %arg6[%dma_wait3A_1402, %dma_wait3A_1403] : memref<1664x16xf32, #tpu.memory_space<vmem>> -> memref<128x16xf32, #tpu.memory_space<vmem>>
    %dma_wait3A_1405 = arith.constant 0 : i32
    %dma_wait3A_1406 = tpu.memref_slice %arg5[%dma_wait3A_1401, %dma_wait3A_1405] : memref<104x128xi32, #tpu.memory_space<vmem>> -> memref<1x128xi32, #tpu.memory_space<vmem>>
    %dma_wait3A_1407 = tpu.memref_squeeze %dma_wait3A_1406 : memref<1x128xi32, #tpu.memory_space<vmem>> -> memref<128xi32, #tpu.memory_space<vmem>>
    %dma_wait3A_1408 = arith.constant 0 : i32
    %dma_wait3A_1409 = arith.constant 0 : i32
    %dma_wait3A_1410 = tpu.memref_slice %arg2[%dma_wait3A_1408, %dma_wait3A_1409] : memref<2600000x16xf32, #tpu.memory_space<hbm>> -> memref<2600000x16xf32, #tpu.memory_space<hbm>>
    tpu.wait_indirect_dma semaphore(%arg8 : memref<!tpu.dma_semaphore, #tpu.memory_space<semaphore_mem>>) src(%dma_wait3A_1410 : memref<2600000x16xf32, #tpu.memory_space<hbm>>) dst(%dma_wait3A_1404 : memref<128x16xf32, #tpu.memory_space<vmem>>)
    %dma_wait3A_1411 = arith.constant 59 : i32
    %dma_wait3A_1412 = arith.constant 896 : i32
    %dma_wait3A_1413 = arith.constant 0 : i32
    %dma_wait3A_1414 = tpu.memref_slice %arg6[%dma_wait3A_1412, %dma_wait3A_1413] : memref<1664x16xf32, #tpu.memory_space<vmem>> -> memref<128x16xf32, #tpu.memory_space<vmem>>
    %dma_wait3A_1415 = arith.constant 0 : i32
    %dma_wait3A_1416 = tpu.memref_slice %arg5[%dma_wait3A_1411, %dma_wait3A_1415] : memref<104x128xi32, #tpu.memory_space<vmem>> -> memref<1x128xi32, #tpu.memory_space<vmem>>
    %dma_wait3A_1417 = tpu.memref_squeeze %dma_wait3A_1416 : memref<1x128xi32, #tpu.memory_space<vmem>> -> memref<128xi32, #tpu.memory_space<vmem>>
    %dma_wait3A_1418 = arith.constant 0 : i32
    %dma_wait3A_1419 = arith.constant 0 : i32
    %dma_wait3A_1420 = tpu.memref_slice %arg2[%dma_wait3A_1418, %dma_wait3A_1419] : memref<2600000x16xf32, #tpu.memory_space<hbm>> -> memref<2600000x16xf32, #tpu.memory_space<hbm>>
    tpu.wait_indirect_dma semaphore(%arg8 : memref<!tpu.dma_semaphore, #tpu.memory_space<semaphore_mem>>) src(%dma_wait3A_1420 : memref<2600000x16xf32, #tpu.memory_space<hbm>>) dst(%dma_wait3A_1414 : memref<128x16xf32, #tpu.memory_space<vmem>>)
    %dma_wait3A_1421 = arith.constant 60 : i32
    %dma_wait3A_1422 = arith.constant 1024 : i32
    %dma_wait3A_1423 = arith.constant 0 : i32
    %dma_wait3A_1424 = tpu.memref_slice %arg6[%dma_wait3A_1422, %dma_wait3A_1423] : memref<1664x16xf32, #tpu.memory_space<vmem>> -> memref<128x16xf32, #tpu.memory_space<vmem>>
    %dma_wait3A_1425 = arith.constant 0 : i32
    %dma_wait3A_1426 = tpu.memref_slice %arg5[%dma_wait3A_1421, %dma_wait3A_1425] : memref<104x128xi32, #tpu.memory_space<vmem>> -> memref<1x128xi32, #tpu.memory_space<vmem>>
    %dma_wait3A_1427 = tpu.memref_squeeze %dma_wait3A_1426 : memref<1x128xi32, #tpu.memory_space<vmem>> -> memref<128xi32, #tpu.memory_space<vmem>>
    %dma_wait3A_1428 = arith.constant 0 : i32
    %dma_wait3A_1429 = arith.constant 0 : i32
    %dma_wait3A_1430 = tpu.memref_slice %arg2[%dma_wait3A_1428, %dma_wait3A_1429] : memref<2600000x16xf32, #tpu.memory_space<hbm>> -> memref<2600000x16xf32, #tpu.memory_space<hbm>>
    tpu.wait_indirect_dma semaphore(%arg8 : memref<!tpu.dma_semaphore, #tpu.memory_space<semaphore_mem>>) src(%dma_wait3A_1430 : memref<2600000x16xf32, #tpu.memory_space<hbm>>) dst(%dma_wait3A_1424 : memref<128x16xf32, #tpu.memory_space<vmem>>)
    %dma_wait3A_1431 = arith.constant 61 : i32
    %dma_wait3A_1432 = arith.constant 1152 : i32
    %dma_wait3A_1433 = arith.constant 0 : i32
    %dma_wait3A_1434 = tpu.memref_slice %arg6[%dma_wait3A_1432, %dma_wait3A_1433] : memref<1664x16xf32, #tpu.memory_space<vmem>> -> memref<128x16xf32, #tpu.memory_space<vmem>>
    %dma_wait3A_1435 = arith.constant 0 : i32
    %dma_wait3A_1436 = tpu.memref_slice %arg5[%dma_wait3A_1431, %dma_wait3A_1435] : memref<104x128xi32, #tpu.memory_space<vmem>> -> memref<1x128xi32, #tpu.memory_space<vmem>>
    %dma_wait3A_1437 = tpu.memref_squeeze %dma_wait3A_1436 : memref<1x128xi32, #tpu.memory_space<vmem>> -> memref<128xi32, #tpu.memory_space<vmem>>
    %dma_wait3A_1438 = arith.constant 0 : i32
    %dma_wait3A_1439 = arith.constant 0 : i32
    %dma_wait3A_1440 = tpu.memref_slice %arg2[%dma_wait3A_1438, %dma_wait3A_1439] : memref<2600000x16xf32, #tpu.memory_space<hbm>> -> memref<2600000x16xf32, #tpu.memory_space<hbm>>
    tpu.wait_indirect_dma semaphore(%arg8 : memref<!tpu.dma_semaphore, #tpu.memory_space<semaphore_mem>>) src(%dma_wait3A_1440 : memref<2600000x16xf32, #tpu.memory_space<hbm>>) dst(%dma_wait3A_1434 : memref<128x16xf32, #tpu.memory_space<vmem>>)
    %dma_wait3A_1441 = arith.constant 62 : i32
    %dma_wait3A_1442 = arith.constant 1280 : i32
    %dma_wait3A_1443 = arith.constant 0 : i32
    %dma_wait3A_1444 = tpu.memref_slice %arg6[%dma_wait3A_1442, %dma_wait3A_1443] : memref<1664x16xf32, #tpu.memory_space<vmem>> -> memref<128x16xf32, #tpu.memory_space<vmem>>
    %dma_wait3A_1445 = arith.constant 0 : i32
    %dma_wait3A_1446 = tpu.memref_slice %arg5[%dma_wait3A_1441, %dma_wait3A_1445] : memref<104x128xi32, #tpu.memory_space<vmem>> -> memref<1x128xi32, #tpu.memory_space<vmem>>
    %dma_wait3A_1447 = tpu.memref_squeeze %dma_wait3A_1446 : memref<1x128xi32, #tpu.memory_space<vmem>> -> memref<128xi32, #tpu.memory_space<vmem>>
    %dma_wait3A_1448 = arith.constant 0 : i32
    %dma_wait3A_1449 = arith.constant 0 : i32
    %dma_wait3A_1450 = tpu.memref_slice %arg2[%dma_wait3A_1448, %dma_wait3A_1449] : memref<2600000x16xf32, #tpu.memory_space<hbm>> -> memref<2600000x16xf32, #tpu.memory_space<hbm>>
    tpu.wait_indirect_dma semaphore(%arg8 : memref<!tpu.dma_semaphore, #tpu.memory_space<semaphore_mem>>) src(%dma_wait3A_1450 : memref<2600000x16xf32, #tpu.memory_space<hbm>>) dst(%dma_wait3A_1444 : memref<128x16xf32, #tpu.memory_space<vmem>>)
    %dma_wait3A_1451 = arith.constant 63 : i32
    %dma_wait3A_1452 = arith.constant 1408 : i32
    %dma_wait3A_1453 = arith.constant 0 : i32
    %dma_wait3A_1454 = tpu.memref_slice %arg6[%dma_wait3A_1452, %dma_wait3A_1453] : memref<1664x16xf32, #tpu.memory_space<vmem>> -> memref<128x16xf32, #tpu.memory_space<vmem>>
    %dma_wait3A_1455 = arith.constant 0 : i32
    %dma_wait3A_1456 = tpu.memref_slice %arg5[%dma_wait3A_1451, %dma_wait3A_1455] : memref<104x128xi32, #tpu.memory_space<vmem>> -> memref<1x128xi32, #tpu.memory_space<vmem>>
    %dma_wait3A_1457 = tpu.memref_squeeze %dma_wait3A_1456 : memref<1x128xi32, #tpu.memory_space<vmem>> -> memref<128xi32, #tpu.memory_space<vmem>>
    %dma_wait3A_1458 = arith.constant 0 : i32
    %dma_wait3A_1459 = arith.constant 0 : i32
    %dma_wait3A_1460 = tpu.memref_slice %arg2[%dma_wait3A_1458, %dma_wait3A_1459] : memref<2600000x16xf32, #tpu.memory_space<hbm>> -> memref<2600000x16xf32, #tpu.memory_space<hbm>>
    tpu.wait_indirect_dma semaphore(%arg8 : memref<!tpu.dma_semaphore, #tpu.memory_space<semaphore_mem>>) src(%dma_wait3A_1460 : memref<2600000x16xf32, #tpu.memory_space<hbm>>) dst(%dma_wait3A_1454 : memref<128x16xf32, #tpu.memory_space<vmem>>)
    %dma_wait3A_1461 = arith.constant 64 : i32
    %dma_wait3A_1462 = arith.constant 1536 : i32
    %dma_wait3A_1463 = arith.constant 0 : i32
    %dma_wait3A_1464 = tpu.memref_slice %arg6[%dma_wait3A_1462, %dma_wait3A_1463] : memref<1664x16xf32, #tpu.memory_space<vmem>> -> memref<128x16xf32, #tpu.memory_space<vmem>>
    %dma_wait3A_1465 = arith.constant 0 : i32
    %dma_wait3A_1466 = tpu.memref_slice %arg5[%dma_wait3A_1461, %dma_wait3A_1465] : memref<104x128xi32, #tpu.memory_space<vmem>> -> memref<1x128xi32, #tpu.memory_space<vmem>>
    %dma_wait3A_1467 = tpu.memref_squeeze %dma_wait3A_1466 : memref<1x128xi32, #tpu.memory_space<vmem>> -> memref<128xi32, #tpu.memory_space<vmem>>
    %dma_wait3A_1468 = arith.constant 0 : i32
    %dma_wait3A_1469 = arith.constant 0 : i32
    %dma_wait3A_1470 = tpu.memref_slice %arg2[%dma_wait3A_1468, %dma_wait3A_1469] : memref<2600000x16xf32, #tpu.memory_space<hbm>> -> memref<2600000x16xf32, #tpu.memory_space<hbm>>
    tpu.wait_indirect_dma semaphore(%arg8 : memref<!tpu.dma_semaphore, #tpu.memory_space<semaphore_mem>>) src(%dma_wait3A_1470 : memref<2600000x16xf32, #tpu.memory_space<hbm>>) dst(%dma_wait3A_1464 : memref<128x16xf32, #tpu.memory_space<vmem>>)
    %add3A_1471 = arith.constant 6656 : i32
    %add3A_1472 = arith.addi %mul3A_2, %add3A_1471 : i32
    %dma_start3A_1473 = arith.constant 0 : i32
    %dma_start3A_1474 = tpu.memref_slice %arg4[%add3A_1472, %dma_start3A_1473] : memref<425984x16xf32, #tpu.memory_space<hbm>> -> memref<1664x16xf32, #tpu.memory_space<hbm>>
    %dma_start3A_1475 = arith.constant 0 : i32
    %dma_start3A_1476 = tpu.memref_slice %arg4[%add3A_1472, %dma_start3A_1475] : memref<425984x16xf32, #tpu.memory_space<hbm>> -> memref<1664x16xf32, #tpu.memory_space<hbm>>
    tpu.enqueue_dma source(%arg6 : memref<1664x16xf32, #tpu.memory_space<vmem>>) target(%dma_start3A_1476 : memref<1664x16xf32, #tpu.memory_space<hbm>>) target_semaphore(%arg10 : memref<!tpu.dma_semaphore, #tpu.memory_space<semaphore_mem>>)
    %dma_wait3A_1477 = arith.constant 0 : i32
    %dma_wait3A_1478 = tpu.memref_slice %arg4[%add3A_1472, %dma_wait3A_1477] : memref<425984x16xf32, #tpu.memory_space<hbm>> -> memref<1664x16xf32, #tpu.memory_space<hbm>>
    %dma_wait3A_1479 = arith.constant 0 : i32
    %dma_wait3A_1480 = tpu.memref_slice %arg4[%add3A_1472, %dma_wait3A_1479] : memref<425984x16xf32, #tpu.memory_space<hbm>> -> memref<1664x16xf32, #tpu.memory_space<hbm>>
    tpu.wait_dma2 semaphore(%arg10 : memref<!tpu.dma_semaphore, #tpu.memory_space<semaphore_mem>>) src(%arg6 : memref<1664x16xf32, #tpu.memory_space<vmem>>) dst(%dma_wait3A_1480 : memref<1664x16xf32, #tpu.memory_space<hbm>>)
    %dma_start3A_1481 = arith.constant 78 : i32
    %dma_start3A_1482 = arith.constant 0 : i32
    %dma_start3A_1483 = arith.constant 0 : i32
    %dma_start3A_1484 = tpu.memref_slice %arg6[%dma_start3A_1482, %dma_start3A_1483] : memref<1664x16xf32, #tpu.memory_space<vmem>> -> memref<128x16xf32, #tpu.memory_space<vmem>>
    %dma_start3A_1485 = arith.constant 0 : i32
    %dma_start3A_1486 = tpu.memref_slice %arg5[%dma_start3A_1481, %dma_start3A_1485] : memref<104x128xi32, #tpu.memory_space<vmem>> -> memref<1x128xi32, #tpu.memory_space<vmem>>
    %dma_start3A_1487 = tpu.memref_squeeze %dma_start3A_1486 : memref<1x128xi32, #tpu.memory_space<vmem>> -> memref<128xi32, #tpu.memory_space<vmem>>
    %dma_start3A_1488 = arith.constant 0 : i32
    %dma_start3A_1489 = arith.constant 0 : i32
    %dma_start3A_1490 = tpu.memref_slice %arg2[%dma_start3A_1488, %dma_start3A_1489] : memref<2600000x16xf32, #tpu.memory_space<hbm>> -> memref<2600000x16xf32, #tpu.memory_space<hbm>>
    tpu.enqueue_indirect_dma source(%dma_start3A_1490 : memref<2600000x16xf32, #tpu.memory_space<hbm>>) target(%dma_start3A_1484 : memref<128x16xf32, #tpu.memory_space<vmem>>) offsets(%dma_start3A_1487 : memref<128xi32, #tpu.memory_space<vmem>>) semaphore(%arg8 : memref<!tpu.dma_semaphore, #tpu.memory_space<semaphore_mem>>)
    %dma_start3A_1491 = arith.constant 79 : i32
    %dma_start3A_1492 = arith.constant 128 : i32
    %dma_start3A_1493 = arith.constant 0 : i32
    %dma_start3A_1494 = tpu.memref_slice %arg6[%dma_start3A_1492, %dma_start3A_1493] : memref<1664x16xf32, #tpu.memory_space<vmem>> -> memref<128x16xf32, #tpu.memory_space<vmem>>
    %dma_start3A_1495 = arith.constant 0 : i32
    %dma_start3A_1496 = tpu.memref_slice %arg5[%dma_start3A_1491, %dma_start3A_1495] : memref<104x128xi32, #tpu.memory_space<vmem>> -> memref<1x128xi32, #tpu.memory_space<vmem>>
    %dma_start3A_1497 = tpu.memref_squeeze %dma_start3A_1496 : memref<1x128xi32, #tpu.memory_space<vmem>> -> memref<128xi32, #tpu.memory_space<vmem>>
    %dma_start3A_1498 = arith.constant 0 : i32
    %dma_start3A_1499 = arith.constant 0 : i32
    %dma_start3A_1500 = tpu.memref_slice %arg2[%dma_start3A_1498, %dma_start3A_1499] : memref<2600000x16xf32, #tpu.memory_space<hbm>> -> memref<2600000x16xf32, #tpu.memory_space<hbm>>
    tpu.enqueue_indirect_dma source(%dma_start3A_1500 : memref<2600000x16xf32, #tpu.memory_space<hbm>>) target(%dma_start3A_1494 : memref<128x16xf32, #tpu.memory_space<vmem>>) offsets(%dma_start3A_1497 : memref<128xi32, #tpu.memory_space<vmem>>) semaphore(%arg8 : memref<!tpu.dma_semaphore, #tpu.memory_space<semaphore_mem>>)
    %dma_start3A_1501 = arith.constant 80 : i32
    %dma_start3A_1502 = arith.constant 256 : i32
    %dma_start3A_1503 = arith.constant 0 : i32
    %dma_start3A_1504 = tpu.memref_slice %arg6[%dma_start3A_1502, %dma_start3A_1503] : memref<1664x16xf32, #tpu.memory_space<vmem>> -> memref<128x16xf32, #tpu.memory_space<vmem>>
    %dma_start3A_1505 = arith.constant 0 : i32
    %dma_start3A_1506 = tpu.memref_slice %arg5[%dma_start3A_1501, %dma_start3A_1505] : memref<104x128xi32, #tpu.memory_space<vmem>> -> memref<1x128xi32, #tpu.memory_space<vmem>>
    %dma_start3A_1507 = tpu.memref_squeeze %dma_start3A_1506 : memref<1x128xi32, #tpu.memory_space<vmem>> -> memref<128xi32, #tpu.memory_space<vmem>>
    %dma_start3A_1508 = arith.constant 0 : i32
    %dma_start3A_1509 = arith.constant 0 : i32
    %dma_start3A_1510 = tpu.memref_slice %arg2[%dma_start3A_1508, %dma_start3A_1509] : memref<2600000x16xf32, #tpu.memory_space<hbm>> -> memref<2600000x16xf32, #tpu.memory_space<hbm>>
    tpu.enqueue_indirect_dma source(%dma_start3A_1510 : memref<2600000x16xf32, #tpu.memory_space<hbm>>) target(%dma_start3A_1504 : memref<128x16xf32, #tpu.memory_space<vmem>>) offsets(%dma_start3A_1507 : memref<128xi32, #tpu.memory_space<vmem>>) semaphore(%arg8 : memref<!tpu.dma_semaphore, #tpu.memory_space<semaphore_mem>>)
    %dma_start3A_1511 = arith.constant 81 : i32
    %dma_start3A_1512 = arith.constant 384 : i32
    %dma_start3A_1513 = arith.constant 0 : i32
    %dma_start3A_1514 = tpu.memref_slice %arg6[%dma_start3A_1512, %dma_start3A_1513] : memref<1664x16xf32, #tpu.memory_space<vmem>> -> memref<128x16xf32, #tpu.memory_space<vmem>>
    %dma_start3A_1515 = arith.constant 0 : i32
    %dma_start3A_1516 = tpu.memref_slice %arg5[%dma_start3A_1511, %dma_start3A_1515] : memref<104x128xi32, #tpu.memory_space<vmem>> -> memref<1x128xi32, #tpu.memory_space<vmem>>
    %dma_start3A_1517 = tpu.memref_squeeze %dma_start3A_1516 : memref<1x128xi32, #tpu.memory_space<vmem>> -> memref<128xi32, #tpu.memory_space<vmem>>
    %dma_start3A_1518 = arith.constant 0 : i32
    %dma_start3A_1519 = arith.constant 0 : i32
    %dma_start3A_1520 = tpu.memref_slice %arg2[%dma_start3A_1518, %dma_start3A_1519] : memref<2600000x16xf32, #tpu.memory_space<hbm>> -> memref<2600000x16xf32, #tpu.memory_space<hbm>>
    tpu.enqueue_indirect_dma source(%dma_start3A_1520 : memref<2600000x16xf32, #tpu.memory_space<hbm>>) target(%dma_start3A_1514 : memref<128x16xf32, #tpu.memory_space<vmem>>) offsets(%dma_start3A_1517 : memref<128xi32, #tpu.memory_space<vmem>>) semaphore(%arg8 : memref<!tpu.dma_semaphore, #tpu.memory_space<semaphore_mem>>)
    %dma_start3A_1521 = arith.constant 82 : i32
    %dma_start3A_1522 = arith.constant 512 : i32
    %dma_start3A_1523 = arith.constant 0 : i32
    %dma_start3A_1524 = tpu.memref_slice %arg6[%dma_start3A_1522, %dma_start3A_1523] : memref<1664x16xf32, #tpu.memory_space<vmem>> -> memref<128x16xf32, #tpu.memory_space<vmem>>
    %dma_start3A_1525 = arith.constant 0 : i32
    %dma_start3A_1526 = tpu.memref_slice %arg5[%dma_start3A_1521, %dma_start3A_1525] : memref<104x128xi32, #tpu.memory_space<vmem>> -> memref<1x128xi32, #tpu.memory_space<vmem>>
    %dma_start3A_1527 = tpu.memref_squeeze %dma_start3A_1526 : memref<1x128xi32, #tpu.memory_space<vmem>> -> memref<128xi32, #tpu.memory_space<vmem>>
    %dma_start3A_1528 = arith.constant 0 : i32
    %dma_start3A_1529 = arith.constant 0 : i32
    %dma_start3A_1530 = tpu.memref_slice %arg2[%dma_start3A_1528, %dma_start3A_1529] : memref<2600000x16xf32, #tpu.memory_space<hbm>> -> memref<2600000x16xf32, #tpu.memory_space<hbm>>
    tpu.enqueue_indirect_dma source(%dma_start3A_1530 : memref<2600000x16xf32, #tpu.memory_space<hbm>>) target(%dma_start3A_1524 : memref<128x16xf32, #tpu.memory_space<vmem>>) offsets(%dma_start3A_1527 : memref<128xi32, #tpu.memory_space<vmem>>) semaphore(%arg8 : memref<!tpu.dma_semaphore, #tpu.memory_space<semaphore_mem>>)
    %dma_start3A_1531 = arith.constant 83 : i32
    %dma_start3A_1532 = arith.constant 640 : i32
    %dma_start3A_1533 = arith.constant 0 : i32
    %dma_start3A_1534 = tpu.memref_slice %arg6[%dma_start3A_1532, %dma_start3A_1533] : memref<1664x16xf32, #tpu.memory_space<vmem>> -> memref<128x16xf32, #tpu.memory_space<vmem>>
    %dma_start3A_1535 = arith.constant 0 : i32
    %dma_start3A_1536 = tpu.memref_slice %arg5[%dma_start3A_1531, %dma_start3A_1535] : memref<104x128xi32, #tpu.memory_space<vmem>> -> memref<1x128xi32, #tpu.memory_space<vmem>>
    %dma_start3A_1537 = tpu.memref_squeeze %dma_start3A_1536 : memref<1x128xi32, #tpu.memory_space<vmem>> -> memref<128xi32, #tpu.memory_space<vmem>>
    %dma_start3A_1538 = arith.constant 0 : i32
    %dma_start3A_1539 = arith.constant 0 : i32
    %dma_start3A_1540 = tpu.memref_slice %arg2[%dma_start3A_1538, %dma_start3A_1539] : memref<2600000x16xf32, #tpu.memory_space<hbm>> -> memref<2600000x16xf32, #tpu.memory_space<hbm>>
    tpu.enqueue_indirect_dma source(%dma_start3A_1540 : memref<2600000x16xf32, #tpu.memory_space<hbm>>) target(%dma_start3A_1534 : memref<128x16xf32, #tpu.memory_space<vmem>>) offsets(%dma_start3A_1537 : memref<128xi32, #tpu.memory_space<vmem>>) semaphore(%arg8 : memref<!tpu.dma_semaphore, #tpu.memory_space<semaphore_mem>>)
    %dma_start3A_1541 = arith.constant 84 : i32
    %dma_start3A_1542 = arith.constant 768 : i32
    %dma_start3A_1543 = arith.constant 0 : i32
    %dma_start3A_1544 = tpu.memref_slice %arg6[%dma_start3A_1542, %dma_start3A_1543] : memref<1664x16xf32, #tpu.memory_space<vmem>> -> memref<128x16xf32, #tpu.memory_space<vmem>>
    %dma_start3A_1545 = arith.constant 0 : i32
    %dma_start3A_1546 = tpu.memref_slice %arg5[%dma_start3A_1541, %dma_start3A_1545] : memref<104x128xi32, #tpu.memory_space<vmem>> -> memref<1x128xi32, #tpu.memory_space<vmem>>
    %dma_start3A_1547 = tpu.memref_squeeze %dma_start3A_1546 : memref<1x128xi32, #tpu.memory_space<vmem>> -> memref<128xi32, #tpu.memory_space<vmem>>
    %dma_start3A_1548 = arith.constant 0 : i32
    %dma_start3A_1549 = arith.constant 0 : i32
    %dma_start3A_1550 = tpu.memref_slice %arg2[%dma_start3A_1548, %dma_start3A_1549] : memref<2600000x16xf32, #tpu.memory_space<hbm>> -> memref<2600000x16xf32, #tpu.memory_space<hbm>>
    tpu.enqueue_indirect_dma source(%dma_start3A_1550 : memref<2600000x16xf32, #tpu.memory_space<hbm>>) target(%dma_start3A_1544 : memref<128x16xf32, #tpu.memory_space<vmem>>) offsets(%dma_start3A_1547 : memref<128xi32, #tpu.memory_space<vmem>>) semaphore(%arg8 : memref<!tpu.dma_semaphore, #tpu.memory_space<semaphore_mem>>)
    %dma_start3A_1551 = arith.constant 85 : i32
    %dma_start3A_1552 = arith.constant 896 : i32
    %dma_start3A_1553 = arith.constant 0 : i32
    %dma_start3A_1554 = tpu.memref_slice %arg6[%dma_start3A_1552, %dma_start3A_1553] : memref<1664x16xf32, #tpu.memory_space<vmem>> -> memref<128x16xf32, #tpu.memory_space<vmem>>
    %dma_start3A_1555 = arith.constant 0 : i32
    %dma_start3A_1556 = tpu.memref_slice %arg5[%dma_start3A_1551, %dma_start3A_1555] : memref<104x128xi32, #tpu.memory_space<vmem>> -> memref<1x128xi32, #tpu.memory_space<vmem>>
    %dma_start3A_1557 = tpu.memref_squeeze %dma_start3A_1556 : memref<1x128xi32, #tpu.memory_space<vmem>> -> memref<128xi32, #tpu.memory_space<vmem>>
    %dma_start3A_1558 = arith.constant 0 : i32
    %dma_start3A_1559 = arith.constant 0 : i32
    %dma_start3A_1560 = tpu.memref_slice %arg2[%dma_start3A_1558, %dma_start3A_1559] : memref<2600000x16xf32, #tpu.memory_space<hbm>> -> memref<2600000x16xf32, #tpu.memory_space<hbm>>
    tpu.enqueue_indirect_dma source(%dma_start3A_1560 : memref<2600000x16xf32, #tpu.memory_space<hbm>>) target(%dma_start3A_1554 : memref<128x16xf32, #tpu.memory_space<vmem>>) offsets(%dma_start3A_1557 : memref<128xi32, #tpu.memory_space<vmem>>) semaphore(%arg8 : memref<!tpu.dma_semaphore, #tpu.memory_space<semaphore_mem>>)
    %dma_start3A_1561 = arith.constant 86 : i32
    %dma_start3A_1562 = arith.constant 1024 : i32
    %dma_start3A_1563 = arith.constant 0 : i32
    %dma_start3A_1564 = tpu.memref_slice %arg6[%dma_start3A_1562, %dma_start3A_1563] : memref<1664x16xf32, #tpu.memory_space<vmem>> -> memref<128x16xf32, #tpu.memory_space<vmem>>
    %dma_start3A_1565 = arith.constant 0 : i32
    %dma_start3A_1566 = tpu.memref_slice %arg5[%dma_start3A_1561, %dma_start3A_1565] : memref<104x128xi32, #tpu.memory_space<vmem>> -> memref<1x128xi32, #tpu.memory_space<vmem>>
    %dma_start3A_1567 = tpu.memref_squeeze %dma_start3A_1566 : memref<1x128xi32, #tpu.memory_space<vmem>> -> memref<128xi32, #tpu.memory_space<vmem>>
    %dma_start3A_1568 = arith.constant 0 : i32
    %dma_start3A_1569 = arith.constant 0 : i32
    %dma_start3A_1570 = tpu.memref_slice %arg2[%dma_start3A_1568, %dma_start3A_1569] : memref<2600000x16xf32, #tpu.memory_space<hbm>> -> memref<2600000x16xf32, #tpu.memory_space<hbm>>
    tpu.enqueue_indirect_dma source(%dma_start3A_1570 : memref<2600000x16xf32, #tpu.memory_space<hbm>>) target(%dma_start3A_1564 : memref<128x16xf32, #tpu.memory_space<vmem>>) offsets(%dma_start3A_1567 : memref<128xi32, #tpu.memory_space<vmem>>) semaphore(%arg8 : memref<!tpu.dma_semaphore, #tpu.memory_space<semaphore_mem>>)
    %dma_start3A_1571 = arith.constant 87 : i32
    %dma_start3A_1572 = arith.constant 1152 : i32
    %dma_start3A_1573 = arith.constant 0 : i32
    %dma_start3A_1574 = tpu.memref_slice %arg6[%dma_start3A_1572, %dma_start3A_1573] : memref<1664x16xf32, #tpu.memory_space<vmem>> -> memref<128x16xf32, #tpu.memory_space<vmem>>
    %dma_start3A_1575 = arith.constant 0 : i32
    %dma_start3A_1576 = tpu.memref_slice %arg5[%dma_start3A_1571, %dma_start3A_1575] : memref<104x128xi32, #tpu.memory_space<vmem>> -> memref<1x128xi32, #tpu.memory_space<vmem>>
    %dma_start3A_1577 = tpu.memref_squeeze %dma_start3A_1576 : memref<1x128xi32, #tpu.memory_space<vmem>> -> memref<128xi32, #tpu.memory_space<vmem>>
    %dma_start3A_1578 = arith.constant 0 : i32
    %dma_start3A_1579 = arith.constant 0 : i32
    %dma_start3A_1580 = tpu.memref_slice %arg2[%dma_start3A_1578, %dma_start3A_1579] : memref<2600000x16xf32, #tpu.memory_space<hbm>> -> memref<2600000x16xf32, #tpu.memory_space<hbm>>
    tpu.enqueue_indirect_dma source(%dma_start3A_1580 : memref<2600000x16xf32, #tpu.memory_space<hbm>>) target(%dma_start3A_1574 : memref<128x16xf32, #tpu.memory_space<vmem>>) offsets(%dma_start3A_1577 : memref<128xi32, #tpu.memory_space<vmem>>) semaphore(%arg8 : memref<!tpu.dma_semaphore, #tpu.memory_space<semaphore_mem>>)
    %dma_start3A_1581 = arith.constant 88 : i32
    %dma_start3A_1582 = arith.constant 1280 : i32
    %dma_start3A_1583 = arith.constant 0 : i32
    %dma_start3A_1584 = tpu.memref_slice %arg6[%dma_start3A_1582, %dma_start3A_1583] : memref<1664x16xf32, #tpu.memory_space<vmem>> -> memref<128x16xf32, #tpu.memory_space<vmem>>
    %dma_start3A_1585 = arith.constant 0 : i32
    %dma_start3A_1586 = tpu.memref_slice %arg5[%dma_start3A_1581, %dma_start3A_1585] : memref<104x128xi32, #tpu.memory_space<vmem>> -> memref<1x128xi32, #tpu.memory_space<vmem>>
    %dma_start3A_1587 = tpu.memref_squeeze %dma_start3A_1586 : memref<1x128xi32, #tpu.memory_space<vmem>> -> memref<128xi32, #tpu.memory_space<vmem>>
    %dma_start3A_1588 = arith.constant 0 : i32
    %dma_start3A_1589 = arith.constant 0 : i32
    %dma_start3A_1590 = tpu.memref_slice %arg2[%dma_start3A_1588, %dma_start3A_1589] : memref<2600000x16xf32, #tpu.memory_space<hbm>> -> memref<2600000x16xf32, #tpu.memory_space<hbm>>
    tpu.enqueue_indirect_dma source(%dma_start3A_1590 : memref<2600000x16xf32, #tpu.memory_space<hbm>>) target(%dma_start3A_1584 : memref<128x16xf32, #tpu.memory_space<vmem>>) offsets(%dma_start3A_1587 : memref<128xi32, #tpu.memory_space<vmem>>) semaphore(%arg8 : memref<!tpu.dma_semaphore, #tpu.memory_space<semaphore_mem>>)
    %dma_start3A_1591 = arith.constant 89 : i32
    %dma_start3A_1592 = arith.constant 1408 : i32
    %dma_start3A_1593 = arith.constant 0 : i32
    %dma_start3A_1594 = tpu.memref_slice %arg6[%dma_start3A_1592, %dma_start3A_1593] : memref<1664x16xf32, #tpu.memory_space<vmem>> -> memref<128x16xf32, #tpu.memory_space<vmem>>
    %dma_start3A_1595 = arith.constant 0 : i32
    %dma_start3A_1596 = tpu.memref_slice %arg5[%dma_start3A_1591, %dma_start3A_1595] : memref<104x128xi32, #tpu.memory_space<vmem>> -> memref<1x128xi32, #tpu.memory_space<vmem>>
    %dma_start3A_1597 = tpu.memref_squeeze %dma_start3A_1596 : memref<1x128xi32, #tpu.memory_space<vmem>> -> memref<128xi32, #tpu.memory_space<vmem>>
    %dma_start3A_1598 = arith.constant 0 : i32
    %dma_start3A_1599 = arith.constant 0 : i32
    %dma_start3A_1600 = tpu.memref_slice %arg2[%dma_start3A_1598, %dma_start3A_1599] : memref<2600000x16xf32, #tpu.memory_space<hbm>> -> memref<2600000x16xf32, #tpu.memory_space<hbm>>
    tpu.enqueue_indirect_dma source(%dma_start3A_1600 : memref<2600000x16xf32, #tpu.memory_space<hbm>>) target(%dma_start3A_1594 : memref<128x16xf32, #tpu.memory_space<vmem>>) offsets(%dma_start3A_1597 : memref<128xi32, #tpu.memory_space<vmem>>) semaphore(%arg8 : memref<!tpu.dma_semaphore, #tpu.memory_space<semaphore_mem>>)
    %dma_start3A_1601 = arith.constant 90 : i32
    %dma_start3A_1602 = arith.constant 1536 : i32
    %dma_start3A_1603 = arith.constant 0 : i32
    %dma_start3A_1604 = tpu.memref_slice %arg6[%dma_start3A_1602, %dma_start3A_1603] : memref<1664x16xf32, #tpu.memory_space<vmem>> -> memref<128x16xf32, #tpu.memory_space<vmem>>
    %dma_start3A_1605 = arith.constant 0 : i32
    %dma_start3A_1606 = tpu.memref_slice %arg5[%dma_start3A_1601, %dma_start3A_1605] : memref<104x128xi32, #tpu.memory_space<vmem>> -> memref<1x128xi32, #tpu.memory_space<vmem>>
    %dma_start3A_1607 = tpu.memref_squeeze %dma_start3A_1606 : memref<1x128xi32, #tpu.memory_space<vmem>> -> memref<128xi32, #tpu.memory_space<vmem>>
    %dma_start3A_1608 = arith.constant 0 : i32
    %dma_start3A_1609 = arith.constant 0 : i32
    %dma_start3A_1610 = tpu.memref_slice %arg2[%dma_start3A_1608, %dma_start3A_1609] : memref<2600000x16xf32, #tpu.memory_space<hbm>> -> memref<2600000x16xf32, #tpu.memory_space<hbm>>
    tpu.enqueue_indirect_dma source(%dma_start3A_1610 : memref<2600000x16xf32, #tpu.memory_space<hbm>>) target(%dma_start3A_1604 : memref<128x16xf32, #tpu.memory_space<vmem>>) offsets(%dma_start3A_1607 : memref<128xi32, #tpu.memory_space<vmem>>) semaphore(%arg8 : memref<!tpu.dma_semaphore, #tpu.memory_space<semaphore_mem>>)
    %dma_wait3A_1611 = arith.constant 65 : i32
    %dma_wait3A_1612 = arith.constant 0 : i32
    %dma_wait3A_1613 = arith.constant 0 : i32
    %dma_wait3A_1614 = tpu.memref_slice %arg7[%dma_wait3A_1612, %dma_wait3A_1613] : memref<1664x16xf32, #tpu.memory_space<vmem>> -> memref<128x16xf32, #tpu.memory_space<vmem>>
    %dma_wait3A_1615 = arith.constant 0 : i32
    %dma_wait3A_1616 = tpu.memref_slice %arg5[%dma_wait3A_1611, %dma_wait3A_1615] : memref<104x128xi32, #tpu.memory_space<vmem>> -> memref<1x128xi32, #tpu.memory_space<vmem>>
    %dma_wait3A_1617 = tpu.memref_squeeze %dma_wait3A_1616 : memref<1x128xi32, #tpu.memory_space<vmem>> -> memref<128xi32, #tpu.memory_space<vmem>>
    %dma_wait3A_1618 = arith.constant 0 : i32
    %dma_wait3A_1619 = arith.constant 0 : i32
    %dma_wait3A_1620 = tpu.memref_slice %arg2[%dma_wait3A_1618, %dma_wait3A_1619] : memref<2600000x16xf32, #tpu.memory_space<hbm>> -> memref<2600000x16xf32, #tpu.memory_space<hbm>>
    tpu.wait_indirect_dma semaphore(%arg9 : memref<!tpu.dma_semaphore, #tpu.memory_space<semaphore_mem>>) src(%dma_wait3A_1620 : memref<2600000x16xf32, #tpu.memory_space<hbm>>) dst(%dma_wait3A_1614 : memref<128x16xf32, #tpu.memory_space<vmem>>)
    %dma_wait3A_1621 = arith.constant 66 : i32
    %dma_wait3A_1622 = arith.constant 128 : i32
    %dma_wait3A_1623 = arith.constant 0 : i32
    %dma_wait3A_1624 = tpu.memref_slice %arg7[%dma_wait3A_1622, %dma_wait3A_1623] : memref<1664x16xf32, #tpu.memory_space<vmem>> -> memref<128x16xf32, #tpu.memory_space<vmem>>
    %dma_wait3A_1625 = arith.constant 0 : i32
    %dma_wait3A_1626 = tpu.memref_slice %arg5[%dma_wait3A_1621, %dma_wait3A_1625] : memref<104x128xi32, #tpu.memory_space<vmem>> -> memref<1x128xi32, #tpu.memory_space<vmem>>
    %dma_wait3A_1627 = tpu.memref_squeeze %dma_wait3A_1626 : memref<1x128xi32, #tpu.memory_space<vmem>> -> memref<128xi32, #tpu.memory_space<vmem>>
    %dma_wait3A_1628 = arith.constant 0 : i32
    %dma_wait3A_1629 = arith.constant 0 : i32
    %dma_wait3A_1630 = tpu.memref_slice %arg2[%dma_wait3A_1628, %dma_wait3A_1629] : memref<2600000x16xf32, #tpu.memory_space<hbm>> -> memref<2600000x16xf32, #tpu.memory_space<hbm>>
    tpu.wait_indirect_dma semaphore(%arg9 : memref<!tpu.dma_semaphore, #tpu.memory_space<semaphore_mem>>) src(%dma_wait3A_1630 : memref<2600000x16xf32, #tpu.memory_space<hbm>>) dst(%dma_wait3A_1624 : memref<128x16xf32, #tpu.memory_space<vmem>>)
    %dma_wait3A_1631 = arith.constant 67 : i32
    %dma_wait3A_1632 = arith.constant 256 : i32
    %dma_wait3A_1633 = arith.constant 0 : i32
    %dma_wait3A_1634 = tpu.memref_slice %arg7[%dma_wait3A_1632, %dma_wait3A_1633] : memref<1664x16xf32, #tpu.memory_space<vmem>> -> memref<128x16xf32, #tpu.memory_space<vmem>>
    %dma_wait3A_1635 = arith.constant 0 : i32
    %dma_wait3A_1636 = tpu.memref_slice %arg5[%dma_wait3A_1631, %dma_wait3A_1635] : memref<104x128xi32, #tpu.memory_space<vmem>> -> memref<1x128xi32, #tpu.memory_space<vmem>>
    %dma_wait3A_1637 = tpu.memref_squeeze %dma_wait3A_1636 : memref<1x128xi32, #tpu.memory_space<vmem>> -> memref<128xi32, #tpu.memory_space<vmem>>
    %dma_wait3A_1638 = arith.constant 0 : i32
    %dma_wait3A_1639 = arith.constant 0 : i32
    %dma_wait3A_1640 = tpu.memref_slice %arg2[%dma_wait3A_1638, %dma_wait3A_1639] : memref<2600000x16xf32, #tpu.memory_space<hbm>> -> memref<2600000x16xf32, #tpu.memory_space<hbm>>
    tpu.wait_indirect_dma semaphore(%arg9 : memref<!tpu.dma_semaphore, #tpu.memory_space<semaphore_mem>>) src(%dma_wait3A_1640 : memref<2600000x16xf32, #tpu.memory_space<hbm>>) dst(%dma_wait3A_1634 : memref<128x16xf32, #tpu.memory_space<vmem>>)
    %dma_wait3A_1641 = arith.constant 68 : i32
    %dma_wait3A_1642 = arith.constant 384 : i32
    %dma_wait3A_1643 = arith.constant 0 : i32
    %dma_wait3A_1644 = tpu.memref_slice %arg7[%dma_wait3A_1642, %dma_wait3A_1643] : memref<1664x16xf32, #tpu.memory_space<vmem>> -> memref<128x16xf32, #tpu.memory_space<vmem>>
    %dma_wait3A_1645 = arith.constant 0 : i32
    %dma_wait3A_1646 = tpu.memref_slice %arg5[%dma_wait3A_1641, %dma_wait3A_1645] : memref<104x128xi32, #tpu.memory_space<vmem>> -> memref<1x128xi32, #tpu.memory_space<vmem>>
    %dma_wait3A_1647 = tpu.memref_squeeze %dma_wait3A_1646 : memref<1x128xi32, #tpu.memory_space<vmem>> -> memref<128xi32, #tpu.memory_space<vmem>>
    %dma_wait3A_1648 = arith.constant 0 : i32
    %dma_wait3A_1649 = arith.constant 0 : i32
    %dma_wait3A_1650 = tpu.memref_slice %arg2[%dma_wait3A_1648, %dma_wait3A_1649] : memref<2600000x16xf32, #tpu.memory_space<hbm>> -> memref<2600000x16xf32, #tpu.memory_space<hbm>>
    tpu.wait_indirect_dma semaphore(%arg9 : memref<!tpu.dma_semaphore, #tpu.memory_space<semaphore_mem>>) src(%dma_wait3A_1650 : memref<2600000x16xf32, #tpu.memory_space<hbm>>) dst(%dma_wait3A_1644 : memref<128x16xf32, #tpu.memory_space<vmem>>)
    %dma_wait3A_1651 = arith.constant 69 : i32
    %dma_wait3A_1652 = arith.constant 512 : i32
    %dma_wait3A_1653 = arith.constant 0 : i32
    %dma_wait3A_1654 = tpu.memref_slice %arg7[%dma_wait3A_1652, %dma_wait3A_1653] : memref<1664x16xf32, #tpu.memory_space<vmem>> -> memref<128x16xf32, #tpu.memory_space<vmem>>
    %dma_wait3A_1655 = arith.constant 0 : i32
    %dma_wait3A_1656 = tpu.memref_slice %arg5[%dma_wait3A_1651, %dma_wait3A_1655] : memref<104x128xi32, #tpu.memory_space<vmem>> -> memref<1x128xi32, #tpu.memory_space<vmem>>
    %dma_wait3A_1657 = tpu.memref_squeeze %dma_wait3A_1656 : memref<1x128xi32, #tpu.memory_space<vmem>> -> memref<128xi32, #tpu.memory_space<vmem>>
    %dma_wait3A_1658 = arith.constant 0 : i32
    %dma_wait3A_1659 = arith.constant 0 : i32
    %dma_wait3A_1660 = tpu.memref_slice %arg2[%dma_wait3A_1658, %dma_wait3A_1659] : memref<2600000x16xf32, #tpu.memory_space<hbm>> -> memref<2600000x16xf32, #tpu.memory_space<hbm>>
    tpu.wait_indirect_dma semaphore(%arg9 : memref<!tpu.dma_semaphore, #tpu.memory_space<semaphore_mem>>) src(%dma_wait3A_1660 : memref<2600000x16xf32, #tpu.memory_space<hbm>>) dst(%dma_wait3A_1654 : memref<128x16xf32, #tpu.memory_space<vmem>>)
    %dma_wait3A_1661 = arith.constant 70 : i32
    %dma_wait3A_1662 = arith.constant 640 : i32
    %dma_wait3A_1663 = arith.constant 0 : i32
    %dma_wait3A_1664 = tpu.memref_slice %arg7[%dma_wait3A_1662, %dma_wait3A_1663] : memref<1664x16xf32, #tpu.memory_space<vmem>> -> memref<128x16xf32, #tpu.memory_space<vmem>>
    %dma_wait3A_1665 = arith.constant 0 : i32
    %dma_wait3A_1666 = tpu.memref_slice %arg5[%dma_wait3A_1661, %dma_wait3A_1665] : memref<104x128xi32, #tpu.memory_space<vmem>> -> memref<1x128xi32, #tpu.memory_space<vmem>>
    %dma_wait3A_1667 = tpu.memref_squeeze %dma_wait3A_1666 : memref<1x128xi32, #tpu.memory_space<vmem>> -> memref<128xi32, #tpu.memory_space<vmem>>
    %dma_wait3A_1668 = arith.constant 0 : i32
    %dma_wait3A_1669 = arith.constant 0 : i32
    %dma_wait3A_1670 = tpu.memref_slice %arg2[%dma_wait3A_1668, %dma_wait3A_1669] : memref<2600000x16xf32, #tpu.memory_space<hbm>> -> memref<2600000x16xf32, #tpu.memory_space<hbm>>
    tpu.wait_indirect_dma semaphore(%arg9 : memref<!tpu.dma_semaphore, #tpu.memory_space<semaphore_mem>>) src(%dma_wait3A_1670 : memref<2600000x16xf32, #tpu.memory_space<hbm>>) dst(%dma_wait3A_1664 : memref<128x16xf32, #tpu.memory_space<vmem>>)
    %dma_wait3A_1671 = arith.constant 71 : i32
    %dma_wait3A_1672 = arith.constant 768 : i32
    %dma_wait3A_1673 = arith.constant 0 : i32
    %dma_wait3A_1674 = tpu.memref_slice %arg7[%dma_wait3A_1672, %dma_wait3A_1673] : memref<1664x16xf32, #tpu.memory_space<vmem>> -> memref<128x16xf32, #tpu.memory_space<vmem>>
    %dma_wait3A_1675 = arith.constant 0 : i32
    %dma_wait3A_1676 = tpu.memref_slice %arg5[%dma_wait3A_1671, %dma_wait3A_1675] : memref<104x128xi32, #tpu.memory_space<vmem>> -> memref<1x128xi32, #tpu.memory_space<vmem>>
    %dma_wait3A_1677 = tpu.memref_squeeze %dma_wait3A_1676 : memref<1x128xi32, #tpu.memory_space<vmem>> -> memref<128xi32, #tpu.memory_space<vmem>>
    %dma_wait3A_1678 = arith.constant 0 : i32
    %dma_wait3A_1679 = arith.constant 0 : i32
    %dma_wait3A_1680 = tpu.memref_slice %arg2[%dma_wait3A_1678, %dma_wait3A_1679] : memref<2600000x16xf32, #tpu.memory_space<hbm>> -> memref<2600000x16xf32, #tpu.memory_space<hbm>>
    tpu.wait_indirect_dma semaphore(%arg9 : memref<!tpu.dma_semaphore, #tpu.memory_space<semaphore_mem>>) src(%dma_wait3A_1680 : memref<2600000x16xf32, #tpu.memory_space<hbm>>) dst(%dma_wait3A_1674 : memref<128x16xf32, #tpu.memory_space<vmem>>)
    %dma_wait3A_1681 = arith.constant 72 : i32
    %dma_wait3A_1682 = arith.constant 896 : i32
    %dma_wait3A_1683 = arith.constant 0 : i32
    %dma_wait3A_1684 = tpu.memref_slice %arg7[%dma_wait3A_1682, %dma_wait3A_1683] : memref<1664x16xf32, #tpu.memory_space<vmem>> -> memref<128x16xf32, #tpu.memory_space<vmem>>
    %dma_wait3A_1685 = arith.constant 0 : i32
    %dma_wait3A_1686 = tpu.memref_slice %arg5[%dma_wait3A_1681, %dma_wait3A_1685] : memref<104x128xi32, #tpu.memory_space<vmem>> -> memref<1x128xi32, #tpu.memory_space<vmem>>
    %dma_wait3A_1687 = tpu.memref_squeeze %dma_wait3A_1686 : memref<1x128xi32, #tpu.memory_space<vmem>> -> memref<128xi32, #tpu.memory_space<vmem>>
    %dma_wait3A_1688 = arith.constant 0 : i32
    %dma_wait3A_1689 = arith.constant 0 : i32
    %dma_wait3A_1690 = tpu.memref_slice %arg2[%dma_wait3A_1688, %dma_wait3A_1689] : memref<2600000x16xf32, #tpu.memory_space<hbm>> -> memref<2600000x16xf32, #tpu.memory_space<hbm>>
    tpu.wait_indirect_dma semaphore(%arg9 : memref<!tpu.dma_semaphore, #tpu.memory_space<semaphore_mem>>) src(%dma_wait3A_1690 : memref<2600000x16xf32, #tpu.memory_space<hbm>>) dst(%dma_wait3A_1684 : memref<128x16xf32, #tpu.memory_space<vmem>>)
    %dma_wait3A_1691 = arith.constant 73 : i32
    %dma_wait3A_1692 = arith.constant 1024 : i32
    %dma_wait3A_1693 = arith.constant 0 : i32
    %dma_wait3A_1694 = tpu.memref_slice %arg7[%dma_wait3A_1692, %dma_wait3A_1693] : memref<1664x16xf32, #tpu.memory_space<vmem>> -> memref<128x16xf32, #tpu.memory_space<vmem>>
    %dma_wait3A_1695 = arith.constant 0 : i32
    %dma_wait3A_1696 = tpu.memref_slice %arg5[%dma_wait3A_1691, %dma_wait3A_1695] : memref<104x128xi32, #tpu.memory_space<vmem>> -> memref<1x128xi32, #tpu.memory_space<vmem>>
    %dma_wait3A_1697 = tpu.memref_squeeze %dma_wait3A_1696 : memref<1x128xi32, #tpu.memory_space<vmem>> -> memref<128xi32, #tpu.memory_space<vmem>>
    %dma_wait3A_1698 = arith.constant 0 : i32
    %dma_wait3A_1699 = arith.constant 0 : i32
    %dma_wait3A_1700 = tpu.memref_slice %arg2[%dma_wait3A_1698, %dma_wait3A_1699] : memref<2600000x16xf32, #tpu.memory_space<hbm>> -> memref<2600000x16xf32, #tpu.memory_space<hbm>>
    tpu.wait_indirect_dma semaphore(%arg9 : memref<!tpu.dma_semaphore, #tpu.memory_space<semaphore_mem>>) src(%dma_wait3A_1700 : memref<2600000x16xf32, #tpu.memory_space<hbm>>) dst(%dma_wait3A_1694 : memref<128x16xf32, #tpu.memory_space<vmem>>)
    %dma_wait3A_1701 = arith.constant 74 : i32
    %dma_wait3A_1702 = arith.constant 1152 : i32
    %dma_wait3A_1703 = arith.constant 0 : i32
    %dma_wait3A_1704 = tpu.memref_slice %arg7[%dma_wait3A_1702, %dma_wait3A_1703] : memref<1664x16xf32, #tpu.memory_space<vmem>> -> memref<128x16xf32, #tpu.memory_space<vmem>>
    %dma_wait3A_1705 = arith.constant 0 : i32
    %dma_wait3A_1706 = tpu.memref_slice %arg5[%dma_wait3A_1701, %dma_wait3A_1705] : memref<104x128xi32, #tpu.memory_space<vmem>> -> memref<1x128xi32, #tpu.memory_space<vmem>>
    %dma_wait3A_1707 = tpu.memref_squeeze %dma_wait3A_1706 : memref<1x128xi32, #tpu.memory_space<vmem>> -> memref<128xi32, #tpu.memory_space<vmem>>
    %dma_wait3A_1708 = arith.constant 0 : i32
    %dma_wait3A_1709 = arith.constant 0 : i32
    %dma_wait3A_1710 = tpu.memref_slice %arg2[%dma_wait3A_1708, %dma_wait3A_1709] : memref<2600000x16xf32, #tpu.memory_space<hbm>> -> memref<2600000x16xf32, #tpu.memory_space<hbm>>
    tpu.wait_indirect_dma semaphore(%arg9 : memref<!tpu.dma_semaphore, #tpu.memory_space<semaphore_mem>>) src(%dma_wait3A_1710 : memref<2600000x16xf32, #tpu.memory_space<hbm>>) dst(%dma_wait3A_1704 : memref<128x16xf32, #tpu.memory_space<vmem>>)
    %dma_wait3A_1711 = arith.constant 75 : i32
    %dma_wait3A_1712 = arith.constant 1280 : i32
    %dma_wait3A_1713 = arith.constant 0 : i32
    %dma_wait3A_1714 = tpu.memref_slice %arg7[%dma_wait3A_1712, %dma_wait3A_1713] : memref<1664x16xf32, #tpu.memory_space<vmem>> -> memref<128x16xf32, #tpu.memory_space<vmem>>
    %dma_wait3A_1715 = arith.constant 0 : i32
    %dma_wait3A_1716 = tpu.memref_slice %arg5[%dma_wait3A_1711, %dma_wait3A_1715] : memref<104x128xi32, #tpu.memory_space<vmem>> -> memref<1x128xi32, #tpu.memory_space<vmem>>
    %dma_wait3A_1717 = tpu.memref_squeeze %dma_wait3A_1716 : memref<1x128xi32, #tpu.memory_space<vmem>> -> memref<128xi32, #tpu.memory_space<vmem>>
    %dma_wait3A_1718 = arith.constant 0 : i32
    %dma_wait3A_1719 = arith.constant 0 : i32
    %dma_wait3A_1720 = tpu.memref_slice %arg2[%dma_wait3A_1718, %dma_wait3A_1719] : memref<2600000x16xf32, #tpu.memory_space<hbm>> -> memref<2600000x16xf32, #tpu.memory_space<hbm>>
    tpu.wait_indirect_dma semaphore(%arg9 : memref<!tpu.dma_semaphore, #tpu.memory_space<semaphore_mem>>) src(%dma_wait3A_1720 : memref<2600000x16xf32, #tpu.memory_space<hbm>>) dst(%dma_wait3A_1714 : memref<128x16xf32, #tpu.memory_space<vmem>>)
    %dma_wait3A_1721 = arith.constant 76 : i32
    %dma_wait3A_1722 = arith.constant 1408 : i32
    %dma_wait3A_1723 = arith.constant 0 : i32
    %dma_wait3A_1724 = tpu.memref_slice %arg7[%dma_wait3A_1722, %dma_wait3A_1723] : memref<1664x16xf32, #tpu.memory_space<vmem>> -> memref<128x16xf32, #tpu.memory_space<vmem>>
    %dma_wait3A_1725 = arith.constant 0 : i32
    %dma_wait3A_1726 = tpu.memref_slice %arg5[%dma_wait3A_1721, %dma_wait3A_1725] : memref<104x128xi32, #tpu.memory_space<vmem>> -> memref<1x128xi32, #tpu.memory_space<vmem>>
    %dma_wait3A_1727 = tpu.memref_squeeze %dma_wait3A_1726 : memref<1x128xi32, #tpu.memory_space<vmem>> -> memref<128xi32, #tpu.memory_space<vmem>>
    %dma_wait3A_1728 = arith.constant 0 : i32
    %dma_wait3A_1729 = arith.constant 0 : i32
    %dma_wait3A_1730 = tpu.memref_slice %arg2[%dma_wait3A_1728, %dma_wait3A_1729] : memref<2600000x16xf32, #tpu.memory_space<hbm>> -> memref<2600000x16xf32, #tpu.memory_space<hbm>>
    tpu.wait_indirect_dma semaphore(%arg9 : memref<!tpu.dma_semaphore, #tpu.memory_space<semaphore_mem>>) src(%dma_wait3A_1730 : memref<2600000x16xf32, #tpu.memory_space<hbm>>) dst(%dma_wait3A_1724 : memref<128x16xf32, #tpu.memory_space<vmem>>)
    %dma_wait3A_1731 = arith.constant 77 : i32
    %dma_wait3A_1732 = arith.constant 1536 : i32
    %dma_wait3A_1733 = arith.constant 0 : i32
    %dma_wait3A_1734 = tpu.memref_slice %arg7[%dma_wait3A_1732, %dma_wait3A_1733] : memref<1664x16xf32, #tpu.memory_space<vmem>> -> memref<128x16xf32, #tpu.memory_space<vmem>>
    %dma_wait3A_1735 = arith.constant 0 : i32
    %dma_wait3A_1736 = tpu.memref_slice %arg5[%dma_wait3A_1731, %dma_wait3A_1735] : memref<104x128xi32, #tpu.memory_space<vmem>> -> memref<1x128xi32, #tpu.memory_space<vmem>>
    %dma_wait3A_1737 = tpu.memref_squeeze %dma_wait3A_1736 : memref<1x128xi32, #tpu.memory_space<vmem>> -> memref<128xi32, #tpu.memory_space<vmem>>
    %dma_wait3A_1738 = arith.constant 0 : i32
    %dma_wait3A_1739 = arith.constant 0 : i32
    %dma_wait3A_1740 = tpu.memref_slice %arg2[%dma_wait3A_1738, %dma_wait3A_1739] : memref<2600000x16xf32, #tpu.memory_space<hbm>> -> memref<2600000x16xf32, #tpu.memory_space<hbm>>
    tpu.wait_indirect_dma semaphore(%arg9 : memref<!tpu.dma_semaphore, #tpu.memory_space<semaphore_mem>>) src(%dma_wait3A_1740 : memref<2600000x16xf32, #tpu.memory_space<hbm>>) dst(%dma_wait3A_1734 : memref<128x16xf32, #tpu.memory_space<vmem>>)
    %add3A_1741 = arith.constant 8320 : i32
    %add3A_1742 = arith.addi %mul3A_2, %add3A_1741 : i32
    %dma_start3A_1743 = arith.constant 0 : i32
    %dma_start3A_1744 = tpu.memref_slice %arg4[%add3A_1742, %dma_start3A_1743] : memref<425984x16xf32, #tpu.memory_space<hbm>> -> memref<1664x16xf32, #tpu.memory_space<hbm>>
    %dma_start3A_1745 = arith.constant 0 : i32
    %dma_start3A_1746 = tpu.memref_slice %arg4[%add3A_1742, %dma_start3A_1745] : memref<425984x16xf32, #tpu.memory_space<hbm>> -> memref<1664x16xf32, #tpu.memory_space<hbm>>
    tpu.enqueue_dma source(%arg7 : memref<1664x16xf32, #tpu.memory_space<vmem>>) target(%dma_start3A_1746 : memref<1664x16xf32, #tpu.memory_space<hbm>>) target_semaphore(%arg11 : memref<!tpu.dma_semaphore, #tpu.memory_space<semaphore_mem>>)
    %dma_wait3A_1747 = arith.constant 0 : i32
    %dma_wait3A_1748 = tpu.memref_slice %arg4[%add3A_1742, %dma_wait3A_1747] : memref<425984x16xf32, #tpu.memory_space<hbm>> -> memref<1664x16xf32, #tpu.memory_space<hbm>>
    %dma_wait3A_1749 = arith.constant 0 : i32
    %dma_wait3A_1750 = tpu.memref_slice %arg4[%add3A_1742, %dma_wait3A_1749] : memref<425984x16xf32, #tpu.memory_space<hbm>> -> memref<1664x16xf32, #tpu.memory_space<hbm>>
    tpu.wait_dma2 semaphore(%arg11 : memref<!tpu.dma_semaphore, #tpu.memory_space<semaphore_mem>>) src(%arg7 : memref<1664x16xf32, #tpu.memory_space<vmem>>) dst(%dma_wait3A_1750 : memref<1664x16xf32, #tpu.memory_space<hbm>>)
    %dma_start3A_1751 = arith.constant 91 : i32
    %dma_start3A_1752 = arith.constant 0 : i32
    %dma_start3A_1753 = arith.constant 0 : i32
    %dma_start3A_1754 = tpu.memref_slice %arg7[%dma_start3A_1752, %dma_start3A_1753] : memref<1664x16xf32, #tpu.memory_space<vmem>> -> memref<128x16xf32, #tpu.memory_space<vmem>>
    %dma_start3A_1755 = arith.constant 0 : i32
    %dma_start3A_1756 = tpu.memref_slice %arg5[%dma_start3A_1751, %dma_start3A_1755] : memref<104x128xi32, #tpu.memory_space<vmem>> -> memref<1x128xi32, #tpu.memory_space<vmem>>
    %dma_start3A_1757 = tpu.memref_squeeze %dma_start3A_1756 : memref<1x128xi32, #tpu.memory_space<vmem>> -> memref<128xi32, #tpu.memory_space<vmem>>
    %dma_start3A_1758 = arith.constant 0 : i32
    %dma_start3A_1759 = arith.constant 0 : i32
    %dma_start3A_1760 = tpu.memref_slice %arg2[%dma_start3A_1758, %dma_start3A_1759] : memref<2600000x16xf32, #tpu.memory_space<hbm>> -> memref<2600000x16xf32, #tpu.memory_space<hbm>>
    tpu.enqueue_indirect_dma source(%dma_start3A_1760 : memref<2600000x16xf32, #tpu.memory_space<hbm>>) target(%dma_start3A_1754 : memref<128x16xf32, #tpu.memory_space<vmem>>) offsets(%dma_start3A_1757 : memref<128xi32, #tpu.memory_space<vmem>>) semaphore(%arg9 : memref<!tpu.dma_semaphore, #tpu.memory_space<semaphore_mem>>)
    %dma_start3A_1761 = arith.constant 92 : i32
    %dma_start3A_1762 = arith.constant 128 : i32
    %dma_start3A_1763 = arith.constant 0 : i32
    %dma_start3A_1764 = tpu.memref_slice %arg7[%dma_start3A_1762, %dma_start3A_1763] : memref<1664x16xf32, #tpu.memory_space<vmem>> -> memref<128x16xf32, #tpu.memory_space<vmem>>
    %dma_start3A_1765 = arith.constant 0 : i32
    %dma_start3A_1766 = tpu.memref_slice %arg5[%dma_start3A_1761, %dma_start3A_1765] : memref<104x128xi32, #tpu.memory_space<vmem>> -> memref<1x128xi32, #tpu.memory_space<vmem>>
    %dma_start3A_1767 = tpu.memref_squeeze %dma_start3A_1766 : memref<1x128xi32, #tpu.memory_space<vmem>> -> memref<128xi32, #tpu.memory_space<vmem>>
    %dma_start3A_1768 = arith.constant 0 : i32
    %dma_start3A_1769 = arith.constant 0 : i32
    %dma_start3A_1770 = tpu.memref_slice %arg2[%dma_start3A_1768, %dma_start3A_1769] : memref<2600000x16xf32, #tpu.memory_space<hbm>> -> memref<2600000x16xf32, #tpu.memory_space<hbm>>
    tpu.enqueue_indirect_dma source(%dma_start3A_1770 : memref<2600000x16xf32, #tpu.memory_space<hbm>>) target(%dma_start3A_1764 : memref<128x16xf32, #tpu.memory_space<vmem>>) offsets(%dma_start3A_1767 : memref<128xi32, #tpu.memory_space<vmem>>) semaphore(%arg9 : memref<!tpu.dma_semaphore, #tpu.memory_space<semaphore_mem>>)
    %dma_start3A_1771 = arith.constant 93 : i32
    %dma_start3A_1772 = arith.constant 256 : i32
    %dma_start3A_1773 = arith.constant 0 : i32
    %dma_start3A_1774 = tpu.memref_slice %arg7[%dma_start3A_1772, %dma_start3A_1773] : memref<1664x16xf32, #tpu.memory_space<vmem>> -> memref<128x16xf32, #tpu.memory_space<vmem>>
    %dma_start3A_1775 = arith.constant 0 : i32
    %dma_start3A_1776 = tpu.memref_slice %arg5[%dma_start3A_1771, %dma_start3A_1775] : memref<104x128xi32, #tpu.memory_space<vmem>> -> memref<1x128xi32, #tpu.memory_space<vmem>>
    %dma_start3A_1777 = tpu.memref_squeeze %dma_start3A_1776 : memref<1x128xi32, #tpu.memory_space<vmem>> -> memref<128xi32, #tpu.memory_space<vmem>>
    %dma_start3A_1778 = arith.constant 0 : i32
    %dma_start3A_1779 = arith.constant 0 : i32
    %dma_start3A_1780 = tpu.memref_slice %arg2[%dma_start3A_1778, %dma_start3A_1779] : memref<2600000x16xf32, #tpu.memory_space<hbm>> -> memref<2600000x16xf32, #tpu.memory_space<hbm>>
    tpu.enqueue_indirect_dma source(%dma_start3A_1780 : memref<2600000x16xf32, #tpu.memory_space<hbm>>) target(%dma_start3A_1774 : memref<128x16xf32, #tpu.memory_space<vmem>>) offsets(%dma_start3A_1777 : memref<128xi32, #tpu.memory_space<vmem>>) semaphore(%arg9 : memref<!tpu.dma_semaphore, #tpu.memory_space<semaphore_mem>>)
    %dma_start3A_1781 = arith.constant 94 : i32
    %dma_start3A_1782 = arith.constant 384 : i32
    %dma_start3A_1783 = arith.constant 0 : i32
    %dma_start3A_1784 = tpu.memref_slice %arg7[%dma_start3A_1782, %dma_start3A_1783] : memref<1664x16xf32, #tpu.memory_space<vmem>> -> memref<128x16xf32, #tpu.memory_space<vmem>>
    %dma_start3A_1785 = arith.constant 0 : i32
    %dma_start3A_1786 = tpu.memref_slice %arg5[%dma_start3A_1781, %dma_start3A_1785] : memref<104x128xi32, #tpu.memory_space<vmem>> -> memref<1x128xi32, #tpu.memory_space<vmem>>
    %dma_start3A_1787 = tpu.memref_squeeze %dma_start3A_1786 : memref<1x128xi32, #tpu.memory_space<vmem>> -> memref<128xi32, #tpu.memory_space<vmem>>
    %dma_start3A_1788 = arith.constant 0 : i32
    %dma_start3A_1789 = arith.constant 0 : i32
    %dma_start3A_1790 = tpu.memref_slice %arg2[%dma_start3A_1788, %dma_start3A_1789] : memref<2600000x16xf32, #tpu.memory_space<hbm>> -> memref<2600000x16xf32, #tpu.memory_space<hbm>>
    tpu.enqueue_indirect_dma source(%dma_start3A_1790 : memref<2600000x16xf32, #tpu.memory_space<hbm>>) target(%dma_start3A_1784 : memref<128x16xf32, #tpu.memory_space<vmem>>) offsets(%dma_start3A_1787 : memref<128xi32, #tpu.memory_space<vmem>>) semaphore(%arg9 : memref<!tpu.dma_semaphore, #tpu.memory_space<semaphore_mem>>)
    %dma_start3A_1791 = arith.constant 95 : i32
    %dma_start3A_1792 = arith.constant 512 : i32
    %dma_start3A_1793 = arith.constant 0 : i32
    %dma_start3A_1794 = tpu.memref_slice %arg7[%dma_start3A_1792, %dma_start3A_1793] : memref<1664x16xf32, #tpu.memory_space<vmem>> -> memref<128x16xf32, #tpu.memory_space<vmem>>
    %dma_start3A_1795 = arith.constant 0 : i32
    %dma_start3A_1796 = tpu.memref_slice %arg5[%dma_start3A_1791, %dma_start3A_1795] : memref<104x128xi32, #tpu.memory_space<vmem>> -> memref<1x128xi32, #tpu.memory_space<vmem>>
    %dma_start3A_1797 = tpu.memref_squeeze %dma_start3A_1796 : memref<1x128xi32, #tpu.memory_space<vmem>> -> memref<128xi32, #tpu.memory_space<vmem>>
    %dma_start3A_1798 = arith.constant 0 : i32
    %dma_start3A_1799 = arith.constant 0 : i32
    %dma_start3A_1800 = tpu.memref_slice %arg2[%dma_start3A_1798, %dma_start3A_1799] : memref<2600000x16xf32, #tpu.memory_space<hbm>> -> memref<2600000x16xf32, #tpu.memory_space<hbm>>
    tpu.enqueue_indirect_dma source(%dma_start3A_1800 : memref<2600000x16xf32, #tpu.memory_space<hbm>>) target(%dma_start3A_1794 : memref<128x16xf32, #tpu.memory_space<vmem>>) offsets(%dma_start3A_1797 : memref<128xi32, #tpu.memory_space<vmem>>) semaphore(%arg9 : memref<!tpu.dma_semaphore, #tpu.memory_space<semaphore_mem>>)
    %dma_start3A_1801 = arith.constant 96 : i32
    %dma_start3A_1802 = arith.constant 640 : i32
    %dma_start3A_1803 = arith.constant 0 : i32
    %dma_start3A_1804 = tpu.memref_slice %arg7[%dma_start3A_1802, %dma_start3A_1803] : memref<1664x16xf32, #tpu.memory_space<vmem>> -> memref<128x16xf32, #tpu.memory_space<vmem>>
    %dma_start3A_1805 = arith.constant 0 : i32
    %dma_start3A_1806 = tpu.memref_slice %arg5[%dma_start3A_1801, %dma_start3A_1805] : memref<104x128xi32, #tpu.memory_space<vmem>> -> memref<1x128xi32, #tpu.memory_space<vmem>>
    %dma_start3A_1807 = tpu.memref_squeeze %dma_start3A_1806 : memref<1x128xi32, #tpu.memory_space<vmem>> -> memref<128xi32, #tpu.memory_space<vmem>>
    %dma_start3A_1808 = arith.constant 0 : i32
    %dma_start3A_1809 = arith.constant 0 : i32
    %dma_start3A_1810 = tpu.memref_slice %arg2[%dma_start3A_1808, %dma_start3A_1809] : memref<2600000x16xf32, #tpu.memory_space<hbm>> -> memref<2600000x16xf32, #tpu.memory_space<hbm>>
    tpu.enqueue_indirect_dma source(%dma_start3A_1810 : memref<2600000x16xf32, #tpu.memory_space<hbm>>) target(%dma_start3A_1804 : memref<128x16xf32, #tpu.memory_space<vmem>>) offsets(%dma_start3A_1807 : memref<128xi32, #tpu.memory_space<vmem>>) semaphore(%arg9 : memref<!tpu.dma_semaphore, #tpu.memory_space<semaphore_mem>>)
    %dma_start3A_1811 = arith.constant 97 : i32
    %dma_start3A_1812 = arith.constant 768 : i32
    %dma_start3A_1813 = arith.constant 0 : i32
    %dma_start3A_1814 = tpu.memref_slice %arg7[%dma_start3A_1812, %dma_start3A_1813] : memref<1664x16xf32, #tpu.memory_space<vmem>> -> memref<128x16xf32, #tpu.memory_space<vmem>>
    %dma_start3A_1815 = arith.constant 0 : i32
    %dma_start3A_1816 = tpu.memref_slice %arg5[%dma_start3A_1811, %dma_start3A_1815] : memref<104x128xi32, #tpu.memory_space<vmem>> -> memref<1x128xi32, #tpu.memory_space<vmem>>
    %dma_start3A_1817 = tpu.memref_squeeze %dma_start3A_1816 : memref<1x128xi32, #tpu.memory_space<vmem>> -> memref<128xi32, #tpu.memory_space<vmem>>
    %dma_start3A_1818 = arith.constant 0 : i32
    %dma_start3A_1819 = arith.constant 0 : i32
    %dma_start3A_1820 = tpu.memref_slice %arg2[%dma_start3A_1818, %dma_start3A_1819] : memref<2600000x16xf32, #tpu.memory_space<hbm>> -> memref<2600000x16xf32, #tpu.memory_space<hbm>>
    tpu.enqueue_indirect_dma source(%dma_start3A_1820 : memref<2600000x16xf32, #tpu.memory_space<hbm>>) target(%dma_start3A_1814 : memref<128x16xf32, #tpu.memory_space<vmem>>) offsets(%dma_start3A_1817 : memref<128xi32, #tpu.memory_space<vmem>>) semaphore(%arg9 : memref<!tpu.dma_semaphore, #tpu.memory_space<semaphore_mem>>)
    %dma_start3A_1821 = arith.constant 98 : i32
    %dma_start3A_1822 = arith.constant 896 : i32
    %dma_start3A_1823 = arith.constant 0 : i32
    %dma_start3A_1824 = tpu.memref_slice %arg7[%dma_start3A_1822, %dma_start3A_1823] : memref<1664x16xf32, #tpu.memory_space<vmem>> -> memref<128x16xf32, #tpu.memory_space<vmem>>
    %dma_start3A_1825 = arith.constant 0 : i32
    %dma_start3A_1826 = tpu.memref_slice %arg5[%dma_start3A_1821, %dma_start3A_1825] : memref<104x128xi32, #tpu.memory_space<vmem>> -> memref<1x128xi32, #tpu.memory_space<vmem>>
    %dma_start3A_1827 = tpu.memref_squeeze %dma_start3A_1826 : memref<1x128xi32, #tpu.memory_space<vmem>> -> memref<128xi32, #tpu.memory_space<vmem>>
    %dma_start3A_1828 = arith.constant 0 : i32
    %dma_start3A_1829 = arith.constant 0 : i32
    %dma_start3A_1830 = tpu.memref_slice %arg2[%dma_start3A_1828, %dma_start3A_1829] : memref<2600000x16xf32, #tpu.memory_space<hbm>> -> memref<2600000x16xf32, #tpu.memory_space<hbm>>
    tpu.enqueue_indirect_dma source(%dma_start3A_1830 : memref<2600000x16xf32, #tpu.memory_space<hbm>>) target(%dma_start3A_1824 : memref<128x16xf32, #tpu.memory_space<vmem>>) offsets(%dma_start3A_1827 : memref<128xi32, #tpu.memory_space<vmem>>) semaphore(%arg9 : memref<!tpu.dma_semaphore, #tpu.memory_space<semaphore_mem>>)
    %dma_start3A_1831 = arith.constant 99 : i32
    %dma_start3A_1832 = arith.constant 1024 : i32
    %dma_start3A_1833 = arith.constant 0 : i32
    %dma_start3A_1834 = tpu.memref_slice %arg7[%dma_start3A_1832, %dma_start3A_1833] : memref<1664x16xf32, #tpu.memory_space<vmem>> -> memref<128x16xf32, #tpu.memory_space<vmem>>
    %dma_start3A_1835 = arith.constant 0 : i32
    %dma_start3A_1836 = tpu.memref_slice %arg5[%dma_start3A_1831, %dma_start3A_1835] : memref<104x128xi32, #tpu.memory_space<vmem>> -> memref<1x128xi32, #tpu.memory_space<vmem>>
    %dma_start3A_1837 = tpu.memref_squeeze %dma_start3A_1836 : memref<1x128xi32, #tpu.memory_space<vmem>> -> memref<128xi32, #tpu.memory_space<vmem>>
    %dma_start3A_1838 = arith.constant 0 : i32
    %dma_start3A_1839 = arith.constant 0 : i32
    %dma_start3A_1840 = tpu.memref_slice %arg2[%dma_start3A_1838, %dma_start3A_1839] : memref<2600000x16xf32, #tpu.memory_space<hbm>> -> memref<2600000x16xf32, #tpu.memory_space<hbm>>
    tpu.enqueue_indirect_dma source(%dma_start3A_1840 : memref<2600000x16xf32, #tpu.memory_space<hbm>>) target(%dma_start3A_1834 : memref<128x16xf32, #tpu.memory_space<vmem>>) offsets(%dma_start3A_1837 : memref<128xi32, #tpu.memory_space<vmem>>) semaphore(%arg9 : memref<!tpu.dma_semaphore, #tpu.memory_space<semaphore_mem>>)
    %dma_start3A_1841 = arith.constant 100 : i32
    %dma_start3A_1842 = arith.constant 1152 : i32
    %dma_start3A_1843 = arith.constant 0 : i32
    %dma_start3A_1844 = tpu.memref_slice %arg7[%dma_start3A_1842, %dma_start3A_1843] : memref<1664x16xf32, #tpu.memory_space<vmem>> -> memref<128x16xf32, #tpu.memory_space<vmem>>
    %dma_start3A_1845 = arith.constant 0 : i32
    %dma_start3A_1846 = tpu.memref_slice %arg5[%dma_start3A_1841, %dma_start3A_1845] : memref<104x128xi32, #tpu.memory_space<vmem>> -> memref<1x128xi32, #tpu.memory_space<vmem>>
    %dma_start3A_1847 = tpu.memref_squeeze %dma_start3A_1846 : memref<1x128xi32, #tpu.memory_space<vmem>> -> memref<128xi32, #tpu.memory_space<vmem>>
    %dma_start3A_1848 = arith.constant 0 : i32
    %dma_start3A_1849 = arith.constant 0 : i32
    %dma_start3A_1850 = tpu.memref_slice %arg2[%dma_start3A_1848, %dma_start3A_1849] : memref<2600000x16xf32, #tpu.memory_space<hbm>> -> memref<2600000x16xf32, #tpu.memory_space<hbm>>
    tpu.enqueue_indirect_dma source(%dma_start3A_1850 : memref<2600000x16xf32, #tpu.memory_space<hbm>>) target(%dma_start3A_1844 : memref<128x16xf32, #tpu.memory_space<vmem>>) offsets(%dma_start3A_1847 : memref<128xi32, #tpu.memory_space<vmem>>) semaphore(%arg9 : memref<!tpu.dma_semaphore, #tpu.memory_space<semaphore_mem>>)
    %dma_start3A_1851 = arith.constant 101 : i32
    %dma_start3A_1852 = arith.constant 1280 : i32
    %dma_start3A_1853 = arith.constant 0 : i32
    %dma_start3A_1854 = tpu.memref_slice %arg7[%dma_start3A_1852, %dma_start3A_1853] : memref<1664x16xf32, #tpu.memory_space<vmem>> -> memref<128x16xf32, #tpu.memory_space<vmem>>
    %dma_start3A_1855 = arith.constant 0 : i32
    %dma_start3A_1856 = tpu.memref_slice %arg5[%dma_start3A_1851, %dma_start3A_1855] : memref<104x128xi32, #tpu.memory_space<vmem>> -> memref<1x128xi32, #tpu.memory_space<vmem>>
    %dma_start3A_1857 = tpu.memref_squeeze %dma_start3A_1856 : memref<1x128xi32, #tpu.memory_space<vmem>> -> memref<128xi32, #tpu.memory_space<vmem>>
    %dma_start3A_1858 = arith.constant 0 : i32
    %dma_start3A_1859 = arith.constant 0 : i32
    %dma_start3A_1860 = tpu.memref_slice %arg2[%dma_start3A_1858, %dma_start3A_1859] : memref<2600000x16xf32, #tpu.memory_space<hbm>> -> memref<2600000x16xf32, #tpu.memory_space<hbm>>
    tpu.enqueue_indirect_dma source(%dma_start3A_1860 : memref<2600000x16xf32, #tpu.memory_space<hbm>>) target(%dma_start3A_1854 : memref<128x16xf32, #tpu.memory_space<vmem>>) offsets(%dma_start3A_1857 : memref<128xi32, #tpu.memory_space<vmem>>) semaphore(%arg9 : memref<!tpu.dma_semaphore, #tpu.memory_space<semaphore_mem>>)
    %dma_start3A_1861 = arith.constant 102 : i32
    %dma_start3A_1862 = arith.constant 1408 : i32
    %dma_start3A_1863 = arith.constant 0 : i32
    %dma_start3A_1864 = tpu.memref_slice %arg7[%dma_start3A_1862, %dma_start3A_1863] : memref<1664x16xf32, #tpu.memory_space<vmem>> -> memref<128x16xf32, #tpu.memory_space<vmem>>
    %dma_start3A_1865 = arith.constant 0 : i32
    %dma_start3A_1866 = tpu.memref_slice %arg5[%dma_start3A_1861, %dma_start3A_1865] : memref<104x128xi32, #tpu.memory_space<vmem>> -> memref<1x128xi32, #tpu.memory_space<vmem>>
    %dma_start3A_1867 = tpu.memref_squeeze %dma_start3A_1866 : memref<1x128xi32, #tpu.memory_space<vmem>> -> memref<128xi32, #tpu.memory_space<vmem>>
    %dma_start3A_1868 = arith.constant 0 : i32
    %dma_start3A_1869 = arith.constant 0 : i32
    %dma_start3A_1870 = tpu.memref_slice %arg2[%dma_start3A_1868, %dma_start3A_1869] : memref<2600000x16xf32, #tpu.memory_space<hbm>> -> memref<2600000x16xf32, #tpu.memory_space<hbm>>
    tpu.enqueue_indirect_dma source(%dma_start3A_1870 : memref<2600000x16xf32, #tpu.memory_space<hbm>>) target(%dma_start3A_1864 : memref<128x16xf32, #tpu.memory_space<vmem>>) offsets(%dma_start3A_1867 : memref<128xi32, #tpu.memory_space<vmem>>) semaphore(%arg9 : memref<!tpu.dma_semaphore, #tpu.memory_space<semaphore_mem>>)
    %dma_start3A_1871 = arith.constant 103 : i32
    %dma_start3A_1872 = arith.constant 1536 : i32
    %dma_start3A_1873 = arith.constant 0 : i32
    %dma_start3A_1874 = tpu.memref_slice %arg7[%dma_start3A_1872, %dma_start3A_1873] : memref<1664x16xf32, #tpu.memory_space<vmem>> -> memref<128x16xf32, #tpu.memory_space<vmem>>
    %dma_start3A_1875 = arith.constant 0 : i32
    %dma_start3A_1876 = tpu.memref_slice %arg5[%dma_start3A_1871, %dma_start3A_1875] : memref<104x128xi32, #tpu.memory_space<vmem>> -> memref<1x128xi32, #tpu.memory_space<vmem>>
    %dma_start3A_1877 = tpu.memref_squeeze %dma_start3A_1876 : memref<1x128xi32, #tpu.memory_space<vmem>> -> memref<128xi32, #tpu.memory_space<vmem>>
    %dma_start3A_1878 = arith.constant 0 : i32
    %dma_start3A_1879 = arith.constant 0 : i32
    %dma_start3A_1880 = tpu.memref_slice %arg2[%dma_start3A_1878, %dma_start3A_1879] : memref<2600000x16xf32, #tpu.memory_space<hbm>> -> memref<2600000x16xf32, #tpu.memory_space<hbm>>
    tpu.enqueue_indirect_dma source(%dma_start3A_1880 : memref<2600000x16xf32, #tpu.memory_space<hbm>>) target(%dma_start3A_1874 : memref<128x16xf32, #tpu.memory_space<vmem>>) offsets(%dma_start3A_1877 : memref<128xi32, #tpu.memory_space<vmem>>) semaphore(%arg9 : memref<!tpu.dma_semaphore, #tpu.memory_space<semaphore_mem>>)
    %dma_wait3A_1881 = arith.constant 78 : i32
    %dma_wait3A_1882 = arith.constant 0 : i32
    %dma_wait3A_1883 = arith.constant 0 : i32
    %dma_wait3A_1884 = tpu.memref_slice %arg6[%dma_wait3A_1882, %dma_wait3A_1883] : memref<1664x16xf32, #tpu.memory_space<vmem>> -> memref<128x16xf32, #tpu.memory_space<vmem>>
    %dma_wait3A_1885 = arith.constant 0 : i32
    %dma_wait3A_1886 = tpu.memref_slice %arg5[%dma_wait3A_1881, %dma_wait3A_1885] : memref<104x128xi32, #tpu.memory_space<vmem>> -> memref<1x128xi32, #tpu.memory_space<vmem>>
    %dma_wait3A_1887 = tpu.memref_squeeze %dma_wait3A_1886 : memref<1x128xi32, #tpu.memory_space<vmem>> -> memref<128xi32, #tpu.memory_space<vmem>>
    %dma_wait3A_1888 = arith.constant 0 : i32
    %dma_wait3A_1889 = arith.constant 0 : i32
    %dma_wait3A_1890 = tpu.memref_slice %arg2[%dma_wait3A_1888, %dma_wait3A_1889] : memref<2600000x16xf32, #tpu.memory_space<hbm>> -> memref<2600000x16xf32, #tpu.memory_space<hbm>>
    tpu.wait_indirect_dma semaphore(%arg8 : memref<!tpu.dma_semaphore, #tpu.memory_space<semaphore_mem>>) src(%dma_wait3A_1890 : memref<2600000x16xf32, #tpu.memory_space<hbm>>) dst(%dma_wait3A_1884 : memref<128x16xf32, #tpu.memory_space<vmem>>)
    %dma_wait3A_1891 = arith.constant 79 : i32
    %dma_wait3A_1892 = arith.constant 128 : i32
    %dma_wait3A_1893 = arith.constant 0 : i32
    %dma_wait3A_1894 = tpu.memref_slice %arg6[%dma_wait3A_1892, %dma_wait3A_1893] : memref<1664x16xf32, #tpu.memory_space<vmem>> -> memref<128x16xf32, #tpu.memory_space<vmem>>
    %dma_wait3A_1895 = arith.constant 0 : i32
    %dma_wait3A_1896 = tpu.memref_slice %arg5[%dma_wait3A_1891, %dma_wait3A_1895] : memref<104x128xi32, #tpu.memory_space<vmem>> -> memref<1x128xi32, #tpu.memory_space<vmem>>
    %dma_wait3A_1897 = tpu.memref_squeeze %dma_wait3A_1896 : memref<1x128xi32, #tpu.memory_space<vmem>> -> memref<128xi32, #tpu.memory_space<vmem>>
    %dma_wait3A_1898 = arith.constant 0 : i32
    %dma_wait3A_1899 = arith.constant 0 : i32
    %dma_wait3A_1900 = tpu.memref_slice %arg2[%dma_wait3A_1898, %dma_wait3A_1899] : memref<2600000x16xf32, #tpu.memory_space<hbm>> -> memref<2600000x16xf32, #tpu.memory_space<hbm>>
    tpu.wait_indirect_dma semaphore(%arg8 : memref<!tpu.dma_semaphore, #tpu.memory_space<semaphore_mem>>) src(%dma_wait3A_1900 : memref<2600000x16xf32, #tpu.memory_space<hbm>>) dst(%dma_wait3A_1894 : memref<128x16xf32, #tpu.memory_space<vmem>>)
    %dma_wait3A_1901 = arith.constant 80 : i32
    %dma_wait3A_1902 = arith.constant 256 : i32
    %dma_wait3A_1903 = arith.constant 0 : i32
    %dma_wait3A_1904 = tpu.memref_slice %arg6[%dma_wait3A_1902, %dma_wait3A_1903] : memref<1664x16xf32, #tpu.memory_space<vmem>> -> memref<128x16xf32, #tpu.memory_space<vmem>>
    %dma_wait3A_1905 = arith.constant 0 : i32
    %dma_wait3A_1906 = tpu.memref_slice %arg5[%dma_wait3A_1901, %dma_wait3A_1905] : memref<104x128xi32, #tpu.memory_space<vmem>> -> memref<1x128xi32, #tpu.memory_space<vmem>>
    %dma_wait3A_1907 = tpu.memref_squeeze %dma_wait3A_1906 : memref<1x128xi32, #tpu.memory_space<vmem>> -> memref<128xi32, #tpu.memory_space<vmem>>
    %dma_wait3A_1908 = arith.constant 0 : i32
    %dma_wait3A_1909 = arith.constant 0 : i32
    %dma_wait3A_1910 = tpu.memref_slice %arg2[%dma_wait3A_1908, %dma_wait3A_1909] : memref<2600000x16xf32, #tpu.memory_space<hbm>> -> memref<2600000x16xf32, #tpu.memory_space<hbm>>
    tpu.wait_indirect_dma semaphore(%arg8 : memref<!tpu.dma_semaphore, #tpu.memory_space<semaphore_mem>>) src(%dma_wait3A_1910 : memref<2600000x16xf32, #tpu.memory_space<hbm>>) dst(%dma_wait3A_1904 : memref<128x16xf32, #tpu.memory_space<vmem>>)
    %dma_wait3A_1911 = arith.constant 81 : i32
    %dma_wait3A_1912 = arith.constant 384 : i32
    %dma_wait3A_1913 = arith.constant 0 : i32
    %dma_wait3A_1914 = tpu.memref_slice %arg6[%dma_wait3A_1912, %dma_wait3A_1913] : memref<1664x16xf32, #tpu.memory_space<vmem>> -> memref<128x16xf32, #tpu.memory_space<vmem>>
    %dma_wait3A_1915 = arith.constant 0 : i32
    %dma_wait3A_1916 = tpu.memref_slice %arg5[%dma_wait3A_1911, %dma_wait3A_1915] : memref<104x128xi32, #tpu.memory_space<vmem>> -> memref<1x128xi32, #tpu.memory_space<vmem>>
    %dma_wait3A_1917 = tpu.memref_squeeze %dma_wait3A_1916 : memref<1x128xi32, #tpu.memory_space<vmem>> -> memref<128xi32, #tpu.memory_space<vmem>>
    %dma_wait3A_1918 = arith.constant 0 : i32
    %dma_wait3A_1919 = arith.constant 0 : i32
    %dma_wait3A_1920 = tpu.memref_slice %arg2[%dma_wait3A_1918, %dma_wait3A_1919] : memref<2600000x16xf32, #tpu.memory_space<hbm>> -> memref<2600000x16xf32, #tpu.memory_space<hbm>>
    tpu.wait_indirect_dma semaphore(%arg8 : memref<!tpu.dma_semaphore, #tpu.memory_space<semaphore_mem>>) src(%dma_wait3A_1920 : memref<2600000x16xf32, #tpu.memory_space<hbm>>) dst(%dma_wait3A_1914 : memref<128x16xf32, #tpu.memory_space<vmem>>)
    %dma_wait3A_1921 = arith.constant 82 : i32
    %dma_wait3A_1922 = arith.constant 512 : i32
    %dma_wait3A_1923 = arith.constant 0 : i32
    %dma_wait3A_1924 = tpu.memref_slice %arg6[%dma_wait3A_1922, %dma_wait3A_1923] : memref<1664x16xf32, #tpu.memory_space<vmem>> -> memref<128x16xf32, #tpu.memory_space<vmem>>
    %dma_wait3A_1925 = arith.constant 0 : i32
    %dma_wait3A_1926 = tpu.memref_slice %arg5[%dma_wait3A_1921, %dma_wait3A_1925] : memref<104x128xi32, #tpu.memory_space<vmem>> -> memref<1x128xi32, #tpu.memory_space<vmem>>
    %dma_wait3A_1927 = tpu.memref_squeeze %dma_wait3A_1926 : memref<1x128xi32, #tpu.memory_space<vmem>> -> memref<128xi32, #tpu.memory_space<vmem>>
    %dma_wait3A_1928 = arith.constant 0 : i32
    %dma_wait3A_1929 = arith.constant 0 : i32
    %dma_wait3A_1930 = tpu.memref_slice %arg2[%dma_wait3A_1928, %dma_wait3A_1929] : memref<2600000x16xf32, #tpu.memory_space<hbm>> -> memref<2600000x16xf32, #tpu.memory_space<hbm>>
    tpu.wait_indirect_dma semaphore(%arg8 : memref<!tpu.dma_semaphore, #tpu.memory_space<semaphore_mem>>) src(%dma_wait3A_1930 : memref<2600000x16xf32, #tpu.memory_space<hbm>>) dst(%dma_wait3A_1924 : memref<128x16xf32, #tpu.memory_space<vmem>>)
    %dma_wait3A_1931 = arith.constant 83 : i32
    %dma_wait3A_1932 = arith.constant 640 : i32
    %dma_wait3A_1933 = arith.constant 0 : i32
    %dma_wait3A_1934 = tpu.memref_slice %arg6[%dma_wait3A_1932, %dma_wait3A_1933] : memref<1664x16xf32, #tpu.memory_space<vmem>> -> memref<128x16xf32, #tpu.memory_space<vmem>>
    %dma_wait3A_1935 = arith.constant 0 : i32
    %dma_wait3A_1936 = tpu.memref_slice %arg5[%dma_wait3A_1931, %dma_wait3A_1935] : memref<104x128xi32, #tpu.memory_space<vmem>> -> memref<1x128xi32, #tpu.memory_space<vmem>>
    %dma_wait3A_1937 = tpu.memref_squeeze %dma_wait3A_1936 : memref<1x128xi32, #tpu.memory_space<vmem>> -> memref<128xi32, #tpu.memory_space<vmem>>
    %dma_wait3A_1938 = arith.constant 0 : i32
    %dma_wait3A_1939 = arith.constant 0 : i32
    %dma_wait3A_1940 = tpu.memref_slice %arg2[%dma_wait3A_1938, %dma_wait3A_1939] : memref<2600000x16xf32, #tpu.memory_space<hbm>> -> memref<2600000x16xf32, #tpu.memory_space<hbm>>
    tpu.wait_indirect_dma semaphore(%arg8 : memref<!tpu.dma_semaphore, #tpu.memory_space<semaphore_mem>>) src(%dma_wait3A_1940 : memref<2600000x16xf32, #tpu.memory_space<hbm>>) dst(%dma_wait3A_1934 : memref<128x16xf32, #tpu.memory_space<vmem>>)
    %dma_wait3A_1941 = arith.constant 84 : i32
    %dma_wait3A_1942 = arith.constant 768 : i32
    %dma_wait3A_1943 = arith.constant 0 : i32
    %dma_wait3A_1944 = tpu.memref_slice %arg6[%dma_wait3A_1942, %dma_wait3A_1943] : memref<1664x16xf32, #tpu.memory_space<vmem>> -> memref<128x16xf32, #tpu.memory_space<vmem>>
    %dma_wait3A_1945 = arith.constant 0 : i32
    %dma_wait3A_1946 = tpu.memref_slice %arg5[%dma_wait3A_1941, %dma_wait3A_1945] : memref<104x128xi32, #tpu.memory_space<vmem>> -> memref<1x128xi32, #tpu.memory_space<vmem>>
    %dma_wait3A_1947 = tpu.memref_squeeze %dma_wait3A_1946 : memref<1x128xi32, #tpu.memory_space<vmem>> -> memref<128xi32, #tpu.memory_space<vmem>>
    %dma_wait3A_1948 = arith.constant 0 : i32
    %dma_wait3A_1949 = arith.constant 0 : i32
    %dma_wait3A_1950 = tpu.memref_slice %arg2[%dma_wait3A_1948, %dma_wait3A_1949] : memref<2600000x16xf32, #tpu.memory_space<hbm>> -> memref<2600000x16xf32, #tpu.memory_space<hbm>>
    tpu.wait_indirect_dma semaphore(%arg8 : memref<!tpu.dma_semaphore, #tpu.memory_space<semaphore_mem>>) src(%dma_wait3A_1950 : memref<2600000x16xf32, #tpu.memory_space<hbm>>) dst(%dma_wait3A_1944 : memref<128x16xf32, #tpu.memory_space<vmem>>)
    %dma_wait3A_1951 = arith.constant 85 : i32
    %dma_wait3A_1952 = arith.constant 896 : i32
    %dma_wait3A_1953 = arith.constant 0 : i32
    %dma_wait3A_1954 = tpu.memref_slice %arg6[%dma_wait3A_1952, %dma_wait3A_1953] : memref<1664x16xf32, #tpu.memory_space<vmem>> -> memref<128x16xf32, #tpu.memory_space<vmem>>
    %dma_wait3A_1955 = arith.constant 0 : i32
    %dma_wait3A_1956 = tpu.memref_slice %arg5[%dma_wait3A_1951, %dma_wait3A_1955] : memref<104x128xi32, #tpu.memory_space<vmem>> -> memref<1x128xi32, #tpu.memory_space<vmem>>
    %dma_wait3A_1957 = tpu.memref_squeeze %dma_wait3A_1956 : memref<1x128xi32, #tpu.memory_space<vmem>> -> memref<128xi32, #tpu.memory_space<vmem>>
    %dma_wait3A_1958 = arith.constant 0 : i32
    %dma_wait3A_1959 = arith.constant 0 : i32
    %dma_wait3A_1960 = tpu.memref_slice %arg2[%dma_wait3A_1958, %dma_wait3A_1959] : memref<2600000x16xf32, #tpu.memory_space<hbm>> -> memref<2600000x16xf32, #tpu.memory_space<hbm>>
    tpu.wait_indirect_dma semaphore(%arg8 : memref<!tpu.dma_semaphore, #tpu.memory_space<semaphore_mem>>) src(%dma_wait3A_1960 : memref<2600000x16xf32, #tpu.memory_space<hbm>>) dst(%dma_wait3A_1954 : memref<128x16xf32, #tpu.memory_space<vmem>>)
    %dma_wait3A_1961 = arith.constant 86 : i32
    %dma_wait3A_1962 = arith.constant 1024 : i32
    %dma_wait3A_1963 = arith.constant 0 : i32
    %dma_wait3A_1964 = tpu.memref_slice %arg6[%dma_wait3A_1962, %dma_wait3A_1963] : memref<1664x16xf32, #tpu.memory_space<vmem>> -> memref<128x16xf32, #tpu.memory_space<vmem>>
    %dma_wait3A_1965 = arith.constant 0 : i32
    %dma_wait3A_1966 = tpu.memref_slice %arg5[%dma_wait3A_1961, %dma_wait3A_1965] : memref<104x128xi32, #tpu.memory_space<vmem>> -> memref<1x128xi32, #tpu.memory_space<vmem>>
    %dma_wait3A_1967 = tpu.memref_squeeze %dma_wait3A_1966 : memref<1x128xi32, #tpu.memory_space<vmem>> -> memref<128xi32, #tpu.memory_space<vmem>>
    %dma_wait3A_1968 = arith.constant 0 : i32
    %dma_wait3A_1969 = arith.constant 0 : i32
    %dma_wait3A_1970 = tpu.memref_slice %arg2[%dma_wait3A_1968, %dma_wait3A_1969] : memref<2600000x16xf32, #tpu.memory_space<hbm>> -> memref<2600000x16xf32, #tpu.memory_space<hbm>>
    tpu.wait_indirect_dma semaphore(%arg8 : memref<!tpu.dma_semaphore, #tpu.memory_space<semaphore_mem>>) src(%dma_wait3A_1970 : memref<2600000x16xf32, #tpu.memory_space<hbm>>) dst(%dma_wait3A_1964 : memref<128x16xf32, #tpu.memory_space<vmem>>)
    %dma_wait3A_1971 = arith.constant 87 : i32
    %dma_wait3A_1972 = arith.constant 1152 : i32
    %dma_wait3A_1973 = arith.constant 0 : i32
    %dma_wait3A_1974 = tpu.memref_slice %arg6[%dma_wait3A_1972, %dma_wait3A_1973] : memref<1664x16xf32, #tpu.memory_space<vmem>> -> memref<128x16xf32, #tpu.memory_space<vmem>>
    %dma_wait3A_1975 = arith.constant 0 : i32
    %dma_wait3A_1976 = tpu.memref_slice %arg5[%dma_wait3A_1971, %dma_wait3A_1975] : memref<104x128xi32, #tpu.memory_space<vmem>> -> memref<1x128xi32, #tpu.memory_space<vmem>>
    %dma_wait3A_1977 = tpu.memref_squeeze %dma_wait3A_1976 : memref<1x128xi32, #tpu.memory_space<vmem>> -> memref<128xi32, #tpu.memory_space<vmem>>
    %dma_wait3A_1978 = arith.constant 0 : i32
    %dma_wait3A_1979 = arith.constant 0 : i32
    %dma_wait3A_1980 = tpu.memref_slice %arg2[%dma_wait3A_1978, %dma_wait3A_1979] : memref<2600000x16xf32, #tpu.memory_space<hbm>> -> memref<2600000x16xf32, #tpu.memory_space<hbm>>
    tpu.wait_indirect_dma semaphore(%arg8 : memref<!tpu.dma_semaphore, #tpu.memory_space<semaphore_mem>>) src(%dma_wait3A_1980 : memref<2600000x16xf32, #tpu.memory_space<hbm>>) dst(%dma_wait3A_1974 : memref<128x16xf32, #tpu.memory_space<vmem>>)
    %dma_wait3A_1981 = arith.constant 88 : i32
    %dma_wait3A_1982 = arith.constant 1280 : i32
    %dma_wait3A_1983 = arith.constant 0 : i32
    %dma_wait3A_1984 = tpu.memref_slice %arg6[%dma_wait3A_1982, %dma_wait3A_1983] : memref<1664x16xf32, #tpu.memory_space<vmem>> -> memref<128x16xf32, #tpu.memory_space<vmem>>
    %dma_wait3A_1985 = arith.constant 0 : i32
    %dma_wait3A_1986 = tpu.memref_slice %arg5[%dma_wait3A_1981, %dma_wait3A_1985] : memref<104x128xi32, #tpu.memory_space<vmem>> -> memref<1x128xi32, #tpu.memory_space<vmem>>
    %dma_wait3A_1987 = tpu.memref_squeeze %dma_wait3A_1986 : memref<1x128xi32, #tpu.memory_space<vmem>> -> memref<128xi32, #tpu.memory_space<vmem>>
    %dma_wait3A_1988 = arith.constant 0 : i32
    %dma_wait3A_1989 = arith.constant 0 : i32
    %dma_wait3A_1990 = tpu.memref_slice %arg2[%dma_wait3A_1988, %dma_wait3A_1989] : memref<2600000x16xf32, #tpu.memory_space<hbm>> -> memref<2600000x16xf32, #tpu.memory_space<hbm>>
    tpu.wait_indirect_dma semaphore(%arg8 : memref<!tpu.dma_semaphore, #tpu.memory_space<semaphore_mem>>) src(%dma_wait3A_1990 : memref<2600000x16xf32, #tpu.memory_space<hbm>>) dst(%dma_wait3A_1984 : memref<128x16xf32, #tpu.memory_space<vmem>>)
    %dma_wait3A_1991 = arith.constant 89 : i32
    %dma_wait3A_1992 = arith.constant 1408 : i32
    %dma_wait3A_1993 = arith.constant 0 : i32
    %dma_wait3A_1994 = tpu.memref_slice %arg6[%dma_wait3A_1992, %dma_wait3A_1993] : memref<1664x16xf32, #tpu.memory_space<vmem>> -> memref<128x16xf32, #tpu.memory_space<vmem>>
    %dma_wait3A_1995 = arith.constant 0 : i32
    %dma_wait3A_1996 = tpu.memref_slice %arg5[%dma_wait3A_1991, %dma_wait3A_1995] : memref<104x128xi32, #tpu.memory_space<vmem>> -> memref<1x128xi32, #tpu.memory_space<vmem>>
    %dma_wait3A_1997 = tpu.memref_squeeze %dma_wait3A_1996 : memref<1x128xi32, #tpu.memory_space<vmem>> -> memref<128xi32, #tpu.memory_space<vmem>>
    %dma_wait3A_1998 = arith.constant 0 : i32
    %dma_wait3A_1999 = arith.constant 0 : i32
    %dma_wait3A_2000 = tpu.memref_slice %arg2[%dma_wait3A_1998, %dma_wait3A_1999] : memref<2600000x16xf32, #tpu.memory_space<hbm>> -> memref<2600000x16xf32, #tpu.memory_space<hbm>>
    tpu.wait_indirect_dma semaphore(%arg8 : memref<!tpu.dma_semaphore, #tpu.memory_space<semaphore_mem>>) src(%dma_wait3A_2000 : memref<2600000x16xf32, #tpu.memory_space<hbm>>) dst(%dma_wait3A_1994 : memref<128x16xf32, #tpu.memory_space<vmem>>)
    %dma_wait3A_2001 = arith.constant 90 : i32
    %dma_wait3A_2002 = arith.constant 1536 : i32
    %dma_wait3A_2003 = arith.constant 0 : i32
    %dma_wait3A_2004 = tpu.memref_slice %arg6[%dma_wait3A_2002, %dma_wait3A_2003] : memref<1664x16xf32, #tpu.memory_space<vmem>> -> memref<128x16xf32, #tpu.memory_space<vmem>>
    %dma_wait3A_2005 = arith.constant 0 : i32
    %dma_wait3A_2006 = tpu.memref_slice %arg5[%dma_wait3A_2001, %dma_wait3A_2005] : memref<104x128xi32, #tpu.memory_space<vmem>> -> memref<1x128xi32, #tpu.memory_space<vmem>>
    %dma_wait3A_2007 = tpu.memref_squeeze %dma_wait3A_2006 : memref<1x128xi32, #tpu.memory_space<vmem>> -> memref<128xi32, #tpu.memory_space<vmem>>
    %dma_wait3A_2008 = arith.constant 0 : i32
    %dma_wait3A_2009 = arith.constant 0 : i32
    %dma_wait3A_2010 = tpu.memref_slice %arg2[%dma_wait3A_2008, %dma_wait3A_2009] : memref<2600000x16xf32, #tpu.memory_space<hbm>> -> memref<2600000x16xf32, #tpu.memory_space<hbm>>
    tpu.wait_indirect_dma semaphore(%arg8 : memref<!tpu.dma_semaphore, #tpu.memory_space<semaphore_mem>>) src(%dma_wait3A_2010 : memref<2600000x16xf32, #tpu.memory_space<hbm>>) dst(%dma_wait3A_2004 : memref<128x16xf32, #tpu.memory_space<vmem>>)
    %add3A_2011 = arith.constant 9984 : i32
    %add3A_2012 = arith.addi %mul3A_2, %add3A_2011 : i32
    %dma_start3A_2013 = arith.constant 0 : i32
    %dma_start3A_2014 = tpu.memref_slice %arg4[%add3A_2012, %dma_start3A_2013] : memref<425984x16xf32, #tpu.memory_space<hbm>> -> memref<1664x16xf32, #tpu.memory_space<hbm>>
    %dma_start3A_2015 = arith.constant 0 : i32
    %dma_start3A_2016 = tpu.memref_slice %arg4[%add3A_2012, %dma_start3A_2015] : memref<425984x16xf32, #tpu.memory_space<hbm>> -> memref<1664x16xf32, #tpu.memory_space<hbm>>
    tpu.enqueue_dma source(%arg6 : memref<1664x16xf32, #tpu.memory_space<vmem>>) target(%dma_start3A_2016 : memref<1664x16xf32, #tpu.memory_space<hbm>>) target_semaphore(%arg10 : memref<!tpu.dma_semaphore, #tpu.memory_space<semaphore_mem>>)
    %dma_wait3A_2017 = arith.constant 91 : i32
    %dma_wait3A_2018 = arith.constant 0 : i32
    %dma_wait3A_2019 = arith.constant 0 : i32
    %dma_wait3A_2020 = tpu.memref_slice %arg7[%dma_wait3A_2018, %dma_wait3A_2019] : memref<1664x16xf32, #tpu.memory_space<vmem>> -> memref<128x16xf32, #tpu.memory_space<vmem>>
    %dma_wait3A_2021 = arith.constant 0 : i32
    %dma_wait3A_2022 = tpu.memref_slice %arg5[%dma_wait3A_2017, %dma_wait3A_2021] : memref<104x128xi32, #tpu.memory_space<vmem>> -> memref<1x128xi32, #tpu.memory_space<vmem>>
    %dma_wait3A_2023 = tpu.memref_squeeze %dma_wait3A_2022 : memref<1x128xi32, #tpu.memory_space<vmem>> -> memref<128xi32, #tpu.memory_space<vmem>>
    %dma_wait3A_2024 = arith.constant 0 : i32
    %dma_wait3A_2025 = arith.constant 0 : i32
    %dma_wait3A_2026 = tpu.memref_slice %arg2[%dma_wait3A_2024, %dma_wait3A_2025] : memref<2600000x16xf32, #tpu.memory_space<hbm>> -> memref<2600000x16xf32, #tpu.memory_space<hbm>>
    tpu.wait_indirect_dma semaphore(%arg9 : memref<!tpu.dma_semaphore, #tpu.memory_space<semaphore_mem>>) src(%dma_wait3A_2026 : memref<2600000x16xf32, #tpu.memory_space<hbm>>) dst(%dma_wait3A_2020 : memref<128x16xf32, #tpu.memory_space<vmem>>)
    %dma_wait3A_2027 = arith.constant 92 : i32
    %dma_wait3A_2028 = arith.constant 128 : i32
    %dma_wait3A_2029 = arith.constant 0 : i32
    %dma_wait3A_2030 = tpu.memref_slice %arg7[%dma_wait3A_2028, %dma_wait3A_2029] : memref<1664x16xf32, #tpu.memory_space<vmem>> -> memref<128x16xf32, #tpu.memory_space<vmem>>
    %dma_wait3A_2031 = arith.constant 0 : i32
    %dma_wait3A_2032 = tpu.memref_slice %arg5[%dma_wait3A_2027, %dma_wait3A_2031] : memref<104x128xi32, #tpu.memory_space<vmem>> -> memref<1x128xi32, #tpu.memory_space<vmem>>
    %dma_wait3A_2033 = tpu.memref_squeeze %dma_wait3A_2032 : memref<1x128xi32, #tpu.memory_space<vmem>> -> memref<128xi32, #tpu.memory_space<vmem>>
    %dma_wait3A_2034 = arith.constant 0 : i32
    %dma_wait3A_2035 = arith.constant 0 : i32
    %dma_wait3A_2036 = tpu.memref_slice %arg2[%dma_wait3A_2034, %dma_wait3A_2035] : memref<2600000x16xf32, #tpu.memory_space<hbm>> -> memref<2600000x16xf32, #tpu.memory_space<hbm>>
    tpu.wait_indirect_dma semaphore(%arg9 : memref<!tpu.dma_semaphore, #tpu.memory_space<semaphore_mem>>) src(%dma_wait3A_2036 : memref<2600000x16xf32, #tpu.memory_space<hbm>>) dst(%dma_wait3A_2030 : memref<128x16xf32, #tpu.memory_space<vmem>>)
    %dma_wait3A_2037 = arith.constant 93 : i32
    %dma_wait3A_2038 = arith.constant 256 : i32
    %dma_wait3A_2039 = arith.constant 0 : i32
    %dma_wait3A_2040 = tpu.memref_slice %arg7[%dma_wait3A_2038, %dma_wait3A_2039] : memref<1664x16xf32, #tpu.memory_space<vmem>> -> memref<128x16xf32, #tpu.memory_space<vmem>>
    %dma_wait3A_2041 = arith.constant 0 : i32
    %dma_wait3A_2042 = tpu.memref_slice %arg5[%dma_wait3A_2037, %dma_wait3A_2041] : memref<104x128xi32, #tpu.memory_space<vmem>> -> memref<1x128xi32, #tpu.memory_space<vmem>>
    %dma_wait3A_2043 = tpu.memref_squeeze %dma_wait3A_2042 : memref<1x128xi32, #tpu.memory_space<vmem>> -> memref<128xi32, #tpu.memory_space<vmem>>
    %dma_wait3A_2044 = arith.constant 0 : i32
    %dma_wait3A_2045 = arith.constant 0 : i32
    %dma_wait3A_2046 = tpu.memref_slice %arg2[%dma_wait3A_2044, %dma_wait3A_2045] : memref<2600000x16xf32, #tpu.memory_space<hbm>> -> memref<2600000x16xf32, #tpu.memory_space<hbm>>
    tpu.wait_indirect_dma semaphore(%arg9 : memref<!tpu.dma_semaphore, #tpu.memory_space<semaphore_mem>>) src(%dma_wait3A_2046 : memref<2600000x16xf32, #tpu.memory_space<hbm>>) dst(%dma_wait3A_2040 : memref<128x16xf32, #tpu.memory_space<vmem>>)
    %dma_wait3A_2047 = arith.constant 94 : i32
    %dma_wait3A_2048 = arith.constant 384 : i32
    %dma_wait3A_2049 = arith.constant 0 : i32
    %dma_wait3A_2050 = tpu.memref_slice %arg7[%dma_wait3A_2048, %dma_wait3A_2049] : memref<1664x16xf32, #tpu.memory_space<vmem>> -> memref<128x16xf32, #tpu.memory_space<vmem>>
    %dma_wait3A_2051 = arith.constant 0 : i32
    %dma_wait3A_2052 = tpu.memref_slice %arg5[%dma_wait3A_2047, %dma_wait3A_2051] : memref<104x128xi32, #tpu.memory_space<vmem>> -> memref<1x128xi32, #tpu.memory_space<vmem>>
    %dma_wait3A_2053 = tpu.memref_squeeze %dma_wait3A_2052 : memref<1x128xi32, #tpu.memory_space<vmem>> -> memref<128xi32, #tpu.memory_space<vmem>>
    %dma_wait3A_2054 = arith.constant 0 : i32
    %dma_wait3A_2055 = arith.constant 0 : i32
    %dma_wait3A_2056 = tpu.memref_slice %arg2[%dma_wait3A_2054, %dma_wait3A_2055] : memref<2600000x16xf32, #tpu.memory_space<hbm>> -> memref<2600000x16xf32, #tpu.memory_space<hbm>>
    tpu.wait_indirect_dma semaphore(%arg9 : memref<!tpu.dma_semaphore, #tpu.memory_space<semaphore_mem>>) src(%dma_wait3A_2056 : memref<2600000x16xf32, #tpu.memory_space<hbm>>) dst(%dma_wait3A_2050 : memref<128x16xf32, #tpu.memory_space<vmem>>)
    %dma_wait3A_2057 = arith.constant 95 : i32
    %dma_wait3A_2058 = arith.constant 512 : i32
    %dma_wait3A_2059 = arith.constant 0 : i32
    %dma_wait3A_2060 = tpu.memref_slice %arg7[%dma_wait3A_2058, %dma_wait3A_2059] : memref<1664x16xf32, #tpu.memory_space<vmem>> -> memref<128x16xf32, #tpu.memory_space<vmem>>
    %dma_wait3A_2061 = arith.constant 0 : i32
    %dma_wait3A_2062 = tpu.memref_slice %arg5[%dma_wait3A_2057, %dma_wait3A_2061] : memref<104x128xi32, #tpu.memory_space<vmem>> -> memref<1x128xi32, #tpu.memory_space<vmem>>
    %dma_wait3A_2063 = tpu.memref_squeeze %dma_wait3A_2062 : memref<1x128xi32, #tpu.memory_space<vmem>> -> memref<128xi32, #tpu.memory_space<vmem>>
    %dma_wait3A_2064 = arith.constant 0 : i32
    %dma_wait3A_2065 = arith.constant 0 : i32
    %dma_wait3A_2066 = tpu.memref_slice %arg2[%dma_wait3A_2064, %dma_wait3A_2065] : memref<2600000x16xf32, #tpu.memory_space<hbm>> -> memref<2600000x16xf32, #tpu.memory_space<hbm>>
    tpu.wait_indirect_dma semaphore(%arg9 : memref<!tpu.dma_semaphore, #tpu.memory_space<semaphore_mem>>) src(%dma_wait3A_2066 : memref<2600000x16xf32, #tpu.memory_space<hbm>>) dst(%dma_wait3A_2060 : memref<128x16xf32, #tpu.memory_space<vmem>>)
    %dma_wait3A_2067 = arith.constant 96 : i32
    %dma_wait3A_2068 = arith.constant 640 : i32
    %dma_wait3A_2069 = arith.constant 0 : i32
    %dma_wait3A_2070 = tpu.memref_slice %arg7[%dma_wait3A_2068, %dma_wait3A_2069] : memref<1664x16xf32, #tpu.memory_space<vmem>> -> memref<128x16xf32, #tpu.memory_space<vmem>>
    %dma_wait3A_2071 = arith.constant 0 : i32
    %dma_wait3A_2072 = tpu.memref_slice %arg5[%dma_wait3A_2067, %dma_wait3A_2071] : memref<104x128xi32, #tpu.memory_space<vmem>> -> memref<1x128xi32, #tpu.memory_space<vmem>>
    %dma_wait3A_2073 = tpu.memref_squeeze %dma_wait3A_2072 : memref<1x128xi32, #tpu.memory_space<vmem>> -> memref<128xi32, #tpu.memory_space<vmem>>
    %dma_wait3A_2074 = arith.constant 0 : i32
    %dma_wait3A_2075 = arith.constant 0 : i32
    %dma_wait3A_2076 = tpu.memref_slice %arg2[%dma_wait3A_2074, %dma_wait3A_2075] : memref<2600000x16xf32, #tpu.memory_space<hbm>> -> memref<2600000x16xf32, #tpu.memory_space<hbm>>
    tpu.wait_indirect_dma semaphore(%arg9 : memref<!tpu.dma_semaphore, #tpu.memory_space<semaphore_mem>>) src(%dma_wait3A_2076 : memref<2600000x16xf32, #tpu.memory_space<hbm>>) dst(%dma_wait3A_2070 : memref<128x16xf32, #tpu.memory_space<vmem>>)
    %dma_wait3A_2077 = arith.constant 97 : i32
    %dma_wait3A_2078 = arith.constant 768 : i32
    %dma_wait3A_2079 = arith.constant 0 : i32
    %dma_wait3A_2080 = tpu.memref_slice %arg7[%dma_wait3A_2078, %dma_wait3A_2079] : memref<1664x16xf32, #tpu.memory_space<vmem>> -> memref<128x16xf32, #tpu.memory_space<vmem>>
    %dma_wait3A_2081 = arith.constant 0 : i32
    %dma_wait3A_2082 = tpu.memref_slice %arg5[%dma_wait3A_2077, %dma_wait3A_2081] : memref<104x128xi32, #tpu.memory_space<vmem>> -> memref<1x128xi32, #tpu.memory_space<vmem>>
    %dma_wait3A_2083 = tpu.memref_squeeze %dma_wait3A_2082 : memref<1x128xi32, #tpu.memory_space<vmem>> -> memref<128xi32, #tpu.memory_space<vmem>>
    %dma_wait3A_2084 = arith.constant 0 : i32
    %dma_wait3A_2085 = arith.constant 0 : i32
    %dma_wait3A_2086 = tpu.memref_slice %arg2[%dma_wait3A_2084, %dma_wait3A_2085] : memref<2600000x16xf32, #tpu.memory_space<hbm>> -> memref<2600000x16xf32, #tpu.memory_space<hbm>>
    tpu.wait_indirect_dma semaphore(%arg9 : memref<!tpu.dma_semaphore, #tpu.memory_space<semaphore_mem>>) src(%dma_wait3A_2086 : memref<2600000x16xf32, #tpu.memory_space<hbm>>) dst(%dma_wait3A_2080 : memref<128x16xf32, #tpu.memory_space<vmem>>)
    %dma_wait3A_2087 = arith.constant 98 : i32
    %dma_wait3A_2088 = arith.constant 896 : i32
    %dma_wait3A_2089 = arith.constant 0 : i32
    %dma_wait3A_2090 = tpu.memref_slice %arg7[%dma_wait3A_2088, %dma_wait3A_2089] : memref<1664x16xf32, #tpu.memory_space<vmem>> -> memref<128x16xf32, #tpu.memory_space<vmem>>
    %dma_wait3A_2091 = arith.constant 0 : i32
    %dma_wait3A_2092 = tpu.memref_slice %arg5[%dma_wait3A_2087, %dma_wait3A_2091] : memref<104x128xi32, #tpu.memory_space<vmem>> -> memref<1x128xi32, #tpu.memory_space<vmem>>
    %dma_wait3A_2093 = tpu.memref_squeeze %dma_wait3A_2092 : memref<1x128xi32, #tpu.memory_space<vmem>> -> memref<128xi32, #tpu.memory_space<vmem>>
    %dma_wait3A_2094 = arith.constant 0 : i32
    %dma_wait3A_2095 = arith.constant 0 : i32
    %dma_wait3A_2096 = tpu.memref_slice %arg2[%dma_wait3A_2094, %dma_wait3A_2095] : memref<2600000x16xf32, #tpu.memory_space<hbm>> -> memref<2600000x16xf32, #tpu.memory_space<hbm>>
    tpu.wait_indirect_dma semaphore(%arg9 : memref<!tpu.dma_semaphore, #tpu.memory_space<semaphore_mem>>) src(%dma_wait3A_2096 : memref<2600000x16xf32, #tpu.memory_space<hbm>>) dst(%dma_wait3A_2090 : memref<128x16xf32, #tpu.memory_space<vmem>>)
    %dma_wait3A_2097 = arith.constant 99 : i32
    %dma_wait3A_2098 = arith.constant 1024 : i32
    %dma_wait3A_2099 = arith.constant 0 : i32
    %dma_wait3A_2100 = tpu.memref_slice %arg7[%dma_wait3A_2098, %dma_wait3A_2099] : memref<1664x16xf32, #tpu.memory_space<vmem>> -> memref<128x16xf32, #tpu.memory_space<vmem>>
    %dma_wait3A_2101 = arith.constant 0 : i32
    %dma_wait3A_2102 = tpu.memref_slice %arg5[%dma_wait3A_2097, %dma_wait3A_2101] : memref<104x128xi32, #tpu.memory_space<vmem>> -> memref<1x128xi32, #tpu.memory_space<vmem>>
    %dma_wait3A_2103 = tpu.memref_squeeze %dma_wait3A_2102 : memref<1x128xi32, #tpu.memory_space<vmem>> -> memref<128xi32, #tpu.memory_space<vmem>>
    %dma_wait3A_2104 = arith.constant 0 : i32
    %dma_wait3A_2105 = arith.constant 0 : i32
    %dma_wait3A_2106 = tpu.memref_slice %arg2[%dma_wait3A_2104, %dma_wait3A_2105] : memref<2600000x16xf32, #tpu.memory_space<hbm>> -> memref<2600000x16xf32, #tpu.memory_space<hbm>>
    tpu.wait_indirect_dma semaphore(%arg9 : memref<!tpu.dma_semaphore, #tpu.memory_space<semaphore_mem>>) src(%dma_wait3A_2106 : memref<2600000x16xf32, #tpu.memory_space<hbm>>) dst(%dma_wait3A_2100 : memref<128x16xf32, #tpu.memory_space<vmem>>)
    %dma_wait3A_2107 = arith.constant 100 : i32
    %dma_wait3A_2108 = arith.constant 1152 : i32
    %dma_wait3A_2109 = arith.constant 0 : i32
    %dma_wait3A_2110 = tpu.memref_slice %arg7[%dma_wait3A_2108, %dma_wait3A_2109] : memref<1664x16xf32, #tpu.memory_space<vmem>> -> memref<128x16xf32, #tpu.memory_space<vmem>>
    %dma_wait3A_2111 = arith.constant 0 : i32
    %dma_wait3A_2112 = tpu.memref_slice %arg5[%dma_wait3A_2107, %dma_wait3A_2111] : memref<104x128xi32, #tpu.memory_space<vmem>> -> memref<1x128xi32, #tpu.memory_space<vmem>>
    %dma_wait3A_2113 = tpu.memref_squeeze %dma_wait3A_2112 : memref<1x128xi32, #tpu.memory_space<vmem>> -> memref<128xi32, #tpu.memory_space<vmem>>
    %dma_wait3A_2114 = arith.constant 0 : i32
    %dma_wait3A_2115 = arith.constant 0 : i32
    %dma_wait3A_2116 = tpu.memref_slice %arg2[%dma_wait3A_2114, %dma_wait3A_2115] : memref<2600000x16xf32, #tpu.memory_space<hbm>> -> memref<2600000x16xf32, #tpu.memory_space<hbm>>
    tpu.wait_indirect_dma semaphore(%arg9 : memref<!tpu.dma_semaphore, #tpu.memory_space<semaphore_mem>>) src(%dma_wait3A_2116 : memref<2600000x16xf32, #tpu.memory_space<hbm>>) dst(%dma_wait3A_2110 : memref<128x16xf32, #tpu.memory_space<vmem>>)
    %dma_wait3A_2117 = arith.constant 101 : i32
    %dma_wait3A_2118 = arith.constant 1280 : i32
    %dma_wait3A_2119 = arith.constant 0 : i32
    %dma_wait3A_2120 = tpu.memref_slice %arg7[%dma_wait3A_2118, %dma_wait3A_2119] : memref<1664x16xf32, #tpu.memory_space<vmem>> -> memref<128x16xf32, #tpu.memory_space<vmem>>
    %dma_wait3A_2121 = arith.constant 0 : i32
    %dma_wait3A_2122 = tpu.memref_slice %arg5[%dma_wait3A_2117, %dma_wait3A_2121] : memref<104x128xi32, #tpu.memory_space<vmem>> -> memref<1x128xi32, #tpu.memory_space<vmem>>
    %dma_wait3A_2123 = tpu.memref_squeeze %dma_wait3A_2122 : memref<1x128xi32, #tpu.memory_space<vmem>> -> memref<128xi32, #tpu.memory_space<vmem>>
    %dma_wait3A_2124 = arith.constant 0 : i32
    %dma_wait3A_2125 = arith.constant 0 : i32
    %dma_wait3A_2126 = tpu.memref_slice %arg2[%dma_wait3A_2124, %dma_wait3A_2125] : memref<2600000x16xf32, #tpu.memory_space<hbm>> -> memref<2600000x16xf32, #tpu.memory_space<hbm>>
    tpu.wait_indirect_dma semaphore(%arg9 : memref<!tpu.dma_semaphore, #tpu.memory_space<semaphore_mem>>) src(%dma_wait3A_2126 : memref<2600000x16xf32, #tpu.memory_space<hbm>>) dst(%dma_wait3A_2120 : memref<128x16xf32, #tpu.memory_space<vmem>>)
    %dma_wait3A_2127 = arith.constant 102 : i32
    %dma_wait3A_2128 = arith.constant 1408 : i32
    %dma_wait3A_2129 = arith.constant 0 : i32
    %dma_wait3A_2130 = tpu.memref_slice %arg7[%dma_wait3A_2128, %dma_wait3A_2129] : memref<1664x16xf32, #tpu.memory_space<vmem>> -> memref<128x16xf32, #tpu.memory_space<vmem>>
    %dma_wait3A_2131 = arith.constant 0 : i32
    %dma_wait3A_2132 = tpu.memref_slice %arg5[%dma_wait3A_2127, %dma_wait3A_2131] : memref<104x128xi32, #tpu.memory_space<vmem>> -> memref<1x128xi32, #tpu.memory_space<vmem>>
    %dma_wait3A_2133 = tpu.memref_squeeze %dma_wait3A_2132 : memref<1x128xi32, #tpu.memory_space<vmem>> -> memref<128xi32, #tpu.memory_space<vmem>>
    %dma_wait3A_2134 = arith.constant 0 : i32
    %dma_wait3A_2135 = arith.constant 0 : i32
    %dma_wait3A_2136 = tpu.memref_slice %arg2[%dma_wait3A_2134, %dma_wait3A_2135] : memref<2600000x16xf32, #tpu.memory_space<hbm>> -> memref<2600000x16xf32, #tpu.memory_space<hbm>>
    tpu.wait_indirect_dma semaphore(%arg9 : memref<!tpu.dma_semaphore, #tpu.memory_space<semaphore_mem>>) src(%dma_wait3A_2136 : memref<2600000x16xf32, #tpu.memory_space<hbm>>) dst(%dma_wait3A_2130 : memref<128x16xf32, #tpu.memory_space<vmem>>)
    %dma_wait3A_2137 = arith.constant 103 : i32
    %dma_wait3A_2138 = arith.constant 1536 : i32
    %dma_wait3A_2139 = arith.constant 0 : i32
    %dma_wait3A_2140 = tpu.memref_slice %arg7[%dma_wait3A_2138, %dma_wait3A_2139] : memref<1664x16xf32, #tpu.memory_space<vmem>> -> memref<128x16xf32, #tpu.memory_space<vmem>>
    %dma_wait3A_2141 = arith.constant 0 : i32
    %dma_wait3A_2142 = tpu.memref_slice %arg5[%dma_wait3A_2137, %dma_wait3A_2141] : memref<104x128xi32, #tpu.memory_space<vmem>> -> memref<1x128xi32, #tpu.memory_space<vmem>>
    %dma_wait3A_2143 = tpu.memref_squeeze %dma_wait3A_2142 : memref<1x128xi32, #tpu.memory_space<vmem>> -> memref<128xi32, #tpu.memory_space<vmem>>
    %dma_wait3A_2144 = arith.constant 0 : i32
    %dma_wait3A_2145 = arith.constant 0 : i32
    %dma_wait3A_2146 = tpu.memref_slice %arg2[%dma_wait3A_2144, %dma_wait3A_2145] : memref<2600000x16xf32, #tpu.memory_space<hbm>> -> memref<2600000x16xf32, #tpu.memory_space<hbm>>
    tpu.wait_indirect_dma semaphore(%arg9 : memref<!tpu.dma_semaphore, #tpu.memory_space<semaphore_mem>>) src(%dma_wait3A_2146 : memref<2600000x16xf32, #tpu.memory_space<hbm>>) dst(%dma_wait3A_2140 : memref<128x16xf32, #tpu.memory_space<vmem>>)
    %add3A_2147 = arith.constant 11648 : i32
    %add3A_2148 = arith.addi %mul3A_2, %add3A_2147 : i32
    %dma_start3A_2149 = arith.constant 0 : i32
    %dma_start3A_2150 = tpu.memref_slice %arg4[%add3A_2148, %dma_start3A_2149] : memref<425984x16xf32, #tpu.memory_space<hbm>> -> memref<1664x16xf32, #tpu.memory_space<hbm>>
    %dma_start3A_2151 = arith.constant 0 : i32
    %dma_start3A_2152 = tpu.memref_slice %arg4[%add3A_2148, %dma_start3A_2151] : memref<425984x16xf32, #tpu.memory_space<hbm>> -> memref<1664x16xf32, #tpu.memory_space<hbm>>
    tpu.enqueue_dma source(%arg7 : memref<1664x16xf32, #tpu.memory_space<vmem>>) target(%dma_start3A_2152 : memref<1664x16xf32, #tpu.memory_space<hbm>>) target_semaphore(%arg11 : memref<!tpu.dma_semaphore, #tpu.memory_space<semaphore_mem>>)
    %dma_wait3A_2153 = arith.constant 0 : i32
    %dma_wait3A_2154 = tpu.memref_slice %arg4[%add3A_2012, %dma_wait3A_2153] : memref<425984x16xf32, #tpu.memory_space<hbm>> -> memref<1664x16xf32, #tpu.memory_space<hbm>>
    %dma_wait3A_2155 = arith.constant 0 : i32
    %dma_wait3A_2156 = tpu.memref_slice %arg4[%add3A_2012, %dma_wait3A_2155] : memref<425984x16xf32, #tpu.memory_space<hbm>> -> memref<1664x16xf32, #tpu.memory_space<hbm>>
    tpu.wait_dma2 semaphore(%arg10 : memref<!tpu.dma_semaphore, #tpu.memory_space<semaphore_mem>>) src(%arg6 : memref<1664x16xf32, #tpu.memory_space<vmem>>) dst(%dma_wait3A_2156 : memref<1664x16xf32, #tpu.memory_space<hbm>>)
    %dma_wait3A_2157 = arith.constant 0 : i32
    %dma_wait3A_2158 = tpu.memref_slice %arg4[%add3A_2148, %dma_wait3A_2157] : memref<425984x16xf32, #tpu.memory_space<hbm>> -> memref<1664x16xf32, #tpu.memory_space<hbm>>
    %dma_wait3A_2159 = arith.constant 0 : i32
    %dma_wait3A_2160 = tpu.memref_slice %arg4[%add3A_2148, %dma_wait3A_2159] : memref<425984x16xf32, #tpu.memory_space<hbm>> -> memref<1664x16xf32, #tpu.memory_space<hbm>>
    tpu.wait_dma2 semaphore(%arg11 : memref<!tpu.dma_semaphore, #tpu.memory_space<semaphore_mem>>) src(%arg7 : memref<1664x16xf32, #tpu.memory_space<vmem>>) dst(%dma_wait3A_2160 : memref<1664x16xf32, #tpu.memory_space<hbm>>)
    return
  }
}

module attributes {stable_mosaic.version = 14 : i64} {
  func.func @_retile_tc_body(%arg0: i32, %arg1: memref<2x16x100000xf32, #tpu.memory_space<vmem>>, %arg2: memref<25000x128xf32, #tpu.memory_space<vmem>>) attributes {dimension_semantics = [#tpu.dimension_semantics<arbitrary>], iteration_bounds = array<i64: 13>, scalar_prefetch = 0 : i64, scratch_operands = 0 : i64, tpu.core_type = #tpu.core_type<tc>, window_params = [{transform_indices = @transform_0, window_bounds = array<i64: 2, 16, 100000>}, {transform_indices = @transform_1, window_bounds = array<i64: 25000, 128>}]} {
    %iota3A = tpu.iota {dimensions = array<i32: 0>} : vector<128x128xi32>
    %iota3A_0 = tpu.iota {dimensions = array<i32: 1>} : vector<128x128xi32>
    %eq3A = arith.cmpi eq, %iota3A, %iota3A_0 : vector<128x128xi32>
    %convert_element_type3A = arith.extui %eq3A : vector<128x128xi1> to vector<128x128xi32>
    %convert_element_type3A_1 = arith.sitofp %convert_element_type3A : vector<128x128xi32> to vector<128x128xf32>
    %get3A = arith.constant 0 : index
    %get3A_2 = arith.constant 0 : index
    %get3A_3 = arith.constant 0 : index
    %get3A_4 = vector.load %arg1[%get3A, %get3A_2, %get3A_3] : memref<2x16x100000xf32, #tpu.memory_space<vmem>>, vector<1x16x12500xf32>
    %get3A_5 = vector.shape_cast %get3A_4 : vector<1x16x12500xf32> to vector<16x12500xf32>
    %get3A_6 = arith.constant 0 : index
    %get3A_7 = arith.constant 0 : index
    %get3A_8 = arith.constant 12500 : index
    %get3A_9 = vector.load %arg1[%get3A_6, %get3A_7, %get3A_8] : memref<2x16x100000xf32, #tpu.memory_space<vmem>>, vector<1x16x12500xf32>
    %get3A_10 = vector.shape_cast %get3A_9 : vector<1x16x12500xf32> to vector<16x12500xf32>
    %get3A_11 = arith.constant 0 : index
    %get3A_12 = arith.constant 0 : index
    %get3A_13 = arith.constant 25000 : index
    %get3A_14 = vector.load %arg1[%get3A_11, %get3A_12, %get3A_13] : memref<2x16x100000xf32, #tpu.memory_space<vmem>>, vector<1x16x12500xf32>
    %get3A_15 = vector.shape_cast %get3A_14 : vector<1x16x12500xf32> to vector<16x12500xf32>
    %get3A_16 = arith.constant 0 : index
    %get3A_17 = arith.constant 0 : index
    %get3A_18 = arith.constant 37500 : index
    %get3A_19 = vector.load %arg1[%get3A_16, %get3A_17, %get3A_18] : memref<2x16x100000xf32, #tpu.memory_space<vmem>>, vector<1x16x12500xf32>
    %get3A_20 = vector.shape_cast %get3A_19 : vector<1x16x12500xf32> to vector<16x12500xf32>
    %get3A_21 = arith.constant 0 : index
    %get3A_22 = arith.constant 0 : index
    %get3A_23 = arith.constant 50000 : index
    %get3A_24 = vector.load %arg1[%get3A_21, %get3A_22, %get3A_23] : memref<2x16x100000xf32, #tpu.memory_space<vmem>>, vector<1x16x12500xf32>
    %get3A_25 = vector.shape_cast %get3A_24 : vector<1x16x12500xf32> to vector<16x12500xf32>
    %get3A_26 = arith.constant 0 : index
    %get3A_27 = arith.constant 0 : index
    %get3A_28 = arith.constant 62500 : index
    %get3A_29 = vector.load %arg1[%get3A_26, %get3A_27, %get3A_28] : memref<2x16x100000xf32, #tpu.memory_space<vmem>>, vector<1x16x12500xf32>
    %get3A_30 = vector.shape_cast %get3A_29 : vector<1x16x12500xf32> to vector<16x12500xf32>
    %get3A_31 = arith.constant 0 : index
    %get3A_32 = arith.constant 0 : index
    %get3A_33 = arith.constant 75000 : index
    %get3A_34 = vector.load %arg1[%get3A_31, %get3A_32, %get3A_33] : memref<2x16x100000xf32, #tpu.memory_space<vmem>>, vector<1x16x12500xf32>
    %get3A_35 = vector.shape_cast %get3A_34 : vector<1x16x12500xf32> to vector<16x12500xf32>
    %get3A_36 = arith.constant 0 : index
    %get3A_37 = arith.constant 0 : index
    %get3A_38 = arith.constant 87500 : index
    %get3A_39 = vector.load %arg1[%get3A_36, %get3A_37, %get3A_38] : memref<2x16x100000xf32, #tpu.memory_space<vmem>>, vector<1x16x12500xf32>
    %get3A_40 = vector.shape_cast %get3A_39 : vector<1x16x12500xf32> to vector<16x12500xf32>
    %concatenate3A = tpu.concatenate %get3A_5, %get3A_10, %get3A_15, %get3A_20, %get3A_25, %get3A_30, %get3A_35, %get3A_40 in 0 : vector<16x12500xf32>, vector<16x12500xf32>, vector<16x12500xf32>, vector<16x12500xf32>, vector<16x12500xf32>, vector<16x12500xf32>, vector<16x12500xf32>, vector<16x12500xf32> -> vector<128x12500xf32>
    %dot_general3A = arith.constant dense<0.000000e+00> : vector<12500x128xf32>
    %dot_general3A_41 = tpu.matmul %concatenate3A, %convert_element_type3A_1, %dot_general3A {dimension_numbers = #tpu.dot_dimension_numbers<[0], [0], [1], [1], [0, 1, 1, 1], [], []>, transpose_lhs_hint = false} : vector<128x12500xf32>, vector<128x128xf32>, vector<12500x128xf32> -> vector<12500x128xf32>
    %swap3A = arith.constant 0 : index
    %swap3A_42 = arith.constant 0 : index
    %swap3A_43 = vector.load %arg2[%swap3A, %swap3A_42] : memref<25000x128xf32, #tpu.memory_space<vmem>>, vector<12500x128xf32>
    tpu.vector_store %arg2[%swap3A, %swap3A_42], %dot_general3A_41 {strides = array<i32>} : memref<25000x128xf32, #tpu.memory_space<vmem>>, vector<12500x128xf32>,
    %get3A_44 = arith.constant 1 : index
    %get3A_45 = arith.constant 0 : index
    %get3A_46 = arith.constant 0 : index
    %get3A_47 = vector.load %arg1[%get3A_44, %get3A_45, %get3A_46] : memref<2x16x100000xf32, #tpu.memory_space<vmem>>, vector<1x16x12500xf32>
    %get3A_48 = vector.shape_cast %get3A_47 : vector<1x16x12500xf32> to vector<16x12500xf32>
    %get3A_49 = arith.constant 1 : index
    %get3A_50 = arith.constant 0 : index
    %get3A_51 = arith.constant 12500 : index
    %get3A_52 = vector.load %arg1[%get3A_49, %get3A_50, %get3A_51] : memref<2x16x100000xf32, #tpu.memory_space<vmem>>, vector<1x16x12500xf32>
    %get3A_53 = vector.shape_cast %get3A_52 : vector<1x16x12500xf32> to vector<16x12500xf32>
    %get3A_54 = arith.constant 1 : index
    %get3A_55 = arith.constant 0 : index
    %get3A_56 = arith.constant 25000 : index
    %get3A_57 = vector.load %arg1[%get3A_54, %get3A_55, %get3A_56] : memref<2x16x100000xf32, #tpu.memory_space<vmem>>, vector<1x16x12500xf32>
    %get3A_58 = vector.shape_cast %get3A_57 : vector<1x16x12500xf32> to vector<16x12500xf32>
    %get3A_59 = arith.constant 1 : index
    %get3A_60 = arith.constant 0 : index
    %get3A_61 = arith.constant 37500 : index
    %get3A_62 = vector.load %arg1[%get3A_59, %get3A_60, %get3A_61] : memref<2x16x100000xf32, #tpu.memory_space<vmem>>, vector<1x16x12500xf32>
    %get3A_63 = vector.shape_cast %get3A_62 : vector<1x16x12500xf32> to vector<16x12500xf32>
    %get3A_64 = arith.constant 1 : index
    %get3A_65 = arith.constant 0 : index
    %get3A_66 = arith.constant 50000 : index
    %get3A_67 = vector.load %arg1[%get3A_64, %get3A_65, %get3A_66] : memref<2x16x100000xf32, #tpu.memory_space<vmem>>, vector<1x16x12500xf32>
    %get3A_68 = vector.shape_cast %get3A_67 : vector<1x16x12500xf32> to vector<16x12500xf32>
    %get3A_69 = arith.constant 1 : index
    %get3A_70 = arith.constant 0 : index
    %get3A_71 = arith.constant 62500 : index
    %get3A_72 = vector.load %arg1[%get3A_69, %get3A_70, %get3A_71] : memref<2x16x100000xf32, #tpu.memory_space<vmem>>, vector<1x16x12500xf32>
    %get3A_73 = vector.shape_cast %get3A_72 : vector<1x16x12500xf32> to vector<16x12500xf32>
    %get3A_74 = arith.constant 1 : index
    %get3A_75 = arith.constant 0 : index
    %get3A_76 = arith.constant 75000 : index
    %get3A_77 = vector.load %arg1[%get3A_74, %get3A_75, %get3A_76] : memref<2x16x100000xf32, #tpu.memory_space<vmem>>, vector<1x16x12500xf32>
    %get3A_78 = vector.shape_cast %get3A_77 : vector<1x16x12500xf32> to vector<16x12500xf32>
    %get3A_79 = arith.constant 1 : index
    %get3A_80 = arith.constant 0 : index
    %get3A_81 = arith.constant 87500 : index
    %get3A_82 = vector.load %arg1[%get3A_79, %get3A_80, %get3A_81] : memref<2x16x100000xf32, #tpu.memory_space<vmem>>, vector<1x16x12500xf32>
    %get3A_83 = vector.shape_cast %get3A_82 : vector<1x16x12500xf32> to vector<16x12500xf32>
    %concatenate3A_84 = tpu.concatenate %get3A_48, %get3A_53, %get3A_58, %get3A_63, %get3A_68, %get3A_73, %get3A_78, %get3A_83 in 0 : vector<16x12500xf32>, vector<16x12500xf32>, vector<16x12500xf32>, vector<16x12500xf32>, vector<16x12500xf32>, vector<16x12500xf32>, vector<16x12500xf32>, vector<16x12500xf32> -> vector<128x12500xf32>
    %dot_general3A_85 = arith.constant dense<0.000000e+00> : vector<12500x128xf32>
    %dot_general3A_86 = tpu.matmul %concatenate3A_84, %convert_element_type3A_1, %dot_general3A_85 {dimension_numbers = #tpu.dot_dimension_numbers<[0], [0], [1], [1], [0, 1, 1, 1], [], []>, transpose_lhs_hint = false} : vector<128x12500xf32>, vector<128x128xf32>, vector<12500x128xf32> -> vector<12500x128xf32>
    %swap3A_87 = arith.constant 12500 : index
    %swap3A_88 = arith.constant 0 : index
    %swap3A_89 = vector.load %arg2[%swap3A_87, %swap3A_88] : memref<25000x128xf32, #tpu.memory_space<vmem>>, vector<12500x128xf32>
    tpu.vector_store %arg2[%swap3A_87, %swap3A_88], %dot_general3A_86 {strides = array<i32>} : memref<25000x128xf32, #tpu.memory_space<vmem>>, vector<12500x128xf32>,
    return
  }
  func.func @transform_0(%arg0: i32) -> (i32, i32, i32) {
    %c0_i32 = arith.constant 0 : i32
    %c0_i32_0 = arith.constant 0 : i32
    %c0_i32_1 = arith.constant 0 : i32
    return %arg0, %c0_i32, %c0_i32_0 : i32, i32, i32
  }
  func.func @transform_1(%arg0: i32) -> (i32, i32) {
    %c0_i32 = arith.constant 0 : i32
    %c0_i32_0 = arith.constant 0 : i32
    return %arg0, %c0_i32 : i32, i32
  }
}

module attributes {stable_mosaic.version = 14 : i64} {
  func.func @_deepfm_tc_body(%arg0: i32, %arg1: memref<2048x416xf32, #tpu.memory_space<vmem>>, %arg2: memref<2048x13xf32, #tpu.memory_space<vmem>>, %arg3: memref<416x32xf32, #tpu.memory_space<vmem>>, %arg4: memref<13x32xf32, #tpu.memory_space<vmem>>, %arg5: memref<1x32xf32, #tpu.memory_space<vmem>>, %arg6: memref<32x32xf32, #tpu.memory_space<vmem>>, %arg7: memref<1x32xf32, #tpu.memory_space<vmem>>, %arg8: memref<416x1xf32, #tpu.memory_space<vmem>>, %arg9: memref<13x1xf32, #tpu.memory_space<vmem>>, %arg10: memref<1x1xf32, #tpu.memory_space<vmem>>, %arg11: memref<32x1xf32, #tpu.memory_space<vmem>>, %arg12: memref<1x1xf32, #tpu.memory_space<vmem>>, %arg13: memref<2x1xf32, #tpu.memory_space<vmem>>, %arg14: memref<1x1xf32, #tpu.memory_space<vmem>>, %arg15: memref<2048x1xf32, #tpu.memory_space<vmem>>) attributes {dimension_semantics = [#tpu.dimension_semantics<arbitrary>], iteration_bounds = array<i64: 8>, scalar_prefetch = 0 : i64, scratch_operands = 0 : i64, tpu.core_type = #tpu.core_type<tc>, window_params = [{transform_indices = @transform_0, window_bounds = array<i64: 2048, 416>}, {transform_indices = @transform_1, window_bounds = array<i64: 2048, 13>}, {pipeline_mode = #tpu.pipeline_mode<synchronous>, transform_indices = @transform_2, window_bounds = array<i64: 416, 32>}, {pipeline_mode = #tpu.pipeline_mode<synchronous>, transform_indices = @transform_3, window_bounds = array<i64: 13, 32>}, {pipeline_mode = #tpu.pipeline_mode<synchronous>, transform_indices = @transform_4, window_bounds = array<i64: 1, 32>}, {pipeline_mode = #tpu.pipeline_mode<synchronous>, transform_indices = @transform_5, window_bounds = array<i64: 32, 32>}, {pipeline_mode = #tpu.pipeline_mode<synchronous>, transform_indices = @transform_6, window_bounds = array<i64: 1, 32>}, {pipeline_mode = #tpu.pipeline_mode<synchronous>, transform_indices = @transform_7, window_bounds = array<i64: 416, 1>}, {pipeline_mode = #tpu.pipeline_mode<synchronous>, transform_indices = @transform_8, window_bounds = array<i64: 13, 1>}, {pipeline_mode = #tpu.pipeline_mode<synchronous>, transform_indices = @transform_9, window_bounds = array<i64: 1, 1>}, {pipeline_mode = #tpu.pipeline_mode<synchronous>, transform_indices = @transform_10, window_bounds = array<i64: 32, 1>}, {pipeline_mode = #tpu.pipeline_mode<synchronous>, transform_indices = @transform_11, window_bounds = array<i64: 1, 1>}, {pipeline_mode = #tpu.pipeline_mode<synchronous>, transform_indices = @transform_12, window_bounds = array<i64: 2, 1>}, {pipeline_mode = #tpu.pipeline_mode<synchronous>, transform_indices = @transform_13, window_bounds = array<i64: 1, 1>}, {transform_indices = @transform_14, window_bounds = array<i64: 2048, 1>}]} {
    %get3A = arith.constant 0 : index
    %get3A_0 = arith.constant 0 : index
    %get3A_1 = vector.load %arg1[%get3A, %get3A_0] : memref<2048x416xf32, #tpu.memory_space<vmem>>, vector<2048x416xf32>
    %get3A_2 = arith.constant 0 : index
    %get3A_3 = arith.constant 0 : index
    %get3A_4 = vector.load %arg2[%get3A_2, %get3A_3] : memref<2048x13xf32, #tpu.memory_space<vmem>>, vector<2048x13xf32>
    %get3A_5 = arith.constant 0 : index
    %get3A_6 = arith.constant 0 : index
    %get3A_7 = vector.load %arg3[%get3A_5, %get3A_6] : memref<416x32xf32, #tpu.memory_space<vmem>>, vector<416x32xf32>
    %dot_general3A = arith.constant dense<0.000000e+00> : vector<2048x32xf32>
    %dot_general3A_8 = tpu.matmul %get3A_1, %get3A_7, %dot_general3A {dimension_numbers = #tpu.dot_dimension_numbers<[1], [0], [0], [1], [0, 0, 1, 1], [], []>, transpose_lhs_hint = false} : vector<2048x416xf32>, vector<416x32xf32>, vector<2048x32xf32> -> vector<2048x32xf32>
    %get3A_9 = arith.constant 0 : index
    %get3A_10 = arith.constant 0 : index
    %get3A_11 = vector.load %arg4[%get3A_9, %get3A_10] : memref<13x32xf32, #tpu.memory_space<vmem>>, vector<13x32xf32>
    %dot_general3A_12 = arith.constant dense<0.000000e+00> : vector<2048x32xf32>
    %dot_general3A_13 = tpu.matmul %get3A_4, %get3A_11, %dot_general3A_12 {dimension_numbers = #tpu.dot_dimension_numbers<[1], [0], [0], [1], [0, 0, 1, 1], [], []>, transpose_lhs_hint = false} : vector<2048x13xf32>, vector<13x32xf32>, vector<2048x32xf32> -> vector<2048x32xf32>
    %add3A = arith.addf %dot_general3A_8, %dot_general3A_13 : vector<2048x32xf32>
    %get3A_14 = arith.constant 0 : index
    %get3A_15 = arith.constant 0 : index
    %get3A_16 = vector.load %arg5[%get3A_14, %get3A_15] : memref<1x32xf32, #tpu.memory_space<vmem>>, vector<1x32xf32>
    %add3A_17 = vector.broadcast %get3A_16 : vector<1x32xf32> to vector<2048x32xf32>
    %add3A_18 = arith.addf %add3A, %add3A_17 : vector<2048x32xf32>
    %max3A = arith.constant 0.000000e+00 : f32
    %max3A_19 = vector.broadcast %max3A : f32 to vector<2048x32xf32>
    %max3A_20 = arith.maximumf %add3A_18, %max3A_19 : vector<2048x32xf32>
    %get3A_21 = arith.constant 0 : index
    %get3A_22 = arith.constant 0 : index
    %get3A_23 = vector.load %arg6[%get3A_21, %get3A_22] : memref<32x32xf32, #tpu.memory_space<vmem>>, vector<32x32xf32>
    %dot_general3A_24 = arith.constant dense<0.000000e+00> : vector<2048x32xf32>
    %dot_general3A_25 = tpu.matmul %max3A_20, %get3A_23, %dot_general3A_24 {dimension_numbers = #tpu.dot_dimension_numbers<[1], [0], [0], [1], [0, 0, 1, 1], [], []>, transpose_lhs_hint = false} : vector<2048x32xf32>, vector<32x32xf32>, vector<2048x32xf32> -> vector<2048x32xf32>
    %get3A_26 = arith.constant 0 : index
    %get3A_27 = arith.constant 0 : index
    %get3A_28 = vector.load %arg7[%get3A_26, %get3A_27] : memref<1x32xf32, #tpu.memory_space<vmem>>, vector<1x32xf32>
    %add3A_29 = vector.broadcast %get3A_28 : vector<1x32xf32> to vector<2048x32xf32>
    %add3A_30 = arith.addf %dot_general3A_25, %add3A_29 : vector<2048x32xf32>
    %max3A_31 = arith.constant 0.000000e+00 : f32
    %max3A_32 = vector.broadcast %max3A_31 : f32 to vector<2048x32xf32>
    %max3A_33 = arith.maximumf %add3A_30, %max3A_32 : vector<2048x32xf32>
    %get3A_34 = arith.constant 0 : index
    %get3A_35 = arith.constant 0 : index
    %get3A_36 = vector.load %arg8[%get3A_34, %get3A_35] : memref<416x1xf32, #tpu.memory_space<vmem>>, vector<416x1xf32>
    %dot_general3A_37 = arith.constant dense<0.000000e+00> : vector<2048x1xf32>
    %dot_general3A_38 = tpu.matmul %get3A_1, %get3A_36, %dot_general3A_37 {dimension_numbers = #tpu.dot_dimension_numbers<[1], [0], [0], [1], [0, 0, 1, 1], [], []>, transpose_lhs_hint = false} : vector<2048x416xf32>, vector<416x1xf32>, vector<2048x1xf32> -> vector<2048x1xf32>
    %get3A_39 = arith.constant 0 : index
    %get3A_40 = arith.constant 0 : index
    %get3A_41 = vector.load %arg9[%get3A_39, %get3A_40] : memref<13x1xf32, #tpu.memory_space<vmem>>, vector<13x1xf32>
    %dot_general3A_42 = arith.constant dense<0.000000e+00> : vector<2048x1xf32>
    %dot_general3A_43 = tpu.matmul %get3A_4, %get3A_41, %dot_general3A_42 {dimension_numbers = #tpu.dot_dimension_numbers<[1], [0], [0], [1], [0, 0, 1, 1], [], []>, transpose_lhs_hint = false} : vector<2048x13xf32>, vector<13x1xf32>, vector<2048x1xf32> -> vector<2048x1xf32>
    %add3A_44 = arith.addf %dot_general3A_38, %dot_general3A_43 : vector<2048x1xf32>
    %get3A_45 = arith.constant 0 : index
    %get3A_46 = arith.constant 0 : index
    %get3A_47 = vector.load %arg10[%get3A_45, %get3A_46] : memref<1x1xf32, #tpu.memory_space<vmem>>, vector<1x1xf32>
    %add3A_48 = vector.broadcast %get3A_47 : vector<1x1xf32> to vector<2048x1xf32>
    %add3A_49 = arith.addf %add3A_44, %add3A_48 : vector<2048x1xf32>
    %get3A_50 = arith.constant 0 : index
    %get3A_51 = arith.constant 0 : index
    %get3A_52 = vector.load %arg11[%get3A_50, %get3A_51] : memref<32x1xf32, #tpu.memory_space<vmem>>, vector<32x1xf32>
    %dot_general3A_53 = arith.constant dense<0.000000e+00> : vector<2048x1xf32>
    %dot_general3A_54 = tpu.matmul %max3A_33, %get3A_52, %dot_general3A_53 {dimension_numbers = #tpu.dot_dimension_numbers<[1], [0], [0], [1], [0, 0, 1, 1], [], []>, transpose_lhs_hint = false} : vector<2048x32xf32>, vector<32x1xf32>, vector<2048x1xf32> -> vector<2048x1xf32>
    %get3A_55 = arith.constant 0 : index
    %get3A_56 = arith.constant 0 : index
    %get3A_57 = vector.load %arg12[%get3A_55, %get3A_56] : memref<1x1xf32, #tpu.memory_space<vmem>>, vector<1x1xf32>
    %add3A_58 = vector.broadcast %get3A_57 : vector<1x1xf32> to vector<2048x1xf32>
    %add3A_59 = arith.addf %dot_general3A_54, %add3A_58 : vector<2048x1xf32>
    %get3A_60 = arith.constant 0 : index
    %get3A_61 = arith.constant 0 : index
    %get3A_62 = vector.load %arg13[%get3A_60, %get3A_61] : memref<2x1xf32, #tpu.memory_space<vmem>>, vector<2x1xf32>
    %slice3A = vector.extract_strided_slice %get3A_62 {offsets = [0, 0], sizes = [1, 1], strides = [1, 1]} : vector<2x1xf32> to vector<1x1xf32>
    %mul3A = vector.broadcast %slice3A : vector<1x1xf32> to vector<2048x1xf32>
    %mul3A_63 = arith.mulf %add3A_49, %mul3A : vector<2048x1xf32>
    %slice3A_64 = vector.extract_strided_slice %get3A_62 {offsets = [1, 0], sizes = [1, 1], strides = [1, 1]} : vector<2x1xf32> to vector<1x1xf32>
    %mul3A_65 = vector.broadcast %slice3A_64 : vector<1x1xf32> to vector<2048x1xf32>
    %mul3A_66 = arith.mulf %add3A_59, %mul3A_65 : vector<2048x1xf32>
    %add3A_67 = arith.addf %mul3A_63, %mul3A_66 : vector<2048x1xf32>
    %get3A_68 = arith.constant 0 : index
    %get3A_69 = arith.constant 0 : index
    %get3A_70 = vector.load %arg14[%get3A_68, %get3A_69] : memref<1x1xf32, #tpu.memory_space<vmem>>, vector<1x1xf32>
    %add3A_71 = vector.broadcast %get3A_70 : vector<1x1xf32> to vector<2048x1xf32>
    %add3A_72 = arith.addf %add3A_67, %add3A_71 : vector<2048x1xf32>
    %logistic3A = arith.negf %add3A_72 : vector<2048x1xf32>
    %logistic3A_73 = math.exp %logistic3A : vector<2048x1xf32>
    %logistic3A_74 = arith.constant 1.000000e+00 : f32
    %logistic3A_75 = vector.broadcast %logistic3A_74 : f32 to vector<2048x1xf32>
    %logistic3A_76 = arith.addf %logistic3A_75, %logistic3A_73 : vector<2048x1xf32>
    %logistic3A_77 = arith.divf %logistic3A_75, %logistic3A_76 : vector<2048x1xf32>
    %swap3A = arith.constant 0 : index
    %swap3A_78 = arith.constant 0 : index
    %swap3A_79 = vector.load %arg15[%swap3A, %swap3A_78] : memref<2048x1xf32, #tpu.memory_space<vmem>>, vector<2048x1xf32>
    tpu.vector_store %arg15[%swap3A, %swap3A_78], %logistic3A_77 {strides = array<i32>} : memref<2048x1xf32, #tpu.memory_space<vmem>>, vector<2048x1xf32>,
    return
  }
  func.func @transform_0(%arg0: i32) -> (i32, i32) {
    %c0_i32 = arith.constant 0 : i32
    %c0_i32_0 = arith.constant 0 : i32
    return %arg0, %c0_i32 : i32, i32
  }
  func.func @transform_1(%arg0: i32) -> (i32, i32) {
    %c0_i32 = arith.constant 0 : i32
    %c0_i32_0 = arith.constant 0 : i32
    return %arg0, %c0_i32 : i32, i32
  }
  func.func @transform_2(%arg0: i32) -> (i32, i32) {
    %c0_i32 = arith.constant 0 : i32
    %c0_i32_0 = arith.constant 0 : i32
    %c0_i32_1 = arith.constant 0 : i32
    return %c0_i32, %c0_i32_0 : i32, i32
  }
  func.func @transform_3(%arg0: i32) -> (i32, i32) {
    %c0_i32 = arith.constant 0 : i32
    %c0_i32_0 = arith.constant 0 : i32
    %c0_i32_1 = arith.constant 0 : i32
    return %c0_i32, %c0_i32_0 : i32, i32
  }
  func.func @transform_4(%arg0: i32) -> (i32, i32) {
    %c0_i32 = arith.constant 0 : i32
    %c0_i32_0 = arith.constant 0 : i32
    %c0_i32_1 = arith.constant 0 : i32
    return %c0_i32, %c0_i32_0 : i32, i32
  }
  func.func @transform_5(%arg0: i32) -> (i32, i32) {
    %c0_i32 = arith.constant 0 : i32
    %c0_i32_0 = arith.constant 0 : i32
    %c0_i32_1 = arith.constant 0 : i32
    return %c0_i32, %c0_i32_0 : i32, i32
  }
  func.func @transform_6(%arg0: i32) -> (i32, i32) {
    %c0_i32 = arith.constant 0 : i32
    %c0_i32_0 = arith.constant 0 : i32
    %c0_i32_1 = arith.constant 0 : i32
    return %c0_i32, %c0_i32_0 : i32, i32
  }
  func.func @transform_7(%arg0: i32) -> (i32, i32) {
    %c0_i32 = arith.constant 0 : i32
    %c0_i32_0 = arith.constant 0 : i32
    %c0_i32_1 = arith.constant 0 : i32
    return %c0_i32, %c0_i32_0 : i32, i32
  }
  func.func @transform_8(%arg0: i32) -> (i32, i32) {
    %c0_i32 = arith.constant 0 : i32
    %c0_i32_0 = arith.constant 0 : i32
    %c0_i32_1 = arith.constant 0 : i32
    return %c0_i32, %c0_i32_0 : i32, i32
  }
  func.func @transform_9(%arg0: i32) -> (i32, i32) {
    %c0_i32 = arith.constant 0 : i32
    %c0_i32_0 = arith.constant 0 : i32
    %c0_i32_1 = arith.constant 0 : i32
    return %c0_i32, %c0_i32_0 : i32, i32
  }
  func.func @transform_10(%arg0: i32) -> (i32, i32) {
    %c0_i32 = arith.constant 0 : i32
    %c0_i32_0 = arith.constant 0 : i32
    %c0_i32_1 = arith.constant 0 : i32
    return %c0_i32, %c0_i32_0 : i32, i32
  }
  func.func @transform_11(%arg0: i32) -> (i32, i32) {
    %c0_i32 = arith.constant 0 : i32
    %c0_i32_0 = arith.constant 0 : i32
    %c0_i32_1 = arith.constant 0 : i32
    return %c0_i32, %c0_i32_0 : i32, i32
  }
  func.func @transform_12(%arg0: i32) -> (i32, i32) {
    %c0_i32 = arith.constant 0 : i32
    %c0_i32_0 = arith.constant 0 : i32
    %c0_i32_1 = arith.constant 0 : i32
    return %c0_i32, %c0_i32_0 : i32, i32
  }
  func.func @transform_13(%arg0: i32) -> (i32, i32) {
    %c0_i32 = arith.constant 0 : i32
    %c0_i32_0 = arith.constant 0 : i32
    %c0_i32_1 = arith.constant 0 : i32
    return %c0_i32, %c0_i32_0 : i32, i32
  }
  func.func @transform_14(%arg0: i32) -> (i32, i32) {
    %c0_i32 = arith.constant 0 : i32
    %c0_i32_0 = arith.constant 0 : i32
    return %arg0, %c0_i32 : i32, i32
  }
}

</mosaic_0001>

<sc_bundles>
// kernel: kernel.5.cloned.1.call-start
scs
__scs_entry_jumppad:
0x0: {  	(pc) =	sbr.rel $0x88, $3  }
0x1: {  	(tag) =	ssettag $0x0;
	lr =	simm.s32 $0x1  }
0x2: {  	[smem:$0x3F94] =	sst lr;
	_ =	strace $0xD0000000  }
0x3: {  	_ = 	snop  }
0x4: {  	_ = 	snop  }
0x5: {  	_ = 	snop  }
0x6: {  	_ = 	snop  }
0x7: {  	_ = 	snop  }
__scs_overlays_trampoline_lowered:
0x8: {  	[smem:$0x3FA3] =	sst s0  }
0x9: {  	[smem:$0x3FA4] =	sst s1  }
0xa: {  	[smem:$0x3FA5] =	sst s2  }
0xb: {  	[smem:$0x3FA6] =	sst s3  }
0xc: {  	[smem:$0x3FA7] =	sst s4  }
0xd: {  	[smem:$0x3FA8] =	sst s5  }
0xe: {  	[smem:$0x3FA9] =	sst s6  }
0xf: {  	[smem:$0x3FAA] =	sst s7  }
0x10: {  	[smem:$0x3FAB] =	sst s8  }
0x11: {  	[smem:$0x3FAC] =	sst s9;
	s0 =	simm.s32 @!p0 $0x0  }
0x12: {  	s1 =	sld [smem:$0x3F92];
	s0 =	simm.s32 @p0 $0x1  }
0x13: {  	[smem:$0x3FAD] =	sst s0;
	s0 =	simm.s32 @!p1 $0x0  }
0x14: {  	s2 =	sld [smem:$0x3F91];
	s0 =	simm.s32 @p1 $0x1  }
0x15: {  	[smem:$0x3FAE] =	sst s0;
	s0 =	simm.s32 @!p2 $0x0  }
0x16: {  	s3 =	sld [smem:$0x3FDB];
	s0 =	simm.s32 @p2 $0x1  }
0x17: {  	s4 =	simm.s32 $0x1BF5;
	[smem:$0x3FB0] =	sst s0  }
0x18: {  	s0 =	sld [smem:$0x3F93];
	_ =	swait.ge [sflag:s4], $0x0  }
0x19: {  	s7 =	sld [smem:$0x3F94]  }
0x1a: {  	s8 =	sadd.s32 $0xFFFFE003, lr  }
0x1b: {  	s9 =	sadd.s32 $0xFFFFFEF7, lr;
	s5 =	simm.s32 $0xFFFFFFFF;
	p2 =	slt.u32 s8, $0xFFFFF086  }
0x1c: {  	p1 =	slt.u32 s9, $0xF7A;
	s5 =	simm.s32 @!p2 $0x0  }
0x1d: {  	s5 =	simm.s32 @p1 $0x1;
	p0 =	seq.s32 s7, s2  }
0x1e: {  	s7 =	smul.u32 @!p0 $0xF7A, s2;
	p2 =	seq.s32 @!p0 s5, $0x0  }
0x1f: {  	s9 =	smul.u32 $0xF7A, s1;
	s8 =	simm.s32 @!p0 $0x1BF5;
	p2 =	por !p2, p0  }
0x20: {  	[sflag:s8] =	ssyncset.s32 @!p0 $0xFFFFF086;
	s6 =	sadd.s32 @!p0 s3, s7;
	s7 =	simm.s32 @!p0 $0x108  }
0x21: {  	s3 =	sadd.s32 s3, s9;
	s6 =	sadd.s32 @!p0 $0x88, s6;
	s7 =	simm.s32 @p2 $0x1082  }
0x22: {  	[simem:s7], [sflag:s8] =	dma.local @!p0 [hbm:s6], $0xF7A  }
0x23: {  	s9 =	sor.u32 $0xD0000000, s2;
	s6 =	simm.s32 $0x108;
	_ =	swait.ge @!p0 [sflag:s8], $0x0  }
0x24: {  	s3 =	sadd.s32 $0x88, s3;
	s6 =	simm.s32 @!p1 $0x1082;
	[sflag:s4] =	ssyncset.s32 $0xFFFFF086  }
0x25: {  	[simem:s6], [sflag:s4] =	dma.local [hbm:s3], $0xF7A  }
0x26: {  	[smem:$0x3F94] =	sst s1;
	(tag) =	ssettag s2;
	_ =	strace s9  }
0x27: {  	s1 =	sld [smem:$0x3FA4]  }
0x28: {  	s2 =	sld [smem:$0x3FA5]  }
0x29: {  	s4 =	sld [smem:$0x3FA7]  }
0x2a: {  	p0 =	seq.s32 s5, $0x0;
	s5 =	sld [smem:$0x3FA8]  }
0x2b: {  	s6 =	sld [smem:$0x3FA9]  }
0x2c: {  	s7 =	sld [smem:$0x3FAA]  }
0x2d: {  	s3 =	simm.s32 $0x108;
	s8 =	sld [smem:$0x3FAB]  }
0x2e: {  	s3 =	simm.s32 @!p0 $0x1082;
	s9 =	sld [smem:$0x3FAC]  }
0x2f: {  	lr =	sadd.s32 s0, s3;
	s0 =	sld [smem:$0x3FA3]  }
0x30: {  	s3 =	sld [smem:$0x3FA6]  }
0x31: {  	[smem:$0x3FAF] =	sst s10  }
0x32: {  	s10 =	sld [smem:$0x3FAD];
	_ =	sdelay $0x3  }
0x33: {  	p0 =	seq.s32 s10, $0x1;
	s10 =	sld [smem:$0x3FAF];
	_ =	sdelay $0x3  }
0x34: {  	[smem:$0x3FAF] =	sst s10  }
0x35: {  	s10 =	sld [smem:$0x3FAE];
	_ =	sdelay $0x3  }
0x36: {  	p1 =	seq.s32 s10, $0x1;
	s10 =	sld [smem:$0x3FAF];
	_ =	sdelay $0x3  }
0x37: {  	[smem:$0x3FAF] =	sst s10  }
0x38: {  	s10 =	sld [smem:$0x3FB0]  }
0x39: {  	_ = 	snop;
	(pc) =	sbr.ind lr, $3  }
0x3a: {  	_ = 	snop  }
0x3b: {  	_ = 	snop  }
0x3c: {  	p2 =	seq.s32 s10, $0x1;
	s10 =	sld [smem:$0x3FAF]  }
0x3d: {  	_ =	shalt  }
0x3e: {  	_ =	shalt  }
0x3f: {  	_ =	shalt  }
0x40: {  	_ =	shalt  }
0x41: {  	_ =	shalt  }
0x42: {  	_ =	shalt  }
0x43: {  	_ =	shalt  }
0x44: {  	_ =	shalt  }
0x45: {  	_ =	shalt  }
0x46: {  	_ =	shalt  }
0x47: {  	_ =	shalt  }
0x48: {  	_ =	shalt  }
0x49: {  	_ =	shalt  }
0x4a: {  	_ =	shalt  }
0x4b: {  	_ =	shalt  }
0x4c: {  	_ =	shalt  }
0x4d: {  	_ =	shalt  }
0x4e: {  	_ =	shalt  }
0x4f: {  	_ =	shalt  }
0x50: {  	_ =	shalt  }
0x51: {  	_ =	shalt  }
0x52: {  	_ =	shalt  }
0x53: {  	_ =	shalt  }
0x54: {  	_ =	shalt  }
0x55: {  	_ =	shalt  }
0x56: {  	_ =	shalt  }
0x57: {  	_ =	shalt  }
0x58: {  	_ =	shalt  }
0x59: {  	_ =	shalt  }
0x5a: {  	_ =	shalt  }
0x5b: {  	_ =	shalt  }
0x5c: {  	_ =	shalt  }
0x5d: {  	_ =	shalt  }
0x5e: {  	_ =	shalt  }
0x5f: {  	_ =	shalt  }
0x60: {  	_ =	shalt  }
0x61: {  	_ =	shalt  }
0x62: {  	_ =	shalt  }
0x63: {  	_ =	shalt  }
0x64: {  	_ =	shalt  }
0x65: {  	_ =	shalt  }
0x66: {  	_ =	shalt  }
0x67: {  	_ =	shalt  }
0x68: {  	_ =	shalt  }
0x69: {  	_ =	shalt  }
0x6a: {  	_ =	shalt  }
0x6b: {  	_ =	shalt  }
0x6c: {  	_ =	shalt  }
0x6d: {  	_ =	shalt  }
0x6e: {  	_ =	shalt  }
0x6f: {  	_ =	shalt  }
0x70: {  	_ =	shalt  }
0x71: {  	_ =	shalt  }
0x72: {  	_ =	shalt  }
0x73: {  	_ =	shalt  }
0x74: {  	_ =	shalt  }
0x75: {  	_ =	shalt  }
0x76: {  	_ =	shalt  }
0x77: {  	_ =	shalt  }
0x78: {  	_ =	shalt  }
0x79: {  	_ =	shalt  }
0x7a: {  	_ =	shalt  }
0x7b: {  	_ =	shalt  }
0x7c: {  	_ =	shalt  }
0x7d: {  	_ =	shalt  }
0x7e: {  	_ =	shalt  }
0x7f: {  	_ =	shalt  }
0x80: {  	_ =	shalt  }
0x81: {  	_ =	shalt  }
0x82: {  	_ =	shalt  }
0x83: {  	_ =	shalt  }
0x84: {  	_ =	shalt  }
0x85: {  	_ =	shalt  }
0x86: {  	_ =	shalt  }
0x87: {  	_ =	shalt  }
.Lfunc_end0:
.L_simem_size_0:
called_computation_lowered:
.L_overlay_start_0:
0x88: {  	s2 =	sld [smem:$0x3FD9]  }
0x89: {  	s3 =	sld [smem:$0x3FFE];
	_ =	sdelay $0x1  }
0x8a: {  	s1 =	srdreg.scid  }
0x8b: {  	s0 =	sand.u32 $0x1, s1  }
0x8c: {  	s16 =	sshll.u32 s0, $0xA;
	s2 =	sadd.s32 s3, s2  }
0x8d: {  	s2 =	sadd.s32 s2, s16  }
0x8e: {  	[smem:$0x3FBB] =	sst s2  }
0x8f: {  	_ = 	snop  }
0x90: {  	(tm) =	ssettm $0x1  }
0x91: {  	s17 =	sld [smem:$0x3FFB];
	_ =	sdelay $0x3  }
0x92: {  	_ =	strace s17  }
0x93: {  	s2 =	sld [smem:$0x3FFC];
	_ =	sdelay $0x3  }
0x94: {  	_ =	strace s2  }
0x95: {  	s2 =	sld [smem:$0x3FFD];
	_ =	sdelay $0x3  }
0x96: {  	_ =	strace s2  }
0x97: {  	_ =	strace $0x8FFFFFFF  }
0x98: {  	s18 =	sld [smem:$0x3FDB];
	_ =	sdelay $0x1  }
0x99: {  	s19 =	simm.s32 $_scs_section_size  }
0x9a: {  	s4 =	simm.s32 $_size__tile_overlayer_lowered;
	s5 =	simm.s32 $_tile_overlayer_lowered  }
0x9b: {  	s22 =	simm.s32 $0x1BFF;
	s21 =	sshll.u32 s5, $0x1;
	s2 =	sadd.s32 s19, s18  }
0x9c: {  	s6 =	simm.s32 $0x0;
	s20 =	sshll.u32 s4, $0x1;
	s4 =	sadd.s32 s21, s2  }
0x9d: {  	[timem:s6], [sflag:s22] =	dma.local [hbm:s4], s20  }
0x9e: {  	_ =	swait.ge [sflag:s22], s20  }
0x9f: {  	s3 =	ssub.s32 $0x0, s20;
	[sflag:s22] =	ssyncset.done $0x0  }
0xa0: {  	[sflag:s22] =	ssyncadd.s32 s3;
	_ =	sdelay $0x1  }
0xa1: {  	s23 =	simm.s32 $0x1B8B  }
0xa2: {  	_ =	swait.ge [sflag:s23], $0x1  }
0xa3: {  	[sflag:s23] =	ssyncset.done $0x0  }
0xa4: {  	s25 =	simm.s32 $0x1B8E;
	s24 =	sld [smem:$0x3FFE];
	[sflag:s23] =	ssyncadd.s32 $0xFFFFFFFF  }
0xa5: {  	s26 =	simm.s32 $execute0_lowered;
	[smem:$0x3FD2] =	sst s25  }
0xa6: {  	s4 =	sshll.u32 s26, $0x1;
	_ =	strace $0x80000046;
	[dreg:$0x1] =	wrdreg $0xFFFFFFFF  }
0xa7: {  	s28 =	simm.s32 $_size_execute0_lowered;
	s2 =	sadd.s32 s2, s4;
	[dreg:$0x0] =	wrdreg $0x0  }
0xa8: {  	s4 =	sshll.u32 s28, $0x1;
	[dreg:$0x2] =	wrdreg s2  }
0xa9: {  	[dreg:$0x3] =	wrdreg s4  }
0xaa: {  	[dreg:$0x4] =	wrdreg $0xC0  }
0xab: {  	_ =	task [dreg:s6], $0x5FFFF  }
0xac: {  	[dreg:$0x1] =	wrdreg $0xFFFFFFFF  }
0xad: {  	[dreg:$0x0] =	wrdreg $0x60  }
0xae: {  	[dreg:$0x2] =	wrdreg s24  }
0xaf: {  	[dreg:$0x3] =	wrdreg $0x9  }
0xb0: {  	_ =	task.clear_ibuf [dreg:s6], $0x4FFFF;
	_ =	strace $0x90000046  }
0xb1: {  	s29 =	simm.s32 $0x9;
	_ =	strace $0x80000048  }
0xb2: {  	_ =	swait.ge [sflag:s29], $0x1  }
0xb3: {  	[sflag:s29] =	ssyncadd.s32 $0xFFFFFFFF  }
0xb4: {  	_ =	strace $0x90000048  }
0xb5: {  	_ =	sfence  }
0xb6: {  	s30 =	sld [smem:$0x0];
	_ =	sdelay $0x2  }
0xb7: {  	s31 =	sshll.u32 s1, $0xD;
	s1 =	sshrl.u32 s1, $0x2  }
0xb8: {  	s3 =	sand.u32 $0x4000, s31;
	s1 =	sadd.s32 s1, s30  }
0xb9: {  	s0 =	sor.u32 s3, s0;
	s1 =	sshll.u32 s1, $0x11  }
0xba: {  	s0 =	sor.u32 s1, s0  }
0xbb: {  	s0 =	sadd.s32 $0x8F2B, s0  }
0xbc: {  	[sflag:s0] =	ssyncadd.remote.s32 $0x1  }
0xbd: {  	_ =	sfence.sel $0xFFFF  }
0xbe: {  	[dreg:$0x0] =	wrdreg $0xFFFFFFFF;
	(pc) =	sbr.abs _section_cstart, $3  }
0xbf: {  	[dreg:$0x1] =	wrdreg $0xFFFFFFFF  }
0xc0: {  	_ =	task.clear_ibuf [dreg:s6], $0x2FFFF;
	_ =	strace $0x9FFFFFFF  }
0xc1: {  	(tm) =	ssettm $0x7FFFFFFF  }
tec
execute0_lowered:
.L_overlay_start_1:
0x0: {  	(tag) =	ssettag $0x1  }
0x1: {  	s0 =	srdreg.scid;
	s1 =	stileid.u32  }
0x2: {  	s0 =	sand.u32 $0x1, s0;
	s2 =	sshll.u32 s1, $0x1  }
0x3: {  	s1 =	rddreg [dreg:$0x0];
	s3 =	sor.u32 s0, s2;
	s2 =	simm.s32 $0x0  }
0x4: {  	s7 =	simm.s32 $0x280;
	[smem:$0x7FF] =	sst s2  }
0x5: {  	s8 =	simm.s32 $0x300;
	_ =	strace $0x80000047;
	[dreg:$0xe] =	wrdreg s7  }
0x6: {  	s9 =	simm.s32 $0x380;
	[dreg:$0xf] =	wrdreg s8  }
0x7: {  	s10 =	simm.s32 $0x400;
	[dreg:$0x10] =	wrdreg s9  }
0x8: {  	s11 =	simm.s32 $0x480;
	[dreg:$0x11] =	wrdreg s10  }
0x9: {  	s12 =	simm.s32 $0x500;
	[dreg:$0x12] =	wrdreg s11  }
0xa: {  	s13 =	simm.s32 $0x580;
	[dreg:$0x13] =	wrdreg s12  }
0xb: {  	s14 =	simm.s32 $0x600;
	[dreg:$0x14] =	wrdreg s13  }
0xc: {  	s15 =	simm.s32 $0x680;
	[dreg:$0x15] =	wrdreg s14  }
0xd: {  	s16 =	simm.s32 $0x700;
	[dreg:$0x16] =	wrdreg s15  }
0xe: {  	s17 =	simm.s32 $0x780;
	[dreg:$0x17] =	wrdreg s16  }
0xf: {  	s18 =	simm.s32 $0x800;
	[dreg:$0x18] =	wrdreg s17  }
0x10: {  	s19 =	simm.s32 $0x880;
	[dreg:$0x19] =	wrdreg s18  }
0x11: {  	s20 =	simm.s32 $0x900;
	[dreg:$0x1a] =	wrdreg s19  }
0x12: {  	s21 =	simm.s32 $0x980;
	[dreg:$0x1b] =	wrdreg s20  }
0x13: {  	[dreg:$0x1c] =	wrdreg s21;
	s7 =	simm.s32 $0xF80  }
0x14: {  	s8 =	simm.s32 $0x1000;
	[smem:$0x7B5] =	sst s7  }
0x15: {  	s9 =	simm.s32 $0x1080;
	[smem:$0x7B6] =	sst s8  }
0x16: {  	s10 =	simm.s32 $0x1100;
	[smem:$0x7B7] =	sst s9  }
0x17: {  	s11 =	simm.s32 $0x1180;
	[smem:$0x7B8] =	sst s10  }
0x18: {  	s12 =	simm.s32 $0x1200;
	[smem:$0x7B9] =	sst s11  }
0x19: {  	s13 =	simm.s32 $0x1280;
	[smem:$0x7BA] =	sst s12  }
0x1a: {  	s14 =	simm.s32 $0x1300;
	[smem:$0x7BB] =	sst s13  }
0x1b: {  	s15 =	simm.s32 $0x1380;
	[smem:$0x7BC] =	sst s14  }
0x1c: {  	s16 =	simm.s32 $0x1400;
	[smem:$0x7BD] =	sst s15  }
0x1d: {  	s17 =	simm.s32 $0x1480;
	[smem:$0x7BE] =	sst s16  }
0x1e: {  	s4 =	smul.u32 $0x680, s3;
	s18 =	simm.s32 $0x1500;
	[smem:$0x7BF] =	sst s17  }
0x1f: {  	s5 =	smul.u32 $0x34000, s3;
	s19 =	simm.s32 $0x1580;
	[smem:$0x7C0] =	sst s18  }
0x20: {  	s3 =	smul.u32 $0x6800, s3;
	s20 =	simm.s32 $0x1600;
	[smem:$0x7C1] =	sst s19  }
0x21: {  	s6 =	sadd.s32 $0x503E00, s1;
	s21 =	simm.s32 $0x1680;
	[smem:$0x7C2] =	sst s20  }
0x22: {  	s3 =	sadd.s32 s6, s3;
	[smem:$0x7C3] =	sst s21  }
0x23: {  	s7 =	simm.s32 $0x1C80;
	[dreg:$0x3] =	wrdreg s3  }
0x24: {  	s8 =	simm.s32 $0x1D00;
	[smem:$0x7CF] =	sst s7  }
0x25: {  	s9 =	simm.s32 $0x1D80;
	[smem:$0x7D0] =	sst s8  }
0x26: {  	s10 =	simm.s32 $0x1E00;
	[smem:$0x7D1] =	sst s9  }
0x27: {  	s11 =	simm.s32 $0x1E80;
	[smem:$0x7D2] =	sst s10  }
0x28: {  	s12 =	simm.s32 $0x1F00;
	[smem:$0x7D3] =	sst s11  }
0x29: {  	s13 =	simm.s32 $0x1F80;
	[smem:$0x7D4] =	sst s12  }
0x2a: {  	s14 =	simm.s32 $0x2000;
	[smem:$0x7D5] =	sst s13  }
0x2b: {  	s15 =	simm.s32 $0x2080;
	[smem:$0x7D6] =	sst s14  }
0x2c: {  	s16 =	simm.s32 $0x2100;
	[smem:$0x7D7] =	sst s15  }
0x2d: {  	s17 =	simm.s32 $0x2180;
	[smem:$0x7D8] =	sst s16  }
0x2e: {  	s18 =	simm.s32 $0x2200;
	[smem:$0x7D9] =	sst s17  }
0x2f: {  	s19 =	simm.s32 $0x2280;
	[smem:$0x7DA] =	sst s18  }
0x30: {  	s20 =	simm.s32 $0x2300;
	[smem:$0x7DB] =	sst s19  }
0x31: {  	s4 =	sadd.s32 s4, s1;
	s21 =	simm.s32 $0x2380;
	[smem:$0x7DC] =	sst s20  }
0x32: {  	s5 =	sshrl.u32 s5, $0x3;
	s4 =	sadd.s32 $0x4F6E00, s4;
	[smem:$0x7DD] =	sst s21  }
0x33: {  	s22 =	sadd.s32 s6, s5;
	s5 =	simm.s32 $0x180;
	[dreg:$0x2] =	wrdreg s4  }
0x34: {  	s6 =	simm.s32 $0x200;
	[dreg:$0xc] =	wrdreg s5  }
0x35: {  	s8 =	simm.s32 $0x2900;
	[dreg:$0xd] =	wrdreg s6  }
0x36: {  	s9 =	simm.s32 $0x2980;
	[smem:$0x7E8] =	sst s8  }
0x37: {  	s11 =	simm.s32 $0x2A00;
	[smem:$0x7E9] =	sst s9  }
0x38: {  	s12 =	simm.s32 $0x2A80;
	[smem:$0x7EA] =	sst s11  }
0x39: {  	s13 =	simm.s32 $0x2B00;
	[smem:$0x7EB] =	sst s12  }
0x3a: {  	s14 =	simm.s32 $0x2B80;
	[smem:$0x7EC] =	sst s13  }
0x3b: {  	s15 =	simm.s32 $0x2C00;
	[smem:$0x7ED] =	sst s14  }
0x3c: {  	s16 =	simm.s32 $0x2C80;
	[smem:$0x7EE] =	sst s15  }
0x3d: {  	s17 =	simm.s32 $0x2D00;
	[smem:$0x7EF] =	sst s16  }
0x3e: {  	s18 =	simm.s32 $0x2D80;
	[smem:$0x7F0] =	sst s17  }
0x3f: {  	s19 =	simm.s32 $0x2E00;
	[smem:$0x7F1] =	sst s18  }
0x40: {  	s20 =	simm.s32 $0x2E80;
	[smem:$0x7F2] =	sst s19  }
0x41: {  	s21 =	simm.s32 $0x2F00;
	[smem:$0x7F3] =	sst s20  }
0x42: {  	s23 =	sadd.s32 $0xD00, s22;
	[smem:$0x7F4] =	sst s21  }
0x43: {  	s24 =	sadd.s32 $0x1A00, s22;
	[dreg:$0x4] =	wrdreg s23  }
0x44: {  	s25 =	sadd.s32 $0x2700, s22;
	[dreg:$0x5] =	wrdreg s24  }
0x45: {  	s26 =	sadd.s32 $0x3400, s22;
	[dreg:$0x6] =	wrdreg s25  }
0x46: {  	s28 =	sadd.s32 $0x4100, s22;
	[dreg:$0x7] =	wrdreg s26  }
0x47: {  	s30 =	sadd.s32 $0x4E00, s22;
	[dreg:$0x8] =	wrdreg s28  }
0x48: {  	s31 =	sadd.s32 $0x5B00, s22;
	[dreg:$0x9] =	wrdreg s30  }
0x49: {  	s4 =	simm.s32 $0x100;
	[dreg:$0xa] =	wrdreg s31  }
0x4a: {  	s22 =	simm.s32 $0xA00;
	[dreg:$0xb] =	wrdreg s4  }
0x4b: {  	s0 =	ssub.s32 $0x2, s0;
	s5 =	simm.s32 $0xE80;
	[dreg:$0x1d] =	wrdreg s22  }
0x4c: {  	s7 =	sshrl.u32 s0, $0x1;
	s6 =	simm.s32 $0xF00;
	[smem:$0x7B3] =	sst s5  }
0x4d: {  	s0 =	ssub.s32 s0, s7;
	s7 =	simm.s32 $0x3180;
	[smem:$0x7B4] =	sst s6  }
0x4e: {  	[smem:$0x7F9] =	sst s7  }
0x4f: {  	s23 =	simm.s32 $0xA80;
	s14 =	rddreg [dreg:$0x2]  }
0x50: {  	s24 =	simm.s32 $0xB00;
	[dreg:$0x1e] =	wrdreg s23  }
0x51: {  	s25 =	simm.s32 $0xB80;
	[dreg:$0x1f] =	wrdreg s24  }
0x52: {  	s26 =	simm.s32 $0xC00;
	[smem:$0x7AD] =	sst s25  }
0x53: {  	s28 =	simm.s32 $0xC80;
	[smem:$0x7AE] =	sst s26  }
0x54: {  	s30 =	simm.s32 $0xD00;
	[smem:$0x7AF] =	sst s28  }
0x55: {  	s31 =	simm.s32 $0xD80;
	[smem:$0x7B0] =	sst s30  }
0x56: {  	s4 =	simm.s32 $0xE00;
	[smem:$0x7B1] =	sst s31  }
0x57: {  	s22 =	simm.s32 $0x1700;
	[smem:$0x7B2] =	sst s4  }
0x58: {  	s5 =	simm.s32 $0x1B80;
	[smem:$0x7C4] =	sst s22  }
0x59: {  	s6 =	simm.s32 $0x1C00;
	[smem:$0x7CD] =	sst s5  }
0x5a: {  	s23 =	simm.s32 $0x1780;
	[smem:$0x7CE] =	sst s6  }
0x5b: {  	s24 =	simm.s32 $0x1800;
	[smem:$0x7C5] =	sst s23  }
0x5c: {  	s25 =	simm.s32 $0x1880;
	[smem:$0x7C6] =	sst s24  }
0x5d: {  	s26 =	simm.s32 $0x1900;
	[smem:$0x7C7] =	sst s25  }
0x5e: {  	s28 =	simm.s32 $0x1980;
	[smem:$0x7C8] =	sst s26  }
0x5f: {  	s30 =	simm.s32 $0x1A00;
	[smem:$0x7C9] =	sst s28  }
0x60: {  	s31 =	simm.s32 $0x1A80;
	[smem:$0x7CA] =	sst s30  }
0x61: {  	s4 =	simm.s32 $0x1B00;
	[smem:$0x7CB] =	sst s31  }
0x62: {  	s22 =	simm.s32 $0x2400;
	[smem:$0x7CC] =	sst s4  }
0x63: {  	s29 =	simm.s32 $0x5;
	s6 =	simm.s32 $0x2880;
	[smem:$0x7DE] =	sst s22  }
0x64: {  	p0 =	por $0x0, $0x0;
	s23 =	simm.s32 $0x2480;
	[smem:$0x7E7] =	sst s6  }
0x65: {  	s3 =	simm.s32 $0x9C00;
	s24 =	simm.s32 $0x2500;
	[smem:$0x7DF] =	sst s23  }
0x66: {  	s9 =	simm.s32 $0x80;
	s25 =	simm.s32 $0x2580;
	[smem:$0x7E0] =	sst s24  }
0x67: {  	s13 =	simm.s32 $0x3C00;
	s26 =	simm.s32 $0x2600;
	[smem:$0x7E1] =	sst s25  }
0x68: {  	s15 =	simm.s32 $0x8400;
	s28 =	simm.s32 $0x2680;
	[smem:$0x7E2] =	sst s26  }
0x69: {  	s17 =	simm.s32 $0x8C00;
	s30 =	simm.s32 $0x2700;
	[smem:$0x7E3] =	sst s28  }
0x6a: {  	s18 =	simm.s32 $0x9400;
	s31 =	simm.s32 $0x2780;
	[smem:$0x7E4] =	sst s30  }
0x6b: {  	s8 =	simm.s32 $0x2;
	s4 =	simm.s32 $0x2800;
	[smem:$0x7E5] =	sst s31  }
0x6c: {  	s10 =	smax.u32 s0, $0x1;
	s22 =	simm.s32 $0x2F80;
	[smem:$0x7E6] =	sst s4  }
0x6d: {  	s7 =	simm.s32 $0x3;
	[smem:$0x7F5] =	sst s22;
	s23 =	simm.s32 $0x3000  }
0x6e: {  	s5 =	sadd.s32 $0x1400, s1;
	s24 =	simm.s32 $0x3080;
	[smem:$0x7F6] =	sst s23  }
0x6f: {  	p1 =	sne.s32 s10, $0x1;
	s25 =	simm.s32 $0x3100;
	[smem:$0x7F7] =	sst s24  }
.Ltmp0:
0x70: {  	s26 =	simm.s32 $0x3200;
	[smem:$0x7F8] =	sst s25;
	(pc) =	sbr.rel @!p1 .LBB2_5-.Ltmp0, $4  }
0x71: {  	s1 =	simm.s32 $0x7C00;
	s28 =	simm.s32 $0x3280;
	[smem:$0x7FA] =	sst s26  }
0x72: {  	s0 =	sadd.s32 $0xFFFFFFFF, s10;
	s30 =	simm.s32 $0x3300;
	[smem:$0x7FB] =	sst s28  }
0x73: {  	s10 =	simm.s32 $0x1;
	s31 =	simm.s32 $0x3380;
	[smem:$0x7FC] =	sst s30  }
0x74: {  	s6 =	simm.s32 $0x4;
	s4 =	simm.s32 $0x3400;
	[smem:$0x7FD] =	sst s31  }
0x75: {  	[tilespmem:s2], [sflag:$0x5] =	stream.linear.gather [hbm4b:s14+s2], $0x3400, $0x38;
	[tilespmem:$0x10400] =	vst v63  }
0x76: {  	_ =	swait.ge [sflag:s29], $0x3400  }
0x77: {  	[sflag:s29] =	ssyncset.done $0x0  }
0x78: {  	[sflag:s29] =	ssyncadd.s32 $0xFFFFCC00  }
0x79: {  	[tilespmem:s4], [sflag:$0x1] =	stream.indirect.gather [hbm4b:s5+s9], $0x10, s2, s9, $0xb8;
	[tilespmem:$0x10400] =	vst v63  }
0x7a: {  	s20 =	rddreg [dreg:$0xb]  }
0x7b: {  	[tilespmem:s13], [sflag:$0x1] =	stream.indirect.gather [hbm4b:s5+s9], $0x10, s9, s9, $0xb8;
	[tilespmem:$0x10400] =	vst v63  }
0x7c: {  	s19 =	simm.s32 $0x4400;
	s21 =	rddreg [dreg:$0xc]  }
0x7d: {  	[tilespmem:s19], [sflag:$0x1] =	stream.indirect.gather [hbm4b:s5+s9], $0x10, s20, s9, $0xb8;
	[tilespmem:$0x10400] =	vst v63  }
0x7e: {  	s22 =	rddreg [dreg:$0xd];
	s20 =	simm.s32 $0x4C00  }
0x7f: {  	[tilespmem:s20], [sflag:$0x1] =	stream.indirect.gather [hbm4b:s5+s9], $0x10, s21, s9, $0xb8;
	[tilespmem:$0x10400] =	vst v63  }
0x80: {  	s30 =	simm.s32 $0x5400;
	s23 =	rddreg [dreg:$0xe]  }
0x81: {  	[tilespmem:s30], [sflag:$0x1] =	stream.indirect.gather [hbm4b:s5+s9], $0x10, s22, s9, $0xb8;
	[tilespmem:$0x10400] =	vst v63  }
0x82: {  	s24 =	rddreg [dreg:$0xf];
	s21 =	simm.s32 $0x5C00  }
0x83: {  	[tilespmem:s21], [sflag:$0x1] =	stream.indirect.gather [hbm4b:s5+s9], $0x10, s23, s9, $0xb8;
	[tilespmem:$0x10400] =	vst v63  }
0x84: {  	s25 =	rddreg [dreg:$0x10];
	s22 =	simm.s32 $0x6400  }
0x85: {  	[tilespmem:s22], [sflag:$0x1] =	stream.indirect.gather [hbm4b:s5+s9], $0x10, s24, s9, $0xb8;
	[tilespmem:$0x10400] =	vst v63  }
0x86: {  	s26 =	rddreg [dreg:$0x11];
	s23 =	simm.s32 $0x6C00  }
0x87: {  	[tilespmem:s23], [sflag:$0x1] =	stream.indirect.gather [hbm4b:s5+s9], $0x10, s25, s9, $0xb8;
	[tilespmem:$0x10400] =	vst v63  }
0x88: {  	s28 =	rddreg [dreg:$0x12];
	s24 =	simm.s32 $0x7400  }
0x89: {  	[tilespmem:s24], [sflag:$0x1] =	stream.indirect.gather [hbm4b:s5+s9], $0x10, s26, s9, $0xb8;
	[tilespmem:$0x10400] =	vst v63  }
0x8a: {  	s31 =	rddreg [dreg:$0x14]  }
0x8b: {  	[tilespmem:s1], [sflag:$0x1] =	stream.indirect.gather [hbm4b:s5+s9], $0x10, s28, s9, $0xb8;
	[tilespmem:$0x10400] =	vst v63  }
0x8c: {  	s29 =	rddreg [dreg:$0x13]  }
0x8d: {  	[tilespmem:s15], [sflag:$0x1] =	stream.indirect.gather [hbm4b:s5+s9], $0x10, s29, s9, $0xb8;
	[tilespmem:$0x10400] =	vst v63  }
0x8e: {  	s6 =	rddreg [dreg:$0x17]  }
0x8f: {  	[tilespmem:s17], [sflag:$0x1] =	stream.indirect.gather [hbm4b:s5+s9], $0x10, s31, s9, $0xb8;
	[tilespmem:$0x10400] =	vst v63  }
0x90: {  	s1 =	rddreg [dreg:$0x15]  }
0x91: {  	[tilespmem:s18], [sflag:$0x1] =	stream.indirect.gather [hbm4b:s5+s9], $0x10, s1, s9, $0xb8;
	[tilespmem:$0x10400] =	vst v63  }
0x92: {  	s2 =	rddreg [dreg:$0x16]  }
0x93: {  	[tilespmem:s3], [sflag:$0x2] =	stream.indirect.gather [hbm4b:s5+s9], $0x10, s2, s9, $0xb8;
	[tilespmem:$0x10400] =	vst v63  }
0x94: {  	s26 =	rddreg [dreg:$0x1a];
	s17 =	simm.s32 $0xA400  }
0x95: {  	[tilespmem:s17], [sflag:$0x2] =	stream.indirect.gather [hbm4b:s5+s9], $0x10, s6, s9, $0xb8;
	[tilespmem:$0x10400] =	vst v63  }
0x96: {  	s25 =	simm.s32 $0xAC00;
	s15 =	rddreg [dreg:$0x18]  }
0x97: {  	[tilespmem:s25], [sflag:$0x2] =	stream.indirect.gather [hbm4b:s5+s9], $0x10, s15, s9, $0xb8;
	[tilespmem:$0x10400] =	vst v63  }
0x98: {  	s28 =	simm.s32 $0xB400;
	s18 =	rddreg [dreg:$0x19]  }
0x99: {  	[tilespmem:s28], [sflag:$0x2] =	stream.indirect.gather [hbm4b:s5+s9], $0x10, s18, s9, $0xb8;
	[tilespmem:$0x10400] =	vst v63  }
0x9a: {  	s29 =	rddreg [dreg:$0x1b];
	s31 =	simm.s32 $0xBC00  }
0x9b: {  	[tilespmem:s31], [sflag:$0x2] =	stream.indirect.gather [hbm4b:s5+s9], $0x10, s26, s9, $0xb8;
	[tilespmem:$0x10400] =	vst v63  }
0x9c: {  	s2 =	rddreg [dreg:$0x1c];
	s3 =	simm.s32 $0xC400  }
0x9d: {  	[tilespmem:s3], [sflag:$0x2] =	stream.indirect.gather [hbm4b:s5+s9], $0x10, s29, s9, $0xb8;
	[tilespmem:$0x10400] =	vst v63  }
0x9e: {  	s17 =	simm.s32 $0xCC00;
	s15 =	rddreg [dreg:$0x1d]  }
0x9f: {  	[tilespmem:s17], [sflag:$0x2] =	stream.indirect.gather [hbm4b:s5+s9], $0x10, s2, s9, $0xb8;
	[tilespmem:$0x10400] =	vst v63  }
0xa0: {  	s18 =	rddreg [dreg:$0x1e];
	s28 =	simm.s32 $0xD400  }
0xa1: {  	[tilespmem:s28], [sflag:$0x2] =	stream.indirect.gather [hbm4b:s5+s9], $0x10, s15, s9, $0xb8;
	[tilespmem:$0x10400] =	vst v63  }
0xa2: {  	s31 =	simm.s32 $0xDC00;
	s29 =	rddreg [dreg:$0x1f]  }
0xa3: {  	[tilespmem:s31], [sflag:$0x2] =	stream.indirect.gather [hbm4b:s5+s9], $0x10, s18, s9, $0xb8;
	[tilespmem:$0x10400] =	vst v63  }
0xa4: {  	s2 =	sld [smem:$0x7AD];
	s17 =	simm.s32 $0xE400  }
0xa5: {  	[tilespmem:s17], [sflag:$0x2] =	stream.indirect.gather [hbm4b:s5+s9], $0x10, s29, s9, $0xb8;
	[tilespmem:$0x10400] =	vst v63  }
0xa6: {  	s14 =	sld [smem:$0x7AE];
	s28 =	simm.s32 $0xEC00  }
0xa7: {  	[tilespmem:s28], [sflag:$0x2] =	stream.indirect.gather [hbm4b:s5+s9], $0x10, s2, s9, $0xb8;
	[tilespmem:$0x10400] =	vst v63  }
0xa8: {  	s29 =	sld [smem:$0x7AF];
	s17 =	simm.s32 $0xF400  }
0xa9: {  	[tilespmem:s17], [sflag:$0x2] =	stream.indirect.gather [hbm4b:s5+s9], $0x10, s14, s9, $0xb8;
	[tilespmem:$0x10400] =	vst v63  }
0xaa: {  	[smem:$0x7AC] =	sst s0;
	s28 =	simm.s32 $0xFC00  }
0xab: {  	[tilespmem:s28], [sflag:$0x2] =	stream.indirect.gather [hbm4b:s5+s9], $0x10, s29, s9, $0xb8;
	[tilespmem:$0x10400] =	vst v63  }
0xac: {  	_ =	swait.ge [sflag:s10], $0x800  }
0xad: {  	[sflag:s10] =	ssyncset.done $0x0  }
0xae: {  	[sflag:s10] =	ssyncadd.s32 $0xFFFFF800  }
0xaf: {  	_ =	swait.ge [sflag:s10], $0x800  }
0xb0: {  	[sflag:s10] =	ssyncset.done $0x0  }
0xb1: {  	[sflag:s10] =	ssyncadd.s32 $0xFFFFF800  }
0xb2: {  	_ =	swait.ge [sflag:s10], $0x800  }
0xb3: {  	[sflag:s10] =	ssyncset.done $0x0  }
0xb4: {  	[sflag:s10] =	ssyncadd.s32 $0xFFFFF800  }
0xb5: {  	_ =	swait.ge [sflag:s10], $0x800  }
0xb6: {  	[sflag:s10] =	ssyncset.done $0x0  }
0xb7: {  	[sflag:s10] =	ssyncadd.s32 $0xFFFFF800  }
0xb8: {  	_ =	swait.ge [sflag:s10], $0x800  }
0xb9: {  	[sflag:s10] =	ssyncset.done $0x0  }
0xba: {  	[sflag:s10] =	ssyncadd.s32 $0xFFFFF800  }
0xbb: {  	_ =	swait.ge [sflag:s10], $0x800  }
0xbc: {  	[sflag:s10] =	ssyncset.done $0x0  }
0xbd: {  	[sflag:s10] =	ssyncadd.s32 $0xFFFFF800  }
0xbe: {  	_ =	swait.ge [sflag:s10], $0x800  }
0xbf: {  	[sflag:s10] =	ssyncset.done $0x0  }
0xc0: {  	[sflag:s10] =	ssyncadd.s32 $0xFFFFF800  }
0xc1: {  	_ =	swait.ge [sflag:s10], $0x800  }
0xc2: {  	[sflag:s10] =	ssyncset.done $0x0  }
0xc3: {  	[sflag:s10] =	ssyncadd.s32 $0xFFFFF800  }
0xc4: {  	_ =	swait.ge [sflag:s10], $0x800  }
0xc5: {  	[sflag:s10] =	ssyncset.done $0x0  }
0xc6: {  	[sflag:s10] =	ssyncadd.s32 $0xFFFFF800  }
0xc7: {  	_ =	swait.ge [sflag:s10], $0x800  }
0xc8: {  	[sflag:s10] =	ssyncset.done $0x0  }
0xc9: {  	[sflag:s10] =	ssyncadd.s32 $0xFFFFF800  }
0xca: {  	_ =	swait.ge [sflag:s10], $0x800  }
0xcb: {  	[sflag:s10] =	ssyncset.done $0x0  }
0xcc: {  	[sflag:s10] =	ssyncadd.s32 $0xFFFFF800  }
0xcd: {  	_ =	swait.ge [sflag:s10], $0x800  }
0xce: {  	[sflag:s10] =	ssyncset.done $0x0  }
0xcf: {  	[sflag:s10] =	ssyncadd.s32 $0xFFFFF800  }
0xd0: {  	_ =	swait.ge [sflag:s10], $0x800  }
0xd1: {  	s11 =	simm.s32 $0x3;
	s16 =	simm.s32 $0x0;
	[sflag:s10] =	ssyncset.done $0x0  }
0xd2: {  	s31 =	simm.s32 $0x3400;
	s29 =	rddreg [dreg:$0x3];
	[sflag:s10] =	ssyncadd.s32 $0xFFFFF800  }
0xd3: {  	[hbm4b:s29+s16] =	stream.linear.scatter [tilespmem:s31], [sflag:$0x3], $0x6800, $0x38;
	[tilespmem:$0x10400] =	vst v63  }
0xd4: {  	_ =	swait.ge [sflag:s11], $0x6800  }
0xd5: {  	s0 =	sld [smem:$0x7B0]  }
0xd6: {  	[sflag:s11] =	ssyncset.done $0x0  }
0xd7: {  	s1 =	sld [smem:$0x7B1];
	[sflag:s11] =	ssyncadd.s32 $0xFFFF9800  }
0xd8: {  	[tilespmem:s31], [sflag:$0x1] =	stream.indirect.gather [hbm4b:s5+s9], $0x10, s0, s9, $0xb8;
	[tilespmem:$0x10400] =	vst v63  }
0xd9: {  	s4 =	simm.s32 $0x3C00;
	s28 =	sld [smem:$0x7B2]  }
0xda: {  	[tilespmem:s4], [sflag:$0x1] =	stream.indirect.gather [hbm4b:s5+s9], $0x10, s1, s9, $0xb8;
	[tilespmem:$0x10400] =	vst v63  }
0xdb: {  	s29 =	sld [smem:$0x7B3]  }
0xdc: {  	[tilespmem:s19], [sflag:$0x1] =	stream.indirect.gather [hbm4b:s5+s9], $0x10, s28, s9, $0xb8;
	[tilespmem:$0x10400] =	vst v63  }
0xdd: {  	s0 =	sld [smem:$0x7B4]  }
0xde: {  	[tilespmem:s20], [sflag:$0x1] =	stream.indirect.gather [hbm4b:s5+s9], $0x10, s29, s9, $0xb8;
	[tilespmem:$0x10400] =	vst v63  }
0xdf: {  	s1 =	sld [smem:$0x7B5]  }
0xe0: {  	[tilespmem:s30], [sflag:$0x1] =	stream.indirect.gather [hbm4b:s5+s9], $0x10, s0, s9, $0xb8;
	[tilespmem:$0x10400] =	vst v63  }
0xe1: {  	s4 =	sld [smem:$0x7B6]  }
0xe2: {  	[tilespmem:s21], [sflag:$0x1] =	stream.indirect.gather [hbm4b:s5+s9], $0x10, s1, s9, $0xb8;
	[tilespmem:$0x10400] =	vst v63  }
0xe3: {  	s28 =	sld [smem:$0x7B7]  }
0xe4: {  	[tilespmem:s22], [sflag:$0x1] =	stream.indirect.gather [hbm4b:s5+s9], $0x10, s4, s9, $0xb8;
	[tilespmem:$0x10400] =	vst v63  }
0xe5: {  	s29 =	sld [smem:$0x7B8]  }
0xe6: {  	[tilespmem:s23], [sflag:$0x1] =	stream.indirect.gather [hbm4b:s5+s9], $0x10, s28, s9, $0xb8;
	[tilespmem:$0x10400] =	vst v63  }
0xe7: {  	s0 =	sld [smem:$0x7B9]  }
0xe8: {  	[tilespmem:s24], [sflag:$0x1] =	stream.indirect.gather [hbm4b:s5+s9], $0x10, s29, s9, $0xb8;
	[tilespmem:$0x10400] =	vst v63  }
0xe9: {  	s2 =	simm.s32 $0x7C00;
	s1 =	sld [smem:$0x7BA]  }
0xea: {  	[tilespmem:s2], [sflag:$0x1] =	stream.indirect.gather [hbm4b:s5+s9], $0x10, s0, s9, $0xb8;
	[tilespmem:$0x10400] =	vst v63  }
0xeb: {  	s3 =	simm.s32 $0x8400;
	s2 =	sld [smem:$0x7BB]  }
0xec: {  	[tilespmem:s3], [sflag:$0x1] =	stream.indirect.gather [hbm4b:s5+s9], $0x10, s1, s9, $0xb8;
	[tilespmem:$0x10400] =	vst v63  }
0xed: {  	s12 =	simm.s32 $0x8C00;
	s3 =	sld [smem:$0x7BC]  }
0xee: {  	[tilespmem:s12], [sflag:$0x1] =	stream.indirect.gather [hbm4b:s5+s9], $0x10, s2, s9, $0xb8;
	[tilespmem:$0x10400] =	vst v63  }
0xef: {  	s6 =	simm.s32 $0x9400  }
0xf0: {  	[tilespmem:s6], [sflag:$0x1] =	stream.indirect.gather [hbm4b:s5+s9], $0x10, s3, s9, $0xb8;
	[tilespmem:$0x10400] =	vst v63  }
0xf1: {  	_ =	swait.ge [sflag:s8], $0x800  }
0xf2: {  	[sflag:s8] =	ssyncset.done $0x0  }
0xf3: {  	[sflag:s8] =	ssyncadd.s32 $0xFFFFF800  }
0xf4: {  	_ =	swait.ge [sflag:s8], $0x800  }
0xf5: {  	[sflag:s8] =	ssyncset.done $0x0  }
0xf6: {  	[sflag:s8] =	ssyncadd.s32 $0xFFFFF800  }
0xf7: {  	_ =	swait.ge [sflag:s8], $0x800  }
0xf8: {  	[sflag:s8] =	ssyncset.done $0x0  }
0xf9: {  	[sflag:s8] =	ssyncadd.s32 $0xFFFFF800  }
0xfa: {  	_ =	swait.ge [sflag:s8], $0x800  }
0xfb: {  	[sflag:s8] =	ssyncset.done $0x0  }
0xfc: {  	[sflag:s8] =	ssyncadd.s32 $0xFFFFF800  }
0xfd: {  	_ =	swait.ge [sflag:s8], $0x800  }
0xfe: {  	[sflag:s8] =	ssyncset.done $0x0  }
0xff: {  	[sflag:s8] =	ssyncadd.s32 $0xFFFFF800  }
0x100: {  	_ =	swait.ge [sflag:s8], $0x800  }
0x101: {  	[sflag:s8] =	ssyncset.done $0x0  }
0x102: {  	[sflag:s8] =	ssyncadd.s32 $0xFFFFF800  }
0x103: {  	_ =	swait.ge [sflag:s8], $0x800  }
0x104: {  	[sflag:s8] =	ssyncset.done $0x0  }
0x105: {  	[sflag:s8] =	ssyncadd.s32 $0xFFFFF800  }
0x106: {  	_ =	swait.ge [sflag:s8], $0x800  }
0x107: {  	[sflag:s8] =	ssyncset.done $0x0  }
0x108: {  	[sflag:s8] =	ssyncadd.s32 $0xFFFFF800  }
0x109: {  	_ =	swait.ge [sflag:s8], $0x800  }
0x10a: {  	[sflag:s8] =	ssyncset.done $0x0  }
0x10b: {  	[sflag:s8] =	ssyncadd.s32 $0xFFFFF800  }
0x10c: {  	_ =	swait.ge [sflag:s8], $0x800  }
0x10d: {  	[sflag:s8] =	ssyncset.done $0x0  }
0x10e: {  	[sflag:s8] =	ssyncadd.s32 $0xFFFFF800  }
0x10f: {  	_ =	swait.ge [sflag:s8], $0x800  }
0x110: {  	[sflag:s8] =	ssyncset.done $0x0  }
0x111: {  	[sflag:s8] =	ssyncadd.s32 $0xFFFFF800  }
0x112: {  	_ =	swait.ge [sflag:s8], $0x800  }
0x113: {  	[sflag:s8] =	ssyncset.done $0x0  }
0x114: {  	[sflag:s8] =	ssyncadd.s32 $0xFFFFF800  }
0x115: {  	_ =	swait.ge [sflag:s8], $0x800  }
0x116: {  	s7 =	simm.s32 $0x4;
	[sflag:s8] =	ssyncset.done $0x0  }
0x117: {  	s15 =	simm.s32 $0x9C00;
	s4 =	rddreg [dreg:$0x4];
	[sflag:s8] =	ssyncadd.s32 $0xFFFFF800  }
0x118: {  	[hbm4b:s4+s16] =	stream.linear.scatter [tilespmem:s15], [sflag:$0x4], $0x6800, $0x38;
	[tilespmem:$0x10400] =	vst v63  }
0x119: {  	_ =	swait.ge [sflag:s7], $0x6800  }
0x11a: {  	s6 =	sld [smem:$0x7BD]  }
0x11b: {  	[sflag:s7] =	ssyncset.done $0x0  }
0x11c: {  	s12 =	sld [smem:$0x7BE];
	[sflag:s7] =	ssyncadd.s32 $0xFFFF9800  }
0x11d: {  	[tilespmem:s15], [sflag:$0x2] =	stream.indirect.gather [hbm4b:s5+s9], $0x10, s6, s9, $0xb8;
	[tilespmem:$0x10400] =	vst v63  }
0x11e: {  	s1 =	simm.s32 $0xA400;
	s0 =	sld [smem:$0x7BF]  }
0x11f: {  	[tilespmem:s1], [sflag:$0x2] =	stream.indirect.gather [hbm4b:s5+s9], $0x10, s12, s9, $0xb8;
	[tilespmem:$0x10400] =	vst v63  }
0x120: {  	s3 =	simm.s32 $0xAC00;
	s2 =	sld [smem:$0x7C0]  }
0x121: {  	[tilespmem:s3], [sflag:$0x2] =	stream.indirect.gather [hbm4b:s5+s9], $0x10, s0, s9, $0xb8;
	[tilespmem:$0x10400] =	vst v63  }
0x122: {  	s4 =	simm.s32 $0xB400;
	s6 =	sld [smem:$0x7C1]  }
0x123: {  	[tilespmem:s4], [sflag:$0x2] =	stream.indirect.gather [hbm4b:s5+s9], $0x10, s2, s9, $0xb8;
	[tilespmem:$0x10400] =	vst v63  }
0x124: {  	s25 =	simm.s32 $0xBC00;
	s12 =	sld [smem:$0x7C2]  }
0x125: {  	[tilespmem:s25], [sflag:$0x2] =	stream.indirect.gather [hbm4b:s5+s9], $0x10, s6, s9, $0xb8;
	[tilespmem:$0x10400] =	vst v63  }
0x126: {  	s0 =	sld [smem:$0x7C3];
	s6 =	simm.s32 $0xC400  }
0x127: {  	[tilespmem:s6], [sflag:$0x2] =	stream.indirect.gather [hbm4b:s5+s9], $0x10, s12, s9, $0xb8;
	[tilespmem:$0x10400] =	vst v63  }
0x128: {  	s26 =	simm.s32 $0xCC00;
	s2 =	sld [smem:$0x7C4]  }
0x129: {  	[tilespmem:s26], [sflag:$0x2] =	stream.indirect.gather [hbm4b:s5+s9], $0x10, s0, s9, $0xb8;
	[tilespmem:$0x10400] =	vst v63  }
0x12a: {  	s25 =	simm.s32 $0xD400;
	s12 =	sld [smem:$0x7C5]  }
0x12b: {  	[tilespmem:s25], [sflag:$0x2] =	stream.indirect.gather [hbm4b:s5+s9], $0x10, s2, s9, $0xb8;
	[tilespmem:$0x10400] =	vst v63  }
0x12c: {  	s18 =	simm.s32 $0xDC00;
	s26 =	sld [smem:$0x7C6]  }
0x12d: {  	[tilespmem:s18], [sflag:$0x2] =	stream.indirect.gather [hbm4b:s5+s9], $0x10, s12, s9, $0xb8;
	[tilespmem:$0x10400] =	vst v63  }
0x12e: {  	s0 =	sld [smem:$0x7C7];
	s2 =	simm.s32 $0xE400  }
0x12f: {  	[tilespmem:s2], [sflag:$0x2] =	stream.indirect.gather [hbm4b:s5+s9], $0x10, s26, s9, $0xb8;
	[tilespmem:$0x10400] =	vst v63  }
0x130: {  	s18 =	sld [smem:$0x7C8];
	s12 =	simm.s32 $0xEC00  }
0x131: {  	[tilespmem:s12], [sflag:$0x2] =	stream.indirect.gather [hbm4b:s5+s9], $0x10, s0, s9, $0xb8;
	[tilespmem:$0x10400] =	vst v63  }
0x132: {  	s26 =	sld [smem:$0x7C9];
	s0 =	simm.s32 $0xF400  }
0x133: {  	[tilespmem:s0], [sflag:$0x2] =	stream.indirect.gather [hbm4b:s5+s9], $0x10, s18, s9, $0xb8;
	[tilespmem:$0x10400] =	vst v63  }
0x134: {  	s17 =	simm.s32 $0xFC00  }
0x135: {  	[tilespmem:s17], [sflag:$0x2] =	stream.indirect.gather [hbm4b:s5+s9], $0x10, s26, s9, $0xb8;
	[tilespmem:$0x10400] =	vst v63  }
0x136: {  	_ =	swait.ge [sflag:s10], $0x800  }
0x137: {  	[sflag:s10] =	ssyncset.done $0x0  }
0x138: {  	[sflag:s10] =	ssyncadd.s32 $0xFFFFF800  }
0x139: {  	_ =	swait.ge [sflag:s10], $0x800  }
0x13a: {  	[sflag:s10] =	ssyncset.done $0x0  }
0x13b: {  	[sflag:s10] =	ssyncadd.s32 $0xFFFFF800  }
0x13c: {  	_ =	swait.ge [sflag:s10], $0x800  }
0x13d: {  	[sflag:s10] =	ssyncset.done $0x0  }
0x13e: {  	[sflag:s10] =	ssyncadd.s32 $0xFFFFF800  }
0x13f: {  	_ =	swait.ge [sflag:s10], $0x800  }
0x140: {  	[sflag:s10] =	ssyncset.done $0x0  }
0x141: {  	[sflag:s10] =	ssyncadd.s32 $0xFFFFF800  }
0x142: {  	_ =	swait.ge [sflag:s10], $0x800  }
0x143: {  	[sflag:s10] =	ssyncset.done $0x0  }
0x144: {  	[sflag:s10] =	ssyncadd.s32 $0xFFFFF800  }
0x145: {  	_ =	swait.ge [sflag:s10], $0x800  }
0x146: {  	[sflag:s10] =	ssyncset.done $0x0  }
0x147: {  	[sflag:s10] =	ssyncadd.s32 $0xFFFFF800  }
0x148: {  	_ =	swait.ge [sflag:s10], $0x800  }
0x149: {  	[sflag:s10] =	ssyncset.done $0x0  }
0x14a: {  	[sflag:s10] =	ssyncadd.s32 $0xFFFFF800  }
0x14b: {  	_ =	swait.ge [sflag:s10], $0x800  }
0x14c: {  	[sflag:s10] =	ssyncset.done $0x0  }
0x14d: {  	[sflag:s10] =	ssyncadd.s32 $0xFFFFF800  }
0x14e: {  	_ =	swait.ge [sflag:s10], $0x800  }
0x14f: {  	[sflag:s10] =	ssyncset.done $0x0  }
0x150: {  	[sflag:s10] =	ssyncadd.s32 $0xFFFFF800  }
0x151: {  	_ =	swait.ge [sflag:s10], $0x800  }
0x152: {  	[sflag:s10] =	ssyncset.done $0x0  }
0x153: {  	[sflag:s10] =	ssyncadd.s32 $0xFFFFF800  }
0x154: {  	_ =	swait.ge [sflag:s10], $0x800  }
0x155: {  	[sflag:s10] =	ssyncset.done $0x0  }
0x156: {  	[sflag:s10] =	ssyncadd.s32 $0xFFFFF800  }
0x157: {  	_ =	swait.ge [sflag:s10], $0x800  }
0x158: {  	[sflag:s10] =	ssyncset.done $0x0  }
0x159: {  	[sflag:s10] =	ssyncadd.s32 $0xFFFFF800  }
0x15a: {  	_ =	swait.ge [sflag:s10], $0x800  }
0x15b: {  	[sflag:s10] =	ssyncset.done $0x0  }
0x15c: {  	s14 =	rddreg [dreg:$0x5];
	[sflag:s10] =	ssyncadd.s32 $0xFFFFF800  }
0x15d: {  	[hbm4b:s14+s16] =	stream.linear.scatter [tilespmem:s31], [sflag:$0x3], $0x6800, $0x38;
	[tilespmem:$0x10400] =	vst v63  }
0x15e: {  	_ =	swait.ge [sflag:s11], $0x6800  }
0x15f: {  	s17 =	sld [smem:$0x7CA]  }
0x160: {  	[sflag:s11] =	ssyncset.done $0x0  }
0x161: {  	s18 =	sld [smem:$0x7CB];
	[sflag:s11] =	ssyncadd.s32 $0xFFFF9800  }
0x162: {  	[tilespmem:s31], [sflag:$0x1] =	stream.indirect.gather [hbm4b:s5+s9], $0x10, s17, s9, $0xb8;
	[tilespmem:$0x10400] =	vst v63  }
0x163: {  	s26 =	sld [smem:$0x7CC];
	s17 =	simm.s32 $0x3C00  }
0x164: {  	[tilespmem:s17], [sflag:$0x1] =	stream.indirect.gather [hbm4b:s5+s9], $0x10, s18, s9, $0xb8;
	[tilespmem:$0x10400] =	vst v63  }
0x165: {  	s18 =	sld [smem:$0x7CD]  }
0x166: {  	[tilespmem:s19], [sflag:$0x1] =	stream.indirect.gather [hbm4b:s5+s9], $0x10, s26, s9, $0xb8;
	[tilespmem:$0x10400] =	vst v63  }
0x167: {  	s26 =	sld [smem:$0x7CE]  }
0x168: {  	[tilespmem:s20], [sflag:$0x1] =	stream.indirect.gather [hbm4b:s5+s9], $0x10, s18, s9, $0xb8;
	[tilespmem:$0x10400] =	vst v63  }
0x169: {  	s11 =	sld [smem:$0x7CF]  }
0x16a: {  	[tilespmem:s30], [sflag:$0x1] =	stream.indirect.gather [hbm4b:s5+s9], $0x10, s26, s9, $0xb8;
	[tilespmem:$0x10400] =	vst v63  }
0x16b: {  	s17 =	sld [smem:$0x7D0]  }
0x16c: {  	[tilespmem:s21], [sflag:$0x1] =	stream.indirect.gather [hbm4b:s5+s9], $0x10, s11, s9, $0xb8;
	[tilespmem:$0x10400] =	vst v63  }
0x16d: {  	s18 =	sld [smem:$0x7D1]  }
0x16e: {  	[tilespmem:s22], [sflag:$0x1] =	stream.indirect.gather [hbm4b:s5+s9], $0x10, s17, s9, $0xb8;
	[tilespmem:$0x10400] =	vst v63  }
0x16f: {  	s26 =	sld [smem:$0x7D2]  }
0x170: {  	[tilespmem:s23], [sflag:$0x1] =	stream.indirect.gather [hbm4b:s5+s9], $0x10, s18, s9, $0xb8;
	[tilespmem:$0x10400] =	vst v63  }
0x171: {  	s11 =	sld [smem:$0x7D3]  }
0x172: {  	[tilespmem:s24], [sflag:$0x1] =	stream.indirect.gather [hbm4b:s5+s9], $0x10, s26, s9, $0xb8;
	[tilespmem:$0x10400] =	vst v63  }
0x173: {  	s13 =	sld [smem:$0x7D4];
	s17 =	simm.s32 $0x7C00  }
0x174: {  	[tilespmem:s17], [sflag:$0x1] =	stream.indirect.gather [hbm4b:s5+s9], $0x10, s11, s9, $0xb8;
	[tilespmem:$0x10400] =	vst v63  }
0x175: {  	s18 =	sld [smem:$0x7D5];
	s26 =	simm.s32 $0x8400  }
0x176: {  	[tilespmem:s26], [sflag:$0x1] =	stream.indirect.gather [hbm4b:s5+s9], $0x10, s13, s9, $0xb8;
	[tilespmem:$0x10400] =	vst v63  }
0x177: {  	s29 =	simm.s32 $0x8C00;
	s17 =	sld [smem:$0x7D6]  }
0x178: {  	[tilespmem:s29], [sflag:$0x1] =	stream.indirect.gather [hbm4b:s5+s9], $0x10, s18, s9, $0xb8;
	[tilespmem:$0x10400] =	vst v63  }
0x179: {  	s28 =	simm.s32 $0x9400  }
0x17a: {  	[tilespmem:s28], [sflag:$0x1] =	stream.indirect.gather [hbm4b:s5+s9], $0x10, s17, s9, $0xb8;
	[tilespmem:$0x10400] =	vst v63  }
0x17b: {  	_ =	swait.ge [sflag:s8], $0x800  }
0x17c: {  	[sflag:s8] =	ssyncset.done $0x0  }
0x17d: {  	[sflag:s8] =	ssyncadd.s32 $0xFFFFF800  }
0x17e: {  	_ =	swait.ge [sflag:s8], $0x800  }
0x17f: {  	[sflag:s8] =	ssyncset.done $0x0  }
0x180: {  	[sflag:s8] =	ssyncadd.s32 $0xFFFFF800  }
0x181: {  	_ =	swait.ge [sflag:s8], $0x800  }
0x182: {  	[sflag:s8] =	ssyncset.done $0x0  }
0x183: {  	[sflag:s8] =	ssyncadd.s32 $0xFFFFF800  }
0x184: {  	_ =	swait.ge [sflag:s8], $0x800  }
0x185: {  	[sflag:s8] =	ssyncset.done $0x0  }
0x186: {  	[sflag:s8] =	ssyncadd.s32 $0xFFFFF800  }
0x187: {  	_ =	swait.ge [sflag:s8], $0x800  }
0x188: {  	[sflag:s8] =	ssyncset.done $0x0  }
0x189: {  	[sflag:s8] =	ssyncadd.s32 $0xFFFFF800  }
0x18a: {  	_ =	swait.ge [sflag:s8], $0x800  }
0x18b: {  	[sflag:s8] =	ssyncset.done $0x0  }
0x18c: {  	[sflag:s8] =	ssyncadd.s32 $0xFFFFF800  }
0x18d: {  	_ =	swait.ge [sflag:s8], $0x800  }
0x18e: {  	[sflag:s8] =	ssyncset.done $0x0  }
0x18f: {  	[sflag:s8] =	ssyncadd.s32 $0xFFFFF800  }
0x190: {  	_ =	swait.ge [sflag:s8], $0x800  }
0x191: {  	[sflag:s8] =	ssyncset.done $0x0  }
0x192: {  	[sflag:s8] =	ssyncadd.s32 $0xFFFFF800  }
0x193: {  	_ =	swait.ge [sflag:s8], $0x800  }
0x194: {  	[sflag:s8] =	ssyncset.done $0x0  }
0x195: {  	[sflag:s8] =	ssyncadd.s32 $0xFFFFF800  }
0x196: {  	_ =	swait.ge [sflag:s8], $0x800  }
0x197: {  	[sflag:s8] =	ssyncset.done $0x0  }
0x198: {  	[sflag:s8] =	ssyncadd.s32 $0xFFFFF800  }
0x199: {  	_ =	swait.ge [sflag:s8], $0x800  }
0x19a: {  	[sflag:s8] =	ssyncset.done $0x0  }
0x19b: {  	[sflag:s8] =	ssyncadd.s32 $0xFFFFF800  }
0x19c: {  	_ =	swait.ge [sflag:s8], $0x800  }
0x19d: {  	[sflag:s8] =	ssyncset.done $0x0  }
0x19e: {  	[sflag:s8] =	ssyncadd.s32 $0xFFFFF800  }
0x19f: {  	_ =	swait.ge [sflag:s8], $0x800  }
0x1a0: {  	[sflag:s8] =	ssyncset.done $0x0  }
0x1a1: {  	s18 =	rddreg [dreg:$0x6];
	[sflag:s8] =	ssyncadd.s32 $0xFFFFF800  }
0x1a2: {  	[hbm4b:s18+s16] =	stream.linear.scatter [tilespmem:s15], [sflag:$0x4], $0x6800, $0x38;
	[tilespmem:$0x10400] =	vst v63  }
0x1a3: {  	_ =	swait.ge [sflag:s7], $0x6800  }
0x1a4: {  	s29 =	sld [smem:$0x7D7]  }
0x1a5: {  	[sflag:s7] =	ssyncset.done $0x0  }
0x1a6: {  	s11 =	sld [smem:$0x7D8];
	[sflag:s7] =	ssyncadd.s32 $0xFFFF9800  }
0x1a7: {  	[tilespmem:s15], [sflag:$0x2] =	stream.indirect.gather [hbm4b:s5+s9], $0x10, s29, s9, $0xb8;
	[tilespmem:$0x10400] =	vst v63  }
0x1a8: {  	s17 =	sld [smem:$0x7D9]  }
0x1a9: {  	[tilespmem:s1], [sflag:$0x2] =	stream.indirect.gather [hbm4b:s5+s9], $0x10, s11, s9, $0xb8;
	[tilespmem:$0x10400] =	vst v63  }
0x1aa: {  	s18 =	sld [smem:$0x7DA]  }
0x1ab: {  	[tilespmem:s3], [sflag:$0x2] =	stream.indirect.gather [hbm4b:s5+s9], $0x10, s17, s9, $0xb8;
	[tilespmem:$0x10400] =	vst v63  }
0x1ac: {  	s3 =	sld [smem:$0x7DB]  }
0x1ad: {  	[tilespmem:s4], [sflag:$0x2] =	stream.indirect.gather [hbm4b:s5+s9], $0x10, s18, s9, $0xb8;
	[tilespmem:$0x10400] =	vst v63  }
0x1ae: {  	s11 =	sld [smem:$0x7DC];
	s18 =	simm.s32 $0xBC00  }
0x1af: {  	[tilespmem:s18], [sflag:$0x2] =	stream.indirect.gather [hbm4b:s5+s9], $0x10, s3, s9, $0xb8;
	[tilespmem:$0x10400] =	vst v63  }
0x1b0: {  	s4 =	sld [smem:$0x7DD]  }
0x1b1: {  	[tilespmem:s6], [sflag:$0x2] =	stream.indirect.gather [hbm4b:s5+s9], $0x10, s11, s9, $0xb8;
	[tilespmem:$0x10400] =	vst v63  }
0x1b2: {  	s6 =	sld [smem:$0x7DE];
	s11 =	simm.s32 $0xCC00  }
0x1b3: {  	[tilespmem:s11], [sflag:$0x2] =	stream.indirect.gather [hbm4b:s5+s9], $0x10, s4, s9, $0xb8;
	[tilespmem:$0x10400] =	vst v63  }
0x1b4: {  	s3 =	sld [smem:$0x7DF]  }
0x1b5: {  	[tilespmem:s25], [sflag:$0x2] =	stream.indirect.gather [hbm4b:s5+s9], $0x10, s6, s9, $0xb8;
	[tilespmem:$0x10400] =	vst v63  }
0x1b6: {  	s4 =	sld [smem:$0x7E0];
	s6 =	simm.s32 $0xDC00  }
0x1b7: {  	[tilespmem:s6], [sflag:$0x2] =	stream.indirect.gather [hbm4b:s5+s9], $0x10, s3, s9, $0xb8;
	[tilespmem:$0x10400] =	vst v63  }
0x1b8: {  	s11 =	sld [smem:$0x7E1]  }
0x1b9: {  	[tilespmem:s2], [sflag:$0x2] =	stream.indirect.gather [hbm4b:s5+s9], $0x10, s4, s9, $0xb8;
	[tilespmem:$0x10400] =	vst v63  }
0x1ba: {  	s2 =	sld [smem:$0x7E2]  }
0x1bb: {  	[tilespmem:s12], [sflag:$0x2] =	stream.indirect.gather [hbm4b:s5+s9], $0x10, s11, s9, $0xb8;
	[tilespmem:$0x10400] =	vst v63  }
0x1bc: {  	s4 =	sld [smem:$0x7E3]  }
0x1bd: {  	[tilespmem:s0], [sflag:$0x2] =	stream.indirect.gather [hbm4b:s5+s9], $0x10, s2, s9, $0xb8;
	[tilespmem:$0x10400] =	vst v63  }
0x1be: {  	s11 =	simm.s32 $0xFC00  }
0x1bf: {  	[tilespmem:s11], [sflag:$0x2] =	stream.indirect.gather [hbm4b:s5+s9], $0x10, s4, s9, $0xb8;
	[tilespmem:$0x10400] =	vst v63  }
0x1c0: {  	_ =	swait.ge [sflag:s10], $0x800  }
0x1c1: {  	[sflag:s10] =	ssyncset.done $0x0  }
0x1c2: {  	[sflag:s10] =	ssyncadd.s32 $0xFFFFF800  }
0x1c3: {  	_ =	swait.ge [sflag:s10], $0x800  }
0x1c4: {  	[sflag:s10] =	ssyncset.done $0x0  }
0x1c5: {  	[sflag:s10] =	ssyncadd.s32 $0xFFFFF800  }
0x1c6: {  	_ =	swait.ge [sflag:s10], $0x800  }
0x1c7: {  	[sflag:s10] =	ssyncset.done $0x0  }
0x1c8: {  	[sflag:s10] =	ssyncadd.s32 $0xFFFFF800  }
0x1c9: {  	_ =	swait.ge [sflag:s10], $0x800  }
0x1ca: {  	[sflag:s10] =	ssyncset.done $0x0  }
0x1cb: {  	[sflag:s10] =	ssyncadd.s32 $0xFFFFF800  }
0x1cc: {  	_ =	swait.ge [sflag:s10], $0x800  }
0x1cd: {  	[sflag:s10] =	ssyncset.done $0x0  }
0x1ce: {  	[sflag:s10] =	ssyncadd.s32 $0xFFFFF800  }
0x1cf: {  	_ =	swait.ge [sflag:s10], $0x800  }
0x1d0: {  	[sflag:s10] =	ssyncset.done $0x0  }
0x1d1: {  	[sflag:s10] =	ssyncadd.s32 $0xFFFFF800  }
0x1d2: {  	_ =	swait.ge [sflag:s10], $0x800  }
0x1d3: {  	[sflag:s10] =	ssyncset.done $0x0  }
0x1d4: {  	[sflag:s10] =	ssyncadd.s32 $0xFFFFF800  }
0x1d5: {  	_ =	swait.ge [sflag:s10], $0x800  }
0x1d6: {  	[sflag:s10] =	ssyncset.done $0x0  }
0x1d7: {  	[sflag:s10] =	ssyncadd.s32 $0xFFFFF800  }
0x1d8: {  	_ =	swait.ge [sflag:s10], $0x800  }
0x1d9: {  	[sflag:s10] =	ssyncset.done $0x0  }
0x1da: {  	[sflag:s10] =	ssyncadd.s32 $0xFFFFF800  }
0x1db: {  	_ =	swait.ge [sflag:s10], $0x800  }
0x1dc: {  	[sflag:s10] =	ssyncset.done $0x0  }
0x1dd: {  	[sflag:s10] =	ssyncadd.s32 $0xFFFFF800  }
0x1de: {  	_ =	swait.ge [sflag:s10], $0x800  }
0x1df: {  	[sflag:s10] =	ssyncset.done $0x0  }
0x1e0: {  	[sflag:s10] =	ssyncadd.s32 $0xFFFFF800  }
0x1e1: {  	_ =	swait.ge [sflag:s10], $0x800  }
0x1e2: {  	[sflag:s10] =	ssyncset.done $0x0  }
0x1e3: {  	[sflag:s10] =	ssyncadd.s32 $0xFFFFF800  }
0x1e4: {  	_ =	swait.ge [sflag:s10], $0x800  }
0x1e5: {  	[sflag:s10] =	ssyncset.done $0x0  }
0x1e6: {  	s7 =	simm.s32 $0x3;
	s6 =	rddreg [dreg:$0x7];
	[sflag:s10] =	ssyncadd.s32 $0xFFFFF800  }
0x1e7: {  	[hbm4b:s6+s16] =	stream.linear.scatter [tilespmem:s31], [sflag:$0x3], $0x6800, $0x38;
	[tilespmem:$0x10400] =	vst v63  }
0x1e8: {  	_ =	swait.ge [sflag:s7], $0x6800  }
0x1e9: {  	s14 =	sld [smem:$0x7E4]  }
0x1ea: {  	[sflag:s7] =	ssyncset.done $0x0  }
0x1eb: {  	s16 =	sld [smem:$0x7E5];
	[sflag:s7] =	ssyncadd.s32 $0xFFFF9800  }
0x1ec: {  	[tilespmem:s31], [sflag:$0x1] =	stream.indirect.gather [hbm4b:s5+s9], $0x10, s14, s9, $0xb8;
	[tilespmem:$0x10400] =	vst v63  }
0x1ed: {  	s4 =	simm.s32 $0x3C00;
	s31 =	sld [smem:$0x7E6]  }
0x1ee: {  	[tilespmem:s4], [sflag:$0x1] =	stream.indirect.gather [hbm4b:s5+s9], $0x10, s16, s9, $0xb8;
	[tilespmem:$0x10400] =	vst v63  }
0x1ef: {  	s16 =	sld [smem:$0x7E7]  }
0x1f0: {  	[tilespmem:s19], [sflag:$0x1] =	stream.indirect.gather [hbm4b:s5+s9], $0x10, s31, s9, $0xb8;
	[tilespmem:$0x10400] =	vst v63  }
0x1f1: {  	s19 =	sld [smem:$0x7E8]  }
0x1f2: {  	[tilespmem:s20], [sflag:$0x1] =	stream.indirect.gather [hbm4b:s5+s9], $0x10, s16, s9, $0xb8;
	[tilespmem:$0x10400] =	vst v63  }
0x1f3: {  	s20 =	sld [smem:$0x7E9]  }
0x1f4: {  	[tilespmem:s30], [sflag:$0x1] =	stream.indirect.gather [hbm4b:s5+s9], $0x10, s19, s9, $0xb8;
	[tilespmem:$0x10400] =	vst v63  }
0x1f5: {  	s31 =	sld [smem:$0x7EA]  }
0x1f6: {  	[tilespmem:s21], [sflag:$0x1] =	stream.indirect.gather [hbm4b:s5+s9], $0x10, s20, s9, $0xb8;
	[tilespmem:$0x10400] =	vst v63  }
0x1f7: {  	s4 =	sld [smem:$0x7EB]  }
0x1f8: {  	[tilespmem:s22], [sflag:$0x1] =	stream.indirect.gather [hbm4b:s5+s9], $0x10, s31, s9, $0xb8;
	[tilespmem:$0x10400] =	vst v63  }
0x1f9: {  	s16 =	sld [smem:$0x7EC]  }
0x1fa: {  	[tilespmem:s23], [sflag:$0x1] =	stream.indirect.gather [hbm4b:s5+s9], $0x10, s4, s9, $0xb8;
	[tilespmem:$0x10400] =	vst v63  }
0x1fb: {  	s19 =	sld [smem:$0x7ED]  }
0x1fc: {  	[tilespmem:s24], [sflag:$0x1] =	stream.indirect.gather [hbm4b:s5+s9], $0x10, s16, s9, $0xb8;
	[tilespmem:$0x10400] =	vst v63  }
0x1fd: {  	s20 =	sld [smem:$0x7EE];
	s21 =	simm.s32 $0x7C00  }
0x1fe: {  	[tilespmem:s21], [sflag:$0x1] =	stream.indirect.gather [hbm4b:s5+s9], $0x10, s19, s9, $0xb8;
	[tilespmem:$0x10400] =	vst v63  }
0x1ff: {  	s22 =	sld [smem:$0x7EF];
	s23 =	simm.s32 $0x8400  }
0x200: {  	[tilespmem:s23], [sflag:$0x1] =	stream.indirect.gather [hbm4b:s5+s9], $0x10, s20, s9, $0xb8;
	[tilespmem:$0x10400] =	vst v63  }
0x201: {  	s26 =	simm.s32 $0x8C00;
	s24 =	sld [smem:$0x7F0]  }
0x202: {  	[tilespmem:s26], [sflag:$0x1] =	stream.indirect.gather [hbm4b:s5+s9], $0x10, s22, s9, $0xb8;
	[tilespmem:$0x10400] =	vst v63  }
0x203: {  	s28 =	simm.s32 $0x9400  }
0x204: {  	[tilespmem:s28], [sflag:$0x1] =	stream.indirect.gather [hbm4b:s5+s9], $0x10, s24, s9, $0xb8;
	[tilespmem:$0x10400] =	vst v63  }
0x205: {  	_ =	swait.ge [sflag:s8], $0x800  }
0x206: {  	[sflag:s8] =	ssyncset.done $0x0  }
0x207: {  	[sflag:s8] =	ssyncadd.s32 $0xFFFFF800  }
0x208: {  	_ =	swait.ge [sflag:s8], $0x800  }
0x209: {  	[sflag:s8] =	ssyncset.done $0x0  }
0x20a: {  	[sflag:s8] =	ssyncadd.s32 $0xFFFFF800  }
0x20b: {  	_ =	swait.ge [sflag:s8], $0x800  }
0x20c: {  	[sflag:s8] =	ssyncset.done $0x0  }
0x20d: {  	[sflag:s8] =	ssyncadd.s32 $0xFFFFF800  }
0x20e: {  	_ =	swait.ge [sflag:s8], $0x800  }
0x20f: {  	[sflag:s8] =	ssyncset.done $0x0  }
0x210: {  	[sflag:s8] =	ssyncadd.s32 $0xFFFFF800  }
0x211: {  	_ =	swait.ge [sflag:s8], $0x800  }
0x212: {  	[sflag:s8] =	ssyncset.done $0x0  }
0x213: {  	[sflag:s8] =	ssyncadd.s32 $0xFFFFF800  }
0x214: {  	_ =	swait.ge [sflag:s8], $0x800  }
0x215: {  	[sflag:s8] =	ssyncset.done $0x0  }
0x216: {  	[sflag:s8] =	ssyncadd.s32 $0xFFFFF800  }
0x217: {  	_ =	swait.ge [sflag:s8], $0x800  }
0x218: {  	[sflag:s8] =	ssyncset.done $0x0  }
0x219: {  	[sflag:s8] =	ssyncadd.s32 $0xFFFFF800  }
0x21a: {  	_ =	swait.ge [sflag:s8], $0x800  }
0x21b: {  	[sflag:s8] =	ssyncset.done $0x0  }
0x21c: {  	[sflag:s8] =	ssyncadd.s32 $0xFFFFF800  }
0x21d: {  	_ =	swait.ge [sflag:s8], $0x800  }
0x21e: {  	[sflag:s8] =	ssyncset.done $0x0  }
0x21f: {  	[sflag:s8] =	ssyncadd.s32 $0xFFFFF800  }
0x220: {  	_ =	swait.ge [sflag:s8], $0x800  }
0x221: {  	[sflag:s8] =	ssyncset.done $0x0  }
0x222: {  	[sflag:s8] =	ssyncadd.s32 $0xFFFFF800  }
0x223: {  	_ =	swait.ge [sflag:s8], $0x800  }
0x224: {  	[sflag:s8] =	ssyncset.done $0x0  }
0x225: {  	[sflag:s8] =	ssyncadd.s32 $0xFFFFF800  }
0x226: {  	_ =	swait.ge [sflag:s8], $0x800  }
0x227: {  	[sflag:s8] =	ssyncset.done $0x0  }
0x228: {  	[sflag:s8] =	ssyncadd.s32 $0xFFFFF800  }
0x229: {  	_ =	swait.ge [sflag:s8], $0x800  }
0x22a: {  	s2 =	simm.s32 $0x0;
	[sflag:s8] =	ssyncset.done $0x0  }
0x22b: {  	s6 =	simm.s32 $0x4;
	s26 =	rddreg [dreg:$0x8];
	[sflag:s8] =	ssyncadd.s32 $0xFFFFF800  }
0x22c: {  	[hbm4b:s26+s2] =	stream.linear.scatter [tilespmem:s15], [sflag:$0x4], $0x6800, $0x38;
	[tilespmem:$0x10400] =	vst v63  }
0x22d: {  	_ =	swait.ge [sflag:s6], $0x6800  }
0x22e: {  	s28 =	sld [smem:$0x7F1]  }
0x22f: {  	[sflag:s6] =	ssyncset.done $0x0  }
0x230: {  	s30 =	sld [smem:$0x7F2];
	[sflag:s6] =	ssyncadd.s32 $0xFFFF9800  }
0x231: {  	[tilespmem:s15], [sflag:$0x2] =	stream.indirect.gather [hbm4b:s5+s9], $0x10, s28, s9, $0xb8;
	[tilespmem:$0x10400] =	vst v63  }
0x232: {  	s1 =	simm.s32 $0xA400;
	s31 =	sld [smem:$0x7F3]  }
0x233: {  	[tilespmem:s1], [sflag:$0x2] =	stream.indirect.gather [hbm4b:s5+s9], $0x10, s30, s9, $0xb8;
	[tilespmem:$0x10400] =	vst v63  }
0x234: {  	s29 =	simm.s32 $0xAC00;
	s1 =	sld [smem:$0x7F4]  }
0x235: {  	[tilespmem:s29], [sflag:$0x2] =	stream.indirect.gather [hbm4b:s5+s9], $0x10, s31, s9, $0xb8;
	[tilespmem:$0x10400] =	vst v63  }
0x236: {  	s17 =	simm.s32 $0xB400;
	s15 =	sld [smem:$0x7F5]  }
0x237: {  	[tilespmem:s17], [sflag:$0x2] =	stream.indirect.gather [hbm4b:s5+s9], $0x10, s1, s9, $0xb8;
	[tilespmem:$0x10400] =	vst v63  }
0x238: {  	s16 =	sld [smem:$0x7F6];
	s17 =	simm.s32 $0xBC00  }
0x239: {  	[tilespmem:s17], [sflag:$0x2] =	stream.indirect.gather [hbm4b:s5+s9], $0x10, s15, s9, $0xb8;
	[tilespmem:$0x10400] =	vst v63  }
0x23a: {  	s18 =	simm.s32 $0xC400;
	s19 =	sld [smem:$0x7F7]  }
0x23b: {  	[tilespmem:s18], [sflag:$0x2] =	stream.indirect.gather [hbm4b:s5+s9], $0x10, s16, s9, $0xb8;
	[tilespmem:$0x10400] =	vst v63  }
0x23c: {  	s21 =	simm.s32 $0xCC00;
	s20 =	sld [smem:$0x7F8]  }
0x23d: {  	[tilespmem:s21], [sflag:$0x2] =	stream.indirect.gather [hbm4b:s5+s9], $0x10, s19, s9, $0xb8;
	[tilespmem:$0x10400] =	vst v63  }
0x23e: {  	s25 =	simm.s32 $0xD400;
	s22 =	sld [smem:$0x7F9]  }
0x23f: {  	[tilespmem:s25], [sflag:$0x2] =	stream.indirect.gather [hbm4b:s5+s9], $0x10, s20, s9, $0xb8;
	[tilespmem:$0x10400] =	vst v63  }
0x240: {  	s24 =	simm.s32 $0xDC00;
	s23 =	sld [smem:$0x7FA]  }
0x241: {  	[tilespmem:s24], [sflag:$0x2] =	stream.indirect.gather [hbm4b:s5+s9], $0x10, s22, s9, $0xb8;
	[tilespmem:$0x10400] =	vst v63  }
0x242: {  	s3 =	simm.s32 $0xE400;
	s25 =	sld [smem:$0x7FB]  }
0x243: {  	[tilespmem:s3], [sflag:$0x2] =	stream.indirect.gather [hbm4b:s5+s9], $0x10, s23, s9, $0xb8;
	[tilespmem:$0x10400] =	vst v63  }
0x244: {  	s12 =	simm.s32 $0xEC00;
	s26 =	sld [smem:$0x7FC]  }
0x245: {  	[tilespmem:s12], [sflag:$0x2] =	stream.indirect.gather [hbm4b:s5+s9], $0x10, s25, s9, $0xb8;
	[tilespmem:$0x10400] =	vst v63  }
0x246: {  	s0 =	simm.s32 $0xF400;
	s28 =	sld [smem:$0x7FD]  }
0x247: {  	[tilespmem:s0], [sflag:$0x2] =	stream.indirect.gather [hbm4b:s5+s9], $0x10, s26, s9, $0xb8;
	[tilespmem:$0x10400] =	vst v63  }
0x248: {  	_ = 	snop  }
0x249: {  	[tilespmem:s11], [sflag:$0x2] =	stream.indirect.gather [hbm4b:s5+s9], $0x10, s28, s9, $0xb8;
	[tilespmem:$0x10400] =	vst v63  }
0x24a: {  	_ =	swait.ge [sflag:s10], $0x800  }
0x24b: {  	[sflag:s10] =	ssyncset.done $0x0  }
0x24c: {  	[sflag:s10] =	ssyncadd.s32 $0xFFFFF800  }
0x24d: {  	_ =	swait.ge [sflag:s10], $0x800  }
0x24e: {  	[sflag:s10] =	ssyncset.done $0x0  }
0x24f: {  	[sflag:s10] =	ssyncadd.s32 $0xFFFFF800  }
0x250: {  	_ =	swait.ge [sflag:s10], $0x800  }
0x251: {  	[sflag:s10] =	ssyncset.done $0x0  }
0x252: {  	[sflag:s10] =	ssyncadd.s32 $0xFFFFF800  }
0x253: {  	_ =	swait.ge [sflag:s10], $0x800  }
0x254: {  	[sflag:s10] =	ssyncset.done $0x0  }
0x255: {  	[sflag:s10] =	ssyncadd.s32 $0xFFFFF800  }
0x256: {  	_ =	swait.ge [sflag:s10], $0x800  }
0x257: {  	[sflag:s10] =	ssyncset.done $0x0  }
0x258: {  	[sflag:s10] =	ssyncadd.s32 $0xFFFFF800  }
0x259: {  	_ =	swait.ge [sflag:s10], $0x800  }
0x25a: {  	[sflag:s10] =	ssyncset.done $0x0  }
0x25b: {  	[sflag:s10] =	ssyncadd.s32 $0xFFFFF800  }
0x25c: {  	_ =	swait.ge [sflag:s10], $0x800  }
0x25d: {  	[sflag:s10] =	ssyncset.done $0x0  }
0x25e: {  	[sflag:s10] =	ssyncadd.s32 $0xFFFFF800  }
0x25f: {  	_ =	swait.ge [sflag:s10], $0x800  }
0x260: {  	[sflag:s10] =	ssyncset.done $0x0  }
0x261: {  	[sflag:s10] =	ssyncadd.s32 $0xFFFFF800  }
0x262: {  	_ =	swait.ge [sflag:s10], $0x800  }
0x263: {  	[sflag:s10] =	ssyncset.done $0x0  }
0x264: {  	[sflag:s10] =	ssyncadd.s32 $0xFFFFF800  }
0x265: {  	_ =	swait.ge [sflag:s10], $0x800  }
0x266: {  	[sflag:s10] =	ssyncset.done $0x0  }
0x267: {  	[sflag:s10] =	ssyncadd.s32 $0xFFFFF800  }
0x268: {  	_ =	swait.ge [sflag:s10], $0x800  }
0x269: {  	[sflag:s10] =	ssyncset.done $0x0  }
0x26a: {  	[sflag:s10] =	ssyncadd.s32 $0xFFFFF800  }
0x26b: {  	_ =	swait.ge [sflag:s10], $0x800  }
0x26c: {  	[sflag:s10] =	ssyncset.done $0x0  }
0x26d: {  	[sflag:s10] =	ssyncadd.s32 $0xFFFFF800  }
0x26e: {  	_ =	swait.ge [sflag:s10], $0x800  }
0x26f: {  	[sflag:s10] =	ssyncset.done $0x0  }
0x270: {  	s4 =	simm.s32 $0x3400;
	s29 =	rddreg [dreg:$0x9];
	[sflag:s10] =	ssyncadd.s32 $0xFFFFF800  }
0x271: {  	[hbm4b:s29+s2] =	stream.linear.scatter [tilespmem:s4], [sflag:$0x3], $0x6800, $0x38;
	[tilespmem:$0x10400] =	vst v63  }
0x272: {  	_ =	swait.ge [sflag:s8], $0x800  }
0x273: {  	[sflag:s8] =	ssyncset.done $0x0  }
0x274: {  	[sflag:s8] =	ssyncadd.s32 $0xFFFFF800  }
0x275: {  	_ =	swait.ge [sflag:s8], $0x800  }
0x276: {  	[sflag:s8] =	ssyncset.done $0x0  }
0x277: {  	[sflag:s8] =	ssyncadd.s32 $0xFFFFF800  }
0x278: {  	_ =	swait.ge [sflag:s8], $0x800  }
0x279: {  	[sflag:s8] =	ssyncset.done $0x0  }
0x27a: {  	[sflag:s8] =	ssyncadd.s32 $0xFFFFF800  }
0x27b: {  	_ =	swait.ge [sflag:s8], $0x800  }
0x27c: {  	[sflag:s8] =	ssyncset.done $0x0  }
0x27d: {  	[sflag:s8] =	ssyncadd.s32 $0xFFFFF800  }
0x27e: {  	_ =	swait.ge [sflag:s8], $0x800  }
0x27f: {  	[sflag:s8] =	ssyncset.done $0x0  }
0x280: {  	[sflag:s8] =	ssyncadd.s32 $0xFFFFF800  }
0x281: {  	_ =	swait.ge [sflag:s8], $0x800  }
0x282: {  	[sflag:s8] =	ssyncset.done $0x0  }
0x283: {  	[sflag:s8] =	ssyncadd.s32 $0xFFFFF800  }
0x284: {  	_ =	swait.ge [sflag:s8], $0x800  }
0x285: {  	[sflag:s8] =	ssyncset.done $0x0  }
0x286: {  	[sflag:s8] =	ssyncadd.s32 $0xFFFFF800  }
0x287: {  	_ =	swait.ge [sflag:s8], $0x800  }
0x288: {  	[sflag:s8] =	ssyncset.done $0x0  }
0x289: {  	[sflag:s8] =	ssyncadd.s32 $0xFFFFF800  }
0x28a: {  	_ =	swait.ge [sflag:s8], $0x800  }
0x28b: {  	[sflag:s8] =	ssyncset.done $0x0  }
0x28c: {  	[sflag:s8] =	ssyncadd.s32 $0xFFFFF800  }
0x28d: {  	_ =	swait.ge [sflag:s8], $0x800  }
0x28e: {  	[sflag:s8] =	ssyncset.done $0x0  }
0x28f: {  	[sflag:s8] =	ssyncadd.s32 $0xFFFFF800  }
0x290: {  	_ =	swait.ge [sflag:s8], $0x800  }
0x291: {  	[sflag:s8] =	ssyncset.done $0x0  }
0x292: {  	[sflag:s8] =	ssyncadd.s32 $0xFFFFF800  }
0x293: {  	_ =	swait.ge [sflag:s8], $0x800  }
0x294: {  	[sflag:s8] =	ssyncset.done $0x0  }
0x295: {  	[sflag:s8] =	ssyncadd.s32 $0xFFFFF800  }
0x296: {  	_ =	swait.ge [sflag:s8], $0x800  }
0x297: {  	[sflag:s8] =	ssyncset.done $0x0  }
0x298: {  	s3 =	simm.s32 $0x9C00;
	s30 =	rddreg [dreg:$0xa];
	[sflag:s8] =	ssyncadd.s32 $0xFFFFF800  }
0x299: {  	[hbm4b:s30+s2] =	stream.linear.scatter [tilespmem:s3], [sflag:$0x4], $0x6800, $0x38;
	[tilespmem:$0x10400] =	vst v63  }
0x29a: {  	_ =	swait.ge [sflag:s7], $0x6800  }
0x29b: {  	s31 =	sld [smem:$0x7AC];
	_ =	sdelay $0x2  }
0x29c: {  	p1 =	sne.s32 s31, $0x1  }
.Ltmp1:
0x29d: {  	_ = 	snop;
	(pc) =	sbr.rel @!p1 .LBB2_6-.Ltmp1, $4  }
0x29e: {  	[sflag:s7] =	ssyncset.done $0x0  }
0x29f: {  	[sflag:s7] =	ssyncadd.s32 $0xFFFF9800  }
0x2a0: {  	p0 =	por $0x1, $0x1;
	_ =	swait.ge [sflag:s6], $0x6800  }
0x2a1: {  	s13 =	sadd.s32 $0xFFFFFFFF, s31;
	s14 =	rddreg [dreg:$0x2];
	[sflag:s6] =	ssyncset.done $0x0  }
0x2a2: {  	s18 =	simm.s32 $0x0;
	s31 =	simm.s32 $0x3400;
	s17 =	simm.s32 $0x9C00  }
.LBB2_3:
0x2a3: {  	[sflag:s6] =	ssyncadd.s32 $0xFFFF9800;
	s0 =	simm.s32 $0x5  }
0x2a4: {  	[tilespmem:s2], [sflag:$0x5] =	stream.linear.gather [hbm4b:s14+s2], $0x3400, $0x38;
	[tilespmem:$0x10400] =	vst v63  }
0x2a5: {  	_ =	swait.ge [sflag:s0], $0x3400  }
0x2a6: {  	[sflag:s0] =	ssyncset.done $0x0  }
0x2a7: {  	[sflag:s0] =	ssyncadd.s32 $0xFFFFCC00  }
0x2a8: {  	[tilespmem:s4], [sflag:$0x1] =	stream.indirect.gather [hbm4b:s5+s9], $0x10, s2, s9, $0xb8;
	[tilespmem:$0x10400] =	vst v63  }
0x2a9: {  	s1 =	simm.s32 $0x3C00;
	s23 =	rddreg [dreg:$0xb]  }
0x2aa: {  	[tilespmem:s1], [sflag:$0x1] =	stream.indirect.gather [hbm4b:s5+s9], $0x10, s9, s9, $0xb8;
	[tilespmem:$0x10400] =	vst v63  }
0x2ab: {  	s24 =	simm.s32 $0x4400;
	s15 =	rddreg [dreg:$0xc]  }
0x2ac: {  	[tilespmem:s24], [sflag:$0x1] =	stream.indirect.gather [hbm4b:s5+s9], $0x10, s23, s9, $0xb8;
	[tilespmem:$0x10400] =	vst v63  }
0x2ad: {  	s29 =	simm.s32 $0x4C00;
	s25 =	rddreg [dreg:$0xd]  }
0x2ae: {  	[tilespmem:s29], [sflag:$0x1] =	stream.indirect.gather [hbm4b:s5+s9], $0x10, s15, s9, $0xb8;
	[tilespmem:$0x10400] =	vst v63  }
0x2af: {  	s30 =	rddreg [dreg:$0xe];
	s2 =	simm.s32 $0x5400  }
0x2b0: {  	[tilespmem:s2], [sflag:$0x1] =	stream.indirect.gather [hbm4b:s5+s9], $0x10, s25, s9, $0xb8;
	[tilespmem:$0x10400] =	vst v63  }
0x2b1: {  	s6 =	simm.s32 $0x5C00;
	s11 =	rddreg [dreg:$0x10]  }
0x2b2: {  	[tilespmem:s6], [sflag:$0x1] =	stream.indirect.gather [hbm4b:s5+s9], $0x10, s30, s9, $0xb8;
	[tilespmem:$0x10400] =	vst v63  }
0x2b3: {  	s16 =	simm.s32 $0x6400;
	s4 =	rddreg [dreg:$0xf]  }
0x2b4: {  	[tilespmem:s16], [sflag:$0x1] =	stream.indirect.gather [hbm4b:s5+s9], $0x10, s4, s9, $0xb8;
	[tilespmem:$0x10400] =	vst v63  }
0x2b5: {  	s20 =	simm.s32 $0x6C00;
	s19 =	rddreg [dreg:$0x11]  }
0x2b6: {  	[tilespmem:s20], [sflag:$0x1] =	stream.indirect.gather [hbm4b:s5+s9], $0x10, s11, s9, $0xb8;
	[tilespmem:$0x10400] =	vst v63  }
0x2b7: {  	s22 =	simm.s32 $0x7400;
	s21 =	rddreg [dreg:$0x12]  }
0x2b8: {  	[tilespmem:s22], [sflag:$0x1] =	stream.indirect.gather [hbm4b:s5+s9], $0x10, s19, s9, $0xb8;
	[tilespmem:$0x10400] =	vst v63  }
0x2b9: {  	s1 =	rddreg [dreg:$0x18];
	s29 =	simm.s32 $0x7C00  }
0x2ba: {  	[tilespmem:s29], [sflag:$0x1] =	stream.indirect.gather [hbm4b:s5+s9], $0x10, s21, s9, $0xb8;
	[tilespmem:$0x10400] =	vst v63  }
0x2bb: {  	s24 =	rddreg [dreg:$0x13];
	s2 =	simm.s32 $0x8400  }
0x2bc: {  	[tilespmem:s2], [sflag:$0x1] =	stream.indirect.gather [hbm4b:s5+s9], $0x10, s24, s9, $0xb8;
	[tilespmem:$0x10400] =	vst v63  }
0x2bd: {  	s30 =	rddreg [dreg:$0x14];
	s19 =	simm.s32 $0x8C00  }
0x2be: {  	[tilespmem:s19], [sflag:$0x1] =	stream.indirect.gather [hbm4b:s5+s9], $0x10, s30, s9, $0xb8;
	[tilespmem:$0x10400] =	vst v63  }
0x2bf: {  	s11 =	rddreg [dreg:$0x15];
	s29 =	simm.s32 $0x9400  }
0x2c0: {  	[tilespmem:s29], [sflag:$0x1] =	stream.indirect.gather [hbm4b:s5+s9], $0x10, s11, s9, $0xb8;
	[tilespmem:$0x10400] =	vst v63  }
0x2c1: {  	s20 =	rddreg [dreg:$0x16]  }
0x2c2: {  	[tilespmem:s3], [sflag:$0x2] =	stream.indirect.gather [hbm4b:s5+s9], $0x10, s20, s9, $0xb8;
	[tilespmem:$0x10400] =	vst v63  }
0x2c3: {  	s30 =	rddreg [dreg:$0x17];
	s11 =	simm.s32 $0xA400  }
0x2c4: {  	[tilespmem:s11], [sflag:$0x2] =	stream.indirect.gather [hbm4b:s5+s9], $0x10, s30, s9, $0xb8;
	[tilespmem:$0x10400] =	vst v63  }
0x2c5: {  	s19 =	rddreg [dreg:$0x19];
	s20 =	simm.s32 $0xAC00  }
0x2c6: {  	[tilespmem:s20], [sflag:$0x2] =	stream.indirect.gather [hbm4b:s5+s9], $0x10, s1, s9, $0xb8;
	[tilespmem:$0x10400] =	vst v63  }
0x2c7: {  	s29 =	rddreg [dreg:$0x1a];
	s3 =	simm.s32 $0xB400  }
0x2c8: {  	[tilespmem:s3], [sflag:$0x2] =	stream.indirect.gather [hbm4b:s5+s9], $0x10, s19, s9, $0xb8;
	[tilespmem:$0x10400] =	vst v63  }
0x2c9: {  	s11 =	rddreg [dreg:$0x1b];
	s19 =	simm.s32 $0xBC00  }
0x2ca: {  	[tilespmem:s19], [sflag:$0x2] =	stream.indirect.gather [hbm4b:s5+s9], $0x10, s29, s9, $0xb8;
	[tilespmem:$0x10400] =	vst v63  }
0x2cb: {  	s20 =	rddreg [dreg:$0x1c];
	s29 =	simm.s32 $0xC400  }
0x2cc: {  	[tilespmem:s29], [sflag:$0x2] =	stream.indirect.gather [hbm4b:s5+s9], $0x10, s11, s9, $0xb8;
	[tilespmem:$0x10400] =	vst v63  }
0x2cd: {  	s3 =	rddreg [dreg:$0x1d];
	s11 =	simm.s32 $0xCC00  }
0x2ce: {  	[tilespmem:s11], [sflag:$0x2] =	stream.indirect.gather [hbm4b:s5+s9], $0x10, s20, s9, $0xb8;
	[tilespmem:$0x10400] =	vst v63  }
0x2cf: {  	s19 =	rddreg [dreg:$0x1e];
	s29 =	simm.s32 $0xD400  }
0x2d0: {  	[tilespmem:s29], [sflag:$0x2] =	stream.indirect.gather [hbm4b:s5+s9], $0x10, s3, s9, $0xb8;
	[tilespmem:$0x10400] =	vst v63  }
0x2d1: {  	s20 =	simm.s32 $0xDC00;
	s3 =	rddreg [dreg:$0x1f]  }
0x2d2: {  	[tilespmem:s20], [sflag:$0x2] =	stream.indirect.gather [hbm4b:s5+s9], $0x10, s19, s9, $0xb8;
	[tilespmem:$0x10400] =	vst v63  }
0x2d3: {  	s29 =	sld [smem:$0x7AD];
	s19 =	simm.s32 $0xE400  }
0x2d4: {  	[tilespmem:s19], [sflag:$0x2] =	stream.indirect.gather [hbm4b:s5+s9], $0x10, s3, s9, $0xb8;
	[tilespmem:$0x10400] =	vst v63  }
0x2d5: {  	s1 =	simm.s32 $0xEC00;
	s20 =	sld [smem:$0x7AE]  }
0x2d6: {  	[tilespmem:s1], [sflag:$0x2] =	stream.indirect.gather [hbm4b:s5+s9], $0x10, s29, s9, $0xb8;
	[tilespmem:$0x10400] =	vst v63  }
0x2d7: {  	s19 =	sld [smem:$0x7AF];
	s29 =	simm.s32 $0xF400  }
0x2d8: {  	[tilespmem:s29], [sflag:$0x2] =	stream.indirect.gather [hbm4b:s5+s9], $0x10, s20, s9, $0xb8;
	[tilespmem:$0x10400] =	vst v63  }
0x2d9: {  	s1 =	simm.s32 $0xFC00  }
0x2da: {  	[tilespmem:s1], [sflag:$0x2] =	stream.indirect.gather [hbm4b:s5+s9], $0x10, s19, s9, $0xb8;
	[tilespmem:$0x10400] =	vst v63  }
0x2db: {  	_ =	swait.ge [sflag:s10], $0x800  }
0x2dc: {  	[sflag:s10] =	ssyncset.done $0x0  }
0x2dd: {  	[sflag:s10] =	ssyncadd.s32 $0xFFFFF800  }
0x2de: {  	_ =	swait.ge [sflag:s10], $0x800  }
0x2df: {  	[sflag:s10] =	ssyncset.done $0x0  }
0x2e0: {  	[sflag:s10] =	ssyncadd.s32 $0xFFFFF800  }
0x2e1: {  	_ =	swait.ge [sflag:s10], $0x800  }
0x2e2: {  	[sflag:s10] =	ssyncset.done $0x0  }
0x2e3: {  	[sflag:s10] =	ssyncadd.s32 $0xFFFFF800  }
0x2e4: {  	_ =	swait.ge [sflag:s10], $0x800  }
0x2e5: {  	[sflag:s10] =	ssyncset.done $0x0  }
0x2e6: {  	[sflag:s10] =	ssyncadd.s32 $0xFFFFF800  }
0x2e7: {  	_ =	swait.ge [sflag:s10], $0x800  }
0x2e8: {  	[sflag:s10] =	ssyncset.done $0x0  }
0x2e9: {  	[sflag:s10] =	ssyncadd.s32 $0xFFFFF800  }
0x2ea: {  	_ =	swait.ge [sflag:s10], $0x800  }
0x2eb: {  	[sflag:s10] =	ssyncset.done $0x0  }
0x2ec: {  	[sflag:s10] =	ssyncadd.s32 $0xFFFFF800  }
0x2ed: {  	_ =	swait.ge [sflag:s10], $0x800  }
0x2ee: {  	[sflag:s10] =	ssyncset.done $0x0  }
0x2ef: {  	[sflag:s10] =	ssyncadd.s32 $0xFFFFF800  }
0x2f0: {  	_ =	swait.ge [sflag:s10], $0x800  }
0x2f1: {  	[sflag:s10] =	ssyncset.done $0x0  }
0x2f2: {  	[sflag:s10] =	ssyncadd.s32 $0xFFFFF800  }
0x2f3: {  	_ =	swait.ge [sflag:s10], $0x800  }
0x2f4: {  	[sflag:s10] =	ssyncset.done $0x0  }
0x2f5: {  	[sflag:s10] =	ssyncadd.s32 $0xFFFFF800  }
0x2f6: {  	_ =	swait.ge [sflag:s10], $0x800  }
0x2f7: {  	[sflag:s10] =	ssyncset.done $0x0  }
0x2f8: {  	[sflag:s10] =	ssyncadd.s32 $0xFFFFF800  }
0x2f9: {  	_ =	swait.ge [sflag:s10], $0x800  }
0x2fa: {  	[sflag:s10] =	ssyncset.done $0x0  }
0x2fb: {  	[sflag:s10] =	ssyncadd.s32 $0xFFFFF800  }
0x2fc: {  	_ =	swait.ge [sflag:s10], $0x800  }
0x2fd: {  	[sflag:s10] =	ssyncset.done $0x0  }
0x2fe: {  	[sflag:s10] =	ssyncadd.s32 $0xFFFFF800  }
0x2ff: {  	_ =	swait.ge [sflag:s10], $0x800  }
0x300: {  	[sflag:s10] =	ssyncset.done $0x0  }
0x301: {  	s0 =	simm.s32 $0x3;
	s3 =	rddreg [dreg:$0x3];
	[sflag:s10] =	ssyncadd.s32 $0xFFFFF800  }
0x302: {  	[hbm4b:s3+s18] =	stream.linear.scatter [tilespmem:s31], [sflag:$0x3], $0x6800, $0x38;
	[tilespmem:$0x10400] =	vst v63  }
0x303: {  	_ =	swait.ge [sflag:s0], $0x6800  }
0x304: {  	s15 =	sld [smem:$0x7B0]  }
0x305: {  	[sflag:s0] =	ssyncset.done $0x0  }
0x306: {  	s29 =	sld [smem:$0x7B1];
	[sflag:s0] =	ssyncadd.s32 $0xFFFF9800  }
0x307: {  	[tilespmem:s31], [sflag:$0x1] =	stream.indirect.gather [hbm4b:s5+s9], $0x10, s15, s9, $0xb8;
	[tilespmem:$0x10400] =	vst v63  }
0x308: {  	s28 =	simm.s32 $0x3C00;
	s1 =	sld [smem:$0x7B2]  }
0x309: {  	[tilespmem:s28], [sflag:$0x1] =	stream.indirect.gather [hbm4b:s5+s9], $0x10, s29, s9, $0xb8;
	[tilespmem:$0x10400] =	vst v63  }
0x30a: {  	s26 =	simm.s32 $0x4400;
	s3 =	sld [smem:$0x7B3]  }
0x30b: {  	[tilespmem:s26], [sflag:$0x1] =	stream.indirect.gather [hbm4b:s5+s9], $0x10, s1, s9, $0xb8;
	[tilespmem:$0x10400] =	vst v63  }
0x30c: {  	s12 =	simm.s32 $0x4C00;
	s26 =	sld [smem:$0x7B4]  }
0x30d: {  	[tilespmem:s12], [sflag:$0x1] =	stream.indirect.gather [hbm4b:s5+s9], $0x10, s3, s9, $0xb8;
	[tilespmem:$0x10400] =	vst v63  }
0x30e: {  	s25 =	simm.s32 $0x5400;
	s29 =	sld [smem:$0x7B5]  }
0x30f: {  	[tilespmem:s25], [sflag:$0x1] =	stream.indirect.gather [hbm4b:s5+s9], $0x10, s26, s9, $0xb8;
	[tilespmem:$0x10400] =	vst v63  }
0x310: {  	s23 =	simm.s32 $0x5C00;
	s1 =	sld [smem:$0x7B6]  }
0x311: {  	[tilespmem:s23], [sflag:$0x1] =	stream.indirect.gather [hbm4b:s5+s9], $0x10, s29, s9, $0xb8;
	[tilespmem:$0x10400] =	vst v63  }
0x312: {  	s4 =	simm.s32 $0x6400;
	s3 =	sld [smem:$0x7B7]  }
0x313: {  	[tilespmem:s4], [sflag:$0x1] =	stream.indirect.gather [hbm4b:s5+s9], $0x10, s1, s9, $0xb8;
	[tilespmem:$0x10400] =	vst v63  }
0x314: {  	s6 =	simm.s32 $0x6C00;
	s4 =	sld [smem:$0x7B8]  }
0x315: {  	[tilespmem:s6], [sflag:$0x1] =	stream.indirect.gather [hbm4b:s5+s9], $0x10, s3, s9, $0xb8;
	[tilespmem:$0x10400] =	vst v63  }
0x316: {  	s16 =	simm.s32 $0x7400;
	s12 =	sld [smem:$0x7B9]  }
0x317: {  	[tilespmem:s16], [sflag:$0x1] =	stream.indirect.gather [hbm4b:s5+s9], $0x10, s4, s9, $0xb8;
	[tilespmem:$0x10400] =	vst v63  }
0x318: {  	s22 =	simm.s32 $0x7C00;
	s16 =	sld [smem:$0x7BA]  }
0x319: {  	[tilespmem:s22], [sflag:$0x1] =	stream.indirect.gather [hbm4b:s5+s9], $0x10, s12, s9, $0xb8;
	[tilespmem:$0x10400] =	vst v63  }
0x31a: {  	s21 =	simm.s32 $0x8400;
	s23 =	sld [smem:$0x7BB]  }
0x31b: {  	[tilespmem:s21], [sflag:$0x1] =	stream.indirect.gather [hbm4b:s5+s9], $0x10, s16, s9, $0xb8;
	[tilespmem:$0x10400] =	vst v63  }
0x31c: {  	s24 =	simm.s32 $0x8C00;
	s1 =	sld [smem:$0x7BC]  }
0x31d: {  	[tilespmem:s24], [sflag:$0x1] =	stream.indirect.gather [hbm4b:s5+s9], $0x10, s23, s9, $0xb8;
	[tilespmem:$0x10400] =	vst v63  }
0x31e: {  	s2 =	simm.s32 $0x9400  }
0x31f: {  	[tilespmem:s2], [sflag:$0x1] =	stream.indirect.gather [hbm4b:s5+s9], $0x10, s1, s9, $0xb8;
	[tilespmem:$0x10400] =	vst v63  }
0x320: {  	_ =	swait.ge [sflag:s8], $0x800  }
0x321: {  	[sflag:s8] =	ssyncset.done $0x0  }
0x322: {  	[sflag:s8] =	ssyncadd.s32 $0xFFFFF800  }
0x323: {  	_ =	swait.ge [sflag:s8], $0x800  }
0x324: {  	[sflag:s8] =	ssyncset.done $0x0  }
0x325: {  	[sflag:s8] =	ssyncadd.s32 $0xFFFFF800  }
0x326: {  	_ =	swait.ge [sflag:s8], $0x800  }
0x327: {  	[sflag:s8] =	ssyncset.done $0x0  }
0x328: {  	[sflag:s8] =	ssyncadd.s32 $0xFFFFF800  }
0x329: {  	_ =	swait.ge [sflag:s8], $0x800  }
0x32a: {  	[sflag:s8] =	ssyncset.done $0x0  }
0x32b: {  	[sflag:s8] =	ssyncadd.s32 $0xFFFFF800  }
0x32c: {  	_ =	swait.ge [sflag:s8], $0x800  }
0x32d: {  	[sflag:s8] =	ssyncset.done $0x0  }
0x32e: {  	[sflag:s8] =	ssyncadd.s32 $0xFFFFF800  }
0x32f: {  	_ =	swait.ge [sflag:s8], $0x800  }
0x330: {  	[sflag:s8] =	ssyncset.done $0x0  }
0x331: {  	[sflag:s8] =	ssyncadd.s32 $0xFFFFF800  }
0x332: {  	_ =	swait.ge [sflag:s8], $0x800  }
0x333: {  	[sflag:s8] =	ssyncset.done $0x0  }
0x334: {  	[sflag:s8] =	ssyncadd.s32 $0xFFFFF800  }
0x335: {  	_ =	swait.ge [sflag:s8], $0x800  }
0x336: {  	[sflag:s8] =	ssyncset.done $0x0  }
0x337: {  	[sflag:s8] =	ssyncadd.s32 $0xFFFFF800  }
0x338: {  	_ =	swait.ge [sflag:s8], $0x800  }
0x339: {  	[sflag:s8] =	ssyncset.done $0x0  }
0x33a: {  	[sflag:s8] =	ssyncadd.s32 $0xFFFFF800  }
0x33b: {  	_ =	swait.ge [sflag:s8], $0x800  }
0x33c: {  	[sflag:s8] =	ssyncset.done $0x0  }
0x33d: {  	[sflag:s8] =	ssyncadd.s32 $0xFFFFF800  }
0x33e: {  	_ =	swait.ge [sflag:s8], $0x800  }
0x33f: {  	[sflag:s8] =	ssyncset.done $0x0  }
0x340: {  	[sflag:s8] =	ssyncadd.s32 $0xFFFFF800  }
0x341: {  	_ =	swait.ge [sflag:s8], $0x800  }
0x342: {  	[sflag:s8] =	ssyncset.done $0x0  }
0x343: {  	[sflag:s8] =	ssyncadd.s32 $0xFFFFF800  }
0x344: {  	_ =	swait.ge [sflag:s8], $0x800  }
0x345: {  	[sflag:s8] =	ssyncset.done $0x0  }
0x346: {  	s7 =	simm.s32 $0x4;
	s2 =	rddreg [dreg:$0x4];
	[sflag:s8] =	ssyncadd.s32 $0xFFFFF800  }
0x347: {  	[hbm4b:s2+s18] =	stream.linear.scatter [tilespmem:s17], [sflag:$0x4], $0x6800, $0x38;
	[tilespmem:$0x10400] =	vst v63  }
0x348: {  	_ =	swait.ge [sflag:s7], $0x6800  }
0x349: {  	s3 =	sld [smem:$0x7BD]  }
0x34a: {  	[sflag:s7] =	ssyncset.done $0x0  }
0x34b: {  	s4 =	sld [smem:$0x7BE];
	[sflag:s7] =	ssyncadd.s32 $0xFFFF9800  }
0x34c: {  	[tilespmem:s17], [sflag:$0x2] =	stream.indirect.gather [hbm4b:s5+s9], $0x10, s3, s9, $0xb8;
	[tilespmem:$0x10400] =	vst v63  }
0x34d: {  	s6 =	sld [smem:$0x7BF];
	s3 =	simm.s32 $0xA400  }
0x34e: {  	[tilespmem:s3], [sflag:$0x2] =	stream.indirect.gather [hbm4b:s5+s9], $0x10, s4, s9, $0xb8;
	[tilespmem:$0x10400] =	vst v63  }
0x34f: {  	s1 =	simm.s32 $0xAC00;
	s12 =	sld [smem:$0x7C0]  }
0x350: {  	[tilespmem:s1], [sflag:$0x2] =	stream.indirect.gather [hbm4b:s5+s9], $0x10, s6, s9, $0xb8;
	[tilespmem:$0x10400] =	vst v63  }
0x351: {  	s30 =	simm.s32 $0xB400;
	s16 =	sld [smem:$0x7C1]  }
0x352: {  	[tilespmem:s30], [sflag:$0x2] =	stream.indirect.gather [hbm4b:s5+s9], $0x10, s12, s9, $0xb8;
	[tilespmem:$0x10400] =	vst v63  }
0x353: {  	s21 =	sld [smem:$0x7C2];
	s4 =	simm.s32 $0xBC00  }
0x354: {  	[tilespmem:s4], [sflag:$0x2] =	stream.indirect.gather [hbm4b:s5+s9], $0x10, s16, s9, $0xb8;
	[tilespmem:$0x10400] =	vst v63  }
0x355: {  	s22 =	sld [smem:$0x7C3];
	s6 =	simm.s32 $0xC400  }
0x356: {  	[tilespmem:s6], [sflag:$0x2] =	stream.indirect.gather [hbm4b:s5+s9], $0x10, s21, s9, $0xb8;
	[tilespmem:$0x10400] =	vst v63  }
0x357: {  	s24 =	sld [smem:$0x7C4];
	s12 =	simm.s32 $0xCC00  }
0x358: {  	[tilespmem:s12], [sflag:$0x2] =	stream.indirect.gather [hbm4b:s5+s9], $0x10, s22, s9, $0xb8;
	[tilespmem:$0x10400] =	vst v63  }
0x359: {  	s11 =	simm.s32 $0xD400;
	s30 =	sld [smem:$0x7C5]  }
0x35a: {  	[tilespmem:s11], [sflag:$0x2] =	stream.indirect.gather [hbm4b:s5+s9], $0x10, s24, s9, $0xb8;
	[tilespmem:$0x10400] =	vst v63  }
0x35b: {  	s2 =	sld [smem:$0x7C6];
	s11 =	simm.s32 $0xDC00  }
0x35c: {  	[tilespmem:s11], [sflag:$0x2] =	stream.indirect.gather [hbm4b:s5+s9], $0x10, s30, s9, $0xb8;
	[tilespmem:$0x10400] =	vst v63  }
0x35d: {  	s16 =	simm.s32 $0xE400;
	s21 =	sld [smem:$0x7C7]  }
0x35e: {  	[tilespmem:s16], [sflag:$0x2] =	stream.indirect.gather [hbm4b:s5+s9], $0x10, s2, s9, $0xb8;
	[tilespmem:$0x10400] =	vst v63  }
0x35f: {  	s22 =	sld [smem:$0x7C8];
	s2 =	simm.s32 $0xEC00  }
0x360: {  	[tilespmem:s2], [sflag:$0x2] =	stream.indirect.gather [hbm4b:s5+s9], $0x10, s21, s9, $0xb8;
	[tilespmem:$0x10400] =	vst v63  }
0x361: {  	s20 =	simm.s32 $0xF400;
	s30 =	sld [smem:$0x7C9]  }
0x362: {  	[tilespmem:s20], [sflag:$0x2] =	stream.indirect.gather [hbm4b:s5+s9], $0x10, s22, s9, $0xb8;
	[tilespmem:$0x10400] =	vst v63  }
0x363: {  	s19 =	simm.s32 $0xFC00  }
0x364: {  	[tilespmem:s19], [sflag:$0x2] =	stream.indirect.gather [hbm4b:s5+s9], $0x10, s30, s9, $0xb8;
	[tilespmem:$0x10400] =	vst v63  }
0x365: {  	_ =	swait.ge [sflag:s10], $0x800  }
0x366: {  	[sflag:s10] =	ssyncset.done $0x0  }
0x367: {  	[sflag:s10] =	ssyncadd.s32 $0xFFFFF800  }
0x368: {  	_ =	swait.ge [sflag:s10], $0x800  }
0x369: {  	[sflag:s10] =	ssyncset.done $0x0  }
0x36a: {  	[sflag:s10] =	ssyncadd.s32 $0xFFFFF800  }
0x36b: {  	_ =	swait.ge [sflag:s10], $0x800  }
0x36c: {  	[sflag:s10] =	ssyncset.done $0x0  }
0x36d: {  	[sflag:s10] =	ssyncadd.s32 $0xFFFFF800  }
0x36e: {  	_ =	swait.ge [sflag:s10], $0x800  }
0x36f: {  	[sflag:s10] =	ssyncset.done $0x0  }
0x370: {  	[sflag:s10] =	ssyncadd.s32 $0xFFFFF800  }
0x371: {  	_ =	swait.ge [sflag:s10], $0x800  }
0x372: {  	[sflag:s10] =	ssyncset.done $0x0  }
0x373: {  	[sflag:s10] =	ssyncadd.s32 $0xFFFFF800  }
0x374: {  	_ =	swait.ge [sflag:s10], $0x800  }
0x375: {  	[sflag:s10] =	ssyncset.done $0x0  }
0x376: {  	[sflag:s10] =	ssyncadd.s32 $0xFFFFF800  }
0x377: {  	_ =	swait.ge [sflag:s10], $0x800  }
0x378: {  	[sflag:s10] =	ssyncset.done $0x0  }
0x379: {  	[sflag:s10] =	ssyncadd.s32 $0xFFFFF800  }
0x37a: {  	_ =	swait.ge [sflag:s10], $0x800  }
0x37b: {  	[sflag:s10] =	ssyncset.done $0x0  }
0x37c: {  	[sflag:s10] =	ssyncadd.s32 $0xFFFFF800  }
0x37d: {  	_ =	swait.ge [sflag:s10], $0x800  }
0x37e: {  	[sflag:s10] =	ssyncset.done $0x0  }
0x37f: {  	[sflag:s10] =	ssyncadd.s32 $0xFFFFF800  }
0x380: {  	_ =	swait.ge [sflag:s10], $0x800  }
0x381: {  	[sflag:s10] =	ssyncset.done $0x0  }
0x382: {  	[sflag:s10] =	ssyncadd.s32 $0xFFFFF800  }
0x383: {  	_ =	swait.ge [sflag:s10], $0x800  }
0x384: {  	[sflag:s10] =	ssyncset.done $0x0  }
0x385: {  	[sflag:s10] =	ssyncadd.s32 $0xFFFFF800  }
0x386: {  	_ =	swait.ge [sflag:s10], $0x800  }
0x387: {  	[sflag:s10] =	ssyncset.done $0x0  }
0x388: {  	[sflag:s10] =	ssyncadd.s32 $0xFFFFF800  }
0x389: {  	_ =	swait.ge [sflag:s10], $0x800  }
0x38a: {  	[sflag:s10] =	ssyncset.done $0x0  }
0x38b: {  	s20 =	rddreg [dreg:$0x5];
	[sflag:s10] =	ssyncadd.s32 $0xFFFFF800  }
0x38c: {  	[hbm4b:s20+s18] =	stream.linear.scatter [tilespmem:s31], [sflag:$0x3], $0x6800, $0x38;
	[tilespmem:$0x10400] =	vst v63  }
0x38d: {  	_ =	swait.ge [sflag:s0], $0x6800  }
0x38e: {  	s30 =	sld [smem:$0x7CA]  }
0x38f: {  	[sflag:s0] =	ssyncset.done $0x0  }
0x390: {  	[sflag:s0] =	ssyncadd.s32 $0xFFFF9800;
	s0 =	sld [smem:$0x7CB]  }
0x391: {  	[tilespmem:s31], [sflag:$0x1] =	stream.indirect.gather [hbm4b:s5+s9], $0x10, s30, s9, $0xb8;
	[tilespmem:$0x10400] =	vst v63  }
0x392: {  	s19 =	simm.s32 $0x3C00;
	s14 =	sld [smem:$0x7CC]  }
0x393: {  	[tilespmem:s19], [sflag:$0x1] =	stream.indirect.gather [hbm4b:s5+s9], $0x10, s0, s9, $0xb8;
	[tilespmem:$0x10400] =	vst v63  }
0x394: {  	s20 =	sld [smem:$0x7CD];
	s30 =	simm.s32 $0x4400  }
0x395: {  	[tilespmem:s30], [sflag:$0x1] =	stream.indirect.gather [hbm4b:s5+s9], $0x10, s14, s9, $0xb8;
	[tilespmem:$0x10400] =	vst v63  }
0x396: {  	s28 =	simm.s32 $0x4C00;
	s19 =	sld [smem:$0x7CE]  }
0x397: {  	[tilespmem:s28], [sflag:$0x1] =	stream.indirect.gather [hbm4b:s5+s9], $0x10, s20, s9, $0xb8;
	[tilespmem:$0x10400] =	vst v63  }
0x398: {  	s15 =	sld [smem:$0x7CF];
	s20 =	simm.s32 $0x5400  }
0x399: {  	[tilespmem:s20], [sflag:$0x1] =	stream.indirect.gather [hbm4b:s5+s9], $0x10, s19, s9, $0xb8;
	[tilespmem:$0x10400] =	vst v63  }
0x39a: {  	s30 =	sld [smem:$0x7D0];
	s19 =	simm.s32 $0x5C00  }
0x39b: {  	[tilespmem:s19], [sflag:$0x1] =	stream.indirect.gather [hbm4b:s5+s9], $0x10, s15, s9, $0xb8;
	[tilespmem:$0x10400] =	vst v63  }
0x39c: {  	s25 =	simm.s32 $0x6400;
	s20 =	sld [smem:$0x7D1]  }
0x39d: {  	[tilespmem:s25], [sflag:$0x1] =	stream.indirect.gather [hbm4b:s5+s9], $0x10, s30, s9, $0xb8;
	[tilespmem:$0x10400] =	vst v63  }
0x39e: {  	s26 =	simm.s32 $0x6C00;
	s30 =	sld [smem:$0x7D2]  }
0x39f: {  	[tilespmem:s26], [sflag:$0x1] =	stream.indirect.gather [hbm4b:s5+s9], $0x10, s20, s9, $0xb8;
	[tilespmem:$0x10400] =	vst v63  }
0x3a0: {  	s29 =	simm.s32 $0x7400;
	s0 =	sld [smem:$0x7D3]  }
0x3a1: {  	[tilespmem:s29], [sflag:$0x1] =	stream.indirect.gather [hbm4b:s5+s9], $0x10, s30, s9, $0xb8;
	[tilespmem:$0x10400] =	vst v63  }
0x3a2: {  	s14 =	sld [smem:$0x7D4];
	s19 =	simm.s32 $0x7C00  }
0x3a3: {  	[tilespmem:s19], [sflag:$0x1] =	stream.indirect.gather [hbm4b:s5+s9], $0x10, s0, s9, $0xb8;
	[tilespmem:$0x10400] =	vst v63  }
0x3a4: {  	s20 =	sld [smem:$0x7D5];
	s30 =	simm.s32 $0x8400  }
0x3a5: {  	[tilespmem:s30], [sflag:$0x1] =	stream.indirect.gather [hbm4b:s5+s9], $0x10, s14, s9, $0xb8;
	[tilespmem:$0x10400] =	vst v63  }
0x3a6: {  	s19 =	simm.s32 $0x8C00;
	s14 =	sld [smem:$0x7D6]  }
0x3a7: {  	[tilespmem:s19], [sflag:$0x1] =	stream.indirect.gather [hbm4b:s5+s9], $0x10, s20, s9, $0xb8;
	[tilespmem:$0x10400] =	vst v63  }
0x3a8: {  	s20 =	simm.s32 $0x9400  }
0x3a9: {  	[tilespmem:s20], [sflag:$0x1] =	stream.indirect.gather [hbm4b:s5+s9], $0x10, s14, s9, $0xb8;
	[tilespmem:$0x10400] =	vst v63  }
0x3aa: {  	_ =	swait.ge [sflag:s8], $0x800  }
0x3ab: {  	[sflag:s8] =	ssyncset.done $0x0  }
0x3ac: {  	[sflag:s8] =	ssyncadd.s32 $0xFFFFF800  }
0x3ad: {  	_ =	swait.ge [sflag:s8], $0x800  }
0x3ae: {  	[sflag:s8] =	ssyncset.done $0x0  }
0x3af: {  	[sflag:s8] =	ssyncadd.s32 $0xFFFFF800  }
0x3b0: {  	_ =	swait.ge [sflag:s8], $0x800  }
0x3b1: {  	[sflag:s8] =	ssyncset.done $0x0  }
0x3b2: {  	[sflag:s8] =	ssyncadd.s32 $0xFFFFF800  }
0x3b3: {  	_ =	swait.ge [sflag:s8], $0x800  }
0x3b4: {  	[sflag:s8] =	ssyncset.done $0x0  }
0x3b5: {  	[sflag:s8] =	ssyncadd.s32 $0xFFFFF800  }
0x3b6: {  	_ =	swait.ge [sflag:s8], $0x800  }
0x3b7: {  	[sflag:s8] =	ssyncset.done $0x0  }
0x3b8: {  	[sflag:s8] =	ssyncadd.s32 $0xFFFFF800  }
0x3b9: {  	_ =	swait.ge [sflag:s8], $0x800  }
0x3ba: {  	[sflag:s8] =	ssyncset.done $0x0  }
0x3bb: {  	[sflag:s8] =	ssyncadd.s32 $0xFFFFF800  }
0x3bc: {  	_ =	swait.ge [sflag:s8], $0x800  }
0x3bd: {  	[sflag:s8] =	ssyncset.done $0x0  }
0x3be: {  	[sflag:s8] =	ssyncadd.s32 $0xFFFFF800  }
0x3bf: {  	_ =	swait.ge [sflag:s8], $0x800  }
0x3c0: {  	[sflag:s8] =	ssyncset.done $0x0  }
0x3c1: {  	[sflag:s8] =	ssyncadd.s32 $0xFFFFF800  }
0x3c2: {  	_ =	swait.ge [sflag:s8], $0x800  }
0x3c3: {  	[sflag:s8] =	ssyncset.done $0x0  }
0x3c4: {  	[sflag:s8] =	ssyncadd.s32 $0xFFFFF800  }
0x3c5: {  	_ =	swait.ge [sflag:s8], $0x800  }
0x3c6: {  	[sflag:s8] =	ssyncset.done $0x0  }
0x3c7: {  	[sflag:s8] =	ssyncadd.s32 $0xFFFFF800  }
0x3c8: {  	_ =	swait.ge [sflag:s8], $0x800  }
0x3c9: {  	[sflag:s8] =	ssyncset.done $0x0  }
0x3ca: {  	[sflag:s8] =	ssyncadd.s32 $0xFFFFF800  }
0x3cb: {  	_ =	swait.ge [sflag:s8], $0x800  }
0x3cc: {  	[sflag:s8] =	ssyncset.done $0x0  }
0x3cd: {  	[sflag:s8] =	ssyncadd.s32 $0xFFFFF800  }
0x3ce: {  	_ =	swait.ge [sflag:s8], $0x800  }
0x3cf: {  	[sflag:s8] =	ssyncset.done $0x0  }
0x3d0: {  	s0 =	rddreg [dreg:$0x6];
	[sflag:s8] =	ssyncadd.s32 $0xFFFFF800  }
0x3d1: {  	[hbm4b:s0+s18] =	stream.linear.scatter [tilespmem:s17], [sflag:$0x4], $0x6800, $0x38;
	[tilespmem:$0x10400] =	vst v63  }
0x3d2: {  	_ =	swait.ge [sflag:s7], $0x6800  }
0x3d3: {  	s15 =	sld [smem:$0x7D7]  }
0x3d4: {  	[sflag:s7] =	ssyncset.done $0x0  }
0x3d5: {  	s19 =	sld [smem:$0x7D8];
	[sflag:s7] =	ssyncadd.s32 $0xFFFF9800  }
0x3d6: {  	[tilespmem:s17], [sflag:$0x2] =	stream.indirect.gather [hbm4b:s5+s9], $0x10, s15, s9, $0xb8;
	[tilespmem:$0x10400] =	vst v63  }
0x3d7: {  	s20 =	sld [smem:$0x7D9]  }
0x3d8: {  	[tilespmem:s3], [sflag:$0x2] =	stream.indirect.gather [hbm4b:s5+s9], $0x10, s19, s9, $0xb8;
	[tilespmem:$0x10400] =	vst v63  }
0x3d9: {  	s3 =	sld [smem:$0x7DA]  }
0x3da: {  	[tilespmem:s1], [sflag:$0x2] =	stream.indirect.gather [hbm4b:s5+s9], $0x10, s20, s9, $0xb8;
	[tilespmem:$0x10400] =	vst v63  }
0x3db: {  	s23 =	simm.s32 $0xB400;
	s19 =	sld [smem:$0x7DB]  }
0x3dc: {  	[tilespmem:s23], [sflag:$0x2] =	stream.indirect.gather [hbm4b:s5+s9], $0x10, s3, s9, $0xb8;
	[tilespmem:$0x10400] =	vst v63  }
0x3dd: {  	s20 =	sld [smem:$0x7DC]  }
0x3de: {  	[tilespmem:s4], [sflag:$0x2] =	stream.indirect.gather [hbm4b:s5+s9], $0x10, s19, s9, $0xb8;
	[tilespmem:$0x10400] =	vst v63  }
0x3df: {  	s4 =	sld [smem:$0x7DD]  }
0x3e0: {  	[tilespmem:s6], [sflag:$0x2] =	stream.indirect.gather [hbm4b:s5+s9], $0x10, s20, s9, $0xb8;
	[tilespmem:$0x10400] =	vst v63  }
0x3e1: {  	s20 =	sld [smem:$0x7DE]  }
0x3e2: {  	[tilespmem:s12], [sflag:$0x2] =	stream.indirect.gather [hbm4b:s5+s9], $0x10, s4, s9, $0xb8;
	[tilespmem:$0x10400] =	vst v63  }
0x3e3: {  	s24 =	simm.s32 $0xD400;
	s4 =	sld [smem:$0x7DF]  }
0x3e4: {  	[tilespmem:s24], [sflag:$0x2] =	stream.indirect.gather [hbm4b:s5+s9], $0x10, s20, s9, $0xb8;
	[tilespmem:$0x10400] =	vst v63  }
0x3e5: {  	s6 =	sld [smem:$0x7E0]  }
0x3e6: {  	[tilespmem:s11], [sflag:$0x2] =	stream.indirect.gather [hbm4b:s5+s9], $0x10, s4, s9, $0xb8;
	[tilespmem:$0x10400] =	vst v63  }
0x3e7: {  	s4 =	sld [smem:$0x7E1]  }
0x3e8: {  	[tilespmem:s16], [sflag:$0x2] =	stream.indirect.gather [hbm4b:s5+s9], $0x10, s6, s9, $0xb8;
	[tilespmem:$0x10400] =	vst v63  }
0x3e9: {  	s6 =	sld [smem:$0x7E2]  }
0x3ea: {  	[tilespmem:s2], [sflag:$0x2] =	stream.indirect.gather [hbm4b:s5+s9], $0x10, s4, s9, $0xb8;
	[tilespmem:$0x10400] =	vst v63  }
0x3eb: {  	s21 =	simm.s32 $0xF400;
	s4 =	sld [smem:$0x7E3]  }
0x3ec: {  	[tilespmem:s21], [sflag:$0x2] =	stream.indirect.gather [hbm4b:s5+s9], $0x10, s6, s9, $0xb8;
	[tilespmem:$0x10400] =	vst v63  }
0x3ed: {  	s22 =	simm.s32 $0xFC00  }
0x3ee: {  	[tilespmem:s22], [sflag:$0x2] =	stream.indirect.gather [hbm4b:s5+s9], $0x10, s4, s9, $0xb8;
	[tilespmem:$0x10400] =	vst v63  }
0x3ef: {  	_ =	swait.ge [sflag:s10], $0x800  }
0x3f0: {  	[sflag:s10] =	ssyncset.done $0x0  }
0x3f1: {  	[sflag:s10] =	ssyncadd.s32 $0xFFFFF800  }
0x3f2: {  	_ =	swait.ge [sflag:s10], $0x800  }
0x3f3: {  	[sflag:s10] =	ssyncset.done $0x0  }
0x3f4: {  	[sflag:s10] =	ssyncadd.s32 $0xFFFFF800  }
0x3f5: {  	_ =	swait.ge [sflag:s10], $0x800  }
0x3f6: {  	[sflag:s10] =	ssyncset.done $0x0  }
0x3f7: {  	[sflag:s10] =	ssyncadd.s32 $0xFFFFF800  }
0x3f8: {  	_ =	swait.ge [sflag:s10], $0x800  }
0x3f9: {  	[sflag:s10] =	ssyncset.done $0x0  }
0x3fa: {  	[sflag:s10] =	ssyncadd.s32 $0xFFFFF800  }
0x3fb: {  	_ =	swait.ge [sflag:s10], $0x800  }
0x3fc: {  	[sflag:s10] =	ssyncset.done $0x0  }
0x3fd: {  	[sflag:s10] =	ssyncadd.s32 $0xFFFFF800  }
0x3fe: {  	_ =	swait.ge [sflag:s10], $0x800  }
0x3ff: {  	[sflag:s10] =	ssyncset.done $0x0  }
0x400: {  	[sflag:s10] =	ssyncadd.s32 $0xFFFFF800  }
0x401: {  	_ =	swait.ge [sflag:s10], $0x800  }
0x402: {  	[sflag:s10] =	ssyncset.done $0x0  }
0x403: {  	[sflag:s10] =	ssyncadd.s32 $0xFFFFF800  }
0x404: {  	_ =	swait.ge [sflag:s10], $0x800  }
0x405: {  	[sflag:s10] =	ssyncset.done $0x0  }
0x406: {  	[sflag:s10] =	ssyncadd.s32 $0xFFFFF800  }
0x407: {  	_ =	swait.ge [sflag:s10], $0x800  }
0x408: {  	[sflag:s10] =	ssyncset.done $0x0  }
0x409: {  	[sflag:s10] =	ssyncadd.s32 $0xFFFFF800  }
0x40a: {  	_ =	swait.ge [sflag:s10], $0x800  }
0x40b: {  	[sflag:s10] =	ssyncset.done $0x0  }
0x40c: {  	[sflag:s10] =	ssyncadd.s32 $0xFFFFF800  }
0x40d: {  	_ =	swait.ge [sflag:s10], $0x800  }
0x40e: {  	[sflag:s10] =	ssyncset.done $0x0  }
0x40f: {  	[sflag:s10] =	ssyncadd.s32 $0xFFFFF800  }
0x410: {  	_ =	swait.ge [sflag:s10], $0x800  }
0x411: {  	[sflag:s10] =	ssyncset.done $0x0  }
0x412: {  	[sflag:s10] =	ssyncadd.s32 $0xFFFFF800  }
0x413: {  	_ =	swait.ge [sflag:s10], $0x800  }
0x414: {  	[sflag:s10] =	ssyncset.done $0x0  }
0x415: {  	s7 =	simm.s32 $0x3;
	s6 =	rddreg [dreg:$0x7];
	[sflag:s10] =	ssyncadd.s32 $0xFFFFF800  }
0x416: {  	[hbm4b:s6+s18] =	stream.linear.scatter [tilespmem:s31], [sflag:$0x3], $0x6800, $0x38;
	[tilespmem:$0x10400] =	vst v63  }
0x417: {  	_ =	swait.ge [sflag:s7], $0x6800  }
0x418: {  	s15 =	sld [smem:$0x7E4]  }
0x419: {  	[sflag:s7] =	ssyncset.done $0x0  }
0x41a: {  	s2 =	sld [smem:$0x7E5];
	[sflag:s7] =	ssyncadd.s32 $0xFFFF9800  }
0x41b: {  	[tilespmem:s31], [sflag:$0x1] =	stream.indirect.gather [hbm4b:s5+s9], $0x10, s15, s9, $0xb8;
	[tilespmem:$0x10400] =	vst v63  }
0x41c: {  	s4 =	simm.s32 $0x3C00;
	s14 =	sld [smem:$0x7E6]  }
0x41d: {  	[tilespmem:s4], [sflag:$0x1] =	stream.indirect.gather [hbm4b:s5+s9], $0x10, s2, s9, $0xb8;
	[tilespmem:$0x10400] =	vst v63  }
0x41e: {  	s15 =	sld [smem:$0x7E7];
	s4 =	simm.s32 $0x4400  }
0x41f: {  	[tilespmem:s4], [sflag:$0x1] =	stream.indirect.gather [hbm4b:s5+s9], $0x10, s14, s9, $0xb8;
	[tilespmem:$0x10400] =	vst v63  }
0x420: {  	s28 =	simm.s32 $0x4C00;
	s4 =	sld [smem:$0x7E8]  }
0x421: {  	[tilespmem:s28], [sflag:$0x1] =	stream.indirect.gather [hbm4b:s5+s9], $0x10, s15, s9, $0xb8;
	[tilespmem:$0x10400] =	vst v63  }
0x422: {  	s15 =	sld [smem:$0x7E9];
	s28 =	simm.s32 $0x5400  }
0x423: {  	[tilespmem:s28], [sflag:$0x1] =	stream.indirect.gather [hbm4b:s5+s9], $0x10, s4, s9, $0xb8;
	[tilespmem:$0x10400] =	vst v63  }
0x424: {  	s14 =	sld [smem:$0x7EA];
	s28 =	simm.s32 $0x5C00  }
0x425: {  	[tilespmem:s28], [sflag:$0x1] =	stream.indirect.gather [hbm4b:s5+s9], $0x10, s15, s9, $0xb8;
	[tilespmem:$0x10400] =	vst v63  }
0x426: {  	s25 =	simm.s32 $0x6400;
	s4 =	sld [smem:$0x7EB]  }
0x427: {  	[tilespmem:s25], [sflag:$0x1] =	stream.indirect.gather [hbm4b:s5+s9], $0x10, s14, s9, $0xb8;
	[tilespmem:$0x10400] =	vst v63  }
0x428: {  	s26 =	simm.s32 $0x6C00;
	s28 =	sld [smem:$0x7EC]  }
0x429: {  	[tilespmem:s26], [sflag:$0x1] =	stream.indirect.gather [hbm4b:s5+s9], $0x10, s4, s9, $0xb8;
	[tilespmem:$0x10400] =	vst v63  }
0x42a: {  	s29 =	simm.s32 $0x7400;
	s4 =	sld [smem:$0x7ED]  }
0x42b: {  	[tilespmem:s29], [sflag:$0x1] =	stream.indirect.gather [hbm4b:s5+s9], $0x10, s28, s9, $0xb8;
	[tilespmem:$0x10400] =	vst v63  }
0x42c: {  	s25 =	sld [smem:$0x7EE];
	s26 =	simm.s32 $0x7C00  }
0x42d: {  	[tilespmem:s26], [sflag:$0x1] =	stream.indirect.gather [hbm4b:s5+s9], $0x10, s4, s9, $0xb8;
	[tilespmem:$0x10400] =	vst v63  }
0x42e: {  	s30 =	simm.s32 $0x8400;
	s28 =	sld [smem:$0x7EF]  }
0x42f: {  	[tilespmem:s30], [sflag:$0x1] =	stream.indirect.gather [hbm4b:s5+s9], $0x10, s25, s9, $0xb8;
	[tilespmem:$0x10400] =	vst v63  }
0x430: {  	s29 =	sld [smem:$0x7F0];
	s30 =	simm.s32 $0x8C00  }
0x431: {  	[tilespmem:s30], [sflag:$0x1] =	stream.indirect.gather [hbm4b:s5+s9], $0x10, s28, s9, $0xb8;
	[tilespmem:$0x10400] =	vst v63  }
0x432: {  	s15 =	simm.s32 $0x9400  }
0x433: {  	[tilespmem:s15], [sflag:$0x1] =	stream.indirect.gather [hbm4b:s5+s9], $0x10, s29, s9, $0xb8;
	[tilespmem:$0x10400] =	vst v63  }
0x434: {  	_ =	swait.ge [sflag:s8], $0x800  }
0x435: {  	[sflag:s8] =	ssyncset.done $0x0  }
0x436: {  	[sflag:s8] =	ssyncadd.s32 $0xFFFFF800  }
0x437: {  	_ =	swait.ge [sflag:s8], $0x800  }
0x438: {  	[sflag:s8] =	ssyncset.done $0x0  }
0x439: {  	[sflag:s8] =	ssyncadd.s32 $0xFFFFF800  }
0x43a: {  	_ =	swait.ge [sflag:s8], $0x800  }
0x43b: {  	[sflag:s8] =	ssyncset.done $0x0  }
0x43c: {  	[sflag:s8] =	ssyncadd.s32 $0xFFFFF800  }
0x43d: {  	_ =	swait.ge [sflag:s8], $0x800  }
0x43e: {  	[sflag:s8] =	ssyncset.done $0x0  }
0x43f: {  	[sflag:s8] =	ssyncadd.s32 $0xFFFFF800  }
0x440: {  	_ =	swait.ge [sflag:s8], $0x800  }
0x441: {  	[sflag:s8] =	ssyncset.done $0x0  }
0x442: {  	[sflag:s8] =	ssyncadd.s32 $0xFFFFF800  }
0x443: {  	_ =	swait.ge [sflag:s8], $0x800  }
0x444: {  	[sflag:s8] =	ssyncset.done $0x0  }
0x445: {  	[sflag:s8] =	ssyncadd.s32 $0xFFFFF800  }
0x446: {  	_ =	swait.ge [sflag:s8], $0x800  }
0x447: {  	[sflag:s8] =	ssyncset.done $0x0  }
0x448: {  	[sflag:s8] =	ssyncadd.s32 $0xFFFFF800  }
0x449: {  	_ =	swait.ge [sflag:s8], $0x800  }
0x44a: {  	[sflag:s8] =	ssyncset.done $0x0  }
0x44b: {  	[sflag:s8] =	ssyncadd.s32 $0xFFFFF800  }
0x44c: {  	_ =	swait.ge [sflag:s8], $0x800  }
0x44d: {  	[sflag:s8] =	ssyncset.done $0x0  }
0x44e: {  	[sflag:s8] =	ssyncadd.s32 $0xFFFFF800  }
0x44f: {  	_ =	swait.ge [sflag:s8], $0x800  }
0x450: {  	[sflag:s8] =	ssyncset.done $0x0  }
0x451: {  	[sflag:s8] =	ssyncadd.s32 $0xFFFFF800  }
0x452: {  	_ =	swait.ge [sflag:s8], $0x800  }
0x453: {  	[sflag:s8] =	ssyncset.done $0x0  }
0x454: {  	[sflag:s8] =	ssyncadd.s32 $0xFFFFF800  }
0x455: {  	_ =	swait.ge [sflag:s8], $0x800  }
0x456: {  	[sflag:s8] =	ssyncset.done $0x0  }
0x457: {  	[sflag:s8] =	ssyncadd.s32 $0xFFFFF800  }
0x458: {  	_ =	swait.ge [sflag:s8], $0x800  }
0x459: {  	s6 =	simm.s32 $0x4;
	[sflag:s8] =	ssyncset.done $0x0  }
0x45a: {  	s2 =	simm.s32 $0x0;
	s25 =	rddreg [dreg:$0x8];
	[sflag:s8] =	ssyncadd.s32 $0xFFFFF800  }
0x45b: {  	[hbm4b:s25+s2] =	stream.linear.scatter [tilespmem:s17], [sflag:$0x4], $0x6800, $0x38;
	[tilespmem:$0x10400] =	vst v63  }
0x45c: {  	_ =	swait.ge [sflag:s6], $0x6800  }
0x45d: {  	s26 =	sld [smem:$0x7F1]  }
0x45e: {  	[sflag:s6] =	ssyncset.done $0x0  }
0x45f: {  	s28 =	sld [smem:$0x7F2];
	[sflag:s6] =	ssyncadd.s32 $0xFFFF9800  }
0x460: {  	[tilespmem:s17], [sflag:$0x2] =	stream.indirect.gather [hbm4b:s5+s9], $0x10, s26, s9, $0xb8;
	[tilespmem:$0x10400] =	vst v63  }
0x461: {  	s0 =	simm.s32 $0xA400;
	s29 =	sld [smem:$0x7F3]  }
0x462: {  	[tilespmem:s0], [sflag:$0x2] =	stream.indirect.gather [hbm4b:s5+s9], $0x10, s28, s9, $0xb8;
	[tilespmem:$0x10400] =	vst v63  }
0x463: {  	s1 =	simm.s32 $0xAC00;
	s30 =	sld [smem:$0x7F4]  }
0x464: {  	[tilespmem:s1], [sflag:$0x2] =	stream.indirect.gather [hbm4b:s5+s9], $0x10, s29, s9, $0xb8;
	[tilespmem:$0x10400] =	vst v63  }
0x465: {  	s23 =	simm.s32 $0xB400;
	s0 =	sld [smem:$0x7F5]  }
0x466: {  	[tilespmem:s23], [sflag:$0x2] =	stream.indirect.gather [hbm4b:s5+s9], $0x10, s30, s9, $0xb8;
	[tilespmem:$0x10400] =	vst v63  }
0x467: {  	s3 =	simm.s32 $0xBC00;
	s1 =	sld [smem:$0x7F6]  }
0x468: {  	[tilespmem:s3], [sflag:$0x2] =	stream.indirect.gather [hbm4b:s5+s9], $0x10, s0, s9, $0xb8;
	[tilespmem:$0x10400] =	vst v63  }
0x469: {  	s19 =	simm.s32 $0xC400;
	s3 =	sld [smem:$0x7F7]  }
0x46a: {  	[tilespmem:s19], [sflag:$0x2] =	stream.indirect.gather [hbm4b:s5+s9], $0x10, s1, s9, $0xb8;
	[tilespmem:$0x10400] =	vst v63  }
0x46b: {  	s12 =	simm.s32 $0xCC00;
	s19 =	sld [smem:$0x7F8]  }
0x46c: {  	[tilespmem:s12], [sflag:$0x2] =	stream.indirect.gather [hbm4b:s5+s9], $0x10, s3, s9, $0xb8;
	[tilespmem:$0x10400] =	vst v63  }
0x46d: {  	s24 =	simm.s32 $0xD400;
	s23 =	sld [smem:$0x7F9]  }
0x46e: {  	[tilespmem:s24], [sflag:$0x2] =	stream.indirect.gather [hbm4b:s5+s9], $0x10, s19, s9, $0xb8;
	[tilespmem:$0x10400] =	vst v63  }
0x46f: {  	s20 =	simm.s32 $0xDC00;
	s24 =	sld [smem:$0x7FA]  }
0x470: {  	[tilespmem:s20], [sflag:$0x2] =	stream.indirect.gather [hbm4b:s5+s9], $0x10, s23, s9, $0xb8;
	[tilespmem:$0x10400] =	vst v63  }
0x471: {  	s16 =	simm.s32 $0xE400;
	s25 =	sld [smem:$0x7FB]  }
0x472: {  	[tilespmem:s16], [sflag:$0x2] =	stream.indirect.gather [hbm4b:s5+s9], $0x10, s24, s9, $0xb8;
	[tilespmem:$0x10400] =	vst v63  }
0x473: {  	s11 =	simm.s32 $0xEC00;
	s26 =	sld [smem:$0x7FC]  }
0x474: {  	[tilespmem:s11], [sflag:$0x2] =	stream.indirect.gather [hbm4b:s5+s9], $0x10, s25, s9, $0xb8;
	[tilespmem:$0x10400] =	vst v63  }
0x475: {  	s21 =	simm.s32 $0xF400;
	s28 =	sld [smem:$0x7FD]  }
0x476: {  	[tilespmem:s21], [sflag:$0x2] =	stream.indirect.gather [hbm4b:s5+s9], $0x10, s26, s9, $0xb8;
	[tilespmem:$0x10400] =	vst v63  }
0x477: {  	s22 =	simm.s32 $0xFC00  }
0x478: {  	[tilespmem:s22], [sflag:$0x2] =	stream.indirect.gather [hbm4b:s5+s9], $0x10, s28, s9, $0xb8;
	[tilespmem:$0x10400] =	vst v63  }
0x479: {  	_ =	swait.ge [sflag:s10], $0x800  }
0x47a: {  	[sflag:s10] =	ssyncset.done $0x0  }
0x47b: {  	[sflag:s10] =	ssyncadd.s32 $0xFFFFF800  }
0x47c: {  	_ =	swait.ge [sflag:s10], $0x800  }
0x47d: {  	[sflag:s10] =	ssyncset.done $0x0  }
0x47e: {  	[sflag:s10] =	ssyncadd.s32 $0xFFFFF800  }
0x47f: {  	_ =	swait.ge [sflag:s10], $0x800  }
0x480: {  	[sflag:s10] =	ssyncset.done $0x0  }
0x481: {  	[sflag:s10] =	ssyncadd.s32 $0xFFFFF800  }
0x482: {  	_ =	swait.ge [sflag:s10], $0x800  }
0x483: {  	[sflag:s10] =	ssyncset.done $0x0  }
0x484: {  	[sflag:s10] =	ssyncadd.s32 $0xFFFFF800  }
0x485: {  	_ =	swait.ge [sflag:s10], $0x800  }
0x486: {  	[sflag:s10] =	ssyncset.done $0x0  }
0x487: {  	[sflag:s10] =	ssyncadd.s32 $0xFFFFF800  }
0x488: {  	_ =	swait.ge [sflag:s10], $0x800  }
0x489: {  	[sflag:s10] =	ssyncset.done $0x0  }
0x48a: {  	[sflag:s10] =	ssyncadd.s32 $0xFFFFF800  }
0x48b: {  	_ =	swait.ge [sflag:s10], $0x800  }
0x48c: {  	[sflag:s10] =	ssyncset.done $0x0  }
0x48d: {  	[sflag:s10] =	ssyncadd.s32 $0xFFFFF800  }
0x48e: {  	_ =	swait.ge [sflag:s10], $0x800  }
0x48f: {  	[sflag:s10] =	ssyncset.done $0x0  }
0x490: {  	[sflag:s10] =	ssyncadd.s32 $0xFFFFF800  }
0x491: {  	_ =	swait.ge [sflag:s10], $0x800  }
0x492: {  	[sflag:s10] =	ssyncset.done $0x0  }
0x493: {  	[sflag:s10] =	ssyncadd.s32 $0xFFFFF800  }
0x494: {  	_ =	swait.ge [sflag:s10], $0x800  }
0x495: {  	[sflag:s10] =	ssyncset.done $0x0  }
0x496: {  	[sflag:s10] =	ssyncadd.s32 $0xFFFFF800  }
0x497: {  	_ =	swait.ge [sflag:s10], $0x800  }
0x498: {  	[sflag:s10] =	ssyncset.done $0x0  }
0x499: {  	[sflag:s10] =	ssyncadd.s32 $0xFFFFF800  }
0x49a: {  	_ =	swait.ge [sflag:s10], $0x800  }
0x49b: {  	[sflag:s10] =	ssyncset.done $0x0  }
0x49c: {  	[sflag:s10] =	ssyncadd.s32 $0xFFFFF800  }
0x49d: {  	_ =	swait.ge [sflag:s10], $0x800  }
0x49e: {  	[sflag:s10] =	ssyncset.done $0x0  }
0x49f: {  	s4 =	simm.s32 $0x3400;
	s29 =	rddreg [dreg:$0x9];
	[sflag:s10] =	ssyncadd.s32 $0xFFFFF800  }
0x4a0: {  	[hbm4b:s29+s2] =	stream.linear.scatter [tilespmem:s4], [sflag:$0x3], $0x6800, $0x38;
	[tilespmem:$0x10400] =	vst v63  }
0x4a1: {  	_ =	swait.ge [sflag:s8], $0x800  }
0x4a2: {  	[sflag:s8] =	ssyncset.done $0x0  }
0x4a3: {  	[sflag:s8] =	ssyncadd.s32 $0xFFFFF800  }
0x4a4: {  	_ =	swait.ge [sflag:s8], $0x800  }
0x4a5: {  	[sflag:s8] =	ssyncset.done $0x0  }
0x4a6: {  	[sflag:s8] =	ssyncadd.s32 $0xFFFFF800  }
0x4a7: {  	_ =	swait.ge [sflag:s8], $0x800  }
0x4a8: {  	[sflag:s8] =	ssyncset.done $0x0  }
0x4a9: {  	[sflag:s8] =	ssyncadd.s32 $0xFFFFF800  }
0x4aa: {  	_ =	swait.ge [sflag:s8], $0x800  }
0x4ab: {  	[sflag:s8] =	ssyncset.done $0x0  }
0x4ac: {  	[sflag:s8] =	ssyncadd.s32 $0xFFFFF800  }
0x4ad: {  	_ =	swait.ge [sflag:s8], $0x800  }
0x4ae: {  	[sflag:s8] =	ssyncset.done $0x0  }
0x4af: {  	[sflag:s8] =	ssyncadd.s32 $0xFFFFF800  }
0x4b0: {  	_ =	swait.ge [sflag:s8], $0x800  }
0x4b1: {  	[sflag:s8] =	ssyncset.done $0x0  }
0x4b2: {  	[sflag:s8] =	ssyncadd.s32 $0xFFFFF800  }
0x4b3: {  	_ =	swait.ge [sflag:s8], $0x800  }
0x4b4: {  	[sflag:s8] =	ssyncset.done $0x0  }
0x4b5: {  	[sflag:s8] =	ssyncadd.s32 $0xFFFFF800  }
0x4b6: {  	_ =	swait.ge [sflag:s8], $0x800  }
0x4b7: {  	[sflag:s8] =	ssyncset.done $0x0  }
0x4b8: {  	[sflag:s8] =	ssyncadd.s32 $0xFFFFF800  }
0x4b9: {  	_ =	swait.ge [sflag:s8], $0x800  }
0x4ba: {  	[sflag:s8] =	ssyncset.done $0x0  }
0x4bb: {  	[sflag:s8] =	ssyncadd.s32 $0xFFFFF800  }
0x4bc: {  	_ =	swait.ge [sflag:s8], $0x800  }
0x4bd: {  	[sflag:s8] =	ssyncset.done $0x0  }
0x4be: {  	[sflag:s8] =	ssyncadd.s32 $0xFFFFF800  }
0x4bf: {  	_ =	swait.ge [sflag:s8], $0x800  }
0x4c0: {  	[sflag:s8] =	ssyncset.done $0x0  }
0x4c1: {  	[sflag:s8] =	ssyncadd.s32 $0xFFFFF800  }
0x4c2: {  	_ =	swait.ge [sflag:s8], $0x800  }
0x4c3: {  	[sflag:s8] =	ssyncset.done $0x0  }
0x4c4: {  	[sflag:s8] =	ssyncadd.s32 $0xFFFFF800  }
0x4c5: {  	_ =	swait.ge [sflag:s8], $0x800  }
0x4c6: {  	p1 =	sne.s32 s13, $0x1;
	[sflag:s8] =	ssyncset.done $0x0  }
0x4c7: {  	s3 =	simm.s32 $0x9C00;
	s30 =	rddreg [dreg:$0xa];
	[sflag:s8] =	ssyncadd.s32 $0xFFFFF800  }
0x4c8: {  	[hbm4b:s30+s2] =	stream.linear.scatter [tilespmem:s3], [sflag:$0x4], $0x6800, $0x38;
	[tilespmem:$0x10400] =	vst v63  }
.Ltmp2:
0x4c9: {  	_ =	swait.ge [sflag:s7], $0x6800;
	(pc) =	sbr.rel @p1 .LBB2_3-.Ltmp2, $4  }
0x4ca: {  	[sflag:s7] =	ssyncset.done $0x0  }
0x4cb: {  	[sflag:s7] =	ssyncadd.s32 $0xFFFF9800  }
0x4cc: {  	_ =	swait.ge [sflag:s6], $0x6800  }
0x4cd: {  	s13 =	sadd.s32 $0xFFFFFFFF, s13;
	s14 =	rddreg [dreg:$0x2];
	[sflag:s6] =	ssyncset.done $0x0  }
0x4ce: {  	s29 =	simm.s32 $0x5  }
.LBB2_5:
0x4cf: {  	[sflag:s6] =	ssyncadd.s32 @p0 $0xFFFF9800  }
0x4d0: {  	[tilespmem:s2], [sflag:$0x5] =	stream.linear.gather [hbm4b:s14+s2], $0x3400, $0x38;
	[tilespmem:$0x10400] =	vst v63  }
0x4d1: {  	_ =	swait.ge [sflag:s29], $0x3400  }
0x4d2: {  	[sflag:s29] =	ssyncset.done $0x0  }
0x4d3: {  	[sflag:s29] =	ssyncadd.s32 $0xFFFFCC00  }
0x4d4: {  	[tilespmem:s4], [sflag:$0x1] =	stream.indirect.gather [hbm4b:s5+s9], $0x10, s2, s9, $0xb8;
	[tilespmem:$0x10400] =	vst v63  }
0x4d5: {  	s13 =	rddreg [dreg:$0xb];
	s29 =	simm.s32 $0x3C00  }
0x4d6: {  	[tilespmem:s29], [sflag:$0x1] =	stream.indirect.gather [hbm4b:s5+s9], $0x10, s9, s9, $0xb8;
	[tilespmem:$0x10400] =	vst v63  }
0x4d7: {  	s30 =	simm.s32 $0x4400;
	s12 =	rddreg [dreg:$0xc]  }
0x4d8: {  	[tilespmem:s30], [sflag:$0x1] =	stream.indirect.gather [hbm4b:s5+s9], $0x10, s13, s9, $0xb8;
	[tilespmem:$0x10400] =	vst v63  }
0x4d9: {  	s31 =	simm.s32 $0x4C00;
	s15 =	rddreg [dreg:$0xd]  }
0x4da: {  	[tilespmem:s31], [sflag:$0x1] =	stream.indirect.gather [hbm4b:s5+s9], $0x10, s12, s9, $0xb8;
	[tilespmem:$0x10400] =	vst v63  }
0x4db: {  	s22 =	simm.s32 $0x5400;
	s16 =	rddreg [dreg:$0xe]  }
0x4dc: {  	[tilespmem:s22], [sflag:$0x1] =	stream.indirect.gather [hbm4b:s5+s9], $0x10, s15, s9, $0xb8;
	[tilespmem:$0x10400] =	vst v63  }
0x4dd: {  	s26 =	simm.s32 $0x5C00;
	s17 =	rddreg [dreg:$0xf]  }
0x4de: {  	[tilespmem:s26], [sflag:$0x1] =	stream.indirect.gather [hbm4b:s5+s9], $0x10, s16, s9, $0xb8;
	[tilespmem:$0x10400] =	vst v63  }
0x4df: {  	s23 =	simm.s32 $0x6400;
	s18 =	rddreg [dreg:$0x10]  }
0x4e0: {  	[tilespmem:s23], [sflag:$0x1] =	stream.indirect.gather [hbm4b:s5+s9], $0x10, s17, s9, $0xb8;
	[tilespmem:$0x10400] =	vst v63  }
0x4e1: {  	s0 =	simm.s32 $0x6C00;
	s19 =	rddreg [dreg:$0x11]  }
0x4e2: {  	[tilespmem:s0], [sflag:$0x1] =	stream.indirect.gather [hbm4b:s5+s9], $0x10, s18, s9, $0xb8;
	[tilespmem:$0x10400] =	vst v63  }
0x4e3: {  	s24 =	simm.s32 $0x7400;
	s20 =	rddreg [dreg:$0x12]  }
0x4e4: {  	[tilespmem:s24], [sflag:$0x1] =	stream.indirect.gather [hbm4b:s5+s9], $0x10, s19, s9, $0xb8;
	[tilespmem:$0x10400] =	vst v63  }
0x4e5: {  	s28 =	simm.s32 $0x7C00;
	s21 =	rddreg [dreg:$0x13]  }
0x4e6: {  	[tilespmem:s28], [sflag:$0x1] =	stream.indirect.gather [hbm4b:s5+s9], $0x10, s20, s9, $0xb8;
	[tilespmem:$0x10400] =	vst v63  }
0x4e7: {  	s25 =	simm.s32 $0x8400;
	s1 =	rddreg [dreg:$0x14]  }
0x4e8: {  	[tilespmem:s25], [sflag:$0x1] =	stream.indirect.gather [hbm4b:s5+s9], $0x10, s21, s9, $0xb8;
	[tilespmem:$0x10400] =	vst v63  }
0x4e9: {  	s15 =	rddreg [dreg:$0x15];
	s28 =	simm.s32 $0x8C00  }
0x4ea: {  	[tilespmem:s28], [sflag:$0x1] =	stream.indirect.gather [hbm4b:s5+s9], $0x10, s1, s9, $0xb8;
	[tilespmem:$0x10400] =	vst v63  }
0x4eb: {  	s16 =	rddreg [dreg:$0x16];
	s21 =	simm.s32 $0x9400  }
0x4ec: {  	[tilespmem:s21], [sflag:$0x1] =	stream.indirect.gather [hbm4b:s5+s9], $0x10, s15, s9, $0xb8;
	[tilespmem:$0x10400] =	vst v63  }
0x4ed: {  	s17 =	rddreg [dreg:$0x17]  }
0x4ee: {  	[tilespmem:s3], [sflag:$0x2] =	stream.indirect.gather [hbm4b:s5+s9], $0x10, s16, s9, $0xb8;
	[tilespmem:$0x10400] =	vst v63  }
0x4ef: {  	s18 =	rddreg [dreg:$0x18];
	s20 =	simm.s32 $0xA400  }
0x4f0: {  	[tilespmem:s20], [sflag:$0x2] =	stream.indirect.gather [hbm4b:s5+s9], $0x10, s17, s9, $0xb8;
	[tilespmem:$0x10400] =	vst v63  }
0x4f1: {  	s0 =	simm.s32 $0xAC00;
	s19 =	rddreg [dreg:$0x19]  }
0x4f2: {  	[tilespmem:s0], [sflag:$0x2] =	stream.indirect.gather [hbm4b:s5+s9], $0x10, s18, s9, $0xb8;
	[tilespmem:$0x10400] =	vst v63  }
0x4f3: {  	s15 =	rddreg [dreg:$0x1a];
	s16 =	simm.s32 $0xB400  }
0x4f4: {  	[tilespmem:s16], [sflag:$0x2] =	stream.indirect.gather [hbm4b:s5+s9], $0x10, s19, s9, $0xb8;
	[tilespmem:$0x10400] =	vst v63  }
0x4f5: {  	s17 =	rddreg [dreg:$0x1b];
	s18 =	simm.s32 $0xBC00  }
0x4f6: {  	[tilespmem:s18], [sflag:$0x2] =	stream.indirect.gather [hbm4b:s5+s9], $0x10, s15, s9, $0xb8;
	[tilespmem:$0x10400] =	vst v63  }
0x4f7: {  	s20 =	simm.s32 $0xC400;
	s19 =	rddreg [dreg:$0x1c]  }
0x4f8: {  	[tilespmem:s20], [sflag:$0x2] =	stream.indirect.gather [hbm4b:s5+s9], $0x10, s17, s9, $0xb8;
	[tilespmem:$0x10400] =	vst v63  }
0x4f9: {  	s16 =	simm.s32 $0xCC00;
	s15 =	rddreg [dreg:$0x1d]  }
0x4fa: {  	[tilespmem:s16], [sflag:$0x2] =	stream.indirect.gather [hbm4b:s5+s9], $0x10, s19, s9, $0xb8;
	[tilespmem:$0x10400] =	vst v63  }
0x4fb: {  	s18 =	simm.s32 $0xD400;
	s17 =	rddreg [dreg:$0x1e]  }
0x4fc: {  	[tilespmem:s18], [sflag:$0x2] =	stream.indirect.gather [hbm4b:s5+s9], $0x10, s15, s9, $0xb8;
	[tilespmem:$0x10400] =	vst v63  }
0x4fd: {  	s20 =	simm.s32 $0xDC00;
	s19 =	rddreg [dreg:$0x1f]  }
0x4fe: {  	[tilespmem:s20], [sflag:$0x2] =	stream.indirect.gather [hbm4b:s5+s9], $0x10, s17, s9, $0xb8;
	[tilespmem:$0x10400] =	vst v63  }
0x4ff: {  	s16 =	simm.s32 $0xE400;
	s15 =	sld [smem:$0x7AD]  }
0x500: {  	[tilespmem:s16], [sflag:$0x2] =	stream.indirect.gather [hbm4b:s5+s9], $0x10, s19, s9, $0xb8;
	[tilespmem:$0x10400] =	vst v63  }
0x501: {  	s18 =	simm.s32 $0xEC00;
	s17 =	sld [smem:$0x7AE]  }
0x502: {  	[tilespmem:s18], [sflag:$0x2] =	stream.indirect.gather [hbm4b:s5+s9], $0x10, s15, s9, $0xb8;
	[tilespmem:$0x10400] =	vst v63  }
0x503: {  	s0 =	simm.s32 $0xF400;
	s19 =	sld [smem:$0x7AF]  }
0x504: {  	[tilespmem:s0], [sflag:$0x2] =	stream.indirect.gather [hbm4b:s5+s9], $0x10, s17, s9, $0xb8;
	[tilespmem:$0x10400] =	vst v63  }
0x505: {  	s15 =	simm.s32 $0xFC00  }
0x506: {  	[tilespmem:s15], [sflag:$0x2] =	stream.indirect.gather [hbm4b:s5+s9], $0x10, s19, s9, $0xb8;
	[tilespmem:$0x10400] =	vst v63  }
0x507: {  	_ =	swait.ge [sflag:s10], $0x800  }
0x508: {  	[sflag:s10] =	ssyncset.done $0x0  }
0x509: {  	[sflag:s10] =	ssyncadd.s32 $0xFFFFF800  }
0x50a: {  	_ =	swait.ge [sflag:s10], $0x800  }
0x50b: {  	[sflag:s10] =	ssyncset.done $0x0  }
0x50c: {  	[sflag:s10] =	ssyncadd.s32 $0xFFFFF800  }
0x50d: {  	_ =	swait.ge [sflag:s10], $0x800  }
0x50e: {  	[sflag:s10] =	ssyncset.done $0x0  }
0x50f: {  	[sflag:s10] =	ssyncadd.s32 $0xFFFFF800  }
0x510: {  	_ =	swait.ge [sflag:s10], $0x800  }
0x511: {  	[sflag:s10] =	ssyncset.done $0x0  }
0x512: {  	[sflag:s10] =	ssyncadd.s32 $0xFFFFF800  }
0x513: {  	_ =	swait.ge [sflag:s10], $0x800  }
0x514: {  	[sflag:s10] =	ssyncset.done $0x0  }
0x515: {  	[sflag:s10] =	ssyncadd.s32 $0xFFFFF800  }
0x516: {  	_ =	swait.ge [sflag:s10], $0x800  }
0x517: {  	[sflag:s10] =	ssyncset.done $0x0  }
0x518: {  	[sflag:s10] =	ssyncadd.s32 $0xFFFFF800  }
0x519: {  	_ =	swait.ge [sflag:s10], $0x800  }
0x51a: {  	[sflag:s10] =	ssyncset.done $0x0  }
0x51b: {  	[sflag:s10] =	ssyncadd.s32 $0xFFFFF800  }
0x51c: {  	_ =	swait.ge [sflag:s10], $0x800  }
0x51d: {  	[sflag:s10] =	ssyncset.done $0x0  }
0x51e: {  	[sflag:s10] =	ssyncadd.s32 $0xFFFFF800  }
0x51f: {  	_ =	swait.ge [sflag:s10], $0x800  }
0x520: {  	[sflag:s10] =	ssyncset.done $0x0  }
0x521: {  	[sflag:s10] =	ssyncadd.s32 $0xFFFFF800  }
0x522: {  	_ =	swait.ge [sflag:s10], $0x800  }
0x523: {  	[sflag:s10] =	ssyncset.done $0x0  }
0x524: {  	[sflag:s10] =	ssyncadd.s32 $0xFFFFF800  }
0x525: {  	_ =	swait.ge [sflag:s10], $0x800  }
0x526: {  	[sflag:s10] =	ssyncset.done $0x0  }
0x527: {  	[sflag:s10] =	ssyncadd.s32 $0xFFFFF800  }
0x528: {  	_ =	swait.ge [sflag:s10], $0x800  }
0x529: {  	[sflag:s10] =	ssyncset.done $0x0  }
0x52a: {  	[sflag:s10] =	ssyncadd.s32 $0xFFFFF800  }
0x52b: {  	_ =	swait.ge [sflag:s10], $0x800  }
0x52c: {  	[sflag:s10] =	ssyncset.done $0x0  }
0x52d: {  	s16 =	rddreg [dreg:$0x3];
	[sflag:s10] =	ssyncadd.s32 $0xFFFFF800  }
0x52e: {  	[hbm4b:s16+s2] =	stream.linear.scatter [tilespmem:s4], [sflag:$0x3], $0x6800, $0x38;
	[tilespmem:$0x10400] =	vst v63  }
0x52f: {  	_ =	swait.ge [sflag:s7], $0x6800  }
0x530: {  	s17 =	sld [smem:$0x7B0]  }
0x531: {  	[sflag:s7] =	ssyncset.done $0x0  }
0x532: {  	s18 =	sld [smem:$0x7B1];
	[sflag:s7] =	ssyncadd.s32 $0xFFFF9800  }
0x533: {  	[tilespmem:s4], [sflag:$0x1] =	stream.indirect.gather [hbm4b:s5+s9], $0x10, s17, s9, $0xb8;
	[tilespmem:$0x10400] =	vst v63  }
0x534: {  	s19 =	sld [smem:$0x7B2]  }
0x535: {  	[tilespmem:s29], [sflag:$0x1] =	stream.indirect.gather [hbm4b:s5+s9], $0x10, s18, s9, $0xb8;
	[tilespmem:$0x10400] =	vst v63  }
0x536: {  	s20 =	sld [smem:$0x7B3]  }
0x537: {  	[tilespmem:s30], [sflag:$0x1] =	stream.indirect.gather [hbm4b:s5+s9], $0x10, s19, s9, $0xb8;
	[tilespmem:$0x10400] =	vst v63  }
0x538: {  	s0 =	sld [smem:$0x7B4]  }
0x539: {  	[tilespmem:s31], [sflag:$0x1] =	stream.indirect.gather [hbm4b:s5+s9], $0x10, s20, s9, $0xb8;
	[tilespmem:$0x10400] =	vst v63  }
0x53a: {  	s15 =	sld [smem:$0x7B5]  }
0x53b: {  	[tilespmem:s22], [sflag:$0x1] =	stream.indirect.gather [hbm4b:s5+s9], $0x10, s0, s9, $0xb8;
	[tilespmem:$0x10400] =	vst v63  }
0x53c: {  	s16 =	sld [smem:$0x7B6]  }
0x53d: {  	[tilespmem:s26], [sflag:$0x1] =	stream.indirect.gather [hbm4b:s5+s9], $0x10, s15, s9, $0xb8;
	[tilespmem:$0x10400] =	vst v63  }
0x53e: {  	s17 =	sld [smem:$0x7B7]  }
0x53f: {  	[tilespmem:s23], [sflag:$0x1] =	stream.indirect.gather [hbm4b:s5+s9], $0x10, s16, s9, $0xb8;
	[tilespmem:$0x10400] =	vst v63  }
0x540: {  	s12 =	simm.s32 $0x6C00;
	s18 =	sld [smem:$0x7B8]  }
0x541: {  	[tilespmem:s12], [sflag:$0x1] =	stream.indirect.gather [hbm4b:s5+s9], $0x10, s17, s9, $0xb8;
	[tilespmem:$0x10400] =	vst v63  }
0x542: {  	s19 =	sld [smem:$0x7B9]  }
0x543: {  	[tilespmem:s24], [sflag:$0x1] =	stream.indirect.gather [hbm4b:s5+s9], $0x10, s18, s9, $0xb8;
	[tilespmem:$0x10400] =	vst v63  }
0x544: {  	s11 =	simm.s32 $0x7C00;
	s20 =	sld [smem:$0x7BA]  }
0x545: {  	[tilespmem:s11], [sflag:$0x1] =	stream.indirect.gather [hbm4b:s5+s9], $0x10, s19, s9, $0xb8;
	[tilespmem:$0x10400] =	vst v63  }
0x546: {  	s0 =	sld [smem:$0x7BB]  }
0x547: {  	[tilespmem:s25], [sflag:$0x1] =	stream.indirect.gather [hbm4b:s5+s9], $0x10, s20, s9, $0xb8;
	[tilespmem:$0x10400] =	vst v63  }
0x548: {  	s11 =	sld [smem:$0x7BC]  }
0x549: {  	[tilespmem:s28], [sflag:$0x1] =	stream.indirect.gather [hbm4b:s5+s9], $0x10, s0, s9, $0xb8;
	[tilespmem:$0x10400] =	vst v63  }
0x54a: {  	_ = 	snop  }
0x54b: {  	[tilespmem:s21], [sflag:$0x1] =	stream.indirect.gather [hbm4b:s5+s9], $0x10, s11, s9, $0xb8;
	[tilespmem:$0x10400] =	vst v63  }
0x54c: {  	_ =	swait.ge [sflag:s8], $0x800  }
0x54d: {  	[sflag:s8] =	ssyncset.done $0x0  }
0x54e: {  	[sflag:s8] =	ssyncadd.s32 $0xFFFFF800  }
0x54f: {  	_ =	swait.ge [sflag:s8], $0x800  }
0x550: {  	[sflag:s8] =	ssyncset.done $0x0  }
0x551: {  	[sflag:s8] =	ssyncadd.s32 $0xFFFFF800  }
0x552: {  	_ =	swait.ge [sflag:s8], $0x800  }
0x553: {  	[sflag:s8] =	ssyncset.done $0x0  }
0x554: {  	[sflag:s8] =	ssyncadd.s32 $0xFFFFF800  }
0x555: {  	_ =	swait.ge [sflag:s8], $0x800  }
0x556: {  	[sflag:s8] =	ssyncset.done $0x0  }
0x557: {  	[sflag:s8] =	ssyncadd.s32 $0xFFFFF800  }
0x558: {  	_ =	swait.ge [sflag:s8], $0x800  }
0x559: {  	[sflag:s8] =	ssyncset.done $0x0  }
0x55a: {  	[sflag:s8] =	ssyncadd.s32 $0xFFFFF800  }
0x55b: {  	_ =	swait.ge [sflag:s8], $0x800  }
0x55c: {  	[sflag:s8] =	ssyncset.done $0x0  }
0x55d: {  	[sflag:s8] =	ssyncadd.s32 $0xFFFFF800  }
0x55e: {  	_ =	swait.ge [sflag:s8], $0x800  }
0x55f: {  	[sflag:s8] =	ssyncset.done $0x0  }
0x560: {  	[sflag:s8] =	ssyncadd.s32 $0xFFFFF800  }
0x561: {  	_ =	swait.ge [sflag:s8], $0x800  }
0x562: {  	[sflag:s8] =	ssyncset.done $0x0  }
0x563: {  	[sflag:s8] =	ssyncadd.s32 $0xFFFFF800  }
0x564: {  	_ =	swait.ge [sflag:s8], $0x800  }
0x565: {  	[sflag:s8] =	ssyncset.done $0x0  }
0x566: {  	[sflag:s8] =	ssyncadd.s32 $0xFFFFF800  }
0x567: {  	_ =	swait.ge [sflag:s8], $0x800  }
0x568: {  	[sflag:s8] =	ssyncset.done $0x0  }
0x569: {  	[sflag:s8] =	ssyncadd.s32 $0xFFFFF800  }
0x56a: {  	_ =	swait.ge [sflag:s8], $0x800  }
0x56b: {  	[sflag:s8] =	ssyncset.done $0x0  }
0x56c: {  	[sflag:s8] =	ssyncadd.s32 $0xFFFFF800  }
0x56d: {  	_ =	swait.ge [sflag:s8], $0x800  }
0x56e: {  	[sflag:s8] =	ssyncset.done $0x0  }
0x56f: {  	[sflag:s8] =	ssyncadd.s32 $0xFFFFF800  }
0x570: {  	_ =	swait.ge [sflag:s8], $0x800  }
0x571: {  	[sflag:s8] =	ssyncset.done $0x0  }
0x572: {  	s12 =	rddreg [dreg:$0x4];
	[sflag:s8] =	ssyncadd.s32 $0xFFFFF800  }
0x573: {  	[hbm4b:s12+s2] =	stream.linear.scatter [tilespmem:s3], [sflag:$0x4], $0x6800, $0x38;
	[tilespmem:$0x10400] =	vst v63  }
0x574: {  	_ =	swait.ge [sflag:s6], $0x6800  }
0x575: {  	s14 =	sld [smem:$0x7BD]  }
0x576: {  	[sflag:s6] =	ssyncset.done $0x0  }
0x577: {  	s15 =	sld [smem:$0x7BE];
	[sflag:s6] =	ssyncadd.s32 $0xFFFF9800  }
0x578: {  	[tilespmem:s3], [sflag:$0x2] =	stream.indirect.gather [hbm4b:s5+s9], $0x10, s14, s9, $0xb8;
	[tilespmem:$0x10400] =	vst v63  }
0x579: {  	s1 =	simm.s32 $0xA400;
	s16 =	sld [smem:$0x7BF]  }
0x57a: {  	[tilespmem:s1], [sflag:$0x2] =	stream.indirect.gather [hbm4b:s5+s9], $0x10, s15, s9, $0xb8;
	[tilespmem:$0x10400] =	vst v63  }
0x57b: {  	s19 =	simm.s32 $0xAC00;
	s17 =	sld [smem:$0x7C0]  }
0x57c: {  	[tilespmem:s19], [sflag:$0x2] =	stream.indirect.gather [hbm4b:s5+s9], $0x10, s16, s9, $0xb8;
	[tilespmem:$0x10400] =	vst v63  }
0x57d: {  	s18 =	simm.s32 $0xB400;
	s20 =	sld [smem:$0x7C1]  }
0x57e: {  	[tilespmem:s18], [sflag:$0x2] =	stream.indirect.gather [hbm4b:s5+s9], $0x10, s17, s9, $0xb8;
	[tilespmem:$0x10400] =	vst v63  }
0x57f: {  	s11 =	simm.s32 $0xBC00;
	s0 =	sld [smem:$0x7C2]  }
0x580: {  	[tilespmem:s11], [sflag:$0x2] =	stream.indirect.gather [hbm4b:s5+s9], $0x10, s20, s9, $0xb8;
	[tilespmem:$0x10400] =	vst v63  }
0x581: {  	s12 =	simm.s32 $0xC400;
	s1 =	sld [smem:$0x7C3]  }
0x582: {  	[tilespmem:s12], [sflag:$0x2] =	stream.indirect.gather [hbm4b:s5+s9], $0x10, s0, s9, $0xb8;
	[tilespmem:$0x10400] =	vst v63  }
0x583: {  	s15 =	sld [smem:$0x7C4];
	s17 =	simm.s32 $0xCC00  }
0x584: {  	[tilespmem:s17], [sflag:$0x2] =	stream.indirect.gather [hbm4b:s5+s9], $0x10, s1, s9, $0xb8;
	[tilespmem:$0x10400] =	vst v63  }
0x585: {  	s16 =	simm.s32 $0xD400;
	s20 =	sld [smem:$0x7C5]  }
0x586: {  	[tilespmem:s16], [sflag:$0x2] =	stream.indirect.gather [hbm4b:s5+s9], $0x10, s15, s9, $0xb8;
	[tilespmem:$0x10400] =	vst v63  }
0x587: {  	s0 =	sld [smem:$0x7C6];
	s15 =	simm.s32 $0xDC00  }
0x588: {  	[tilespmem:s15], [sflag:$0x2] =	stream.indirect.gather [hbm4b:s5+s9], $0x10, s20, s9, $0xb8;
	[tilespmem:$0x10400] =	vst v63  }
0x589: {  	s1 =	simm.s32 $0xE400;
	s20 =	sld [smem:$0x7C7]  }
0x58a: {  	[tilespmem:s1], [sflag:$0x2] =	stream.indirect.gather [hbm4b:s5+s9], $0x10, s0, s9, $0xb8;
	[tilespmem:$0x10400] =	vst v63  }
0x58b: {  	s14 =	sld [smem:$0x7C8];
	s0 =	simm.s32 $0xEC00  }
0x58c: {  	[tilespmem:s0], [sflag:$0x2] =	stream.indirect.gather [hbm4b:s5+s9], $0x10, s20, s9, $0xb8;
	[tilespmem:$0x10400] =	vst v63  }
0x58d: {  	s13 =	sld [smem:$0x7C9];
	s20 =	simm.s32 $0xF400  }
0x58e: {  	[tilespmem:s20], [sflag:$0x2] =	stream.indirect.gather [hbm4b:s5+s9], $0x10, s14, s9, $0xb8;
	[tilespmem:$0x10400] =	vst v63  }
0x58f: {  	s20 =	simm.s32 $0xFC00  }
0x590: {  	[tilespmem:s20], [sflag:$0x2] =	stream.indirect.gather [hbm4b:s5+s9], $0x10, s13, s9, $0xb8;
	[tilespmem:$0x10400] =	vst v63  }
0x591: {  	_ =	swait.ge [sflag:s10], $0x800  }
0x592: {  	[sflag:s10] =	ssyncset.done $0x0  }
0x593: {  	[sflag:s10] =	ssyncadd.s32 $0xFFFFF800  }
0x594: {  	_ =	swait.ge [sflag:s10], $0x800  }
0x595: {  	[sflag:s10] =	ssyncset.done $0x0  }
0x596: {  	[sflag:s10] =	ssyncadd.s32 $0xFFFFF800  }
0x597: {  	_ =	swait.ge [sflag:s10], $0x800  }
0x598: {  	[sflag:s10] =	ssyncset.done $0x0  }
0x599: {  	[sflag:s10] =	ssyncadd.s32 $0xFFFFF800  }
0x59a: {  	_ =	swait.ge [sflag:s10], $0x800  }
0x59b: {  	[sflag:s10] =	ssyncset.done $0x0  }
0x59c: {  	[sflag:s10] =	ssyncadd.s32 $0xFFFFF800  }
0x59d: {  	_ =	swait.ge [sflag:s10], $0x800  }
0x59e: {  	[sflag:s10] =	ssyncset.done $0x0  }
0x59f: {  	[sflag:s10] =	ssyncadd.s32 $0xFFFFF800  }
0x5a0: {  	_ =	swait.ge [sflag:s10], $0x800  }
0x5a1: {  	[sflag:s10] =	ssyncset.done $0x0  }
0x5a2: {  	[sflag:s10] =	ssyncadd.s32 $0xFFFFF800  }
0x5a3: {  	_ =	swait.ge [sflag:s10], $0x800  }
0x5a4: {  	[sflag:s10] =	ssyncset.done $0x0  }
0x5a5: {  	[sflag:s10] =	ssyncadd.s32 $0xFFFFF800  }
0x5a6: {  	_ =	swait.ge [sflag:s10], $0x800  }
0x5a7: {  	[sflag:s10] =	ssyncset.done $0x0  }
0x5a8: {  	[sflag:s10] =	ssyncadd.s32 $0xFFFFF800  }
0x5a9: {  	_ =	swait.ge [sflag:s10], $0x800  }
0x5aa: {  	[sflag:s10] =	ssyncset.done $0x0  }
0x5ab: {  	[sflag:s10] =	ssyncadd.s32 $0xFFFFF800  }
0x5ac: {  	_ =	swait.ge [sflag:s10], $0x800  }
0x5ad: {  	[sflag:s10] =	ssyncset.done $0x0  }
0x5ae: {  	[sflag:s10] =	ssyncadd.s32 $0xFFFFF800  }
0x5af: {  	_ =	swait.ge [sflag:s10], $0x800  }
0x5b0: {  	[sflag:s10] =	ssyncset.done $0x0  }
0x5b1: {  	[sflag:s10] =	ssyncadd.s32 $0xFFFFF800  }
0x5b2: {  	_ =	swait.ge [sflag:s10], $0x800  }
0x5b3: {  	[sflag:s10] =	ssyncset.done $0x0  }
0x5b4: {  	[sflag:s10] =	ssyncadd.s32 $0xFFFFF800  }
0x5b5: {  	_ =	swait.ge [sflag:s10], $0x800  }
0x5b6: {  	[sflag:s10] =	ssyncset.done $0x0  }
0x5b7: {  	s14 =	rddreg [dreg:$0x5];
	[sflag:s10] =	ssyncadd.s32 $0xFFFFF800  }
0x5b8: {  	[hbm4b:s14+s2] =	stream.linear.scatter [tilespmem:s4], [sflag:$0x3], $0x6800, $0x38;
	[tilespmem:$0x10400] =	vst v63  }
0x5b9: {  	_ =	swait.ge [sflag:s7], $0x6800  }
0x5ba: {  	s20 =	sld [smem:$0x7CA]  }
0x5bb: {  	[sflag:s7] =	ssyncset.done $0x0  }
0x5bc: {  	s14 =	sld [smem:$0x7CB];
	[sflag:s7] =	ssyncadd.s32 $0xFFFF9800  }
0x5bd: {  	[tilespmem:s4], [sflag:$0x1] =	stream.indirect.gather [hbm4b:s5+s9], $0x10, s20, s9, $0xb8;
	[tilespmem:$0x10400] =	vst v63  }
0x5be: {  	s20 =	sld [smem:$0x7CC]  }
0x5bf: {  	[tilespmem:s29], [sflag:$0x1] =	stream.indirect.gather [hbm4b:s5+s9], $0x10, s14, s9, $0xb8;
	[tilespmem:$0x10400] =	vst v63  }
0x5c0: {  	s14 =	sld [smem:$0x7CD]  }
0x5c1: {  	[tilespmem:s30], [sflag:$0x1] =	stream.indirect.gather [hbm4b:s5+s9], $0x10, s20, s9, $0xb8;
	[tilespmem:$0x10400] =	vst v63  }
0x5c2: {  	s20 =	sld [smem:$0x7CE]  }
0x5c3: {  	[tilespmem:s31], [sflag:$0x1] =	stream.indirect.gather [hbm4b:s5+s9], $0x10, s14, s9, $0xb8;
	[tilespmem:$0x10400] =	vst v63  }
0x5c4: {  	s14 =	sld [smem:$0x7CF]  }
0x5c5: {  	[tilespmem:s22], [sflag:$0x1] =	stream.indirect.gather [hbm4b:s5+s9], $0x10, s20, s9, $0xb8;
	[tilespmem:$0x10400] =	vst v63  }
0x5c6: {  	s20 =	sld [smem:$0x7D0]  }
0x5c7: {  	[tilespmem:s26], [sflag:$0x1] =	stream.indirect.gather [hbm4b:s5+s9], $0x10, s14, s9, $0xb8;
	[tilespmem:$0x10400] =	vst v63  }
0x5c8: {  	s14 =	sld [smem:$0x7D1]  }
0x5c9: {  	[tilespmem:s23], [sflag:$0x1] =	stream.indirect.gather [hbm4b:s5+s9], $0x10, s20, s9, $0xb8;
	[tilespmem:$0x10400] =	vst v63  }
0x5ca: {  	s13 =	sld [smem:$0x7D2];
	s20 =	simm.s32 $0x6C00  }
0x5cb: {  	[tilespmem:s20], [sflag:$0x1] =	stream.indirect.gather [hbm4b:s5+s9], $0x10, s14, s9, $0xb8;
	[tilespmem:$0x10400] =	vst v63  }
0x5cc: {  	s14 =	sld [smem:$0x7D3]  }
0x5cd: {  	[tilespmem:s24], [sflag:$0x1] =	stream.indirect.gather [hbm4b:s5+s9], $0x10, s13, s9, $0xb8;
	[tilespmem:$0x10400] =	vst v63  }
0x5ce: {  	s20 =	simm.s32 $0x7C00;
	s13 =	sld [smem:$0x7D4]  }
0x5cf: {  	[tilespmem:s20], [sflag:$0x1] =	stream.indirect.gather [hbm4b:s5+s9], $0x10, s14, s9, $0xb8;
	[tilespmem:$0x10400] =	vst v63  }
0x5d0: {  	s14 =	sld [smem:$0x7D5]  }
0x5d1: {  	[tilespmem:s25], [sflag:$0x1] =	stream.indirect.gather [hbm4b:s5+s9], $0x10, s13, s9, $0xb8;
	[tilespmem:$0x10400] =	vst v63  }
0x5d2: {  	s20 =	sld [smem:$0x7D6]  }
0x5d3: {  	[tilespmem:s28], [sflag:$0x1] =	stream.indirect.gather [hbm4b:s5+s9], $0x10, s14, s9, $0xb8;
	[tilespmem:$0x10400] =	vst v63  }
0x5d4: {  	_ = 	snop  }
0x5d5: {  	[tilespmem:s21], [sflag:$0x1] =	stream.indirect.gather [hbm4b:s5+s9], $0x10, s20, s9, $0xb8;
	[tilespmem:$0x10400] =	vst v63  }
0x5d6: {  	_ =	swait.ge [sflag:s8], $0x800  }
0x5d7: {  	[sflag:s8] =	ssyncset.done $0x0  }
0x5d8: {  	[sflag:s8] =	ssyncadd.s32 $0xFFFFF800  }
0x5d9: {  	_ =	swait.ge [sflag:s8], $0x800  }
0x5da: {  	[sflag:s8] =	ssyncset.done $0x0  }
0x5db: {  	[sflag:s8] =	ssyncadd.s32 $0xFFFFF800  }
0x5dc: {  	_ =	swait.ge [sflag:s8], $0x800  }
0x5dd: {  	[sflag:s8] =	ssyncset.done $0x0  }
0x5de: {  	[sflag:s8] =	ssyncadd.s32 $0xFFFFF800  }
0x5df: {  	_ =	swait.ge [sflag:s8], $0x800  }
0x5e0: {  	[sflag:s8] =	ssyncset.done $0x0  }
0x5e1: {  	[sflag:s8] =	ssyncadd.s32 $0xFFFFF800  }
0x5e2: {  	_ =	swait.ge [sflag:s8], $0x800  }
0x5e3: {  	[sflag:s8] =	ssyncset.done $0x0  }
0x5e4: {  	[sflag:s8] =	ssyncadd.s32 $0xFFFFF800  }
0x5e5: {  	_ =	swait.ge [sflag:s8], $0x800  }
0x5e6: {  	[sflag:s8] =	ssyncset.done $0x0  }
0x5e7: {  	[sflag:s8] =	ssyncadd.s32 $0xFFFFF800  }
0x5e8: {  	_ =	swait.ge [sflag:s8], $0x800  }
0x5e9: {  	[sflag:s8] =	ssyncset.done $0x0  }
0x5ea: {  	[sflag:s8] =	ssyncadd.s32 $0xFFFFF800  }
0x5eb: {  	_ =	swait.ge [sflag:s8], $0x800  }
0x5ec: {  	[sflag:s8] =	ssyncset.done $0x0  }
0x5ed: {  	[sflag:s8] =	ssyncadd.s32 $0xFFFFF800  }
0x5ee: {  	_ =	swait.ge [sflag:s8], $0x800  }
0x5ef: {  	[sflag:s8] =	ssyncset.done $0x0  }
0x5f0: {  	[sflag:s8] =	ssyncadd.s32 $0xFFFFF800  }
0x5f1: {  	_ =	swait.ge [sflag:s8], $0x800  }
0x5f2: {  	[sflag:s8] =	ssyncset.done $0x0  }
0x5f3: {  	[sflag:s8] =	ssyncadd.s32 $0xFFFFF800  }
0x5f4: {  	_ =	swait.ge [sflag:s8], $0x800  }
0x5f5: {  	[sflag:s8] =	ssyncset.done $0x0  }
0x5f6: {  	[sflag:s8] =	ssyncadd.s32 $0xFFFFF800  }
0x5f7: {  	_ =	swait.ge [sflag:s8], $0x800  }
0x5f8: {  	[sflag:s8] =	ssyncset.done $0x0  }
0x5f9: {  	[sflag:s8] =	ssyncadd.s32 $0xFFFFF800  }
0x5fa: {  	_ =	swait.ge [sflag:s8], $0x800  }
0x5fb: {  	[sflag:s8] =	ssyncset.done $0x0  }
0x5fc: {  	s14 =	rddreg [dreg:$0x6];
	[sflag:s8] =	ssyncadd.s32 $0xFFFFF800  }
0x5fd: {  	[hbm4b:s14+s2] =	stream.linear.scatter [tilespmem:s3], [sflag:$0x4], $0x6800, $0x38;
	[tilespmem:$0x10400] =	vst v63  }
0x5fe: {  	_ =	swait.ge [sflag:s6], $0x6800  }
0x5ff: {  	s20 =	sld [smem:$0x7D7]  }
0x600: {  	[sflag:s6] =	ssyncset.done $0x0  }
0x601: {  	s14 =	sld [smem:$0x7D8];
	[sflag:s6] =	ssyncadd.s32 $0xFFFF9800  }
0x602: {  	[tilespmem:s3], [sflag:$0x2] =	stream.indirect.gather [hbm4b:s5+s9], $0x10, s20, s9, $0xb8;
	[tilespmem:$0x10400] =	vst v63  }
0x603: {  	s13 =	sld [smem:$0x7D9];
	s20 =	simm.s32 $0xA400  }
0x604: {  	[tilespmem:s20], [sflag:$0x2] =	stream.indirect.gather [hbm4b:s5+s9], $0x10, s14, s9, $0xb8;
	[tilespmem:$0x10400] =	vst v63  }
0x605: {  	s14 =	sld [smem:$0x7DA]  }
0x606: {  	[tilespmem:s19], [sflag:$0x2] =	stream.indirect.gather [hbm4b:s5+s9], $0x10, s13, s9, $0xb8;
	[tilespmem:$0x10400] =	vst v63  }
0x607: {  	s20 =	sld [smem:$0x7DB]  }
0x608: {  	[tilespmem:s18], [sflag:$0x2] =	stream.indirect.gather [hbm4b:s5+s9], $0x10, s14, s9, $0xb8;
	[tilespmem:$0x10400] =	vst v63  }
0x609: {  	s14 =	sld [smem:$0x7DC]  }
0x60a: {  	[tilespmem:s11], [sflag:$0x2] =	stream.indirect.gather [hbm4b:s5+s9], $0x10, s20, s9, $0xb8;
	[tilespmem:$0x10400] =	vst v63  }
0x60b: {  	s20 =	sld [smem:$0x7DD]  }
0x60c: {  	[tilespmem:s12], [sflag:$0x2] =	stream.indirect.gather [hbm4b:s5+s9], $0x10, s14, s9, $0xb8;
	[tilespmem:$0x10400] =	vst v63  }
0x60d: {  	s11 =	sld [smem:$0x7DE]  }
0x60e: {  	[tilespmem:s17], [sflag:$0x2] =	stream.indirect.gather [hbm4b:s5+s9], $0x10, s20, s9, $0xb8;
	[tilespmem:$0x10400] =	vst v63  }
0x60f: {  	s20 =	sld [smem:$0x7DF]  }
0x610: {  	[tilespmem:s16], [sflag:$0x2] =	stream.indirect.gather [hbm4b:s5+s9], $0x10, s11, s9, $0xb8;
	[tilespmem:$0x10400] =	vst v63  }
0x611: {  	s11 =	sld [smem:$0x7E0]  }
0x612: {  	[tilespmem:s15], [sflag:$0x2] =	stream.indirect.gather [hbm4b:s5+s9], $0x10, s20, s9, $0xb8;
	[tilespmem:$0x10400] =	vst v63  }
0x613: {  	s20 =	sld [smem:$0x7E1]  }
0x614: {  	[tilespmem:s1], [sflag:$0x2] =	stream.indirect.gather [hbm4b:s5+s9], $0x10, s11, s9, $0xb8;
	[tilespmem:$0x10400] =	vst v63  }
0x615: {  	s14 =	sld [smem:$0x7E2]  }
0x616: {  	[tilespmem:s0], [sflag:$0x2] =	stream.indirect.gather [hbm4b:s5+s9], $0x10, s20, s9, $0xb8;
	[tilespmem:$0x10400] =	vst v63  }
0x617: {  	s13 =	sld [smem:$0x7E3];
	s1 =	simm.s32 $0xF400  }
0x618: {  	[tilespmem:s1], [sflag:$0x2] =	stream.indirect.gather [hbm4b:s5+s9], $0x10, s14, s9, $0xb8;
	[tilespmem:$0x10400] =	vst v63  }
0x619: {  	s14 =	simm.s32 $0xFC00  }
0x61a: {  	[tilespmem:s14], [sflag:$0x2] =	stream.indirect.gather [hbm4b:s5+s9], $0x10, s13, s9, $0xb8;
	[tilespmem:$0x10400] =	vst v63  }
0x61b: {  	_ =	swait.ge [sflag:s10], $0x800  }
0x61c: {  	[sflag:s10] =	ssyncset.done $0x0  }
0x61d: {  	[sflag:s10] =	ssyncadd.s32 $0xFFFFF800  }
0x61e: {  	_ =	swait.ge [sflag:s10], $0x800  }
0x61f: {  	[sflag:s10] =	ssyncset.done $0x0  }
0x620: {  	[sflag:s10] =	ssyncadd.s32 $0xFFFFF800  }
0x621: {  	_ =	swait.ge [sflag:s10], $0x800  }
0x622: {  	[sflag:s10] =	ssyncset.done $0x0  }
0x623: {  	[sflag:s10] =	ssyncadd.s32 $0xFFFFF800  }
0x624: {  	_ =	swait.ge [sflag:s10], $0x800  }
0x625: {  	[sflag:s10] =	ssyncset.done $0x0  }
0x626: {  	[sflag:s10] =	ssyncadd.s32 $0xFFFFF800  }
0x627: {  	_ =	swait.ge [sflag:s10], $0x800  }
0x628: {  	[sflag:s10] =	ssyncset.done $0x0  }
0x629: {  	[sflag:s10] =	ssyncadd.s32 $0xFFFFF800  }
0x62a: {  	_ =	swait.ge [sflag:s10], $0x800  }
0x62b: {  	[sflag:s10] =	ssyncset.done $0x0  }
0x62c: {  	[sflag:s10] =	ssyncadd.s32 $0xFFFFF800  }
0x62d: {  	_ =	swait.ge [sflag:s10], $0x800  }
0x62e: {  	[sflag:s10] =	ssyncset.done $0x0  }
0x62f: {  	[sflag:s10] =	ssyncadd.s32 $0xFFFFF800  }
0x630: {  	_ =	swait.ge [sflag:s10], $0x800  }
0x631: {  	[sflag:s10] =	ssyncset.done $0x0  }
0x632: {  	[sflag:s10] =	ssyncadd.s32 $0xFFFFF800  }
0x633: {  	_ =	swait.ge [sflag:s10], $0x800  }
0x634: {  	[sflag:s10] =	ssyncset.done $0x0  }
0x635: {  	[sflag:s10] =	ssyncadd.s32 $0xFFFFF800  }
0x636: {  	_ =	swait.ge [sflag:s10], $0x800  }
0x637: {  	[sflag:s10] =	ssyncset.done $0x0  }
0x638: {  	[sflag:s10] =	ssyncadd.s32 $0xFFFFF800  }
0x639: {  	_ =	swait.ge [sflag:s10], $0x800  }
0x63a: {  	[sflag:s10] =	ssyncset.done $0x0  }
0x63b: {  	[sflag:s10] =	ssyncadd.s32 $0xFFFFF800  }
0x63c: {  	_ =	swait.ge [sflag:s10], $0x800  }
0x63d: {  	[sflag:s10] =	ssyncset.done $0x0  }
0x63e: {  	[sflag:s10] =	ssyncadd.s32 $0xFFFFF800  }
0x63f: {  	_ =	swait.ge [sflag:s10], $0x800  }
0x640: {  	[sflag:s10] =	ssyncset.done $0x0  }
0x641: {  	s1 =	rddreg [dreg:$0x7];
	[sflag:s10] =	ssyncadd.s32 $0xFFFFF800  }
0x642: {  	[hbm4b:s1+s2] =	stream.linear.scatter [tilespmem:s4], [sflag:$0x3], $0x6800, $0x38;
	[tilespmem:$0x10400] =	vst v63  }
0x643: {  	_ =	swait.ge [sflag:s7], $0x6800  }
0x644: {  	s14 =	sld [smem:$0x7E4]  }
0x645: {  	[sflag:s7] =	ssyncset.done $0x0  }
0x646: {  	s0 =	sld [smem:$0x7E5];
	[sflag:s7] =	ssyncadd.s32 $0xFFFF9800  }
0x647: {  	[tilespmem:s4], [sflag:$0x1] =	stream.indirect.gather [hbm4b:s5+s9], $0x10, s14, s9, $0xb8;
	[tilespmem:$0x10400] =	vst v63  }
0x648: {  	s1 =	sld [smem:$0x7E6]  }
0x649: {  	[tilespmem:s29], [sflag:$0x1] =	stream.indirect.gather [hbm4b:s5+s9], $0x10, s0, s9, $0xb8;
	[tilespmem:$0x10400] =	vst v63  }
0x64a: {  	s29 =	sld [smem:$0x7E7]  }
0x64b: {  	[tilespmem:s30], [sflag:$0x1] =	stream.indirect.gather [hbm4b:s5+s9], $0x10, s1, s9, $0xb8;
	[tilespmem:$0x10400] =	vst v63  }
0x64c: {  	s30 =	sld [smem:$0x7E8]  }
0x64d: {  	[tilespmem:s31], [sflag:$0x1] =	stream.indirect.gather [hbm4b:s5+s9], $0x10, s29, s9, $0xb8;
	[tilespmem:$0x10400] =	vst v63  }
0x64e: {  	s0 =	sld [smem:$0x7E9]  }
0x64f: {  	[tilespmem:s22], [sflag:$0x1] =	stream.indirect.gather [hbm4b:s5+s9], $0x10, s30, s9, $0xb8;
	[tilespmem:$0x10400] =	vst v63  }
0x650: {  	s1 =	sld [smem:$0x7EA]  }
0x651: {  	[tilespmem:s26], [sflag:$0x1] =	stream.indirect.gather [hbm4b:s5+s9], $0x10, s0, s9, $0xb8;
	[tilespmem:$0x10400] =	vst v63  }
0x652: {  	s22 =	sld [smem:$0x7EB]  }
0x653: {  	[tilespmem:s23], [sflag:$0x1] =	stream.indirect.gather [hbm4b:s5+s9], $0x10, s1, s9, $0xb8;
	[tilespmem:$0x10400] =	vst v63  }
0x654: {  	s29 =	simm.s32 $0x6C00;
	s26 =	sld [smem:$0x7EC]  }
0x655: {  	[tilespmem:s29], [sflag:$0x1] =	stream.indirect.gather [hbm4b:s5+s9], $0x10, s22, s9, $0xb8;
	[tilespmem:$0x10400] =	vst v63  }
0x656: {  	s30 =	sld [smem:$0x7ED]  }
0x657: {  	[tilespmem:s24], [sflag:$0x1] =	stream.indirect.gather [hbm4b:s5+s9], $0x10, s26, s9, $0xb8;
	[tilespmem:$0x10400] =	vst v63  }
0x658: {  	s31 =	sld [smem:$0x7EE];
	s1 =	simm.s32 $0x7C00  }
0x659: {  	[tilespmem:s1], [sflag:$0x1] =	stream.indirect.gather [hbm4b:s5+s9], $0x10, s30, s9, $0xb8;
	[tilespmem:$0x10400] =	vst v63  }
0x65a: {  	s14 =	sld [smem:$0x7EF]  }
0x65b: {  	[tilespmem:s25], [sflag:$0x1] =	stream.indirect.gather [hbm4b:s5+s9], $0x10, s31, s9, $0xb8;
	[tilespmem:$0x10400] =	vst v63  }
0x65c: {  	s22 =	sld [smem:$0x7F0]  }
0x65d: {  	[tilespmem:s28], [sflag:$0x1] =	stream.indirect.gather [hbm4b:s5+s9], $0x10, s14, s9, $0xb8;
	[tilespmem:$0x10400] =	vst v63  }
0x65e: {  	_ = 	snop  }
0x65f: {  	[tilespmem:s21], [sflag:$0x1] =	stream.indirect.gather [hbm4b:s5+s9], $0x10, s22, s9, $0xb8;
	[tilespmem:$0x10400] =	vst v63  }
0x660: {  	_ =	swait.ge [sflag:s8], $0x800  }
0x661: {  	[sflag:s8] =	ssyncset.done $0x0  }
0x662: {  	[sflag:s8] =	ssyncadd.s32 $0xFFFFF800  }
0x663: {  	_ =	swait.ge [sflag:s8], $0x800  }
0x664: {  	[sflag:s8] =	ssyncset.done $0x0  }
0x665: {  	[sflag:s8] =	ssyncadd.s32 $0xFFFFF800  }
0x666: {  	_ =	swait.ge [sflag:s8], $0x800  }
0x667: {  	[sflag:s8] =	ssyncset.done $0x0  }
0x668: {  	[sflag:s8] =	ssyncadd.s32 $0xFFFFF800  }
0x669: {  	_ =	swait.ge [sflag:s8], $0x800  }
0x66a: {  	[sflag:s8] =	ssyncset.done $0x0  }
0x66b: {  	[sflag:s8] =	ssyncadd.s32 $0xFFFFF800  }
0x66c: {  	_ =	swait.ge [sflag:s8], $0x800  }
0x66d: {  	[sflag:s8] =	ssyncset.done $0x0  }
0x66e: {  	[sflag:s8] =	ssyncadd.s32 $0xFFFFF800  }
0x66f: {  	_ =	swait.ge [sflag:s8], $0x800  }
0x670: {  	[sflag:s8] =	ssyncset.done $0x0  }
0x671: {  	[sflag:s8] =	ssyncadd.s32 $0xFFFFF800  }
0x672: {  	_ =	swait.ge [sflag:s8], $0x800  }
0x673: {  	[sflag:s8] =	ssyncset.done $0x0  }
0x674: {  	[sflag:s8] =	ssyncadd.s32 $0xFFFFF800  }
0x675: {  	_ =	swait.ge [sflag:s8], $0x800  }
0x676: {  	[sflag:s8] =	ssyncset.done $0x0  }
0x677: {  	[sflag:s8] =	ssyncadd.s32 $0xFFFFF800  }
0x678: {  	_ =	swait.ge [sflag:s8], $0x800  }
0x679: {  	[sflag:s8] =	ssyncset.done $0x0  }
0x67a: {  	[sflag:s8] =	ssyncadd.s32 $0xFFFFF800  }
0x67b: {  	_ =	swait.ge [sflag:s8], $0x800  }
0x67c: {  	[sflag:s8] =	ssyncset.done $0x0  }
0x67d: {  	[sflag:s8] =	ssyncadd.s32 $0xFFFFF800  }
0x67e: {  	_ =	swait.ge [sflag:s8], $0x800  }
0x67f: {  	[sflag:s8] =	ssyncset.done $0x0  }
0x680: {  	[sflag:s8] =	ssyncadd.s32 $0xFFFFF800  }
0x681: {  	_ =	swait.ge [sflag:s8], $0x800  }
0x682: {  	[sflag:s8] =	ssyncset.done $0x0  }
0x683: {  	[sflag:s8] =	ssyncadd.s32 $0xFFFFF800  }
0x684: {  	_ =	swait.ge [sflag:s8], $0x800  }
0x685: {  	[sflag:s8] =	ssyncset.done $0x0  }
0x686: {  	s23 =	rddreg [dreg:$0x8];
	[sflag:s8] =	ssyncadd.s32 $0xFFFFF800  }
0x687: {  	[hbm4b:s23+s2] =	stream.linear.scatter [tilespmem:s3], [sflag:$0x4], $0x6800, $0x38;
	[tilespmem:$0x10400] =	vst v63  }
0x688: {  	_ =	swait.ge [sflag:s6], $0x6800  }
0x689: {  	s24 =	sld [smem:$0x7F1]  }
0x68a: {  	[sflag:s6] =	ssyncset.done $0x0  }
0x68b: {  	s25 =	sld [smem:$0x7F2];
	[sflag:s6] =	ssyncadd.s32 $0xFFFF9800  }
0x68c: {  	[tilespmem:s3], [sflag:$0x2] =	stream.indirect.gather [hbm4b:s5+s9], $0x10, s24, s9, $0xb8;
	[tilespmem:$0x10400] =	vst v63  }
0x68d: {  	s28 =	simm.s32 $0xA400;
	s26 =	sld [smem:$0x7F3]  }
0x68e: {  	[tilespmem:s28], [sflag:$0x2] =	stream.indirect.gather [hbm4b:s5+s9], $0x10, s25, s9, $0xb8;
	[tilespmem:$0x10400] =	vst v63  }
0x68f: {  	s19 =	simm.s32 $0xAC00;
	s29 =	sld [smem:$0x7F4]  }
0x690: {  	[tilespmem:s19], [sflag:$0x2] =	stream.indirect.gather [hbm4b:s5+s9], $0x10, s26, s9, $0xb8;
	[tilespmem:$0x10400] =	vst v63  }
0x691: {  	s18 =	simm.s32 $0xB400;
	s30 =	sld [smem:$0x7F5]  }
0x692: {  	[tilespmem:s18], [sflag:$0x2] =	stream.indirect.gather [hbm4b:s5+s9], $0x10, s29, s9, $0xb8;
	[tilespmem:$0x10400] =	vst v63  }
0x693: {  	s14 =	simm.s32 $0xBC00;
	s31 =	sld [smem:$0x7F6]  }
0x694: {  	[tilespmem:s14], [sflag:$0x2] =	stream.indirect.gather [hbm4b:s5+s9], $0x10, s30, s9, $0xb8;
	[tilespmem:$0x10400] =	vst v63  }
0x695: {  	s12 =	simm.s32 $0xC400;
	s18 =	sld [smem:$0x7F7]  }
0x696: {  	[tilespmem:s12], [sflag:$0x2] =	stream.indirect.gather [hbm4b:s5+s9], $0x10, s31, s9, $0xb8;
	[tilespmem:$0x10400] =	vst v63  }
0x697: {  	s17 =	simm.s32 $0xCC00;
	s19 =	sld [smem:$0x7F8]  }
0x698: {  	[tilespmem:s17], [sflag:$0x2] =	stream.indirect.gather [hbm4b:s5+s9], $0x10, s18, s9, $0xb8;
	[tilespmem:$0x10400] =	vst v63  }
0x699: {  	s16 =	simm.s32 $0xD400;
	s21 =	sld [smem:$0x7F9]  }
0x69a: {  	[tilespmem:s16], [sflag:$0x2] =	stream.indirect.gather [hbm4b:s5+s9], $0x10, s19, s9, $0xb8;
	[tilespmem:$0x10400] =	vst v63  }
0x69b: {  	s15 =	simm.s32 $0xDC00;
	s22 =	sld [smem:$0x7FA]  }
0x69c: {  	[tilespmem:s15], [sflag:$0x2] =	stream.indirect.gather [hbm4b:s5+s9], $0x10, s21, s9, $0xb8;
	[tilespmem:$0x10400] =	vst v63  }
0x69d: {  	s11 =	simm.s32 $0xE400;
	s23 =	sld [smem:$0x7FB]  }
0x69e: {  	[tilespmem:s11], [sflag:$0x2] =	stream.indirect.gather [hbm4b:s5+s9], $0x10, s22, s9, $0xb8;
	[tilespmem:$0x10400] =	vst v63  }
0x69f: {  	s20 =	simm.s32 $0xEC00;
	s24 =	sld [smem:$0x7FC]  }
0x6a0: {  	[tilespmem:s20], [sflag:$0x2] =	stream.indirect.gather [hbm4b:s5+s9], $0x10, s23, s9, $0xb8;
	[tilespmem:$0x10400] =	vst v63  }
0x6a1: {  	s25 =	sld [smem:$0x7FD];
	s26 =	simm.s32 $0xF400  }
0x6a2: {  	[tilespmem:s26], [sflag:$0x2] =	stream.indirect.gather [hbm4b:s5+s9], $0x10, s24, s9, $0xb8;
	[tilespmem:$0x10400] =	vst v63  }
0x6a3: {  	s28 =	simm.s32 $0xFC00  }
0x6a4: {  	[tilespmem:s28], [sflag:$0x2] =	stream.indirect.gather [hbm4b:s5+s9], $0x10, s25, s9, $0xb8;
	[tilespmem:$0x10400] =	vst v63  }
0x6a5: {  	_ =	swait.ge [sflag:s10], $0x800  }
0x6a6: {  	[sflag:s10] =	ssyncset.done $0x0  }
0x6a7: {  	[sflag:s10] =	ssyncadd.s32 $0xFFFFF800  }
0x6a8: {  	_ =	swait.ge [sflag:s10], $0x800  }
0x6a9: {  	[sflag:s10] =	ssyncset.done $0x0  }
0x6aa: {  	[sflag:s10] =	ssyncadd.s32 $0xFFFFF800  }
0x6ab: {  	_ =	swait.ge [sflag:s10], $0x800  }
0x6ac: {  	[sflag:s10] =	ssyncset.done $0x0  }
0x6ad: {  	[sflag:s10] =	ssyncadd.s32 $0xFFFFF800  }
0x6ae: {  	_ =	swait.ge [sflag:s10], $0x800  }
0x6af: {  	[sflag:s10] =	ssyncset.done $0x0  }
0x6b0: {  	[sflag:s10] =	ssyncadd.s32 $0xFFFFF800  }
0x6b1: {  	_ =	swait.ge [sflag:s10], $0x800  }
0x6b2: {  	[sflag:s10] =	ssyncset.done $0x0  }
0x6b3: {  	[sflag:s10] =	ssyncadd.s32 $0xFFFFF800  }
0x6b4: {  	_ =	swait.ge [sflag:s10], $0x800  }
0x6b5: {  	[sflag:s10] =	ssyncset.done $0x0  }
0x6b6: {  	[sflag:s10] =	ssyncadd.s32 $0xFFFFF800  }
0x6b7: {  	_ =	swait.ge [sflag:s10], $0x800  }
0x6b8: {  	[sflag:s10] =	ssyncset.done $0x0  }
0x6b9: {  	[sflag:s10] =	ssyncadd.s32 $0xFFFFF800  }
0x6ba: {  	_ =	swait.ge [sflag:s10], $0x800  }
0x6bb: {  	[sflag:s10] =	ssyncset.done $0x0  }
0x6bc: {  	[sflag:s10] =	ssyncadd.s32 $0xFFFFF800  }
0x6bd: {  	_ =	swait.ge [sflag:s10], $0x800  }
0x6be: {  	[sflag:s10] =	ssyncset.done $0x0  }
0x6bf: {  	[sflag:s10] =	ssyncadd.s32 $0xFFFFF800  }
0x6c0: {  	_ =	swait.ge [sflag:s10], $0x800  }
0x6c1: {  	[sflag:s10] =	ssyncset.done $0x0  }
0x6c2: {  	[sflag:s10] =	ssyncadd.s32 $0xFFFFF800  }
0x6c3: {  	_ =	swait.ge [sflag:s10], $0x800  }
0x6c4: {  	[sflag:s10] =	ssyncset.done $0x0  }
0x6c5: {  	[sflag:s10] =	ssyncadd.s32 $0xFFFFF800  }
0x6c6: {  	_ =	swait.ge [sflag:s10], $0x800  }
0x6c7: {  	[sflag:s10] =	ssyncset.done $0x0  }
0x6c8: {  	[sflag:s10] =	ssyncadd.s32 $0xFFFFF800  }
0x6c9: {  	_ =	swait.ge [sflag:s10], $0x800  }
0x6ca: {  	[sflag:s10] =	ssyncset.done $0x0  }
0x6cb: {  	s29 =	rddreg [dreg:$0x9];
	[sflag:s10] =	ssyncadd.s32 $0xFFFFF800  }
0x6cc: {  	[hbm4b:s29+s2] =	stream.linear.scatter [tilespmem:s4], [sflag:$0x3], $0x6800, $0x38;
	[tilespmem:$0x10400] =	vst v63  }
0x6cd: {  	_ =	swait.ge [sflag:s8], $0x800  }
0x6ce: {  	[sflag:s8] =	ssyncset.done $0x0  }
0x6cf: {  	[sflag:s8] =	ssyncadd.s32 $0xFFFFF800  }
0x6d0: {  	_ =	swait.ge [sflag:s8], $0x800  }
0x6d1: {  	[sflag:s8] =	ssyncset.done $0x0  }
0x6d2: {  	[sflag:s8] =	ssyncadd.s32 $0xFFFFF800  }
0x6d3: {  	_ =	swait.ge [sflag:s8], $0x800  }
0x6d4: {  	[sflag:s8] =	ssyncset.done $0x0  }
0x6d5: {  	[sflag:s8] =	ssyncadd.s32 $0xFFFFF800  }
0x6d6: {  	_ =	swait.ge [sflag:s8], $0x800  }
0x6d7: {  	[sflag:s8] =	ssyncset.done $0x0  }
0x6d8: {  	[sflag:s8] =	ssyncadd.s32 $0xFFFFF800  }
0x6d9: {  	_ =	swait.ge [sflag:s8], $0x800  }
0x6da: {  	[sflag:s8] =	ssyncset.done $0x0  }
0x6db: {  	[sflag:s8] =	ssyncadd.s32 $0xFFFFF800  }
0x6dc: {  	_ =	swait.ge [sflag:s8], $0x800  }
0x6dd: {  	[sflag:s8] =	ssyncset.done $0x0  }
0x6de: {  	[sflag:s8] =	ssyncadd.s32 $0xFFFFF800  }
0x6df: {  	_ =	swait.ge [sflag:s8], $0x800  }
0x6e0: {  	[sflag:s8] =	ssyncset.done $0x0  }
0x6e1: {  	[sflag:s8] =	ssyncadd.s32 $0xFFFFF800  }
0x6e2: {  	_ =	swait.ge [sflag:s8], $0x800  }
0x6e3: {  	[sflag:s8] =	ssyncset.done $0x0  }
0x6e4: {  	[sflag:s8] =	ssyncadd.s32 $0xFFFFF800  }
0x6e5: {  	_ =	swait.ge [sflag:s8], $0x800  }
0x6e6: {  	[sflag:s8] =	ssyncset.done $0x0  }
0x6e7: {  	[sflag:s8] =	ssyncadd.s32 $0xFFFFF800  }
0x6e8: {  	_ =	swait.ge [sflag:s8], $0x800  }
0x6e9: {  	[sflag:s8] =	ssyncset.done $0x0  }
0x6ea: {  	[sflag:s8] =	ssyncadd.s32 $0xFFFFF800  }
0x6eb: {  	_ =	swait.ge [sflag:s8], $0x800  }
0x6ec: {  	[sflag:s8] =	ssyncset.done $0x0  }
0x6ed: {  	[sflag:s8] =	ssyncadd.s32 $0xFFFFF800  }
0x6ee: {  	_ =	swait.ge [sflag:s8], $0x800  }
0x6ef: {  	[sflag:s8] =	ssyncset.done $0x0  }
0x6f0: {  	[sflag:s8] =	ssyncadd.s32 $0xFFFFF800  }
0x6f1: {  	_ =	swait.ge [sflag:s8], $0x800  }
0x6f2: {  	[sflag:s8] =	ssyncset.done $0x0  }
0x6f3: {  	s30 =	rddreg [dreg:$0xa];
	[sflag:s8] =	ssyncadd.s32 $0xFFFFF800  }
0x6f4: {  	[hbm4b:s30+s2] =	stream.linear.scatter [tilespmem:s3], [sflag:$0x4], $0x6800, $0x38;
	[tilespmem:$0x10400] =	vst v63  }
0x6f5: {  	_ =	swait.ge [sflag:s7], $0x6800  }
0x6f6: {  	[sflag:s7] =	ssyncset.done $0x0  }
0x6f7: {  	[sflag:s7] =	ssyncadd.s32 $0xFFFF9800  }
0x6f8: {  	_ =	swait.ge [sflag:s6], $0x6800  }
0x6f9: {  	[sflag:s6] =	ssyncset.done $0x0  }
0x6fa: {  	[sflag:s6] =	ssyncadd.s32 $0xFFFF9800  }
0x6fb: {  	_ =	sfence.sel $0x180000  }
0x6fc: {  	[bflag:$0x0] =	sbarrier.arrive $0xFFFF  }
0x6fd: {  	_ =	strace $0x90000047  }
0x6fe: {  	s31 =	stileid.u32;
	[bflag:$0x2] =	sbarrier.arrive $0xFFFF  }
0x6ff: {  	p0 =	sne.s32 s31, $0x0;
	s0 =	rddreg [dreg:$0x1]  }
0x700: {  	s0 =	sadd.s32 @!p0 $0x100000, s0  }
0x701: {  	[sflag:s0] =	ssyncadd.tile.s32 @!p0 $0x1;
	_ =	shalt  }
.LBB2_6:
.Ltmp3:
0x702: {  	(pc) =	sbr.rel .LBB2_5-.Ltmp3, $2  }
0x703: {  	_ =	sdelay $0x2  }
0x704: {  	s29 =	simm.s32 $0x5  }
.Lfunc_end2:
_tile_overlayer_lowered:
.L_overlay_start_2:
0x705: {  	(tag) =	ssettag $0x2  }
0x706: {  	s0 =	rddreg [dreg:$0x0];
	s2 =	stileid.u32  }
0x707: {  	s1 =	rddreg [dreg:$0x1];
	p0 =	sne.s32 s2, $0x0  }
0x708: {  	s3 =	rddreg [dreg:$0x2];
	[bflag:$0x3] =	sbarrier.arrive $0xFFFF;
	s2 =	simm.s32 @!p0 $0x1C05  }
0x709: {  	[timem:s3], [sflag:s2] =	dma.local @!p0 [hbm:s0], s1  }
0x70a: {  	s0 =	simm.s32 @!p0 $0x5  }
0x70b: {  	_ =	swait.ge @!p0 [sflag:s0], s1  }
0x70c: {  	s1 =	ssub.s32 @!p0 $0x0, s1;
	[sflag:s0] =	ssyncset.done @!p0 $0x0  }
0x70d: {  	[sflag:s0] =	ssyncadd.s32 @!p0 s1  }
0x70e: {  	[bflag:$0x3] =	sbarrier.arrive $0xFFFF  }
0x70f: {  	_ =	shalt  }

</sc_bundles>
